<compile_context>
chip_gen: v7x
topology: tpu7x:2x2x1
jax: 0.10.2.dev20260603
libtpu: 0.0.44.dev20260713+nightly
codegen_flags: <defaults>
</compile_context>

<pallas_src>
import functools

import jax
import jax.numpy as jnp
from jax import lax
from jax.experimental import pallas as pl
from jax.experimental.pallas import tpu as pltpu
from jax.experimental.pallas import tpu_sc as plsc

_VOCAB = 1000000
_D = 32
_H = 64
_B = 16384
_L = 200

_NC = 2
_NS = 16
_NW = _NC * _NS
_B_PER_W = _B // _NW
_CHUNK = 256
_UNROLL = 25

_W = 512
_DP = 33
_SPLIT = 499968
_EDGE = (_VOCAB // 128) * 128
_NWIN = 62


def _tr_body(embt_hbm, tail_hbm, t_hbm, in0_v, in1_v, ob0_v, ob1_v, pad_v,
             tail_v, si0, si1, so0, so1):
    cid = lax.axis_index("c")
    sid = lax.axis_index("s")
    lanes = lax.iota(jnp.int32, 16)
    inb = (in0_v, in1_v)
    outb = (ob0_v, ob1_v)
    sin = (si0, si1)
    sout = (so0, so1)

    lo = jnp.where(cid == 0, 0, _SPLIT)
    hi = jnp.where(cid == 0, _SPLIT, _EDGE)
    span = hi - lo
    cbase = lo + ((sid * span) // (_NS * 128)) * 128
    top = hi - _W

    def in_copy(w, b):
        col0 = jnp.minimum(cbase + _W * w, top)
        return col0, pltpu.make_async_copy(
            embt_hbm.at[:, pl.ds(col0, _W)], inb[b], sin[b])

    def out_copy(w, b):
        col0 = jnp.minimum(cbase + _W * w, top)
        return pltpu.make_async_copy(
            outb[b], t_hbm.at[pl.ds(col0 * _D, _W * _D)], sout[b])

    for b in range(2):
        in_copy(b, b)[1].start()

    def win_body(i, carry):
        for b in range(2):
            w = 2 * i + b
            in_copy(w, b)[1].wait()

            @pl.when(w >= 2)
            def _():
                out_copy(w - 2, b).wait()

            def grp_body(j, carry2):
                base = _DP * 16 * j
                for d0 in range(0, _D, 8):
                    vs = [inb[b][d0 + q, pl.ds(16 * j, 16)]
                          for q in range(8)]
                    for q in range(8):
                        plsc.store_scatter(
                            pad_v, [_DP * lanes + (base + d0 + q)], vs[q])
                return carry2

            lax.fori_loop(0, _W // 16, grp_body, 0)

            def col_body(j, carry2):
                for q in range(4):
                    col = 4 * j + q
                    g0 = plsc.load_gather(pad_v, [_DP * col + lanes])
                    g1 = plsc.load_gather(pad_v, [_DP * col + 16 + lanes])
                    outb[b][pl.ds(_D * col, 16)] = g0
                    outb[b][pl.ds(_D * col + 16, 16)] = g1
                return carry2

            lax.fori_loop(0, _W // 4, col_body, 0)
            out_copy(w, b).start()

            @pl.when(w + 2 < _NWIN)
            def _():
                in_copy(w + 2, b)[1].start()
        return carry

    lax.fori_loop(0, _NWIN // 2, win_body, 0)
    for b in range(2):
        out_copy(_NWIN - 2 + b, b).wait()

    @pl.when(jnp.logical_and(cid == 1, sid == _NS - 1))
    def _():
        tin = pltpu.make_async_copy(tail_hbm, tail_v, si0)
        tin.start()
        tin.wait()

        def tail_grp(j, carry):
            base = _D * 16 * j
            for d0 in range(0, _D, 8):
                vs = [tail_v[d0 + q, pl.ds(16 * j, 16)] for q in range(8)]
                for q in range(8):
                    plsc.store_scatter(
                        ob0_v, [_D * lanes + (base + d0 + q)], vs[q])
            return carry

        lax.fori_loop(0, 128 // 16, tail_grp, 0)
        tout = pltpu.make_async_copy(
            ob0_v.at[pl.ds(0, 128 * _D)],
            t_hbm.at[pl.ds((_VOCAB - 128) * _D, 128 * _D)], so0)
        tout.start()
        tout.wait()


_transpose = functools.partial(
    pl.kernel,
    mesh=plsc.VectorSubcoreMesh(core_axis_name="c", subcore_axis_name="s"),
    out_type=jax.ShapeDtypeStruct((_VOCAB * _D,), jnp.float32),
    scratch_types=[
        pltpu.VMEM((_D, _W), jnp.float32),
        pltpu.VMEM((_D, _W), jnp.float32),
        pltpu.VMEM((_W * _D,), jnp.float32),
        pltpu.VMEM((_W * _D,), jnp.float32),
        pltpu.VMEM((_W * _DP,), jnp.float32),
        pltpu.VMEM((_D, 128), jnp.float32),
        pltpu.SemaphoreType.DMA,
        pltpu.SemaphoreType.DMA,
        pltpu.SemaphoreType.DMA,
        pltpu.SemaphoreType.DMA,
    ],
    compiler_params=pltpu.CompilerParams(use_tc_tiling_on_sc=True,
                                         needs_layout_passes=False),
)(_tr_body)


def _pool_body(x_hbm, emb_hbm, out_hbm, idx_v, rows0_v, rows1_v, stage_v,
               sem0, sem1):
    wid = lax.axis_index("s") * _NC + lax.axis_index("c")
    base = wid * _B_PER_W
    rows = (rows0_v, rows1_v)
    sems = (sem0, sem1)

    def gather(r, b):
        c1 = pltpu.make_async_copy(
            emb_hbm.at[idx_v.at[r, pl.ds(0, 128)]],
            rows[b].at[pl.ds(0, 128), :], sems[b])
        c2 = pltpu.make_async_copy(
            emb_hbm.at[idx_v.at[r, pl.ds(128, _L - 128)]],
            rows[b].at[pl.ds(128, _L - 128), :], sems[b])
        return c1, c2

    def reduce_store(r, b):
        def red_body(j, accs):
            a0, a1, a2, a3 = accs
            for k in range(_UNROLL):
                row = j * _UNROLL + k
                if k % 2 == 0:
                    a0 = a0 + rows[b][row, pl.ds(0, 16)]
                    a1 = a1 + rows[b][row, pl.ds(16, 16)]
                else:
                    a2 = a2 + rows[b][row, pl.ds(0, 16)]
                    a3 = a3 + rows[b][row, pl.ds(16, 16)]
            return a0, a1, a2, a3

        z = jnp.zeros((16,), jnp.float32)
        a0, a1, a2, a3 = lax.fori_loop(0, _L // _UNROLL, red_body,
                                       (z, z, z, z))
        stage_v[r, pl.ds(0, 16)] = a0 + a2
        stage_v[r, pl.ds(16, 16)] = a1 + a3

    for c in range(_B_PER_W // _CHUNK):
        cbase = base + c * _CHUNK
        pltpu.sync_copy(x_hbm.at[pl.ds(cbase, _CHUNK), :], idx_v)
        for b in range(2):
            c1, c2 = gather(b, b)
            c1.start()
            c2.start()

        def pair_body(i, carry):
            for b in range(2):
                r = 2 * i + b
                c1, c2 = gather(r, b)
                c1.wait()
                c2.wait()
                reduce_store(r, b)

                @pl.when(r + 2 < _CHUNK)
                def _():
                    n1, n2 = gather(r + 2, b)
                    n1.start()
                    n2.start()
            return carry

        lax.fori_loop(0, _CHUNK // 2, pair_body, 0)
        pltpu.sync_copy(stage_v, out_hbm.at[pl.ds(cbase, _CHUNK), :])


_pool = functools.partial(
    pl.kernel,
    mesh=plsc.VectorSubcoreMesh(core_axis_name="c", subcore_axis_name="s"),
    out_type=jax.ShapeDtypeStruct((_B, _D), jnp.float32),
    scratch_types=[
        pltpu.VMEM((_CHUNK, _L), jnp.int32),
        pltpu.VMEM((_L, _D), jnp.float32),
        pltpu.VMEM((_L, _D), jnp.float32),
        pltpu.VMEM((_CHUNK, _D), jnp.float32),
        pltpu.SemaphoreType.DMA,
        pltpu.SemaphoreType.DMA,
    ],
    compiler_params=pltpu.CompilerParams(use_tc_tiling_on_sc=False),
)(_pool_body)


def _mlp_body(s_ref, w1_ref, b1_ref, w2_ref, b2_ref, o_ref):
    s = s_ref[...] * (1.0 / _L)
    h = jnp.dot(s, w1_ref[...], preferred_element_type=jnp.float32)
    h = jnp.maximum(h + b1_ref[...], 0.0)
    o = jnp.dot(h, w2_ref[...], preferred_element_type=jnp.float32)
    o_ref[...] = jax.nn.sigmoid(o + b2_ref[...])


def _mlp(pooled, w1, b1, w2, b2):
    return pl.pallas_call(
        _mlp_body,
        out_shape=jax.ShapeDtypeStruct((_B, 1), jnp.float32),
    )(pooled, w1, b1.reshape(1, _H), w2, b2.reshape(1, 1))


def kernel(x, emb, W1, b1, W2, b2):
    tail_t = jnp.transpose(emb[_VOCAB - 128:, :])
    t1d = _transpose(emb.T, tail_t)
    pooled = _pool(x, t1d.reshape(_VOCAB, _D))
    return _mlp(pooled, W1, b1, W2, b2)

# --- scband reference (transcript-rebuilt; emitter-appended) ---
"""Pipeline reference for scband-text-classifier-8598524526630 (READ-ONLY COPY).

The authoritative reference and input builder live on the scoring server;
editing this copy changes nothing except your own understanding.
"""

import jax, jax.numpy as jnp
import numpy as np

VOCAB = 1000000
EMBED_DIM = 32
HIDDEN_DIM = 64
BATCH = 16384
HIST = 200

def setup_inputs(seed: int = 0) -> dict:
    key = jax.random.key(seed)
    k_idx, k_emb, k_w1, k_b1, k_w2, k_b2 = jax.random.split(key, 6)
    x = jax.random.randint(k_idx, (BATCH, HIST), 0, VOCAB, dtype=jnp.int64 if jax.config.jax_enable_x64 else jnp.int32)
    emb = jax.random.normal(k_emb, (VOCAB, EMBED_DIM), dtype=jnp.float32) * 0.02
    W1 = jax.random.normal(k_w1, (EMBED_DIM, HIDDEN_DIM), dtype=jnp.float32) * (1.0 / np.sqrt(EMBED_DIM))
    b1 = jnp.zeros((HIDDEN_DIM,), dtype=jnp.float32)
    W2 = jax.random.normal(k_w2, (HIDDEN_DIM, 1), dtype=jnp.float32) * (1.0 / np.sqrt(HIDDEN_DIM))
    b2 = jnp.zeros((1,), dtype=jnp.float32)
    return {"x": x, "emb": emb, "W1": W1, "b1": b1, "W2": W2, "b2": b2}

def reference(x, emb, W1, b1, W2, b2):
    # embedding lookup: [B, L, D]
    e = jnp.take(emb, x, axis=0)
    # mean over sequence dim
    h = jnp.mean(e, axis=1)
    # fc1 + relu
    h = jax.nn.relu(h @ W1 + b1)
    # fc2 + sigmoid
    out = jax.nn.sigmoid(h @ W2 + b2)
    return out

if __name__ == "__main__":
    import jax
    _d = setup_inputs()
    print(jax.jit(kernel)(*tuple(_d.values())))

</pallas_src>

<mosaic_0001>
#map = affine_map<(d0, d1) -> (0, 0)>
module attributes {stable_mosaic.version = 14 : i64} {
  func.func @_pool_body(%arg0: i32, %arg1: i32, %arg2: memref<16384x200xi32, #tpu.memory_space<hbm>>, %arg3: memref<1000000x32xf32, #tpu.memory_space<hbm>>, %arg4: memref<16384x32xf32, #tpu.memory_space<hbm>>, %arg5: memref<256x200xi32, #tpu.memory_space<vmem>>, %arg6: memref<200x32xf32, #tpu.memory_space<vmem>>, %arg7: memref<200x32xf32, #tpu.memory_space<vmem>>, %arg8: memref<256x32xf32, #tpu.memory_space<vmem>>, %arg9: memref<!tpu.dma_semaphore, #tpu.memory_space<semaphore_mem>>, %arg10: memref<!tpu.dma_semaphore, #tpu.memory_space<semaphore_mem>>) attributes {dimension_semantics = [#tpu.dimension_semantics<core_parallel>, #tpu.dimension_semantics<subcore_parallel>], iteration_bounds = array<i64: 2, 16>, scalar_prefetch = 0 : i64, scratch_operands = 6 : i64, tpu.core_type = #tpu.core_type<sc_vector_subcore>, window_params = [{transform_indices = #map}, {transform_indices = #map}, {transform_indices = #map}]} {
    %mul3A = arith.constant 2 : i32
    %mul3A_0 = arith.muli %arg1, %mul3A : i32
    %add3A = arith.addi %mul3A_0, %arg0 : i32
    %mul3A_1 = arith.constant 512 : i32
    %mul3A_2 = arith.muli %add3A, %mul3A_1 : i32
    %add3A_3 = arith.constant 0 : i32
    %add3A_4 = arith.addi %mul3A_2, %add3A_3 : i32
    "tpu.region"() ({
      %run_scoped3A = tpu.sem_alloc : memref<!tpu.dma_semaphore, #tpu.memory_space<semaphore_mem>>
      %dma_start3A_97 = arith.constant 0 : i32
      %dma_start3A_98 = tpu.memref_slice %arg2[%add3A_4, %dma_start3A_97] : memref<16384x200xi32, #tpu.memory_space<hbm>> -> memref<256x200xi32, #tpu.memory_space<hbm>>
      %dma_start3A_99 = arith.constant 0 : i32
      %dma_start3A_100 = tpu.memref_slice %arg2[%add3A_4, %dma_start3A_99] : memref<16384x200xi32, #tpu.memory_space<hbm>> -> memref<256x200xi32, #tpu.memory_space<hbm>>
      tpu.enqueue_dma source(%dma_start3A_100 : memref<256x200xi32, #tpu.memory_space<hbm>>) target(%arg5 : memref<256x200xi32, #tpu.memory_space<vmem>>) target_semaphore(%run_scoped3A : memref<!tpu.dma_semaphore, #tpu.memory_space<semaphore_mem>>)
      %dma_wait3A = arith.constant 0 : i32
      %dma_wait3A_101 = tpu.memref_slice %arg2[%add3A_4, %dma_wait3A] : memref<16384x200xi32, #tpu.memory_space<hbm>> -> memref<256x200xi32, #tpu.memory_space<hbm>>
      %dma_wait3A_102 = arith.constant 0 : i32
      %dma_wait3A_103 = tpu.memref_slice %arg2[%add3A_4, %dma_wait3A_102] : memref<16384x200xi32, #tpu.memory_space<hbm>> -> memref<256x200xi32, #tpu.memory_space<hbm>>
      tpu.wait_dma2 semaphore(%run_scoped3A : memref<!tpu.dma_semaphore, #tpu.memory_space<semaphore_mem>>) src(%dma_wait3A_103 : memref<256x200xi32, #tpu.memory_space<hbm>>) dst(%arg5 : memref<256x200xi32, #tpu.memory_space<vmem>>)
      tpu.yield
    }) : () -> ()
    %dma_start3A = arith.constant 0 : i32
    %dma_start3A_5 = arith.constant 0 : i32
    %dma_start3A_6 = arith.constant 0 : i32
    %dma_start3A_7 = tpu.memref_slice %arg6[%dma_start3A_5, %dma_start3A_6] : memref<200x32xf32, #tpu.memory_space<vmem>> -> memref<128x32xf32, #tpu.memory_space<vmem>>
    %dma_start3A_8 = arith.constant 0 : i32
    %dma_start3A_9 = tpu.memref_slice %arg5[%dma_start3A, %dma_start3A_8] : memref<256x200xi32, #tpu.memory_space<vmem>> -> memref<1x128xi32, #tpu.memory_space<vmem>>
    %dma_start3A_10 = tpu.memref_squeeze %dma_start3A_9 : memref<1x128xi32, #tpu.memory_space<vmem>> -> memref<128xi32, #tpu.memory_space<vmem>>
    %dma_start3A_11 = arith.constant 0 : i32
    %dma_start3A_12 = arith.constant 0 : i32
    %dma_start3A_13 = tpu.memref_slice %arg3[%dma_start3A_11, %dma_start3A_12] : memref<1000000x32xf32, #tpu.memory_space<hbm>> -> memref<1000000x32xf32, #tpu.memory_space<hbm>>
    tpu.enqueue_indirect_dma source(%dma_start3A_13 : memref<1000000x32xf32, #tpu.memory_space<hbm>>) target(%dma_start3A_7 : memref<128x32xf32, #tpu.memory_space<vmem>>) offsets(%dma_start3A_10 : memref<128xi32, #tpu.memory_space<vmem>>) semaphore(%arg9 : memref<!tpu.dma_semaphore, #tpu.memory_space<semaphore_mem>>)
    %dma_start3A_14 = arith.constant 0 : i32
    %dma_start3A_15 = arith.constant 128 : i32
    %dma_start3A_16 = arith.constant 0 : i32
    %dma_start3A_17 = tpu.memref_slice %arg6[%dma_start3A_15, %dma_start3A_16] : memref<200x32xf32, #tpu.memory_space<vmem>> -> memref<72x32xf32, #tpu.memory_space<vmem>>
    %dma_start3A_18 = arith.constant 128 : i32
    %dma_start3A_19 = tpu.memref_slice %arg5[%dma_start3A_14, %dma_start3A_18] : memref<256x200xi32, #tpu.memory_space<vmem>> -> memref<1x72xi32, #tpu.memory_space<vmem>>
    %dma_start3A_20 = tpu.memref_squeeze %dma_start3A_19 : memref<1x72xi32, #tpu.memory_space<vmem>> -> memref<72xi32, #tpu.memory_space<vmem>>
    %dma_start3A_21 = arith.constant 0 : i32
    %dma_start3A_22 = arith.constant 0 : i32
    %dma_start3A_23 = tpu.memref_slice %arg3[%dma_start3A_21, %dma_start3A_22] : memref<1000000x32xf32, #tpu.memory_space<hbm>> -> memref<1000000x32xf32, #tpu.memory_space<hbm>>
    tpu.enqueue_indirect_dma source(%dma_start3A_23 : memref<1000000x32xf32, #tpu.memory_space<hbm>>) target(%dma_start3A_17 : memref<72x32xf32, #tpu.memory_space<vmem>>) offsets(%dma_start3A_20 : memref<72xi32, #tpu.memory_space<vmem>>) semaphore(%arg9 : memref<!tpu.dma_semaphore, #tpu.memory_space<semaphore_mem>>)
    %dma_start3A_24 = arith.constant 1 : i32
    %dma_start3A_25 = arith.constant 0 : i32
    %dma_start3A_26 = arith.constant 0 : i32
    %dma_start3A_27 = tpu.memref_slice %arg7[%dma_start3A_25, %dma_start3A_26] : memref<200x32xf32, #tpu.memory_space<vmem>> -> memref<128x32xf32, #tpu.memory_space<vmem>>
    %dma_start3A_28 = arith.constant 0 : i32
    %dma_start3A_29 = tpu.memref_slice %arg5[%dma_start3A_24, %dma_start3A_28] : memref<256x200xi32, #tpu.memory_space<vmem>> -> memref<1x128xi32, #tpu.memory_space<vmem>>
    %dma_start3A_30 = tpu.memref_squeeze %dma_start3A_29 : memref<1x128xi32, #tpu.memory_space<vmem>> -> memref<128xi32, #tpu.memory_space<vmem>>
    %dma_start3A_31 = arith.constant 0 : i32
    %dma_start3A_32 = arith.constant 0 : i32
    %dma_start3A_33 = tpu.memref_slice %arg3[%dma_start3A_31, %dma_start3A_32] : memref<1000000x32xf32, #tpu.memory_space<hbm>> -> memref<1000000x32xf32, #tpu.memory_space<hbm>>
    tpu.enqueue_indirect_dma source(%dma_start3A_33 : memref<1000000x32xf32, #tpu.memory_space<hbm>>) target(%dma_start3A_27 : memref<128x32xf32, #tpu.memory_space<vmem>>) offsets(%dma_start3A_30 : memref<128xi32, #tpu.memory_space<vmem>>) semaphore(%arg10 : memref<!tpu.dma_semaphore, #tpu.memory_space<semaphore_mem>>)
    %dma_start3A_34 = arith.constant 1 : i32
    %dma_start3A_35 = arith.constant 128 : i32
    %dma_start3A_36 = arith.constant 0 : i32
    %dma_start3A_37 = tpu.memref_slice %arg7[%dma_start3A_35, %dma_start3A_36] : memref<200x32xf32, #tpu.memory_space<vmem>> -> memref<72x32xf32, #tpu.memory_space<vmem>>
    %dma_start3A_38 = arith.constant 128 : i32
    %dma_start3A_39 = tpu.memref_slice %arg5[%dma_start3A_34, %dma_start3A_38] : memref<256x200xi32, #tpu.memory_space<vmem>> -> memref<1x72xi32, #tpu.memory_space<vmem>>
    %dma_start3A_40 = tpu.memref_squeeze %dma_start3A_39 : memref<1x72xi32, #tpu.memory_space<vmem>> -> memref<72xi32, #tpu.memory_space<vmem>>
    %dma_start3A_41 = arith.constant 0 : i32
    %dma_start3A_42 = arith.constant 0 : i32
    %dma_start3A_43 = tpu.memref_slice %arg3[%dma_start3A_41, %dma_start3A_42] : memref<1000000x32xf32, #tpu.memory_space<hbm>> -> memref<1000000x32xf32, #tpu.memory_space<hbm>>
    tpu.enqueue_indirect_dma source(%dma_start3A_43 : memref<1000000x32xf32, #tpu.memory_space<hbm>>) target(%dma_start3A_37 : memref<72x32xf32, #tpu.memory_space<vmem>>) offsets(%dma_start3A_40 : memref<72xi32, #tpu.memory_space<vmem>>) semaphore(%arg10 : memref<!tpu.dma_semaphore, #tpu.memory_space<semaphore_mem>>)
    %scan3A = arith.constant 0 : i32
    %scan3A_44 = arith.constant 0 : i32
    %scan3A_45 = arith.constant 128 : i32
    %scan3A_46 = arith.addi %scan3A_44, %scan3A_45 : i32
    %scan3A_47 = arith.constant 1 : i32
    scf.for %scan3A_97 = %scan3A_44 to %scan3A_46 step %scan3A_47  : i32 {
      %mul3A_98 = arith.constant 2 : i32
      %mul3A_99 = arith.muli %mul3A_98, %scan3A_97 : i32
      %add3A_100 = arith.constant 0 : i32
      %add3A_101 = arith.addi %mul3A_99, %add3A_100 : i32
      %dma_wait3A = arith.constant 0 : i32
      %dma_wait3A_102 = arith.constant 0 : i32
      %dma_wait3A_103 = tpu.memref_slice %arg6[%dma_wait3A, %dma_wait3A_102] : memref<200x32xf32, #tpu.memory_space<vmem>> -> memref<128x32xf32, #tpu.memory_space<vmem>>
      %dma_wait3A_104 = arith.constant 0 : i32
      %dma_wait3A_105 = tpu.memref_slice %arg5[%add3A_101, %dma_wait3A_104] : memref<256x200xi32, #tpu.memory_space<vmem>> -> memref<1x128xi32, #tpu.memory_space<vmem>>
      %dma_wait3A_106 = tpu.memref_squeeze %dma_wait3A_105 : memref<1x128xi32, #tpu.memory_space<vmem>> -> memref<128xi32, #tpu.memory_space<vmem>>
      %dma_wait3A_107 = arith.constant 0 : i32
      %dma_wait3A_108 = arith.constant 0 : i32
      %dma_wait3A_109 = tpu.memref_slice %arg3[%dma_wait3A_107, %dma_wait3A_108] : memref<1000000x32xf32, #tpu.memory_space<hbm>> -> memref<1000000x32xf32, #tpu.memory_space<hbm>>
      tpu.wait_indirect_dma semaphore(%arg9 : memref<!tpu.dma_semaphore, #tpu.memory_space<semaphore_mem>>) src(%dma_wait3A_109 : memref<1000000x32xf32, #tpu.memory_space<hbm>>) dst(%dma_wait3A_103 : memref<128x32xf32, #tpu.memory_space<vmem>>)
      %dma_wait3A_110 = arith.constant 128 : i32
      %dma_wait3A_111 = arith.constant 0 : i32
      %dma_wait3A_112 = tpu.memref_slice %arg6[%dma_wait3A_110, %dma_wait3A_111] : memref<200x32xf32, #tpu.memory_space<vmem>> -> memref<72x32xf32, #tpu.memory_space<vmem>>
      %dma_wait3A_113 = arith.constant 128 : i32
      %dma_wait3A_114 = tpu.memref_slice %arg5[%add3A_101, %dma_wait3A_113] : memref<256x200xi32, #tpu.memory_space<vmem>> -> memref<1x72xi32, #tpu.memory_space<vmem>>
      %dma_wait3A_115 = tpu.memref_squeeze %dma_wait3A_114 : memref<1x72xi32, #tpu.memory_space<vmem>> -> memref<72xi32, #tpu.memory_space<vmem>>
      %dma_wait3A_116 = arith.constant 0 : i32
      %dma_wait3A_117 = arith.constant 0 : i32
      %dma_wait3A_118 = tpu.memref_slice %arg3[%dma_wait3A_116, %dma_wait3A_117] : memref<1000000x32xf32, #tpu.memory_space<hbm>> -> memref<1000000x32xf32, #tpu.memory_space<hbm>>
      tpu.wait_indirect_dma semaphore(%arg9 : memref<!tpu.dma_semaphore, #tpu.memory_space<semaphore_mem>>) src(%dma_wait3A_118 : memref<1000000x32xf32, #tpu.memory_space<hbm>>) dst(%dma_wait3A_112 : memref<72x32xf32, #tpu.memory_space<vmem>>)
      %broadcast_in_dim3A = arith.constant 0.000000e+00 : f32
      %broadcast_in_dim3A_119 = vector.broadcast %broadcast_in_dim3A : f32 to vector<16xf32>
      %scan3A_120 = arith.constant 0 : i32
      %scan3A_121 = arith.constant 8 : i32
      %scan3A_122 = arith.addi %scan3A_120, %scan3A_121 : i32
      %scan3A_123 = arith.constant 1 : i32
      %scan3A_124:4 = scf.for %scan3A_190 = %scan3A_120 to %scan3A_122 step %scan3A_123 iter_args(%scan3A_191 = %broadcast_in_dim3A_119, %scan3A_192 = %broadcast_in_dim3A_119, %scan3A_193 = %broadcast_in_dim3A_119, %scan3A_194 = %broadcast_in_dim3A_119) -> (vector<16xf32>, vector<16xf32>, vector<16xf32>, vector<16xf32>)  : i32 {
        %mul3A_195 = arith.constant 25 : i32
        %mul3A_196 = arith.muli %scan3A_190, %mul3A_195 : i32
        %add3A_197 = arith.constant 0 : i32
        %add3A_198 = arith.addi %mul3A_196, %add3A_197 : i32
        %get3A = arith.index_cast %add3A_198 : i32 to index
        %get3A_199 = arith.constant 0 : index
        %get3A_200 = tpu.vector_load %arg6[%get3A, %get3A_199] {strides = array<i32>} : memref<200x32xf32, #tpu.memory_space<vmem>>, vector<1x16xf32>,
        %get3A_201 = vector.shape_cast %get3A_200 : vector<1x16xf32> to vector<16xf32>
        %add3A_202 = arith.addf %scan3A_191, %get3A_201 : vector<16xf32>
        %get3A_203 = arith.index_cast %add3A_198 : i32 to index
        %get3A_204 = arith.constant 16 : index
        %get3A_205 = tpu.vector_load %arg6[%get3A_203, %get3A_204] {strides = array<i32>} : memref<200x32xf32, #tpu.memory_space<vmem>>, vector<1x16xf32>,
        %get3A_206 = vector.shape_cast %get3A_205 : vector<1x16xf32> to vector<16xf32>
        %add3A_207 = arith.addf %scan3A_192, %get3A_206 : vector<16xf32>
        %mul3A_208 = arith.constant 25 : i32
        %mul3A_209 = arith.muli %scan3A_190, %mul3A_208 : i32
        %add3A_210 = arith.constant 1 : i32
        %add3A_211 = arith.addi %mul3A_209, %add3A_210 : i32
        %get3A_212 = arith.index_cast %add3A_211 : i32 to index
        %get3A_213 = arith.constant 0 : index
        %get3A_214 = tpu.vector_load %arg6[%get3A_212, %get3A_213] {strides = array<i32>} : memref<200x32xf32, #tpu.memory_space<vmem>>, vector<1x16xf32>,
        %get3A_215 = vector.shape_cast %get3A_214 : vector<1x16xf32> to vector<16xf32>
        %add3A_216 = arith.addf %scan3A_193, %get3A_215 : vector<16xf32>
        %get3A_217 = arith.index_cast %add3A_211 : i32 to index
        %get3A_218 = arith.constant 16 : index
        %get3A_219 = tpu.vector_load %arg6[%get3A_217, %get3A_218] {strides = array<i32>} : memref<200x32xf32, #tpu.memory_space<vmem>>, vector<1x16xf32>,
        %get3A_220 = vector.shape_cast %get3A_219 : vector<1x16xf32> to vector<16xf32>
        %add3A_221 = arith.addf %scan3A_194, %get3A_220 : vector<16xf32>
        %mul3A_222 = arith.constant 25 : i32
        %mul3A_223 = arith.muli %scan3A_190, %mul3A_222 : i32
        %add3A_224 = arith.constant 2 : i32
        %add3A_225 = arith.addi %mul3A_223, %add3A_224 : i32
        %get3A_226 = arith.index_cast %add3A_225 : i32 to index
        %get3A_227 = arith.constant 0 : index
        %get3A_228 = tpu.vector_load %arg6[%get3A_226, %get3A_227] {strides = array<i32>} : memref<200x32xf32, #tpu.memory_space<vmem>>, vector<1x16xf32>,
        %get3A_229 = vector.shape_cast %get3A_228 : vector<1x16xf32> to vector<16xf32>
        %add3A_230 = arith.addf %add3A_202, %get3A_229 : vector<16xf32>
        %get3A_231 = arith.index_cast %add3A_225 : i32 to index
        %get3A_232 = arith.constant 16 : index
        %get3A_233 = tpu.vector_load %arg6[%get3A_231, %get3A_232] {strides = array<i32>} : memref<200x32xf32, #tpu.memory_space<vmem>>, vector<1x16xf32>,
        %get3A_234 = vector.shape_cast %get3A_233 : vector<1x16xf32> to vector<16xf32>
        %add3A_235 = arith.addf %add3A_207, %get3A_234 : vector<16xf32>
        %mul3A_236 = arith.constant 25 : i32
        %mul3A_237 = arith.muli %scan3A_190, %mul3A_236 : i32
        %add3A_238 = arith.constant 3 : i32
        %add3A_239 = arith.addi %mul3A_237, %add3A_238 : i32
        %get3A_240 = arith.index_cast %add3A_239 : i32 to index
        %get3A_241 = arith.constant 0 : index
        %get3A_242 = tpu.vector_load %arg6[%get3A_240, %get3A_241] {strides = array<i32>} : memref<200x32xf32, #tpu.memory_space<vmem>>, vector<1x16xf32>,
        %get3A_243 = vector.shape_cast %get3A_242 : vector<1x16xf32> to vector<16xf32>
        %add3A_244 = arith.addf %add3A_216, %get3A_243 : vector<16xf32>
        %get3A_245 = arith.index_cast %add3A_239 : i32 to index
        %get3A_246 = arith.constant 16 : index
        %get3A_247 = tpu.vector_load %arg6[%get3A_245, %get3A_246] {strides = array<i32>} : memref<200x32xf32, #tpu.memory_space<vmem>>, vector<1x16xf32>,
        %get3A_248 = vector.shape_cast %get3A_247 : vector<1x16xf32> to vector<16xf32>
        %add3A_249 = arith.addf %add3A_221, %get3A_248 : vector<16xf32>
        %mul3A_250 = arith.constant 25 : i32
        %mul3A_251 = arith.muli %scan3A_190, %mul3A_250 : i32
        %add3A_252 = arith.constant 4 : i32
        %add3A_253 = arith.addi %mul3A_251, %add3A_252 : i32
        %get3A_254 = arith.index_cast %add3A_253 : i32 to index
        %get3A_255 = arith.constant 0 : index
        %get3A_256 = tpu.vector_load %arg6[%get3A_254, %get3A_255] {strides = array<i32>} : memref<200x32xf32, #tpu.memory_space<vmem>>, vector<1x16xf32>,
        %get3A_257 = vector.shape_cast %get3A_256 : vector<1x16xf32> to vector<16xf32>
        %add3A_258 = arith.addf %add3A_230, %get3A_257 : vector<16xf32>
        %get3A_259 = arith.index_cast %add3A_253 : i32 to index
        %get3A_260 = arith.constant 16 : index
        %get3A_261 = tpu.vector_load %arg6[%get3A_259, %get3A_260] {strides = array<i32>} : memref<200x32xf32, #tpu.memory_space<vmem>>, vector<1x16xf32>,
        %get3A_262 = vector.shape_cast %get3A_261 : vector<1x16xf32> to vector<16xf32>
        %add3A_263 = arith.addf %add3A_235, %get3A_262 : vector<16xf32>
        %mul3A_264 = arith.constant 25 : i32
        %mul3A_265 = arith.muli %scan3A_190, %mul3A_264 : i32
        %add3A_266 = arith.constant 5 : i32
        %add3A_267 = arith.addi %mul3A_265, %add3A_266 : i32
        %get3A_268 = arith.index_cast %add3A_267 : i32 to index
        %get3A_269 = arith.constant 0 : index
        %get3A_270 = tpu.vector_load %arg6[%get3A_268, %get3A_269] {strides = array<i32>} : memref<200x32xf32, #tpu.memory_space<vmem>>, vector<1x16xf32>,
        %get3A_271 = vector.shape_cast %get3A_270 : vector<1x16xf32> to vector<16xf32>
        %add3A_272 = arith.addf %add3A_244, %get3A_271 : vector<16xf32>
        %get3A_273 = arith.index_cast %add3A_267 : i32 to index
        %get3A_274 = arith.constant 16 : index
        %get3A_275 = tpu.vector_load %arg6[%get3A_273, %get3A_274] {strides = array<i32>} : memref<200x32xf32, #tpu.memory_space<vmem>>, vector<1x16xf32>,
        %get3A_276 = vector.shape_cast %get3A_275 : vector<1x16xf32> to vector<16xf32>
        %add3A_277 = arith.addf %add3A_249, %get3A_276 : vector<16xf32>
        %mul3A_278 = arith.constant 25 : i32
        %mul3A_279 = arith.muli %scan3A_190, %mul3A_278 : i32
        %add3A_280 = arith.constant 6 : i32
        %add3A_281 = arith.addi %mul3A_279, %add3A_280 : i32
        %get3A_282 = arith.index_cast %add3A_281 : i32 to index
        %get3A_283 = arith.constant 0 : index
        %get3A_284 = tpu.vector_load %arg6[%get3A_282, %get3A_283] {strides = array<i32>} : memref<200x32xf32, #tpu.memory_space<vmem>>, vector<1x16xf32>,
        %get3A_285 = vector.shape_cast %get3A_284 : vector<1x16xf32> to vector<16xf32>
        %add3A_286 = arith.addf %add3A_258, %get3A_285 : vector<16xf32>
        %get3A_287 = arith.index_cast %add3A_281 : i32 to index
        %get3A_288 = arith.constant 16 : index
        %get3A_289 = tpu.vector_load %arg6[%get3A_287, %get3A_288] {strides = array<i32>} : memref<200x32xf32, #tpu.memory_space<vmem>>, vector<1x16xf32>,
        %get3A_290 = vector.shape_cast %get3A_289 : vector<1x16xf32> to vector<16xf32>
        %add3A_291 = arith.addf %add3A_263, %get3A_290 : vector<16xf32>
        %mul3A_292 = arith.constant 25 : i32
        %mul3A_293 = arith.muli %scan3A_190, %mul3A_292 : i32
        %add3A_294 = arith.constant 7 : i32
        %add3A_295 = arith.addi %mul3A_293, %add3A_294 : i32
        %get3A_296 = arith.index_cast %add3A_295 : i32 to index
        %get3A_297 = arith.constant 0 : index
        %get3A_298 = tpu.vector_load %arg6[%get3A_296, %get3A_297] {strides = array<i32>} : memref<200x32xf32, #tpu.memory_space<vmem>>, vector<1x16xf32>,
        %get3A_299 = vector.shape_cast %get3A_298 : vector<1x16xf32> to vector<16xf32>
        %add3A_300 = arith.addf %add3A_272, %get3A_299 : vector<16xf32>
        %get3A_301 = arith.index_cast %add3A_295 : i32 to index
        %get3A_302 = arith.constant 16 : index
        %get3A_303 = tpu.vector_load %arg6[%get3A_301, %get3A_302] {strides = array<i32>} : memref<200x32xf32, #tpu.memory_space<vmem>>, vector<1x16xf32>,
        %get3A_304 = vector.shape_cast %get3A_303 : vector<1x16xf32> to vector<16xf32>
        %add3A_305 = arith.addf %add3A_277, %get3A_304 : vector<16xf32>
        %mul3A_306 = arith.constant 25 : i32
        %mul3A_307 = arith.muli %scan3A_190, %mul3A_306 : i32
        %add3A_308 = arith.constant 8 : i32
        %add3A_309 = arith.addi %mul3A_307, %add3A_308 : i32
        %get3A_310 = arith.index_cast %add3A_309 : i32 to index
        %get3A_311 = arith.constant 0 : index
        %get3A_312 = tpu.vector_load %arg6[%get3A_310, %get3A_311] {strides = array<i32>} : memref<200x32xf32, #tpu.memory_space<vmem>>, vector<1x16xf32>,
        %get3A_313 = vector.shape_cast %get3A_312 : vector<1x16xf32> to vector<16xf32>
        %add3A_314 = arith.addf %add3A_286, %get3A_313 : vector<16xf32>
        %get3A_315 = arith.index_cast %add3A_309 : i32 to index
        %get3A_316 = arith.constant 16 : index
        %get3A_317 = tpu.vector_load %arg6[%get3A_315, %get3A_316] {strides = array<i32>} : memref<200x32xf32, #tpu.memory_space<vmem>>, vector<1x16xf32>,
        %get3A_318 = vector.shape_cast %get3A_317 : vector<1x16xf32> to vector<16xf32>
        %add3A_319 = arith.addf %add3A_291, %get3A_318 : vector<16xf32>
        %mul3A_320 = arith.constant 25 : i32
        %mul3A_321 = arith.muli %scan3A_190, %mul3A_320 : i32
        %add3A_322 = arith.constant 9 : i32
        %add3A_323 = arith.addi %mul3A_321, %add3A_322 : i32
        %get3A_324 = arith.index_cast %add3A_323 : i32 to index
        %get3A_325 = arith.constant 0 : index
        %get3A_326 = tpu.vector_load %arg6[%get3A_324, %get3A_325] {strides = array<i32>} : memref<200x32xf32, #tpu.memory_space<vmem>>, vector<1x16xf32>,
        %get3A_327 = vector.shape_cast %get3A_326 : vector<1x16xf32> to vector<16xf32>
        %add3A_328 = arith.addf %add3A_300, %get3A_327 : vector<16xf32>
        %get3A_329 = arith.index_cast %add3A_323 : i32 to index
        %get3A_330 = arith.constant 16 : index
        %get3A_331 = tpu.vector_load %arg6[%get3A_329, %get3A_330] {strides = array<i32>} : memref<200x32xf32, #tpu.memory_space<vmem>>, vector<1x16xf32>,
        %get3A_332 = vector.shape_cast %get3A_331 : vector<1x16xf32> to vector<16xf32>
        %add3A_333 = arith.addf %add3A_305, %get3A_332 : vector<16xf32>
        %mul3A_334 = arith.constant 25 : i32
        %mul3A_335 = arith.muli %scan3A_190, %mul3A_334 : i32
        %add3A_336 = arith.constant 10 : i32
        %add3A_337 = arith.addi %mul3A_335, %add3A_336 : i32
        %get3A_338 = arith.index_cast %add3A_337 : i32 to index
        %get3A_339 = arith.constant 0 : index
        %get3A_340 = tpu.vector_load %arg6[%get3A_338, %get3A_339] {strides = array<i32>} : memref<200x32xf32, #tpu.memory_space<vmem>>, vector<1x16xf32>,
        %get3A_341 = vector.shape_cast %get3A_340 : vector<1x16xf32> to vector<16xf32>
        %add3A_342 = arith.addf %add3A_314, %get3A_341 : vector<16xf32>
        %get3A_343 = arith.index_cast %add3A_337 : i32 to index
        %get3A_344 = arith.constant 16 : index
        %get3A_345 = tpu.vector_load %arg6[%get3A_343, %get3A_344] {strides = array<i32>} : memref<200x32xf32, #tpu.memory_space<vmem>>, vector<1x16xf32>,
        %get3A_346 = vector.shape_cast %get3A_345 : vector<1x16xf32> to vector<16xf32>
        %add3A_347 = arith.addf %add3A_319, %get3A_346 : vector<16xf32>
        %mul3A_348 = arith.constant 25 : i32
        %mul3A_349 = arith.muli %scan3A_190, %mul3A_348 : i32
        %add3A_350 = arith.constant 11 : i32
        %add3A_351 = arith.addi %mul3A_349, %add3A_350 : i32
        %get3A_352 = arith.index_cast %add3A_351 : i32 to index
        %get3A_353 = arith.constant 0 : index
        %get3A_354 = tpu.vector_load %arg6[%get3A_352, %get3A_353] {strides = array<i32>} : memref<200x32xf32, #tpu.memory_space<vmem>>, vector<1x16xf32>,
        %get3A_355 = vector.shape_cast %get3A_354 : vector<1x16xf32> to vector<16xf32>
        %add3A_356 = arith.addf %add3A_328, %get3A_355 : vector<16xf32>
        %get3A_357 = arith.index_cast %add3A_351 : i32 to index
        %get3A_358 = arith.constant 16 : index
        %get3A_359 = tpu.vector_load %arg6[%get3A_357, %get3A_358] {strides = array<i32>} : memref<200x32xf32, #tpu.memory_space<vmem>>, vector<1x16xf32>,
        %get3A_360 = vector.shape_cast %get3A_359 : vector<1x16xf32> to vector<16xf32>
        %add3A_361 = arith.addf %add3A_333, %get3A_360 : vector<16xf32>
        %mul3A_362 = arith.constant 25 : i32
        %mul3A_363 = arith.muli %scan3A_190, %mul3A_362 : i32
        %add3A_364 = arith.constant 12 : i32
        %add3A_365 = arith.addi %mul3A_363, %add3A_364 : i32
        %get3A_366 = arith.index_cast %add3A_365 : i32 to index
        %get3A_367 = arith.constant 0 : index
        %get3A_368 = tpu.vector_load %arg6[%get3A_366, %get3A_367] {strides = array<i32>} : memref<200x32xf32, #tpu.memory_space<vmem>>, vector<1x16xf32>,
        %get3A_369 = vector.shape_cast %get3A_368 : vector<1x16xf32> to vector<16xf32>
        %add3A_370 = arith.addf %add3A_342, %get3A_369 : vector<16xf32>
        %get3A_371 = arith.index_cast %add3A_365 : i32 to index
        %get3A_372 = arith.constant 16 : index
        %get3A_373 = tpu.vector_load %arg6[%get3A_371, %get3A_372] {strides = array<i32>} : memref<200x32xf32, #tpu.memory_space<vmem>>, vector<1x16xf32>,
        %get3A_374 = vector.shape_cast %get3A_373 : vector<1x16xf32> to vector<16xf32>
        %add3A_375 = arith.addf %add3A_347, %get3A_374 : vector<16xf32>
        %mul3A_376 = arith.constant 25 : i32
        %mul3A_377 = arith.muli %scan3A_190, %mul3A_376 : i32
        %add3A_378 = arith.constant 13 : i32
        %add3A_379 = arith.addi %mul3A_377, %add3A_378 : i32
        %get3A_380 = arith.index_cast %add3A_379 : i32 to index
        %get3A_381 = arith.constant 0 : index
        %get3A_382 = tpu.vector_load %arg6[%get3A_380, %get3A_381] {strides = array<i32>} : memref<200x32xf32, #tpu.memory_space<vmem>>, vector<1x16xf32>,
        %get3A_383 = vector.shape_cast %get3A_382 : vector<1x16xf32> to vector<16xf32>
        %add3A_384 = arith.addf %add3A_356, %get3A_383 : vector<16xf32>
        %get3A_385 = arith.index_cast %add3A_379 : i32 to index
        %get3A_386 = arith.constant 16 : index
        %get3A_387 = tpu.vector_load %arg6[%get3A_385, %get3A_386] {strides = array<i32>} : memref<200x32xf32, #tpu.memory_space<vmem>>, vector<1x16xf32>,
        %get3A_388 = vector.shape_cast %get3A_387 : vector<1x16xf32> to vector<16xf32>
        %add3A_389 = arith.addf %add3A_361, %get3A_388 : vector<16xf32>
        %mul3A_390 = arith.constant 25 : i32
        %mul3A_391 = arith.muli %scan3A_190, %mul3A_390 : i32
        %add3A_392 = arith.constant 14 : i32
        %add3A_393 = arith.addi %mul3A_391, %add3A_392 : i32
        %get3A_394 = arith.index_cast %add3A_393 : i32 to index
        %get3A_395 = arith.constant 0 : index
        %get3A_396 = tpu.vector_load %arg6[%get3A_394, %get3A_395] {strides = array<i32>} : memref<200x32xf32, #tpu.memory_space<vmem>>, vector<1x16xf32>,
        %get3A_397 = vector.shape_cast %get3A_396 : vector<1x16xf32> to vector<16xf32>
        %add3A_398 = arith.addf %add3A_370, %get3A_397 : vector<16xf32>
        %get3A_399 = arith.index_cast %add3A_393 : i32 to index
        %get3A_400 = arith.constant 16 : index
        %get3A_401 = tpu.vector_load %arg6[%get3A_399, %get3A_400] {strides = array<i32>} : memref<200x32xf32, #tpu.memory_space<vmem>>, vector<1x16xf32>,
        %get3A_402 = vector.shape_cast %get3A_401 : vector<1x16xf32> to vector<16xf32>
        %add3A_403 = arith.addf %add3A_375, %get3A_402 : vector<16xf32>
        %mul3A_404 = arith.constant 25 : i32
        %mul3A_405 = arith.muli %scan3A_190, %mul3A_404 : i32
        %add3A_406 = arith.constant 15 : i32
        %add3A_407 = arith.addi %mul3A_405, %add3A_406 : i32
        %get3A_408 = arith.index_cast %add3A_407 : i32 to index
        %get3A_409 = arith.constant 0 : index
        %get3A_410 = tpu.vector_load %arg6[%get3A_408, %get3A_409] {strides = array<i32>} : memref<200x32xf32, #tpu.memory_space<vmem>>, vector<1x16xf32>,
        %get3A_411 = vector.shape_cast %get3A_410 : vector<1x16xf32> to vector<16xf32>
        %add3A_412 = arith.addf %add3A_384, %get3A_411 : vector<16xf32>
        %get3A_413 = arith.index_cast %add3A_407 : i32 to index
        %get3A_414 = arith.constant 16 : index
        %get3A_415 = tpu.vector_load %arg6[%get3A_413, %get3A_414] {strides = array<i32>} : memref<200x32xf32, #tpu.memory_space<vmem>>, vector<1x16xf32>,
        %get3A_416 = vector.shape_cast %get3A_415 : vector<1x16xf32> to vector<16xf32>
        %add3A_417 = arith.addf %add3A_389, %get3A_416 : vector<16xf32>
        %mul3A_418 = arith.constant 25 : i32
        %mul3A_419 = arith.muli %scan3A_190, %mul3A_418 : i32
        %add3A_420 = arith.constant 16 : i32
        %add3A_421 = arith.addi %mul3A_419, %add3A_420 : i32
        %get3A_422 = arith.index_cast %add3A_421 : i32 to index
        %get3A_423 = arith.constant 0 : index
        %get3A_424 = tpu.vector_load %arg6[%get3A_422, %get3A_423] {strides = array<i32>} : memref<200x32xf32, #tpu.memory_space<vmem>>, vector<1x16xf32>,
        %get3A_425 = vector.shape_cast %get3A_424 : vector<1x16xf32> to vector<16xf32>
        %add3A_426 = arith.addf %add3A_398, %get3A_425 : vector<16xf32>
        %get3A_427 = arith.index_cast %add3A_421 : i32 to index
        %get3A_428 = arith.constant 16 : index
        %get3A_429 = tpu.vector_load %arg6[%get3A_427, %get3A_428] {strides = array<i32>} : memref<200x32xf32, #tpu.memory_space<vmem>>, vector<1x16xf32>,
        %get3A_430 = vector.shape_cast %get3A_429 : vector<1x16xf32> to vector<16xf32>
        %add3A_431 = arith.addf %add3A_403, %get3A_430 : vector<16xf32>
        %mul3A_432 = arith.constant 25 : i32
        %mul3A_433 = arith.muli %scan3A_190, %mul3A_432 : i32
        %add3A_434 = arith.constant 17 : i32
        %add3A_435 = arith.addi %mul3A_433, %add3A_434 : i32
        %get3A_436 = arith.index_cast %add3A_435 : i32 to index
        %get3A_437 = arith.constant 0 : index
        %get3A_438 = tpu.vector_load %arg6[%get3A_436, %get3A_437] {strides = array<i32>} : memref<200x32xf32, #tpu.memory_space<vmem>>, vector<1x16xf32>,
        %get3A_439 = vector.shape_cast %get3A_438 : vector<1x16xf32> to vector<16xf32>
        %add3A_440 = arith.addf %add3A_412, %get3A_439 : vector<16xf32>
        %get3A_441 = arith.index_cast %add3A_435 : i32 to index
        %get3A_442 = arith.constant 16 : index
        %get3A_443 = tpu.vector_load %arg6[%get3A_441, %get3A_442] {strides = array<i32>} : memref<200x32xf32, #tpu.memory_space<vmem>>, vector<1x16xf32>,
        %get3A_444 = vector.shape_cast %get3A_443 : vector<1x16xf32> to vector<16xf32>
        %add3A_445 = arith.addf %add3A_417, %get3A_444 : vector<16xf32>
        %mul3A_446 = arith.constant 25 : i32
        %mul3A_447 = arith.muli %scan3A_190, %mul3A_446 : i32
        %add3A_448 = arith.constant 18 : i32
        %add3A_449 = arith.addi %mul3A_447, %add3A_448 : i32
        %get3A_450 = arith.index_cast %add3A_449 : i32 to index
        %get3A_451 = arith.constant 0 : index
        %get3A_452 = tpu.vector_load %arg6[%get3A_450, %get3A_451] {strides = array<i32>} : memref<200x32xf32, #tpu.memory_space<vmem>>, vector<1x16xf32>,
        %get3A_453 = vector.shape_cast %get3A_452 : vector<1x16xf32> to vector<16xf32>
        %add3A_454 = arith.addf %add3A_426, %get3A_453 : vector<16xf32>
        %get3A_455 = arith.index_cast %add3A_449 : i32 to index
        %get3A_456 = arith.constant 16 : index
        %get3A_457 = tpu.vector_load %arg6[%get3A_455, %get3A_456] {strides = array<i32>} : memref<200x32xf32, #tpu.memory_space<vmem>>, vector<1x16xf32>,
        %get3A_458 = vector.shape_cast %get3A_457 : vector<1x16xf32> to vector<16xf32>
        %add3A_459 = arith.addf %add3A_431, %get3A_458 : vector<16xf32>
        %mul3A_460 = arith.constant 25 : i32
        %mul3A_461 = arith.muli %scan3A_190, %mul3A_460 : i32
        %add3A_462 = arith.constant 19 : i32
        %add3A_463 = arith.addi %mul3A_461, %add3A_462 : i32
        %get3A_464 = arith.index_cast %add3A_463 : i32 to index
        %get3A_465 = arith.constant 0 : index
        %get3A_466 = tpu.vector_load %arg6[%get3A_464, %get3A_465] {strides = array<i32>} : memref<200x32xf32, #tpu.memory_space<vmem>>, vector<1x16xf32>,
        %get3A_467 = vector.shape_cast %get3A_466 : vector<1x16xf32> to vector<16xf32>
        %add3A_468 = arith.addf %add3A_440, %get3A_467 : vector<16xf32>
        %get3A_469 = arith.index_cast %add3A_463 : i32 to index
        %get3A_470 = arith.constant 16 : index
        %get3A_471 = tpu.vector_load %arg6[%get3A_469, %get3A_470] {strides = array<i32>} : memref<200x32xf32, #tpu.memory_space<vmem>>, vector<1x16xf32>,
        %get3A_472 = vector.shape_cast %get3A_471 : vector<1x16xf32> to vector<16xf32>
        %add3A_473 = arith.addf %add3A_445, %get3A_472 : vector<16xf32>
        %mul3A_474 = arith.constant 25 : i32
        %mul3A_475 = arith.muli %scan3A_190, %mul3A_474 : i32
        %add3A_476 = arith.constant 20 : i32
        %add3A_477 = arith.addi %mul3A_475, %add3A_476 : i32
        %get3A_478 = arith.index_cast %add3A_477 : i32 to index
        %get3A_479 = arith.constant 0 : index
        %get3A_480 = tpu.vector_load %arg6[%get3A_478, %get3A_479] {strides = array<i32>} : memref<200x32xf32, #tpu.memory_space<vmem>>, vector<1x16xf32>,
        %get3A_481 = vector.shape_cast %get3A_480 : vector<1x16xf32> to vector<16xf32>
        %add3A_482 = arith.addf %add3A_454, %get3A_481 : vector<16xf32>
        %get3A_483 = arith.index_cast %add3A_477 : i32 to index
        %get3A_484 = arith.constant 16 : index
        %get3A_485 = tpu.vector_load %arg6[%get3A_483, %get3A_484] {strides = array<i32>} : memref<200x32xf32, #tpu.memory_space<vmem>>, vector<1x16xf32>,
        %get3A_486 = vector.shape_cast %get3A_485 : vector<1x16xf32> to vector<16xf32>
        %add3A_487 = arith.addf %add3A_459, %get3A_486 : vector<16xf32>
        %mul3A_488 = arith.constant 25 : i32
        %mul3A_489 = arith.muli %scan3A_190, %mul3A_488 : i32
        %add3A_490 = arith.constant 21 : i32
        %add3A_491 = arith.addi %mul3A_489, %add3A_490 : i32
        %get3A_492 = arith.index_cast %add3A_491 : i32 to index
        %get3A_493 = arith.constant 0 : index
        %get3A_494 = tpu.vector_load %arg6[%get3A_492, %get3A_493] {strides = array<i32>} : memref<200x32xf32, #tpu.memory_space<vmem>>, vector<1x16xf32>,
        %get3A_495 = vector.shape_cast %get3A_494 : vector<1x16xf32> to vector<16xf32>
        %add3A_496 = arith.addf %add3A_468, %get3A_495 : vector<16xf32>
        %get3A_497 = arith.index_cast %add3A_491 : i32 to index
        %get3A_498 = arith.constant 16 : index
        %get3A_499 = tpu.vector_load %arg6[%get3A_497, %get3A_498] {strides = array<i32>} : memref<200x32xf32, #tpu.memory_space<vmem>>, vector<1x16xf32>,
        %get3A_500 = vector.shape_cast %get3A_499 : vector<1x16xf32> to vector<16xf32>
        %add3A_501 = arith.addf %add3A_473, %get3A_500 : vector<16xf32>
        %mul3A_502 = arith.constant 25 : i32
        %mul3A_503 = arith.muli %scan3A_190, %mul3A_502 : i32
        %add3A_504 = arith.constant 22 : i32
        %add3A_505 = arith.addi %mul3A_503, %add3A_504 : i32
        %get3A_506 = arith.index_cast %add3A_505 : i32 to index
        %get3A_507 = arith.constant 0 : index
        %get3A_508 = tpu.vector_load %arg6[%get3A_506, %get3A_507] {strides = array<i32>} : memref<200x32xf32, #tpu.memory_space<vmem>>, vector<1x16xf32>,
        %get3A_509 = vector.shape_cast %get3A_508 : vector<1x16xf32> to vector<16xf32>
        %add3A_510 = arith.addf %add3A_482, %get3A_509 : vector<16xf32>
        %get3A_511 = arith.index_cast %add3A_505 : i32 to index
        %get3A_512 = arith.constant 16 : index
        %get3A_513 = tpu.vector_load %arg6[%get3A_511, %get3A_512] {strides = array<i32>} : memref<200x32xf32, #tpu.memory_space<vmem>>, vector<1x16xf32>,
        %get3A_514 = vector.shape_cast %get3A_513 : vector<1x16xf32> to vector<16xf32>
        %add3A_515 = arith.addf %add3A_487, %get3A_514 : vector<16xf32>
        %mul3A_516 = arith.constant 25 : i32
        %mul3A_517 = arith.muli %scan3A_190, %mul3A_516 : i32
        %add3A_518 = arith.constant 23 : i32
        %add3A_519 = arith.addi %mul3A_517, %add3A_518 : i32
        %get3A_520 = arith.index_cast %add3A_519 : i32 to index
        %get3A_521 = arith.constant 0 : index
        %get3A_522 = tpu.vector_load %arg6[%get3A_520, %get3A_521] {strides = array<i32>} : memref<200x32xf32, #tpu.memory_space<vmem>>, vector<1x16xf32>,
        %get3A_523 = vector.shape_cast %get3A_522 : vector<1x16xf32> to vector<16xf32>
        %add3A_524 = arith.addf %add3A_496, %get3A_523 : vector<16xf32>
        %get3A_525 = arith.index_cast %add3A_519 : i32 to index
        %get3A_526 = arith.constant 16 : index
        %get3A_527 = tpu.vector_load %arg6[%get3A_525, %get3A_526] {strides = array<i32>} : memref<200x32xf32, #tpu.memory_space<vmem>>, vector<1x16xf32>,
        %get3A_528 = vector.shape_cast %get3A_527 : vector<1x16xf32> to vector<16xf32>
        %add3A_529 = arith.addf %add3A_501, %get3A_528 : vector<16xf32>
        %mul3A_530 = arith.constant 25 : i32
        %mul3A_531 = arith.muli %scan3A_190, %mul3A_530 : i32
        %add3A_532 = arith.constant 24 : i32
        %add3A_533 = arith.addi %mul3A_531, %add3A_532 : i32
        %get3A_534 = arith.index_cast %add3A_533 : i32 to index
        %get3A_535 = arith.constant 0 : index
        %get3A_536 = tpu.vector_load %arg6[%get3A_534, %get3A_535] {strides = array<i32>} : memref<200x32xf32, #tpu.memory_space<vmem>>, vector<1x16xf32>,
        %get3A_537 = vector.shape_cast %get3A_536 : vector<1x16xf32> to vector<16xf32>
        %add3A_538 = arith.addf %add3A_510, %get3A_537 : vector<16xf32>
        %get3A_539 = arith.index_cast %add3A_533 : i32 to index
        %get3A_540 = arith.constant 16 : index
        %get3A_541 = tpu.vector_load %arg6[%get3A_539, %get3A_540] {strides = array<i32>} : memref<200x32xf32, #tpu.memory_space<vmem>>, vector<1x16xf32>,
        %get3A_542 = vector.shape_cast %get3A_541 : vector<1x16xf32> to vector<16xf32>
        %add3A_543 = arith.addf %add3A_515, %get3A_542 : vector<16xf32>
        scf.yield %add3A_538, %add3A_543, %add3A_524, %add3A_529 : vector<16xf32>, vector<16xf32>, vector<16xf32>, vector<16xf32>
      }
      %scan3A_125 = arith.constant 8 : i32
      %add3A_126 = arith.addf %scan3A_124#0, %scan3A_124#2 : vector<16xf32>
      %swap3A = arith.index_cast %add3A_101 : i32 to index
      %swap3A_127 = arith.constant 0 : index
      %swap3A_128 = tpu.vector_load %arg8[%swap3A, %swap3A_127] {strides = array<i32>} : memref<256x32xf32, #tpu.memory_space<vmem>>, vector<1x16xf32>,
      %swap3A_129 = vector.shape_cast %swap3A_128 : vector<1x16xf32> to vector<16xf32>
      %swap3A_130 = vector.shape_cast %add3A_126 : vector<16xf32> to vector<1x16xf32>
      tpu.vector_store %arg8[%swap3A, %swap3A_127], %swap3A_130 {strides = array<i32>} : memref<256x32xf32, #tpu.memory_space<vmem>>, vector<1x16xf32>,
      %add3A_131 = arith.addf %scan3A_124#1, %scan3A_124#3 : vector<16xf32>
      %swap3A_132 = arith.index_cast %add3A_101 : i32 to index
      %swap3A_133 = arith.constant 16 : index
      %swap3A_134 = tpu.vector_load %arg8[%swap3A_132, %swap3A_133] {strides = array<i32>} : memref<256x32xf32, #tpu.memory_space<vmem>>, vector<1x16xf32>,
      %swap3A_135 = vector.shape_cast %swap3A_134 : vector<1x16xf32> to vector<16xf32>
      %swap3A_136 = vector.shape_cast %add3A_131 : vector<16xf32> to vector<1x16xf32>
      tpu.vector_store %arg8[%swap3A_132, %swap3A_133], %swap3A_136 {strides = array<i32>} : memref<256x32xf32, #tpu.memory_space<vmem>>, vector<1x16xf32>,
      %add3A_137 = arith.constant 2 : i32
      %add3A_138 = arith.addi %add3A_101, %add3A_137 : i32
      %lt3A = arith.constant 256 : i32
      %lt3A_139 = arith.cmpi slt, %add3A_138, %lt3A : i32
      %convert_element_type3A = arith.extui %lt3A_139 : i1 to i32
      %cond3A = arith.constant 0 : i32
      %cond3A_140 = arith.cmpi ne, %convert_element_type3A, %cond3A : i32
      scf.if %cond3A_140 {
        %add3A_190 = arith.constant 2 : i32
        %add3A_191 = arith.addi %add3A_101, %add3A_190 : i32
        %dma_start3A_192 = arith.constant 0 : i32
        %dma_start3A_193 = arith.constant 0 : i32
        %dma_start3A_194 = tpu.memref_slice %arg6[%dma_start3A_192, %dma_start3A_193] : memref<200x32xf32, #tpu.memory_space<vmem>> -> memref<128x32xf32, #tpu.memory_space<vmem>>
        %dma_start3A_195 = arith.constant 0 : i32
        %dma_start3A_196 = tpu.memref_slice %arg5[%add3A_191, %dma_start3A_195] : memref<256x200xi32, #tpu.memory_space<vmem>> -> memref<1x128xi32, #tpu.memory_space<vmem>>
        %dma_start3A_197 = tpu.memref_squeeze %dma_start3A_196 : memref<1x128xi32, #tpu.memory_space<vmem>> -> memref<128xi32, #tpu.memory_space<vmem>>
        %dma_start3A_198 = arith.constant 0 : i32
        %dma_start3A_199 = arith.constant 0 : i32
        %dma_start3A_200 = tpu.memref_slice %arg3[%dma_start3A_198, %dma_start3A_199] : memref<1000000x32xf32, #tpu.memory_space<hbm>> -> memref<1000000x32xf32, #tpu.memory_space<hbm>>
        tpu.enqueue_indirect_dma source(%dma_start3A_200 : memref<1000000x32xf32, #tpu.memory_space<hbm>>) target(%dma_start3A_194 : memref<128x32xf32, #tpu.memory_space<vmem>>) offsets(%dma_start3A_197 : memref<128xi32, #tpu.memory_space<vmem>>) semaphore(%arg9 : memref<!tpu.dma_semaphore, #tpu.memory_space<semaphore_mem>>)
        %dma_start3A_201 = arith.constant 128 : i32
        %dma_start3A_202 = arith.constant 0 : i32
        %dma_start3A_203 = tpu.memref_slice %arg6[%dma_start3A_201, %dma_start3A_202] : memref<200x32xf32, #tpu.memory_space<vmem>> -> memref<72x32xf32, #tpu.memory_space<vmem>>
        %dma_start3A_204 = arith.constant 128 : i32
        %dma_start3A_205 = tpu.memref_slice %arg5[%add3A_191, %dma_start3A_204] : memref<256x200xi32, #tpu.memory_space<vmem>> -> memref<1x72xi32, #tpu.memory_space<vmem>>
        %dma_start3A_206 = tpu.memref_squeeze %dma_start3A_205 : memref<1x72xi32, #tpu.memory_space<vmem>> -> memref<72xi32, #tpu.memory_space<vmem>>
        %dma_start3A_207 = arith.constant 0 : i32
        %dma_start3A_208 = arith.constant 0 : i32
        %dma_start3A_209 = tpu.memref_slice %arg3[%dma_start3A_207, %dma_start3A_208] : memref<1000000x32xf32, #tpu.memory_space<hbm>> -> memref<1000000x32xf32, #tpu.memory_space<hbm>>
        tpu.enqueue_indirect_dma source(%dma_start3A_209 : memref<1000000x32xf32, #tpu.memory_space<hbm>>) target(%dma_start3A_203 : memref<72x32xf32, #tpu.memory_space<vmem>>) offsets(%dma_start3A_206 : memref<72xi32, #tpu.memory_space<vmem>>) semaphore(%arg9 : memref<!tpu.dma_semaphore, #tpu.memory_space<semaphore_mem>>)
      } else {
      }
      %mul3A_141 = arith.constant 2 : i32
      %mul3A_142 = arith.muli %mul3A_141, %scan3A_97 : i32
      %add3A_143 = arith.constant 1 : i32
      %add3A_144 = arith.addi %mul3A_142, %add3A_143 : i32
      %dma_wait3A_145 = arith.constant 0 : i32
      %dma_wait3A_146 = arith.constant 0 : i32
      %dma_wait3A_147 = tpu.memref_slice %arg7[%dma_wait3A_145, %dma_wait3A_146] : memref<200x32xf32, #tpu.memory_space<vmem>> -> memref<128x32xf32, #tpu.memory_space<vmem>>
      %dma_wait3A_148 = arith.constant 0 : i32
      %dma_wait3A_149 = tpu.memref_slice %arg5[%add3A_144, %dma_wait3A_148] : memref<256x200xi32, #tpu.memory_space<vmem>> -> memref<1x128xi32, #tpu.memory_space<vmem>>
      %dma_wait3A_150 = tpu.memref_squeeze %dma_wait3A_149 : memref<1x128xi32, #tpu.memory_space<vmem>> -> memref<128xi32, #tpu.memory_space<vmem>>
      %dma_wait3A_151 = arith.constant 0 : i32
      %dma_wait3A_152 = arith.constant 0 : i32
      %dma_wait3A_153 = tpu.memref_slice %arg3[%dma_wait3A_151, %dma_wait3A_152] : memref<1000000x32xf32, #tpu.memory_space<hbm>> -> memref<1000000x32xf32, #tpu.memory_space<hbm>>
      tpu.wait_indirect_dma semaphore(%arg10 : memref<!tpu.dma_semaphore, #tpu.memory_space<semaphore_mem>>) src(%dma_wait3A_153 : memref<1000000x32xf32, #tpu.memory_space<hbm>>) dst(%dma_wait3A_147 : memref<128x32xf32, #tpu.memory_space<vmem>>)
      %dma_wait3A_154 = arith.constant 128 : i32
      %dma_wait3A_155 = arith.constant 0 : i32
      %dma_wait3A_156 = tpu.memref_slice %arg7[%dma_wait3A_154, %dma_wait3A_155] : memref<200x32xf32, #tpu.memory_space<vmem>> -> memref<72x32xf32, #tpu.memory_space<vmem>>
      %dma_wait3A_157 = arith.constant 128 : i32
      %dma_wait3A_158 = tpu.memref_slice %arg5[%add3A_144, %dma_wait3A_157] : memref<256x200xi32, #tpu.memory_space<vmem>> -> memref<1x72xi32, #tpu.memory_space<vmem>>
      %dma_wait3A_159 = tpu.memref_squeeze %dma_wait3A_158 : memref<1x72xi32, #tpu.memory_space<vmem>> -> memref<72xi32, #tpu.memory_space<vmem>>
      %dma_wait3A_160 = arith.constant 0 : i32
      %dma_wait3A_161 = arith.constant 0 : i32
      %dma_wait3A_162 = tpu.memref_slice %arg3[%dma_wait3A_160, %dma_wait3A_161] : memref<1000000x32xf32, #tpu.memory_space<hbm>> -> memref<1000000x32xf32, #tpu.memory_space<hbm>>
      tpu.wait_indirect_dma semaphore(%arg10 : memref<!tpu.dma_semaphore, #tpu.memory_space<semaphore_mem>>) src(%dma_wait3A_162 : memref<1000000x32xf32, #tpu.memory_space<hbm>>) dst(%dma_wait3A_156 : memref<72x32xf32, #tpu.memory_space<vmem>>)
      %broadcast_in_dim3A_163 = arith.constant 0.000000e+00 : f32
      %broadcast_in_dim3A_164 = vector.broadcast %broadcast_in_dim3A_163 : f32 to vector<16xf32>
      %scan3A_165 = arith.constant 0 : i32
      %scan3A_166 = arith.constant 8 : i32
      %scan3A_167 = arith.addi %scan3A_165, %scan3A_166 : i32
      %scan3A_168 = arith.constant 1 : i32
      %scan3A_169:4 = scf.for %scan3A_190 = %scan3A_165 to %scan3A_167 step %scan3A_168 iter_args(%scan3A_191 = %broadcast_in_dim3A_164, %scan3A_192 = %broadcast_in_dim3A_164, %scan3A_193 = %broadcast_in_dim3A_164, %scan3A_194 = %broadcast_in_dim3A_164) -> (vector<16xf32>, vector<16xf32>, vector<16xf32>, vector<16xf32>)  : i32 {
        %mul3A_195 = arith.constant 25 : i32
        %mul3A_196 = arith.muli %scan3A_190, %mul3A_195 : i32
        %add3A_197 = arith.constant 0 : i32
        %add3A_198 = arith.addi %mul3A_196, %add3A_197 : i32
        %get3A = arith.index_cast %add3A_198 : i32 to index
        %get3A_199 = arith.constant 0 : index
        %get3A_200 = tpu.vector_load %arg7[%get3A, %get3A_199] {strides = array<i32>} : memref<200x32xf32, #tpu.memory_space<vmem>>, vector<1x16xf32>,
        %get3A_201 = vector.shape_cast %get3A_200 : vector<1x16xf32> to vector<16xf32>
        %add3A_202 = arith.addf %scan3A_191, %get3A_201 : vector<16xf32>
        %get3A_203 = arith.index_cast %add3A_198 : i32 to index
        %get3A_204 = arith.constant 16 : index
        %get3A_205 = tpu.vector_load %arg7[%get3A_203, %get3A_204] {strides = array<i32>} : memref<200x32xf32, #tpu.memory_space<vmem>>, vector<1x16xf32>,
        %get3A_206 = vector.shape_cast %get3A_205 : vector<1x16xf32> to vector<16xf32>
        %add3A_207 = arith.addf %scan3A_192, %get3A_206 : vector<16xf32>
        %mul3A_208 = arith.constant 25 : i32
        %mul3A_209 = arith.muli %scan3A_190, %mul3A_208 : i32
        %add3A_210 = arith.constant 1 : i32
        %add3A_211 = arith.addi %mul3A_209, %add3A_210 : i32
        %get3A_212 = arith.index_cast %add3A_211 : i32 to index
        %get3A_213 = arith.constant 0 : index
        %get3A_214 = tpu.vector_load %arg7[%get3A_212, %get3A_213] {strides = array<i32>} : memref<200x32xf32, #tpu.memory_space<vmem>>, vector<1x16xf32>,
        %get3A_215 = vector.shape_cast %get3A_214 : vector<1x16xf32> to vector<16xf32>
        %add3A_216 = arith.addf %scan3A_193, %get3A_215 : vector<16xf32>
        %get3A_217 = arith.index_cast %add3A_211 : i32 to index
        %get3A_218 = arith.constant 16 : index
        %get3A_219 = tpu.vector_load %arg7[%get3A_217, %get3A_218] {strides = array<i32>} : memref<200x32xf32, #tpu.memory_space<vmem>>, vector<1x16xf32>,
        %get3A_220 = vector.shape_cast %get3A_219 : vector<1x16xf32> to vector<16xf32>
        %add3A_221 = arith.addf %scan3A_194, %get3A_220 : vector<16xf32>
        %mul3A_222 = arith.constant 25 : i32
        %mul3A_223 = arith.muli %scan3A_190, %mul3A_222 : i32
        %add3A_224 = arith.constant 2 : i32
        %add3A_225 = arith.addi %mul3A_223, %add3A_224 : i32
        %get3A_226 = arith.index_cast %add3A_225 : i32 to index
        %get3A_227 = arith.constant 0 : index
        %get3A_228 = tpu.vector_load %arg7[%get3A_226, %get3A_227] {strides = array<i32>} : memref<200x32xf32, #tpu.memory_space<vmem>>, vector<1x16xf32>,
        %get3A_229 = vector.shape_cast %get3A_228 : vector<1x16xf32> to vector<16xf32>
        %add3A_230 = arith.addf %add3A_202, %get3A_229 : vector<16xf32>
        %get3A_231 = arith.index_cast %add3A_225 : i32 to index
        %get3A_232 = arith.constant 16 : index
        %get3A_233 = tpu.vector_load %arg7[%get3A_231, %get3A_232] {strides = array<i32>} : memref<200x32xf32, #tpu.memory_space<vmem>>, vector<1x16xf32>,
        %get3A_234 = vector.shape_cast %get3A_233 : vector<1x16xf32> to vector<16xf32>
        %add3A_235 = arith.addf %add3A_207, %get3A_234 : vector<16xf32>
        %mul3A_236 = arith.constant 25 : i32
        %mul3A_237 = arith.muli %scan3A_190, %mul3A_236 : i32
        %add3A_238 = arith.constant 3 : i32
        %add3A_239 = arith.addi %mul3A_237, %add3A_238 : i32
        %get3A_240 = arith.index_cast %add3A_239 : i32 to index
        %get3A_241 = arith.constant 0 : index
        %get3A_242 = tpu.vector_load %arg7[%get3A_240, %get3A_241] {strides = array<i32>} : memref<200x32xf32, #tpu.memory_space<vmem>>, vector<1x16xf32>,
        %get3A_243 = vector.shape_cast %get3A_242 : vector<1x16xf32> to vector<16xf32>
        %add3A_244 = arith.addf %add3A_216, %get3A_243 : vector<16xf32>
        %get3A_245 = arith.index_cast %add3A_239 : i32 to index
        %get3A_246 = arith.constant 16 : index
        %get3A_247 = tpu.vector_load %arg7[%get3A_245, %get3A_246] {strides = array<i32>} : memref<200x32xf32, #tpu.memory_space<vmem>>, vector<1x16xf32>,
        %get3A_248 = vector.shape_cast %get3A_247 : vector<1x16xf32> to vector<16xf32>
        %add3A_249 = arith.addf %add3A_221, %get3A_248 : vector<16xf32>
        %mul3A_250 = arith.constant 25 : i32
        %mul3A_251 = arith.muli %scan3A_190, %mul3A_250 : i32
        %add3A_252 = arith.constant 4 : i32
        %add3A_253 = arith.addi %mul3A_251, %add3A_252 : i32
        %get3A_254 = arith.index_cast %add3A_253 : i32 to index
        %get3A_255 = arith.constant 0 : index
        %get3A_256 = tpu.vector_load %arg7[%get3A_254, %get3A_255] {strides = array<i32>} : memref<200x32xf32, #tpu.memory_space<vmem>>, vector<1x16xf32>,
        %get3A_257 = vector.shape_cast %get3A_256 : vector<1x16xf32> to vector<16xf32>
        %add3A_258 = arith.addf %add3A_230, %get3A_257 : vector<16xf32>
        %get3A_259 = arith.index_cast %add3A_253 : i32 to index
        %get3A_260 = arith.constant 16 : index
        %get3A_261 = tpu.vector_load %arg7[%get3A_259, %get3A_260] {strides = array<i32>} : memref<200x32xf32, #tpu.memory_space<vmem>>, vector<1x16xf32>,
        %get3A_262 = vector.shape_cast %get3A_261 : vector<1x16xf32> to vector<16xf32>
        %add3A_263 = arith.addf %add3A_235, %get3A_262 : vector<16xf32>
        %mul3A_264 = arith.constant 25 : i32
        %mul3A_265 = arith.muli %scan3A_190, %mul3A_264 : i32
        %add3A_266 = arith.constant 5 : i32
        %add3A_267 = arith.addi %mul3A_265, %add3A_266 : i32
        %get3A_268 = arith.index_cast %add3A_267 : i32 to index
        %get3A_269 = arith.constant 0 : index
        %get3A_270 = tpu.vector_load %arg7[%get3A_268, %get3A_269] {strides = array<i32>} : memref<200x32xf32, #tpu.memory_space<vmem>>, vector<1x16xf32>,
        %get3A_271 = vector.shape_cast %get3A_270 : vector<1x16xf32> to vector<16xf32>
        %add3A_272 = arith.addf %add3A_244, %get3A_271 : vector<16xf32>
        %get3A_273 = arith.index_cast %add3A_267 : i32 to index
        %get3A_274 = arith.constant 16 : index
        %get3A_275 = tpu.vector_load %arg7[%get3A_273, %get3A_274] {strides = array<i32>} : memref<200x32xf32, #tpu.memory_space<vmem>>, vector<1x16xf32>,
        %get3A_276 = vector.shape_cast %get3A_275 : vector<1x16xf32> to vector<16xf32>
        %add3A_277 = arith.addf %add3A_249, %get3A_276 : vector<16xf32>
        %mul3A_278 = arith.constant 25 : i32
        %mul3A_279 = arith.muli %scan3A_190, %mul3A_278 : i32
        %add3A_280 = arith.constant 6 : i32
        %add3A_281 = arith.addi %mul3A_279, %add3A_280 : i32
        %get3A_282 = arith.index_cast %add3A_281 : i32 to index
        %get3A_283 = arith.constant 0 : index
        %get3A_284 = tpu.vector_load %arg7[%get3A_282, %get3A_283] {strides = array<i32>} : memref<200x32xf32, #tpu.memory_space<vmem>>, vector<1x16xf32>,
        %get3A_285 = vector.shape_cast %get3A_284 : vector<1x16xf32> to vector<16xf32>
        %add3A_286 = arith.addf %add3A_258, %get3A_285 : vector<16xf32>
        %get3A_287 = arith.index_cast %add3A_281 : i32 to index
        %get3A_288 = arith.constant 16 : index
        %get3A_289 = tpu.vector_load %arg7[%get3A_287, %get3A_288] {strides = array<i32>} : memref<200x32xf32, #tpu.memory_space<vmem>>, vector<1x16xf32>,
        %get3A_290 = vector.shape_cast %get3A_289 : vector<1x16xf32> to vector<16xf32>
        %add3A_291 = arith.addf %add3A_263, %get3A_290 : vector<16xf32>
        %mul3A_292 = arith.constant 25 : i32
        %mul3A_293 = arith.muli %scan3A_190, %mul3A_292 : i32
        %add3A_294 = arith.constant 7 : i32
        %add3A_295 = arith.addi %mul3A_293, %add3A_294 : i32
        %get3A_296 = arith.index_cast %add3A_295 : i32 to index
        %get3A_297 = arith.constant 0 : index
        %get3A_298 = tpu.vector_load %arg7[%get3A_296, %get3A_297] {strides = array<i32>} : memref<200x32xf32, #tpu.memory_space<vmem>>, vector<1x16xf32>,
        %get3A_299 = vector.shape_cast %get3A_298 : vector<1x16xf32> to vector<16xf32>
        %add3A_300 = arith.addf %add3A_272, %get3A_299 : vector<16xf32>
        %get3A_301 = arith.index_cast %add3A_295 : i32 to index
        %get3A_302 = arith.constant 16 : index
        %get3A_303 = tpu.vector_load %arg7[%get3A_301, %get3A_302] {strides = array<i32>} : memref<200x32xf32, #tpu.memory_space<vmem>>, vector<1x16xf32>,
        %get3A_304 = vector.shape_cast %get3A_303 : vector<1x16xf32> to vector<16xf32>
        %add3A_305 = arith.addf %add3A_277, %get3A_304 : vector<16xf32>
        %mul3A_306 = arith.constant 25 : i32
        %mul3A_307 = arith.muli %scan3A_190, %mul3A_306 : i32
        %add3A_308 = arith.constant 8 : i32
        %add3A_309 = arith.addi %mul3A_307, %add3A_308 : i32
        %get3A_310 = arith.index_cast %add3A_309 : i32 to index
        %get3A_311 = arith.constant 0 : index
        %get3A_312 = tpu.vector_load %arg7[%get3A_310, %get3A_311] {strides = array<i32>} : memref<200x32xf32, #tpu.memory_space<vmem>>, vector<1x16xf32>,
        %get3A_313 = vector.shape_cast %get3A_312 : vector<1x16xf32> to vector<16xf32>
        %add3A_314 = arith.addf %add3A_286, %get3A_313 : vector<16xf32>
        %get3A_315 = arith.index_cast %add3A_309 : i32 to index
        %get3A_316 = arith.constant 16 : index
        %get3A_317 = tpu.vector_load %arg7[%get3A_315, %get3A_316] {strides = array<i32>} : memref<200x32xf32, #tpu.memory_space<vmem>>, vector<1x16xf32>,
        %get3A_318 = vector.shape_cast %get3A_317 : vector<1x16xf32> to vector<16xf32>
        %add3A_319 = arith.addf %add3A_291, %get3A_318 : vector<16xf32>
        %mul3A_320 = arith.constant 25 : i32
        %mul3A_321 = arith.muli %scan3A_190, %mul3A_320 : i32
        %add3A_322 = arith.constant 9 : i32
        %add3A_323 = arith.addi %mul3A_321, %add3A_322 : i32
        %get3A_324 = arith.index_cast %add3A_323 : i32 to index
        %get3A_325 = arith.constant 0 : index
        %get3A_326 = tpu.vector_load %arg7[%get3A_324, %get3A_325] {strides = array<i32>} : memref<200x32xf32, #tpu.memory_space<vmem>>, vector<1x16xf32>,
        %get3A_327 = vector.shape_cast %get3A_326 : vector<1x16xf32> to vector<16xf32>
        %add3A_328 = arith.addf %add3A_300, %get3A_327 : vector<16xf32>
        %get3A_329 = arith.index_cast %add3A_323 : i32 to index
        %get3A_330 = arith.constant 16 : index
        %get3A_331 = tpu.vector_load %arg7[%get3A_329, %get3A_330] {strides = array<i32>} : memref<200x32xf32, #tpu.memory_space<vmem>>, vector<1x16xf32>,
        %get3A_332 = vector.shape_cast %get3A_331 : vector<1x16xf32> to vector<16xf32>
        %add3A_333 = arith.addf %add3A_305, %get3A_332 : vector<16xf32>
        %mul3A_334 = arith.constant 25 : i32
        %mul3A_335 = arith.muli %scan3A_190, %mul3A_334 : i32
        %add3A_336 = arith.constant 10 : i32
        %add3A_337 = arith.addi %mul3A_335, %add3A_336 : i32
        %get3A_338 = arith.index_cast %add3A_337 : i32 to index
        %get3A_339 = arith.constant 0 : index
        %get3A_340 = tpu.vector_load %arg7[%get3A_338, %get3A_339] {strides = array<i32>} : memref<200x32xf32, #tpu.memory_space<vmem>>, vector<1x16xf32>,
        %get3A_341 = vector.shape_cast %get3A_340 : vector<1x16xf32> to vector<16xf32>
        %add3A_342 = arith.addf %add3A_314, %get3A_341 : vector<16xf32>
        %get3A_343 = arith.index_cast %add3A_337 : i32 to index
        %get3A_344 = arith.constant 16 : index
        %get3A_345 = tpu.vector_load %arg7[%get3A_343, %get3A_344] {strides = array<i32>} : memref<200x32xf32, #tpu.memory_space<vmem>>, vector<1x16xf32>,
        %get3A_346 = vector.shape_cast %get3A_345 : vector<1x16xf32> to vector<16xf32>
        %add3A_347 = arith.addf %add3A_319, %get3A_346 : vector<16xf32>
        %mul3A_348 = arith.constant 25 : i32
        %mul3A_349 = arith.muli %scan3A_190, %mul3A_348 : i32
        %add3A_350 = arith.constant 11 : i32
        %add3A_351 = arith.addi %mul3A_349, %add3A_350 : i32
        %get3A_352 = arith.index_cast %add3A_351 : i32 to index
        %get3A_353 = arith.constant 0 : index
        %get3A_354 = tpu.vector_load %arg7[%get3A_352, %get3A_353] {strides = array<i32>} : memref<200x32xf32, #tpu.memory_space<vmem>>, vector<1x16xf32>,
        %get3A_355 = vector.shape_cast %get3A_354 : vector<1x16xf32> to vector<16xf32>
        %add3A_356 = arith.addf %add3A_328, %get3A_355 : vector<16xf32>
        %get3A_357 = arith.index_cast %add3A_351 : i32 to index
        %get3A_358 = arith.constant 16 : index
        %get3A_359 = tpu.vector_load %arg7[%get3A_357, %get3A_358] {strides = array<i32>} : memref<200x32xf32, #tpu.memory_space<vmem>>, vector<1x16xf32>,
        %get3A_360 = vector.shape_cast %get3A_359 : vector<1x16xf32> to vector<16xf32>
        %add3A_361 = arith.addf %add3A_333, %get3A_360 : vector<16xf32>
        %mul3A_362 = arith.constant 25 : i32
        %mul3A_363 = arith.muli %scan3A_190, %mul3A_362 : i32
        %add3A_364 = arith.constant 12 : i32
        %add3A_365 = arith.addi %mul3A_363, %add3A_364 : i32
        %get3A_366 = arith.index_cast %add3A_365 : i32 to index
        %get3A_367 = arith.constant 0 : index
        %get3A_368 = tpu.vector_load %arg7[%get3A_366, %get3A_367] {strides = array<i32>} : memref<200x32xf32, #tpu.memory_space<vmem>>, vector<1x16xf32>,
        %get3A_369 = vector.shape_cast %get3A_368 : vector<1x16xf32> to vector<16xf32>
        %add3A_370 = arith.addf %add3A_342, %get3A_369 : vector<16xf32>
        %get3A_371 = arith.index_cast %add3A_365 : i32 to index
        %get3A_372 = arith.constant 16 : index
        %get3A_373 = tpu.vector_load %arg7[%get3A_371, %get3A_372] {strides = array<i32>} : memref<200x32xf32, #tpu.memory_space<vmem>>, vector<1x16xf32>,
        %get3A_374 = vector.shape_cast %get3A_373 : vector<1x16xf32> to vector<16xf32>
        %add3A_375 = arith.addf %add3A_347, %get3A_374 : vector<16xf32>
        %mul3A_376 = arith.constant 25 : i32
        %mul3A_377 = arith.muli %scan3A_190, %mul3A_376 : i32
        %add3A_378 = arith.constant 13 : i32
        %add3A_379 = arith.addi %mul3A_377, %add3A_378 : i32
        %get3A_380 = arith.index_cast %add3A_379 : i32 to index
        %get3A_381 = arith.constant 0 : index
        %get3A_382 = tpu.vector_load %arg7[%get3A_380, %get3A_381] {strides = array<i32>} : memref<200x32xf32, #tpu.memory_space<vmem>>, vector<1x16xf32>,
        %get3A_383 = vector.shape_cast %get3A_382 : vector<1x16xf32> to vector<16xf32>
        %add3A_384 = arith.addf %add3A_356, %get3A_383 : vector<16xf32>
        %get3A_385 = arith.index_cast %add3A_379 : i32 to index
        %get3A_386 = arith.constant 16 : index
        %get3A_387 = tpu.vector_load %arg7[%get3A_385, %get3A_386] {strides = array<i32>} : memref<200x32xf32, #tpu.memory_space<vmem>>, vector<1x16xf32>,
        %get3A_388 = vector.shape_cast %get3A_387 : vector<1x16xf32> to vector<16xf32>
        %add3A_389 = arith.addf %add3A_361, %get3A_388 : vector<16xf32>
        %mul3A_390 = arith.constant 25 : i32
        %mul3A_391 = arith.muli %scan3A_190, %mul3A_390 : i32
        %add3A_392 = arith.constant 14 : i32
        %add3A_393 = arith.addi %mul3A_391, %add3A_392 : i32
        %get3A_394 = arith.index_cast %add3A_393 : i32 to index
        %get3A_395 = arith.constant 0 : index
        %get3A_396 = tpu.vector_load %arg7[%get3A_394, %get3A_395] {strides = array<i32>} : memref<200x32xf32, #tpu.memory_space<vmem>>, vector<1x16xf32>,
        %get3A_397 = vector.shape_cast %get3A_396 : vector<1x16xf32> to vector<16xf32>
        %add3A_398 = arith.addf %add3A_370, %get3A_397 : vector<16xf32>
        %get3A_399 = arith.index_cast %add3A_393 : i32 to index
        %get3A_400 = arith.constant 16 : index
        %get3A_401 = tpu.vector_load %arg7[%get3A_399, %get3A_400] {strides = array<i32>} : memref<200x32xf32, #tpu.memory_space<vmem>>, vector<1x16xf32>,
        %get3A_402 = vector.shape_cast %get3A_401 : vector<1x16xf32> to vector<16xf32>
        %add3A_403 = arith.addf %add3A_375, %get3A_402 : vector<16xf32>
        %mul3A_404 = arith.constant 25 : i32
        %mul3A_405 = arith.muli %scan3A_190, %mul3A_404 : i32
        %add3A_406 = arith.constant 15 : i32
        %add3A_407 = arith.addi %mul3A_405, %add3A_406 : i32
        %get3A_408 = arith.index_cast %add3A_407 : i32 to index
        %get3A_409 = arith.constant 0 : index
        %get3A_410 = tpu.vector_load %arg7[%get3A_408, %get3A_409] {strides = array<i32>} : memref<200x32xf32, #tpu.memory_space<vmem>>, vector<1x16xf32>,
        %get3A_411 = vector.shape_cast %get3A_410 : vector<1x16xf32> to vector<16xf32>
        %add3A_412 = arith.addf %add3A_384, %get3A_411 : vector<16xf32>
        %get3A_413 = arith.index_cast %add3A_407 : i32 to index
        %get3A_414 = arith.constant 16 : index
        %get3A_415 = tpu.vector_load %arg7[%get3A_413, %get3A_414] {strides = array<i32>} : memref<200x32xf32, #tpu.memory_space<vmem>>, vector<1x16xf32>,
        %get3A_416 = vector.shape_cast %get3A_415 : vector<1x16xf32> to vector<16xf32>
        %add3A_417 = arith.addf %add3A_389, %get3A_416 : vector<16xf32>
        %mul3A_418 = arith.constant 25 : i32
        %mul3A_419 = arith.muli %scan3A_190, %mul3A_418 : i32
        %add3A_420 = arith.constant 16 : i32
        %add3A_421 = arith.addi %mul3A_419, %add3A_420 : i32
        %get3A_422 = arith.index_cast %add3A_421 : i32 to index
        %get3A_423 = arith.constant 0 : index
        %get3A_424 = tpu.vector_load %arg7[%get3A_422, %get3A_423] {strides = array<i32>} : memref<200x32xf32, #tpu.memory_space<vmem>>, vector<1x16xf32>,
        %get3A_425 = vector.shape_cast %get3A_424 : vector<1x16xf32> to vector<16xf32>
        %add3A_426 = arith.addf %add3A_398, %get3A_425 : vector<16xf32>
        %get3A_427 = arith.index_cast %add3A_421 : i32 to index
        %get3A_428 = arith.constant 16 : index
        %get3A_429 = tpu.vector_load %arg7[%get3A_427, %get3A_428] {strides = array<i32>} : memref<200x32xf32, #tpu.memory_space<vmem>>, vector<1x16xf32>,
        %get3A_430 = vector.shape_cast %get3A_429 : vector<1x16xf32> to vector<16xf32>
        %add3A_431 = arith.addf %add3A_403, %get3A_430 : vector<16xf32>
        %mul3A_432 = arith.constant 25 : i32
        %mul3A_433 = arith.muli %scan3A_190, %mul3A_432 : i32
        %add3A_434 = arith.constant 17 : i32
        %add3A_435 = arith.addi %mul3A_433, %add3A_434 : i32
        %get3A_436 = arith.index_cast %add3A_435 : i32 to index
        %get3A_437 = arith.constant 0 : index
        %get3A_438 = tpu.vector_load %arg7[%get3A_436, %get3A_437] {strides = array<i32>} : memref<200x32xf32, #tpu.memory_space<vmem>>, vector<1x16xf32>,
        %get3A_439 = vector.shape_cast %get3A_438 : vector<1x16xf32> to vector<16xf32>
        %add3A_440 = arith.addf %add3A_412, %get3A_439 : vector<16xf32>
        %get3A_441 = arith.index_cast %add3A_435 : i32 to index
        %get3A_442 = arith.constant 16 : index
        %get3A_443 = tpu.vector_load %arg7[%get3A_441, %get3A_442] {strides = array<i32>} : memref<200x32xf32, #tpu.memory_space<vmem>>, vector<1x16xf32>,
        %get3A_444 = vector.shape_cast %get3A_443 : vector<1x16xf32> to vector<16xf32>
        %add3A_445 = arith.addf %add3A_417, %get3A_444 : vector<16xf32>
        %mul3A_446 = arith.constant 25 : i32
        %mul3A_447 = arith.muli %scan3A_190, %mul3A_446 : i32
        %add3A_448 = arith.constant 18 : i32
        %add3A_449 = arith.addi %mul3A_447, %add3A_448 : i32
        %get3A_450 = arith.index_cast %add3A_449 : i32 to index
        %get3A_451 = arith.constant 0 : index
        %get3A_452 = tpu.vector_load %arg7[%get3A_450, %get3A_451] {strides = array<i32>} : memref<200x32xf32, #tpu.memory_space<vmem>>, vector<1x16xf32>,
        %get3A_453 = vector.shape_cast %get3A_452 : vector<1x16xf32> to vector<16xf32>
        %add3A_454 = arith.addf %add3A_426, %get3A_453 : vector<16xf32>
        %get3A_455 = arith.index_cast %add3A_449 : i32 to index
        %get3A_456 = arith.constant 16 : index
        %get3A_457 = tpu.vector_load %arg7[%get3A_455, %get3A_456] {strides = array<i32>} : memref<200x32xf32, #tpu.memory_space<vmem>>, vector<1x16xf32>,
        %get3A_458 = vector.shape_cast %get3A_457 : vector<1x16xf32> to vector<16xf32>
        %add3A_459 = arith.addf %add3A_431, %get3A_458 : vector<16xf32>
        %mul3A_460 = arith.constant 25 : i32
        %mul3A_461 = arith.muli %scan3A_190, %mul3A_460 : i32
        %add3A_462 = arith.constant 19 : i32
        %add3A_463 = arith.addi %mul3A_461, %add3A_462 : i32
        %get3A_464 = arith.index_cast %add3A_463 : i32 to index
        %get3A_465 = arith.constant 0 : index
        %get3A_466 = tpu.vector_load %arg7[%get3A_464, %get3A_465] {strides = array<i32>} : memref<200x32xf32, #tpu.memory_space<vmem>>, vector<1x16xf32>,
        %get3A_467 = vector.shape_cast %get3A_466 : vector<1x16xf32> to vector<16xf32>
        %add3A_468 = arith.addf %add3A_440, %get3A_467 : vector<16xf32>
        %get3A_469 = arith.index_cast %add3A_463 : i32 to index
        %get3A_470 = arith.constant 16 : index
        %get3A_471 = tpu.vector_load %arg7[%get3A_469, %get3A_470] {strides = array<i32>} : memref<200x32xf32, #tpu.memory_space<vmem>>, vector<1x16xf32>,
        %get3A_472 = vector.shape_cast %get3A_471 : vector<1x16xf32> to vector<16xf32>
        %add3A_473 = arith.addf %add3A_445, %get3A_472 : vector<16xf32>
        %mul3A_474 = arith.constant 25 : i32
        %mul3A_475 = arith.muli %scan3A_190, %mul3A_474 : i32
        %add3A_476 = arith.constant 20 : i32
        %add3A_477 = arith.addi %mul3A_475, %add3A_476 : i32
        %get3A_478 = arith.index_cast %add3A_477 : i32 to index
        %get3A_479 = arith.constant 0 : index
        %get3A_480 = tpu.vector_load %arg7[%get3A_478, %get3A_479] {strides = array<i32>} : memref<200x32xf32, #tpu.memory_space<vmem>>, vector<1x16xf32>,
        %get3A_481 = vector.shape_cast %get3A_480 : vector<1x16xf32> to vector<16xf32>
        %add3A_482 = arith.addf %add3A_454, %get3A_481 : vector<16xf32>
        %get3A_483 = arith.index_cast %add3A_477 : i32 to index
        %get3A_484 = arith.constant 16 : index
        %get3A_485 = tpu.vector_load %arg7[%get3A_483, %get3A_484] {strides = array<i32>} : memref<200x32xf32, #tpu.memory_space<vmem>>, vector<1x16xf32>,
        %get3A_486 = vector.shape_cast %get3A_485 : vector<1x16xf32> to vector<16xf32>
        %add3A_487 = arith.addf %add3A_459, %get3A_486 : vector<16xf32>
        %mul3A_488 = arith.constant 25 : i32
        %mul3A_489 = arith.muli %scan3A_190, %mul3A_488 : i32
        %add3A_490 = arith.constant 21 : i32
        %add3A_491 = arith.addi %mul3A_489, %add3A_490 : i32
        %get3A_492 = arith.index_cast %add3A_491 : i32 to index
        %get3A_493 = arith.constant 0 : index
        %get3A_494 = tpu.vector_load %arg7[%get3A_492, %get3A_493] {strides = array<i32>} : memref<200x32xf32, #tpu.memory_space<vmem>>, vector<1x16xf32>,
        %get3A_495 = vector.shape_cast %get3A_494 : vector<1x16xf32> to vector<16xf32>
        %add3A_496 = arith.addf %add3A_468, %get3A_495 : vector<16xf32>
        %get3A_497 = arith.index_cast %add3A_491 : i32 to index
        %get3A_498 = arith.constant 16 : index
        %get3A_499 = tpu.vector_load %arg7[%get3A_497, %get3A_498] {strides = array<i32>} : memref<200x32xf32, #tpu.memory_space<vmem>>, vector<1x16xf32>,
        %get3A_500 = vector.shape_cast %get3A_499 : vector<1x16xf32> to vector<16xf32>
        %add3A_501 = arith.addf %add3A_473, %get3A_500 : vector<16xf32>
        %mul3A_502 = arith.constant 25 : i32
        %mul3A_503 = arith.muli %scan3A_190, %mul3A_502 : i32
        %add3A_504 = arith.constant 22 : i32
        %add3A_505 = arith.addi %mul3A_503, %add3A_504 : i32
        %get3A_506 = arith.index_cast %add3A_505 : i32 to index
        %get3A_507 = arith.constant 0 : index
        %get3A_508 = tpu.vector_load %arg7[%get3A_506, %get3A_507] {strides = array<i32>} : memref<200x32xf32, #tpu.memory_space<vmem>>, vector<1x16xf32>,
        %get3A_509 = vector.shape_cast %get3A_508 : vector<1x16xf32> to vector<16xf32>
        %add3A_510 = arith.addf %add3A_482, %get3A_509 : vector<16xf32>
        %get3A_511 = arith.index_cast %add3A_505 : i32 to index
        %get3A_512 = arith.constant 16 : index
        %get3A_513 = tpu.vector_load %arg7[%get3A_511, %get3A_512] {strides = array<i32>} : memref<200x32xf32, #tpu.memory_space<vmem>>, vector<1x16xf32>,
        %get3A_514 = vector.shape_cast %get3A_513 : vector<1x16xf32> to vector<16xf32>
        %add3A_515 = arith.addf %add3A_487, %get3A_514 : vector<16xf32>
        %mul3A_516 = arith.constant 25 : i32
        %mul3A_517 = arith.muli %scan3A_190, %mul3A_516 : i32
        %add3A_518 = arith.constant 23 : i32
        %add3A_519 = arith.addi %mul3A_517, %add3A_518 : i32
        %get3A_520 = arith.index_cast %add3A_519 : i32 to index
        %get3A_521 = arith.constant 0 : index
        %get3A_522 = tpu.vector_load %arg7[%get3A_520, %get3A_521] {strides = array<i32>} : memref<200x32xf32, #tpu.memory_space<vmem>>, vector<1x16xf32>,
        %get3A_523 = vector.shape_cast %get3A_522 : vector<1x16xf32> to vector<16xf32>
        %add3A_524 = arith.addf %add3A_496, %get3A_523 : vector<16xf32>
        %get3A_525 = arith.index_cast %add3A_519 : i32 to index
        %get3A_526 = arith.constant 16 : index
        %get3A_527 = tpu.vector_load %arg7[%get3A_525, %get3A_526] {strides = array<i32>} : memref<200x32xf32, #tpu.memory_space<vmem>>, vector<1x16xf32>,
        %get3A_528 = vector.shape_cast %get3A_527 : vector<1x16xf32> to vector<16xf32>
        %add3A_529 = arith.addf %add3A_501, %get3A_528 : vector<16xf32>
        %mul3A_530 = arith.constant 25 : i32
        %mul3A_531 = arith.muli %scan3A_190, %mul3A_530 : i32
        %add3A_532 = arith.constant 24 : i32
        %add3A_533 = arith.addi %mul3A_531, %add3A_532 : i32
        %get3A_534 = arith.index_cast %add3A_533 : i32 to index
        %get3A_535 = arith.constant 0 : index
        %get3A_536 = tpu.vector_load %arg7[%get3A_534, %get3A_535] {strides = array<i32>} : memref<200x32xf32, #tpu.memory_space<vmem>>, vector<1x16xf32>,
        %get3A_537 = vector.shape_cast %get3A_536 : vector<1x16xf32> to vector<16xf32>
        %add3A_538 = arith.addf %add3A_510, %get3A_537 : vector<16xf32>
        %get3A_539 = arith.index_cast %add3A_533 : i32 to index
        %get3A_540 = arith.constant 16 : index
        %get3A_541 = tpu.vector_load %arg7[%get3A_539, %get3A_540] {strides = array<i32>} : memref<200x32xf32, #tpu.memory_space<vmem>>, vector<1x16xf32>,
        %get3A_542 = vector.shape_cast %get3A_541 : vector<1x16xf32> to vector<16xf32>
        %add3A_543 = arith.addf %add3A_515, %get3A_542 : vector<16xf32>
        scf.yield %add3A_538, %add3A_543, %add3A_524, %add3A_529 : vector<16xf32>, vector<16xf32>, vector<16xf32>, vector<16xf32>
      }
      %scan3A_170 = arith.constant 8 : i32
      %add3A_171 = arith.addf %scan3A_169#0, %scan3A_169#2 : vector<16xf32>
      %swap3A_172 = arith.index_cast %add3A_144 : i32 to index
      %swap3A_173 = arith.constant 0 : index
      %swap3A_174 = tpu.vector_load %arg8[%swap3A_172, %swap3A_173] {strides = array<i32>} : memref<256x32xf32, #tpu.memory_space<vmem>>, vector<1x16xf32>,
      %swap3A_175 = vector.shape_cast %swap3A_174 : vector<1x16xf32> to vector<16xf32>
      %swap3A_176 = vector.shape_cast %add3A_171 : vector<16xf32> to vector<1x16xf32>
      tpu.vector_store %arg8[%swap3A_172, %swap3A_173], %swap3A_176 {strides = array<i32>} : memref<256x32xf32, #tpu.memory_space<vmem>>, vector<1x16xf32>,
      %add3A_177 = arith.addf %scan3A_169#1, %scan3A_169#3 : vector<16xf32>
      %swap3A_178 = arith.index_cast %add3A_144 : i32 to index
      %swap3A_179 = arith.constant 16 : index
      %swap3A_180 = tpu.vector_load %arg8[%swap3A_178, %swap3A_179] {strides = array<i32>} : memref<256x32xf32, #tpu.memory_space<vmem>>, vector<1x16xf32>,
      %swap3A_181 = vector.shape_cast %swap3A_180 : vector<1x16xf32> to vector<16xf32>
      %swap3A_182 = vector.shape_cast %add3A_177 : vector<16xf32> to vector<1x16xf32>
      tpu.vector_store %arg8[%swap3A_178, %swap3A_179], %swap3A_182 {strides = array<i32>} : memref<256x32xf32, #tpu.memory_space<vmem>>, vector<1x16xf32>,
      %add3A_183 = arith.constant 2 : i32
      %add3A_184 = arith.addi %add3A_144, %add3A_183 : i32
      %lt3A_185 = arith.constant 256 : i32
      %lt3A_186 = arith.cmpi slt, %add3A_184, %lt3A_185 : i32
      %convert_element_type3A_187 = arith.extui %lt3A_186 : i1 to i32
      %cond3A_188 = arith.constant 0 : i32
      %cond3A_189 = arith.cmpi ne, %convert_element_type3A_187, %cond3A_188 : i32
      scf.if %cond3A_189 {
        %add3A_190 = arith.constant 2 : i32
        %add3A_191 = arith.addi %add3A_144, %add3A_190 : i32
        %dma_start3A_192 = arith.constant 0 : i32
        %dma_start3A_193 = arith.constant 0 : i32
        %dma_start3A_194 = tpu.memref_slice %arg7[%dma_start3A_192, %dma_start3A_193] : memref<200x32xf32, #tpu.memory_space<vmem>> -> memref<128x32xf32, #tpu.memory_space<vmem>>
        %dma_start3A_195 = arith.constant 0 : i32
        %dma_start3A_196 = tpu.memref_slice %arg5[%add3A_191, %dma_start3A_195] : memref<256x200xi32, #tpu.memory_space<vmem>> -> memref<1x128xi32, #tpu.memory_space<vmem>>
        %dma_start3A_197 = tpu.memref_squeeze %dma_start3A_196 : memref<1x128xi32, #tpu.memory_space<vmem>> -> memref<128xi32, #tpu.memory_space<vmem>>
        %dma_start3A_198 = arith.constant 0 : i32
        %dma_start3A_199 = arith.constant 0 : i32
        %dma_start3A_200 = tpu.memref_slice %arg3[%dma_start3A_198, %dma_start3A_199] : memref<1000000x32xf32, #tpu.memory_space<hbm>> -> memref<1000000x32xf32, #tpu.memory_space<hbm>>
        tpu.enqueue_indirect_dma source(%dma_start3A_200 : memref<1000000x32xf32, #tpu.memory_space<hbm>>) target(%dma_start3A_194 : memref<128x32xf32, #tpu.memory_space<vmem>>) offsets(%dma_start3A_197 : memref<128xi32, #tpu.memory_space<vmem>>) semaphore(%arg10 : memref<!tpu.dma_semaphore, #tpu.memory_space<semaphore_mem>>)
        %dma_start3A_201 = arith.constant 128 : i32
        %dma_start3A_202 = arith.constant 0 : i32
        %dma_start3A_203 = tpu.memref_slice %arg7[%dma_start3A_201, %dma_start3A_202] : memref<200x32xf32, #tpu.memory_space<vmem>> -> memref<72x32xf32, #tpu.memory_space<vmem>>
        %dma_start3A_204 = arith.constant 128 : i32
        %dma_start3A_205 = tpu.memref_slice %arg5[%add3A_191, %dma_start3A_204] : memref<256x200xi32, #tpu.memory_space<vmem>> -> memref<1x72xi32, #tpu.memory_space<vmem>>
        %dma_start3A_206 = tpu.memref_squeeze %dma_start3A_205 : memref<1x72xi32, #tpu.memory_space<vmem>> -> memref<72xi32, #tpu.memory_space<vmem>>
        %dma_start3A_207 = arith.constant 0 : i32
        %dma_start3A_208 = arith.constant 0 : i32
        %dma_start3A_209 = tpu.memref_slice %arg3[%dma_start3A_207, %dma_start3A_208] : memref<1000000x32xf32, #tpu.memory_space<hbm>> -> memref<1000000x32xf32, #tpu.memory_space<hbm>>
        tpu.enqueue_indirect_dma source(%dma_start3A_209 : memref<1000000x32xf32, #tpu.memory_space<hbm>>) target(%dma_start3A_203 : memref<72x32xf32, #tpu.memory_space<vmem>>) offsets(%dma_start3A_206 : memref<72xi32, #tpu.memory_space<vmem>>) semaphore(%arg10 : memref<!tpu.dma_semaphore, #tpu.memory_space<semaphore_mem>>)
      } else {
      }
    }
    %scan3A_48 = arith.constant 128 : i32
    "tpu.region"() ({
      %run_scoped3A = tpu.sem_alloc : memref<!tpu.dma_semaphore, #tpu.memory_space<semaphore_mem>>
      %dma_start3A_97 = arith.constant 0 : i32
      %dma_start3A_98 = tpu.memref_slice %arg4[%add3A_4, %dma_start3A_97] : memref<16384x32xf32, #tpu.memory_space<hbm>> -> memref<256x32xf32, #tpu.memory_space<hbm>>
      %dma_start3A_99 = arith.constant 0 : i32
      %dma_start3A_100 = tpu.memref_slice %arg4[%add3A_4, %dma_start3A_99] : memref<16384x32xf32, #tpu.memory_space<hbm>> -> memref<256x32xf32, #tpu.memory_space<hbm>>
      tpu.enqueue_dma source(%arg8 : memref<256x32xf32, #tpu.memory_space<vmem>>) target(%dma_start3A_100 : memref<256x32xf32, #tpu.memory_space<hbm>>) target_semaphore(%run_scoped3A : memref<!tpu.dma_semaphore, #tpu.memory_space<semaphore_mem>>)
      %dma_wait3A = arith.constant 0 : i32
      %dma_wait3A_101 = tpu.memref_slice %arg4[%add3A_4, %dma_wait3A] : memref<16384x32xf32, #tpu.memory_space<hbm>> -> memref<256x32xf32, #tpu.memory_space<hbm>>
      %dma_wait3A_102 = arith.constant 0 : i32
      %dma_wait3A_103 = tpu.memref_slice %arg4[%add3A_4, %dma_wait3A_102] : memref<16384x32xf32, #tpu.memory_space<hbm>> -> memref<256x32xf32, #tpu.memory_space<hbm>>
      tpu.wait_dma2 semaphore(%run_scoped3A : memref<!tpu.dma_semaphore, #tpu.memory_space<semaphore_mem>>) src(%arg8 : memref<256x32xf32, #tpu.memory_space<vmem>>) dst(%dma_wait3A_103 : memref<256x32xf32, #tpu.memory_space<hbm>>)
      tpu.yield
    }) : () -> ()
    %add3A_49 = arith.constant 256 : i32
    %add3A_50 = arith.addi %mul3A_2, %add3A_49 : i32
    "tpu.region"() ({
      %run_scoped3A = tpu.sem_alloc : memref<!tpu.dma_semaphore, #tpu.memory_space<semaphore_mem>>
      %dma_start3A_97 = arith.constant 0 : i32
      %dma_start3A_98 = tpu.memref_slice %arg2[%add3A_50, %dma_start3A_97] : memref<16384x200xi32, #tpu.memory_space<hbm>> -> memref<256x200xi32, #tpu.memory_space<hbm>>
      %dma_start3A_99 = arith.constant 0 : i32
      %dma_start3A_100 = tpu.memref_slice %arg2[%add3A_50, %dma_start3A_99] : memref<16384x200xi32, #tpu.memory_space<hbm>> -> memref<256x200xi32, #tpu.memory_space<hbm>>
      tpu.enqueue_dma source(%dma_start3A_100 : memref<256x200xi32, #tpu.memory_space<hbm>>) target(%arg5 : memref<256x200xi32, #tpu.memory_space<vmem>>) target_semaphore(%run_scoped3A : memref<!tpu.dma_semaphore, #tpu.memory_space<semaphore_mem>>)
      %dma_wait3A = arith.constant 0 : i32
      %dma_wait3A_101 = tpu.memref_slice %arg2[%add3A_50, %dma_wait3A] : memref<16384x200xi32, #tpu.memory_space<hbm>> -> memref<256x200xi32, #tpu.memory_space<hbm>>
      %dma_wait3A_102 = arith.constant 0 : i32
      %dma_wait3A_103 = tpu.memref_slice %arg2[%add3A_50, %dma_wait3A_102] : memref<16384x200xi32, #tpu.memory_space<hbm>> -> memref<256x200xi32, #tpu.memory_space<hbm>>
      tpu.wait_dma2 semaphore(%run_scoped3A : memref<!tpu.dma_semaphore, #tpu.memory_space<semaphore_mem>>) src(%dma_wait3A_103 : memref<256x200xi32, #tpu.memory_space<hbm>>) dst(%arg5 : memref<256x200xi32, #tpu.memory_space<vmem>>)
      tpu.yield
    }) : () -> ()
    %dma_start3A_51 = arith.constant 0 : i32
    %dma_start3A_52 = arith.constant 0 : i32
    %dma_start3A_53 = arith.constant 0 : i32
    %dma_start3A_54 = tpu.memref_slice %arg6[%dma_start3A_52, %dma_start3A_53] : memref<200x32xf32, #tpu.memory_space<vmem>> -> memref<128x32xf32, #tpu.memory_space<vmem>>
    %dma_start3A_55 = arith.constant 0 : i32
    %dma_start3A_56 = tpu.memref_slice %arg5[%dma_start3A_51, %dma_start3A_55] : memref<256x200xi32, #tpu.memory_space<vmem>> -> memref<1x128xi32, #tpu.memory_space<vmem>>
    %dma_start3A_57 = tpu.memref_squeeze %dma_start3A_56 : memref<1x128xi32, #tpu.memory_space<vmem>> -> memref<128xi32, #tpu.memory_space<vmem>>
    %dma_start3A_58 = arith.constant 0 : i32
    %dma_start3A_59 = arith.constant 0 : i32
    %dma_start3A_60 = tpu.memref_slice %arg3[%dma_start3A_58, %dma_start3A_59] : memref<1000000x32xf32, #tpu.memory_space<hbm>> -> memref<1000000x32xf32, #tpu.memory_space<hbm>>
    tpu.enqueue_indirect_dma source(%dma_start3A_60 : memref<1000000x32xf32, #tpu.memory_space<hbm>>) target(%dma_start3A_54 : memref<128x32xf32, #tpu.memory_space<vmem>>) offsets(%dma_start3A_57 : memref<128xi32, #tpu.memory_space<vmem>>) semaphore(%arg9 : memref<!tpu.dma_semaphore, #tpu.memory_space<semaphore_mem>>)
    %dma_start3A_61 = arith.constant 0 : i32
    %dma_start3A_62 = arith.constant 128 : i32
    %dma_start3A_63 = arith.constant 0 : i32
    %dma_start3A_64 = tpu.memref_slice %arg6[%dma_start3A_62, %dma_start3A_63] : memref<200x32xf32, #tpu.memory_space<vmem>> -> memref<72x32xf32, #tpu.memory_space<vmem>>
    %dma_start3A_65 = arith.constant 128 : i32
    %dma_start3A_66 = tpu.memref_slice %arg5[%dma_start3A_61, %dma_start3A_65] : memref<256x200xi32, #tpu.memory_space<vmem>> -> memref<1x72xi32, #tpu.memory_space<vmem>>
    %dma_start3A_67 = tpu.memref_squeeze %dma_start3A_66 : memref<1x72xi32, #tpu.memory_space<vmem>> -> memref<72xi32, #tpu.memory_space<vmem>>
    %dma_start3A_68 = arith.constant 0 : i32
    %dma_start3A_69 = arith.constant 0 : i32
    %dma_start3A_70 = tpu.memref_slice %arg3[%dma_start3A_68, %dma_start3A_69] : memref<1000000x32xf32, #tpu.memory_space<hbm>> -> memref<1000000x32xf32, #tpu.memory_space<hbm>>
    tpu.enqueue_indirect_dma source(%dma_start3A_70 : memref<1000000x32xf32, #tpu.memory_space<hbm>>) target(%dma_start3A_64 : memref<72x32xf32, #tpu.memory_space<vmem>>) offsets(%dma_start3A_67 : memref<72xi32, #tpu.memory_space<vmem>>) semaphore(%arg9 : memref<!tpu.dma_semaphore, #tpu.memory_space<semaphore_mem>>)
    %dma_start3A_71 = arith.constant 1 : i32
    %dma_start3A_72 = arith.constant 0 : i32
    %dma_start3A_73 = arith.constant 0 : i32
    %dma_start3A_74 = tpu.memref_slice %arg7[%dma_start3A_72, %dma_start3A_73] : memref<200x32xf32, #tpu.memory_space<vmem>> -> memref<128x32xf32, #tpu.memory_space<vmem>>
    %dma_start3A_75 = arith.constant 0 : i32
    %dma_start3A_76 = tpu.memref_slice %arg5[%dma_start3A_71, %dma_start3A_75] : memref<256x200xi32, #tpu.memory_space<vmem>> -> memref<1x128xi32, #tpu.memory_space<vmem>>
    %dma_start3A_77 = tpu.memref_squeeze %dma_start3A_76 : memref<1x128xi32, #tpu.memory_space<vmem>> -> memref<128xi32, #tpu.memory_space<vmem>>
    %dma_start3A_78 = arith.constant 0 : i32
    %dma_start3A_79 = arith.constant 0 : i32
    %dma_start3A_80 = tpu.memref_slice %arg3[%dma_start3A_78, %dma_start3A_79] : memref<1000000x32xf32, #tpu.memory_space<hbm>> -> memref<1000000x32xf32, #tpu.memory_space<hbm>>
    tpu.enqueue_indirect_dma source(%dma_start3A_80 : memref<1000000x32xf32, #tpu.memory_space<hbm>>) target(%dma_start3A_74 : memref<128x32xf32, #tpu.memory_space<vmem>>) offsets(%dma_start3A_77 : memref<128xi32, #tpu.memory_space<vmem>>) semaphore(%arg10 : memref<!tpu.dma_semaphore, #tpu.memory_space<semaphore_mem>>)
    %dma_start3A_81 = arith.constant 1 : i32
    %dma_start3A_82 = arith.constant 128 : i32
    %dma_start3A_83 = arith.constant 0 : i32
    %dma_start3A_84 = tpu.memref_slice %arg7[%dma_start3A_82, %dma_start3A_83] : memref<200x32xf32, #tpu.memory_space<vmem>> -> memref<72x32xf32, #tpu.memory_space<vmem>>
    %dma_start3A_85 = arith.constant 128 : i32
    %dma_start3A_86 = tpu.memref_slice %arg5[%dma_start3A_81, %dma_start3A_85] : memref<256x200xi32, #tpu.memory_space<vmem>> -> memref<1x72xi32, #tpu.memory_space<vmem>>
    %dma_start3A_87 = tpu.memref_squeeze %dma_start3A_86 : memref<1x72xi32, #tpu.memory_space<vmem>> -> memref<72xi32, #tpu.memory_space<vmem>>
    %dma_start3A_88 = arith.constant 0 : i32
    %dma_start3A_89 = arith.constant 0 : i32
    %dma_start3A_90 = tpu.memref_slice %arg3[%dma_start3A_88, %dma_start3A_89] : memref<1000000x32xf32, #tpu.memory_space<hbm>> -> memref<1000000x32xf32, #tpu.memory_space<hbm>>
    tpu.enqueue_indirect_dma source(%dma_start3A_90 : memref<1000000x32xf32, #tpu.memory_space<hbm>>) target(%dma_start3A_84 : memref<72x32xf32, #tpu.memory_space<vmem>>) offsets(%dma_start3A_87 : memref<72xi32, #tpu.memory_space<vmem>>) semaphore(%arg10 : memref<!tpu.dma_semaphore, #tpu.memory_space<semaphore_mem>>)
    %scan3A_91 = arith.constant 0 : i32
    %scan3A_92 = arith.constant 0 : i32
    %scan3A_93 = arith.constant 128 : i32
    %scan3A_94 = arith.addi %scan3A_92, %scan3A_93 : i32
    %scan3A_95 = arith.constant 1 : i32
    scf.for %scan3A_97 = %scan3A_92 to %scan3A_94 step %scan3A_95  : i32 {
      %mul3A_98 = arith.constant 2 : i32
      %mul3A_99 = arith.muli %mul3A_98, %scan3A_97 : i32
      %add3A_100 = arith.constant 0 : i32
      %add3A_101 = arith.addi %mul3A_99, %add3A_100 : i32
      %dma_wait3A = arith.constant 0 : i32
      %dma_wait3A_102 = arith.constant 0 : i32
      %dma_wait3A_103 = tpu.memref_slice %arg6[%dma_wait3A, %dma_wait3A_102] : memref<200x32xf32, #tpu.memory_space<vmem>> -> memref<128x32xf32, #tpu.memory_space<vmem>>
      %dma_wait3A_104 = arith.constant 0 : i32
      %dma_wait3A_105 = tpu.memref_slice %arg5[%add3A_101, %dma_wait3A_104] : memref<256x200xi32, #tpu.memory_space<vmem>> -> memref<1x128xi32, #tpu.memory_space<vmem>>
      %dma_wait3A_106 = tpu.memref_squeeze %dma_wait3A_105 : memref<1x128xi32, #tpu.memory_space<vmem>> -> memref<128xi32, #tpu.memory_space<vmem>>
      %dma_wait3A_107 = arith.constant 0 : i32
      %dma_wait3A_108 = arith.constant 0 : i32
      %dma_wait3A_109 = tpu.memref_slice %arg3[%dma_wait3A_107, %dma_wait3A_108] : memref<1000000x32xf32, #tpu.memory_space<hbm>> -> memref<1000000x32xf32, #tpu.memory_space<hbm>>
      tpu.wait_indirect_dma semaphore(%arg9 : memref<!tpu.dma_semaphore, #tpu.memory_space<semaphore_mem>>) src(%dma_wait3A_109 : memref<1000000x32xf32, #tpu.memory_space<hbm>>) dst(%dma_wait3A_103 : memref<128x32xf32, #tpu.memory_space<vmem>>)
      %dma_wait3A_110 = arith.constant 128 : i32
      %dma_wait3A_111 = arith.constant 0 : i32
      %dma_wait3A_112 = tpu.memref_slice %arg6[%dma_wait3A_110, %dma_wait3A_111] : memref<200x32xf32, #tpu.memory_space<vmem>> -> memref<72x32xf32, #tpu.memory_space<vmem>>
      %dma_wait3A_113 = arith.constant 128 : i32
      %dma_wait3A_114 = tpu.memref_slice %arg5[%add3A_101, %dma_wait3A_113] : memref<256x200xi32, #tpu.memory_space<vmem>> -> memref<1x72xi32, #tpu.memory_space<vmem>>
      %dma_wait3A_115 = tpu.memref_squeeze %dma_wait3A_114 : memref<1x72xi32, #tpu.memory_space<vmem>> -> memref<72xi32, #tpu.memory_space<vmem>>
      %dma_wait3A_116 = arith.constant 0 : i32
      %dma_wait3A_117 = arith.constant 0 : i32
      %dma_wait3A_118 = tpu.memref_slice %arg3[%dma_wait3A_116, %dma_wait3A_117] : memref<1000000x32xf32, #tpu.memory_space<hbm>> -> memref<1000000x32xf32, #tpu.memory_space<hbm>>
      tpu.wait_indirect_dma semaphore(%arg9 : memref<!tpu.dma_semaphore, #tpu.memory_space<semaphore_mem>>) src(%dma_wait3A_118 : memref<1000000x32xf32, #tpu.memory_space<hbm>>) dst(%dma_wait3A_112 : memref<72x32xf32, #tpu.memory_space<vmem>>)
      %broadcast_in_dim3A = arith.constant 0.000000e+00 : f32
      %broadcast_in_dim3A_119 = vector.broadcast %broadcast_in_dim3A : f32 to vector<16xf32>
      %scan3A_120 = arith.constant 0 : i32
      %scan3A_121 = arith.constant 8 : i32
      %scan3A_122 = arith.addi %scan3A_120, %scan3A_121 : i32
      %scan3A_123 = arith.constant 1 : i32
      %scan3A_124:4 = scf.for %scan3A_190 = %scan3A_120 to %scan3A_122 step %scan3A_123 iter_args(%scan3A_191 = %broadcast_in_dim3A_119, %scan3A_192 = %broadcast_in_dim3A_119, %scan3A_193 = %broadcast_in_dim3A_119, %scan3A_194 = %broadcast_in_dim3A_119) -> (vector<16xf32>, vector<16xf32>, vector<16xf32>, vector<16xf32>)  : i32 {
        %mul3A_195 = arith.constant 25 : i32
        %mul3A_196 = arith.muli %scan3A_190, %mul3A_195 : i32
        %add3A_197 = arith.constant 0 : i32
        %add3A_198 = arith.addi %mul3A_196, %add3A_197 : i32
        %get3A = arith.index_cast %add3A_198 : i32 to index
        %get3A_199 = arith.constant 0 : index
        %get3A_200 = tpu.vector_load %arg6[%get3A, %get3A_199] {strides = array<i32>} : memref<200x32xf32, #tpu.memory_space<vmem>>, vector<1x16xf32>,
        %get3A_201 = vector.shape_cast %get3A_200 : vector<1x16xf32> to vector<16xf32>
        %add3A_202 = arith.addf %scan3A_191, %get3A_201 : vector<16xf32>
        %get3A_203 = arith.index_cast %add3A_198 : i32 to index
        %get3A_204 = arith.constant 16 : index
        %get3A_205 = tpu.vector_load %arg6[%get3A_203, %get3A_204] {strides = array<i32>} : memref<200x32xf32, #tpu.memory_space<vmem>>, vector<1x16xf32>,
        %get3A_206 = vector.shape_cast %get3A_205 : vector<1x16xf32> to vector<16xf32>
        %add3A_207 = arith.addf %scan3A_192, %get3A_206 : vector<16xf32>
        %mul3A_208 = arith.constant 25 : i32
        %mul3A_209 = arith.muli %scan3A_190, %mul3A_208 : i32
        %add3A_210 = arith.constant 1 : i32
        %add3A_211 = arith.addi %mul3A_209, %add3A_210 : i32
        %get3A_212 = arith.index_cast %add3A_211 : i32 to index
        %get3A_213 = arith.constant 0 : index
        %get3A_214 = tpu.vector_load %arg6[%get3A_212, %get3A_213] {strides = array<i32>} : memref<200x32xf32, #tpu.memory_space<vmem>>, vector<1x16xf32>,
        %get3A_215 = vector.shape_cast %get3A_214 : vector<1x16xf32> to vector<16xf32>
        %add3A_216 = arith.addf %scan3A_193, %get3A_215 : vector<16xf32>
        %get3A_217 = arith.index_cast %add3A_211 : i32 to index
        %get3A_218 = arith.constant 16 : index
        %get3A_219 = tpu.vector_load %arg6[%get3A_217, %get3A_218] {strides = array<i32>} : memref<200x32xf32, #tpu.memory_space<vmem>>, vector<1x16xf32>,
        %get3A_220 = vector.shape_cast %get3A_219 : vector<1x16xf32> to vector<16xf32>
        %add3A_221 = arith.addf %scan3A_194, %get3A_220 : vector<16xf32>
        %mul3A_222 = arith.constant 25 : i32
        %mul3A_223 = arith.muli %scan3A_190, %mul3A_222 : i32
        %add3A_224 = arith.constant 2 : i32
        %add3A_225 = arith.addi %mul3A_223, %add3A_224 : i32
        %get3A_226 = arith.index_cast %add3A_225 : i32 to index
        %get3A_227 = arith.constant 0 : index
        %get3A_228 = tpu.vector_load %arg6[%get3A_226, %get3A_227] {strides = array<i32>} : memref<200x32xf32, #tpu.memory_space<vmem>>, vector<1x16xf32>,
        %get3A_229 = vector.shape_cast %get3A_228 : vector<1x16xf32> to vector<16xf32>
        %add3A_230 = arith.addf %add3A_202, %get3A_229 : vector<16xf32>
        %get3A_231 = arith.index_cast %add3A_225 : i32 to index
        %get3A_232 = arith.constant 16 : index
        %get3A_233 = tpu.vector_load %arg6[%get3A_231, %get3A_232] {strides = array<i32>} : memref<200x32xf32, #tpu.memory_space<vmem>>, vector<1x16xf32>,
        %get3A_234 = vector.shape_cast %get3A_233 : vector<1x16xf32> to vector<16xf32>
        %add3A_235 = arith.addf %add3A_207, %get3A_234 : vector<16xf32>
        %mul3A_236 = arith.constant 25 : i32
        %mul3A_237 = arith.muli %scan3A_190, %mul3A_236 : i32
        %add3A_238 = arith.constant 3 : i32
        %add3A_239 = arith.addi %mul3A_237, %add3A_238 : i32
        %get3A_240 = arith.index_cast %add3A_239 : i32 to index
        %get3A_241 = arith.constant 0 : index
        %get3A_242 = tpu.vector_load %arg6[%get3A_240, %get3A_241] {strides = array<i32>} : memref<200x32xf32, #tpu.memory_space<vmem>>, vector<1x16xf32>,
        %get3A_243 = vector.shape_cast %get3A_242 : vector<1x16xf32> to vector<16xf32>
        %add3A_244 = arith.addf %add3A_216, %get3A_243 : vector<16xf32>
        %get3A_245 = arith.index_cast %add3A_239 : i32 to index
        %get3A_246 = arith.constant 16 : index
        %get3A_247 = tpu.vector_load %arg6[%get3A_245, %get3A_246] {strides = array<i32>} : memref<200x32xf32, #tpu.memory_space<vmem>>, vector<1x16xf32>,
        %get3A_248 = vector.shape_cast %get3A_247 : vector<1x16xf32> to vector<16xf32>
        %add3A_249 = arith.addf %add3A_221, %get3A_248 : vector<16xf32>
        %mul3A_250 = arith.constant 25 : i32
        %mul3A_251 = arith.muli %scan3A_190, %mul3A_250 : i32
        %add3A_252 = arith.constant 4 : i32
        %add3A_253 = arith.addi %mul3A_251, %add3A_252 : i32
        %get3A_254 = arith.index_cast %add3A_253 : i32 to index
        %get3A_255 = arith.constant 0 : index
        %get3A_256 = tpu.vector_load %arg6[%get3A_254, %get3A_255] {strides = array<i32>} : memref<200x32xf32, #tpu.memory_space<vmem>>, vector<1x16xf32>,
        %get3A_257 = vector.shape_cast %get3A_256 : vector<1x16xf32> to vector<16xf32>
        %add3A_258 = arith.addf %add3A_230, %get3A_257 : vector<16xf32>
        %get3A_259 = arith.index_cast %add3A_253 : i32 to index
        %get3A_260 = arith.constant 16 : index
        %get3A_261 = tpu.vector_load %arg6[%get3A_259, %get3A_260] {strides = array<i32>} : memref<200x32xf32, #tpu.memory_space<vmem>>, vector<1x16xf32>,
        %get3A_262 = vector.shape_cast %get3A_261 : vector<1x16xf32> to vector<16xf32>
        %add3A_263 = arith.addf %add3A_235, %get3A_262 : vector<16xf32>
        %mul3A_264 = arith.constant 25 : i32
        %mul3A_265 = arith.muli %scan3A_190, %mul3A_264 : i32
        %add3A_266 = arith.constant 5 : i32
        %add3A_267 = arith.addi %mul3A_265, %add3A_266 : i32
        %get3A_268 = arith.index_cast %add3A_267 : i32 to index
        %get3A_269 = arith.constant 0 : index
        %get3A_270 = tpu.vector_load %arg6[%get3A_268, %get3A_269] {strides = array<i32>} : memref<200x32xf32, #tpu.memory_space<vmem>>, vector<1x16xf32>,
        %get3A_271 = vector.shape_cast %get3A_270 : vector<1x16xf32> to vector<16xf32>
        %add3A_272 = arith.addf %add3A_244, %get3A_271 : vector<16xf32>
        %get3A_273 = arith.index_cast %add3A_267 : i32 to index
        %get3A_274 = arith.constant 16 : index
        %get3A_275 = tpu.vector_load %arg6[%get3A_273, %get3A_274] {strides = array<i32>} : memref<200x32xf32, #tpu.memory_space<vmem>>, vector<1x16xf32>,
        %get3A_276 = vector.shape_cast %get3A_275 : vector<1x16xf32> to vector<16xf32>
        %add3A_277 = arith.addf %add3A_249, %get3A_276 : vector<16xf32>
        %mul3A_278 = arith.constant 25 : i32
        %mul3A_279 = arith.muli %scan3A_190, %mul3A_278 : i32
        %add3A_280 = arith.constant 6 : i32
        %add3A_281 = arith.addi %mul3A_279, %add3A_280 : i32
        %get3A_282 = arith.index_cast %add3A_281 : i32 to index
        %get3A_283 = arith.constant 0 : index
        %get3A_284 = tpu.vector_load %arg6[%get3A_282, %get3A_283] {strides = array<i32>} : memref<200x32xf32, #tpu.memory_space<vmem>>, vector<1x16xf32>,
        %get3A_285 = vector.shape_cast %get3A_284 : vector<1x16xf32> to vector<16xf32>
        %add3A_286 = arith.addf %add3A_258, %get3A_285 : vector<16xf32>
        %get3A_287 = arith.index_cast %add3A_281 : i32 to index
        %get3A_288 = arith.constant 16 : index
        %get3A_289 = tpu.vector_load %arg6[%get3A_287, %get3A_288] {strides = array<i32>} : memref<200x32xf32, #tpu.memory_space<vmem>>, vector<1x16xf32>,
        %get3A_290 = vector.shape_cast %get3A_289 : vector<1x16xf32> to vector<16xf32>
        %add3A_291 = arith.addf %add3A_263, %get3A_290 : vector<16xf32>
        %mul3A_292 = arith.constant 25 : i32
        %mul3A_293 = arith.muli %scan3A_190, %mul3A_292 : i32
        %add3A_294 = arith.constant 7 : i32
        %add3A_295 = arith.addi %mul3A_293, %add3A_294 : i32
        %get3A_296 = arith.index_cast %add3A_295 : i32 to index
        %get3A_297 = arith.constant 0 : index
        %get3A_298 = tpu.vector_load %arg6[%get3A_296, %get3A_297] {strides = array<i32>} : memref<200x32xf32, #tpu.memory_space<vmem>>, vector<1x16xf32>,
        %get3A_299 = vector.shape_cast %get3A_298 : vector<1x16xf32> to vector<16xf32>
        %add3A_300 = arith.addf %add3A_272, %get3A_299 : vector<16xf32>
        %get3A_301 = arith.index_cast %add3A_295 : i32 to index
        %get3A_302 = arith.constant 16 : index
        %get3A_303 = tpu.vector_load %arg6[%get3A_301, %get3A_302] {strides = array<i32>} : memref<200x32xf32, #tpu.memory_space<vmem>>, vector<1x16xf32>,
        %get3A_304 = vector.shape_cast %get3A_303 : vector<1x16xf32> to vector<16xf32>
        %add3A_305 = arith.addf %add3A_277, %get3A_304 : vector<16xf32>
        %mul3A_306 = arith.constant 25 : i32
        %mul3A_307 = arith.muli %scan3A_190, %mul3A_306 : i32
        %add3A_308 = arith.constant 8 : i32
        %add3A_309 = arith.addi %mul3A_307, %add3A_308 : i32
        %get3A_310 = arith.index_cast %add3A_309 : i32 to index
        %get3A_311 = arith.constant 0 : index
        %get3A_312 = tpu.vector_load %arg6[%get3A_310, %get3A_311] {strides = array<i32>} : memref<200x32xf32, #tpu.memory_space<vmem>>, vector<1x16xf32>,
        %get3A_313 = vector.shape_cast %get3A_312 : vector<1x16xf32> to vector<16xf32>
        %add3A_314 = arith.addf %add3A_286, %get3A_313 : vector<16xf32>
        %get3A_315 = arith.index_cast %add3A_309 : i32 to index
        %get3A_316 = arith.constant 16 : index
        %get3A_317 = tpu.vector_load %arg6[%get3A_315, %get3A_316] {strides = array<i32>} : memref<200x32xf32, #tpu.memory_space<vmem>>, vector<1x16xf32>,
        %get3A_318 = vector.shape_cast %get3A_317 : vector<1x16xf32> to vector<16xf32>
        %add3A_319 = arith.addf %add3A_291, %get3A_318 : vector<16xf32>
        %mul3A_320 = arith.constant 25 : i32
        %mul3A_321 = arith.muli %scan3A_190, %mul3A_320 : i32
        %add3A_322 = arith.constant 9 : i32
        %add3A_323 = arith.addi %mul3A_321, %add3A_322 : i32
        %get3A_324 = arith.index_cast %add3A_323 : i32 to index
        %get3A_325 = arith.constant 0 : index
        %get3A_326 = tpu.vector_load %arg6[%get3A_324, %get3A_325] {strides = array<i32>} : memref<200x32xf32, #tpu.memory_space<vmem>>, vector<1x16xf32>,
        %get3A_327 = vector.shape_cast %get3A_326 : vector<1x16xf32> to vector<16xf32>
        %add3A_328 = arith.addf %add3A_300, %get3A_327 : vector<16xf32>
        %get3A_329 = arith.index_cast %add3A_323 : i32 to index
        %get3A_330 = arith.constant 16 : index
        %get3A_331 = tpu.vector_load %arg6[%get3A_329, %get3A_330] {strides = array<i32>} : memref<200x32xf32, #tpu.memory_space<vmem>>, vector<1x16xf32>,
        %get3A_332 = vector.shape_cast %get3A_331 : vector<1x16xf32> to vector<16xf32>
        %add3A_333 = arith.addf %add3A_305, %get3A_332 : vector<16xf32>
        %mul3A_334 = arith.constant 25 : i32
        %mul3A_335 = arith.muli %scan3A_190, %mul3A_334 : i32
        %add3A_336 = arith.constant 10 : i32
        %add3A_337 = arith.addi %mul3A_335, %add3A_336 : i32
        %get3A_338 = arith.index_cast %add3A_337 : i32 to index
        %get3A_339 = arith.constant 0 : index
        %get3A_340 = tpu.vector_load %arg6[%get3A_338, %get3A_339] {strides = array<i32>} : memref<200x32xf32, #tpu.memory_space<vmem>>, vector<1x16xf32>,
        %get3A_341 = vector.shape_cast %get3A_340 : vector<1x16xf32> to vector<16xf32>
        %add3A_342 = arith.addf %add3A_314, %get3A_341 : vector<16xf32>
        %get3A_343 = arith.index_cast %add3A_337 : i32 to index
        %get3A_344 = arith.constant 16 : index
        %get3A_345 = tpu.vector_load %arg6[%get3A_343, %get3A_344] {strides = array<i32>} : memref<200x32xf32, #tpu.memory_space<vmem>>, vector<1x16xf32>,
        %get3A_346 = vector.shape_cast %get3A_345 : vector<1x16xf32> to vector<16xf32>
        %add3A_347 = arith.addf %add3A_319, %get3A_346 : vector<16xf32>
        %mul3A_348 = arith.constant 25 : i32
        %mul3A_349 = arith.muli %scan3A_190, %mul3A_348 : i32
        %add3A_350 = arith.constant 11 : i32
        %add3A_351 = arith.addi %mul3A_349, %add3A_350 : i32
        %get3A_352 = arith.index_cast %add3A_351 : i32 to index
        %get3A_353 = arith.constant 0 : index
        %get3A_354 = tpu.vector_load %arg6[%get3A_352, %get3A_353] {strides = array<i32>} : memref<200x32xf32, #tpu.memory_space<vmem>>, vector<1x16xf32>,
        %get3A_355 = vector.shape_cast %get3A_354 : vector<1x16xf32> to vector<16xf32>
        %add3A_356 = arith.addf %add3A_328, %get3A_355 : vector<16xf32>
        %get3A_357 = arith.index_cast %add3A_351 : i32 to index
        %get3A_358 = arith.constant 16 : index
        %get3A_359 = tpu.vector_load %arg6[%get3A_357, %get3A_358] {strides = array<i32>} : memref<200x32xf32, #tpu.memory_space<vmem>>, vector<1x16xf32>,
        %get3A_360 = vector.shape_cast %get3A_359 : vector<1x16xf32> to vector<16xf32>
        %add3A_361 = arith.addf %add3A_333, %get3A_360 : vector<16xf32>
        %mul3A_362 = arith.constant 25 : i32
        %mul3A_363 = arith.muli %scan3A_190, %mul3A_362 : i32
        %add3A_364 = arith.constant 12 : i32
        %add3A_365 = arith.addi %mul3A_363, %add3A_364 : i32
        %get3A_366 = arith.index_cast %add3A_365 : i32 to index
        %get3A_367 = arith.constant 0 : index
        %get3A_368 = tpu.vector_load %arg6[%get3A_366, %get3A_367] {strides = array<i32>} : memref<200x32xf32, #tpu.memory_space<vmem>>, vector<1x16xf32>,
        %get3A_369 = vector.shape_cast %get3A_368 : vector<1x16xf32> to vector<16xf32>
        %add3A_370 = arith.addf %add3A_342, %get3A_369 : vector<16xf32>
        %get3A_371 = arith.index_cast %add3A_365 : i32 to index
        %get3A_372 = arith.constant 16 : index
        %get3A_373 = tpu.vector_load %arg6[%get3A_371, %get3A_372] {strides = array<i32>} : memref<200x32xf32, #tpu.memory_space<vmem>>, vector<1x16xf32>,
        %get3A_374 = vector.shape_cast %get3A_373 : vector<1x16xf32> to vector<16xf32>
        %add3A_375 = arith.addf %add3A_347, %get3A_374 : vector<16xf32>
        %mul3A_376 = arith.constant 25 : i32
        %mul3A_377 = arith.muli %scan3A_190, %mul3A_376 : i32
        %add3A_378 = arith.constant 13 : i32
        %add3A_379 = arith.addi %mul3A_377, %add3A_378 : i32
        %get3A_380 = arith.index_cast %add3A_379 : i32 to index
        %get3A_381 = arith.constant 0 : index
        %get3A_382 = tpu.vector_load %arg6[%get3A_380, %get3A_381] {strides = array<i32>} : memref<200x32xf32, #tpu.memory_space<vmem>>, vector<1x16xf32>,
        %get3A_383 = vector.shape_cast %get3A_382 : vector<1x16xf32> to vector<16xf32>
        %add3A_384 = arith.addf %add3A_356, %get3A_383 : vector<16xf32>
        %get3A_385 = arith.index_cast %add3A_379 : i32 to index
        %get3A_386 = arith.constant 16 : index
        %get3A_387 = tpu.vector_load %arg6[%get3A_385, %get3A_386] {strides = array<i32>} : memref<200x32xf32, #tpu.memory_space<vmem>>, vector<1x16xf32>,
        %get3A_388 = vector.shape_cast %get3A_387 : vector<1x16xf32> to vector<16xf32>
        %add3A_389 = arith.addf %add3A_361, %get3A_388 : vector<16xf32>
        %mul3A_390 = arith.constant 25 : i32
        %mul3A_391 = arith.muli %scan3A_190, %mul3A_390 : i32
        %add3A_392 = arith.constant 14 : i32
        %add3A_393 = arith.addi %mul3A_391, %add3A_392 : i32
        %get3A_394 = arith.index_cast %add3A_393 : i32 to index
        %get3A_395 = arith.constant 0 : index
        %get3A_396 = tpu.vector_load %arg6[%get3A_394, %get3A_395] {strides = array<i32>} : memref<200x32xf32, #tpu.memory_space<vmem>>, vector<1x16xf32>,
        %get3A_397 = vector.shape_cast %get3A_396 : vector<1x16xf32> to vector<16xf32>
        %add3A_398 = arith.addf %add3A_370, %get3A_397 : vector<16xf32>
        %get3A_399 = arith.index_cast %add3A_393 : i32 to index
        %get3A_400 = arith.constant 16 : index
        %get3A_401 = tpu.vector_load %arg6[%get3A_399, %get3A_400] {strides = array<i32>} : memref<200x32xf32, #tpu.memory_space<vmem>>, vector<1x16xf32>,
        %get3A_402 = vector.shape_cast %get3A_401 : vector<1x16xf32> to vector<16xf32>
        %add3A_403 = arith.addf %add3A_375, %get3A_402 : vector<16xf32>
        %mul3A_404 = arith.constant 25 : i32
        %mul3A_405 = arith.muli %scan3A_190, %mul3A_404 : i32
        %add3A_406 = arith.constant 15 : i32
        %add3A_407 = arith.addi %mul3A_405, %add3A_406 : i32
        %get3A_408 = arith.index_cast %add3A_407 : i32 to index
        %get3A_409 = arith.constant 0 : index
        %get3A_410 = tpu.vector_load %arg6[%get3A_408, %get3A_409] {strides = array<i32>} : memref<200x32xf32, #tpu.memory_space<vmem>>, vector<1x16xf32>,
        %get3A_411 = vector.shape_cast %get3A_410 : vector<1x16xf32> to vector<16xf32>
        %add3A_412 = arith.addf %add3A_384, %get3A_411 : vector<16xf32>
        %get3A_413 = arith.index_cast %add3A_407 : i32 to index
        %get3A_414 = arith.constant 16 : index
        %get3A_415 = tpu.vector_load %arg6[%get3A_413, %get3A_414] {strides = array<i32>} : memref<200x32xf32, #tpu.memory_space<vmem>>, vector<1x16xf32>,
        %get3A_416 = vector.shape_cast %get3A_415 : vector<1x16xf32> to vector<16xf32>
        %add3A_417 = arith.addf %add3A_389, %get3A_416 : vector<16xf32>
        %mul3A_418 = arith.constant 25 : i32
        %mul3A_419 = arith.muli %scan3A_190, %mul3A_418 : i32
        %add3A_420 = arith.constant 16 : i32
        %add3A_421 = arith.addi %mul3A_419, %add3A_420 : i32
        %get3A_422 = arith.index_cast %add3A_421 : i32 to index
        %get3A_423 = arith.constant 0 : index
        %get3A_424 = tpu.vector_load %arg6[%get3A_422, %get3A_423] {strides = array<i32>} : memref<200x32xf32, #tpu.memory_space<vmem>>, vector<1x16xf32>,
        %get3A_425 = vector.shape_cast %get3A_424 : vector<1x16xf32> to vector<16xf32>
        %add3A_426 = arith.addf %add3A_398, %get3A_425 : vector<16xf32>
        %get3A_427 = arith.index_cast %add3A_421 : i32 to index
        %get3A_428 = arith.constant 16 : index
        %get3A_429 = tpu.vector_load %arg6[%get3A_427, %get3A_428] {strides = array<i32>} : memref<200x32xf32, #tpu.memory_space<vmem>>, vector<1x16xf32>,
        %get3A_430 = vector.shape_cast %get3A_429 : vector<1x16xf32> to vector<16xf32>
        %add3A_431 = arith.addf %add3A_403, %get3A_430 : vector<16xf32>
        %mul3A_432 = arith.constant 25 : i32
        %mul3A_433 = arith.muli %scan3A_190, %mul3A_432 : i32
        %add3A_434 = arith.constant 17 : i32
        %add3A_435 = arith.addi %mul3A_433, %add3A_434 : i32
        %get3A_436 = arith.index_cast %add3A_435 : i32 to index
        %get3A_437 = arith.constant 0 : index
        %get3A_438 = tpu.vector_load %arg6[%get3A_436, %get3A_437] {strides = array<i32>} : memref<200x32xf32, #tpu.memory_space<vmem>>, vector<1x16xf32>,
        %get3A_439 = vector.shape_cast %get3A_438 : vector<1x16xf32> to vector<16xf32>
        %add3A_440 = arith.addf %add3A_412, %get3A_439 : vector<16xf32>
        %get3A_441 = arith.index_cast %add3A_435 : i32 to index
        %get3A_442 = arith.constant 16 : index
        %get3A_443 = tpu.vector_load %arg6[%get3A_441, %get3A_442] {strides = array<i32>} : memref<200x32xf32, #tpu.memory_space<vmem>>, vector<1x16xf32>,
        %get3A_444 = vector.shape_cast %get3A_443 : vector<1x16xf32> to vector<16xf32>
        %add3A_445 = arith.addf %add3A_417, %get3A_444 : vector<16xf32>
        %mul3A_446 = arith.constant 25 : i32
        %mul3A_447 = arith.muli %scan3A_190, %mul3A_446 : i32
        %add3A_448 = arith.constant 18 : i32
        %add3A_449 = arith.addi %mul3A_447, %add3A_448 : i32
        %get3A_450 = arith.index_cast %add3A_449 : i32 to index
        %get3A_451 = arith.constant 0 : index
        %get3A_452 = tpu.vector_load %arg6[%get3A_450, %get3A_451] {strides = array<i32>} : memref<200x32xf32, #tpu.memory_space<vmem>>, vector<1x16xf32>,
        %get3A_453 = vector.shape_cast %get3A_452 : vector<1x16xf32> to vector<16xf32>
        %add3A_454 = arith.addf %add3A_426, %get3A_453 : vector<16xf32>
        %get3A_455 = arith.index_cast %add3A_449 : i32 to index
        %get3A_456 = arith.constant 16 : index
        %get3A_457 = tpu.vector_load %arg6[%get3A_455, %get3A_456] {strides = array<i32>} : memref<200x32xf32, #tpu.memory_space<vmem>>, vector<1x16xf32>,
        %get3A_458 = vector.shape_cast %get3A_457 : vector<1x16xf32> to vector<16xf32>
        %add3A_459 = arith.addf %add3A_431, %get3A_458 : vector<16xf32>
        %mul3A_460 = arith.constant 25 : i32
        %mul3A_461 = arith.muli %scan3A_190, %mul3A_460 : i32
        %add3A_462 = arith.constant 19 : i32
        %add3A_463 = arith.addi %mul3A_461, %add3A_462 : i32
        %get3A_464 = arith.index_cast %add3A_463 : i32 to index
        %get3A_465 = arith.constant 0 : index
        %get3A_466 = tpu.vector_load %arg6[%get3A_464, %get3A_465] {strides = array<i32>} : memref<200x32xf32, #tpu.memory_space<vmem>>, vector<1x16xf32>,
        %get3A_467 = vector.shape_cast %get3A_466 : vector<1x16xf32> to vector<16xf32>
        %add3A_468 = arith.addf %add3A_440, %get3A_467 : vector<16xf32>
        %get3A_469 = arith.index_cast %add3A_463 : i32 to index
        %get3A_470 = arith.constant 16 : index
        %get3A_471 = tpu.vector_load %arg6[%get3A_469, %get3A_470] {strides = array<i32>} : memref<200x32xf32, #tpu.memory_space<vmem>>, vector<1x16xf32>,
        %get3A_472 = vector.shape_cast %get3A_471 : vector<1x16xf32> to vector<16xf32>
        %add3A_473 = arith.addf %add3A_445, %get3A_472 : vector<16xf32>
        %mul3A_474 = arith.constant 25 : i32
        %mul3A_475 = arith.muli %scan3A_190, %mul3A_474 : i32
        %add3A_476 = arith.constant 20 : i32
        %add3A_477 = arith.addi %mul3A_475, %add3A_476 : i32
        %get3A_478 = arith.index_cast %add3A_477 : i32 to index
        %get3A_479 = arith.constant 0 : index
        %get3A_480 = tpu.vector_load %arg6[%get3A_478, %get3A_479] {strides = array<i32>} : memref<200x32xf32, #tpu.memory_space<vmem>>, vector<1x16xf32>,
        %get3A_481 = vector.shape_cast %get3A_480 : vector<1x16xf32> to vector<16xf32>
        %add3A_482 = arith.addf %add3A_454, %get3A_481 : vector<16xf32>
        %get3A_483 = arith.index_cast %add3A_477 : i32 to index
        %get3A_484 = arith.constant 16 : index
        %get3A_485 = tpu.vector_load %arg6[%get3A_483, %get3A_484] {strides = array<i32>} : memref<200x32xf32, #tpu.memory_space<vmem>>, vector<1x16xf32>,
        %get3A_486 = vector.shape_cast %get3A_485 : vector<1x16xf32> to vector<16xf32>
        %add3A_487 = arith.addf %add3A_459, %get3A_486 : vector<16xf32>
        %mul3A_488 = arith.constant 25 : i32
        %mul3A_489 = arith.muli %scan3A_190, %mul3A_488 : i32
        %add3A_490 = arith.constant 21 : i32
        %add3A_491 = arith.addi %mul3A_489, %add3A_490 : i32
        %get3A_492 = arith.index_cast %add3A_491 : i32 to index
        %get3A_493 = arith.constant 0 : index
        %get3A_494 = tpu.vector_load %arg6[%get3A_492, %get3A_493] {strides = array<i32>} : memref<200x32xf32, #tpu.memory_space<vmem>>, vector<1x16xf32>,
        %get3A_495 = vector.shape_cast %get3A_494 : vector<1x16xf32> to vector<16xf32>
        %add3A_496 = arith.addf %add3A_468, %get3A_495 : vector<16xf32>
        %get3A_497 = arith.index_cast %add3A_491 : i32 to index
        %get3A_498 = arith.constant 16 : index
        %get3A_499 = tpu.vector_load %arg6[%get3A_497, %get3A_498] {strides = array<i32>} : memref<200x32xf32, #tpu.memory_space<vmem>>, vector<1x16xf32>,
        %get3A_500 = vector.shape_cast %get3A_499 : vector<1x16xf32> to vector<16xf32>
        %add3A_501 = arith.addf %add3A_473, %get3A_500 : vector<16xf32>
        %mul3A_502 = arith.constant 25 : i32
        %mul3A_503 = arith.muli %scan3A_190, %mul3A_502 : i32
        %add3A_504 = arith.constant 22 : i32
        %add3A_505 = arith.addi %mul3A_503, %add3A_504 : i32
        %get3A_506 = arith.index_cast %add3A_505 : i32 to index
        %get3A_507 = arith.constant 0 : index
        %get3A_508 = tpu.vector_load %arg6[%get3A_506, %get3A_507] {strides = array<i32>} : memref<200x32xf32, #tpu.memory_space<vmem>>, vector<1x16xf32>,
        %get3A_509 = vector.shape_cast %get3A_508 : vector<1x16xf32> to vector<16xf32>
        %add3A_510 = arith.addf %add3A_482, %get3A_509 : vector<16xf32>
        %get3A_511 = arith.index_cast %add3A_505 : i32 to index
        %get3A_512 = arith.constant 16 : index
        %get3A_513 = tpu.vector_load %arg6[%get3A_511, %get3A_512] {strides = array<i32>} : memref<200x32xf32, #tpu.memory_space<vmem>>, vector<1x16xf32>,
        %get3A_514 = vector.shape_cast %get3A_513 : vector<1x16xf32> to vector<16xf32>
        %add3A_515 = arith.addf %add3A_487, %get3A_514 : vector<16xf32>
        %mul3A_516 = arith.constant 25 : i32
        %mul3A_517 = arith.muli %scan3A_190, %mul3A_516 : i32
        %add3A_518 = arith.constant 23 : i32
        %add3A_519 = arith.addi %mul3A_517, %add3A_518 : i32
        %get3A_520 = arith.index_cast %add3A_519 : i32 to index
        %get3A_521 = arith.constant 0 : index
        %get3A_522 = tpu.vector_load %arg6[%get3A_520, %get3A_521] {strides = array<i32>} : memref<200x32xf32, #tpu.memory_space<vmem>>, vector<1x16xf32>,
        %get3A_523 = vector.shape_cast %get3A_522 : vector<1x16xf32> to vector<16xf32>
        %add3A_524 = arith.addf %add3A_496, %get3A_523 : vector<16xf32>
        %get3A_525 = arith.index_cast %add3A_519 : i32 to index
        %get3A_526 = arith.constant 16 : index
        %get3A_527 = tpu.vector_load %arg6[%get3A_525, %get3A_526] {strides = array<i32>} : memref<200x32xf32, #tpu.memory_space<vmem>>, vector<1x16xf32>,
        %get3A_528 = vector.shape_cast %get3A_527 : vector<1x16xf32> to vector<16xf32>
        %add3A_529 = arith.addf %add3A_501, %get3A_528 : vector<16xf32>
        %mul3A_530 = arith.constant 25 : i32
        %mul3A_531 = arith.muli %scan3A_190, %mul3A_530 : i32
        %add3A_532 = arith.constant 24 : i32
        %add3A_533 = arith.addi %mul3A_531, %add3A_532 : i32
        %get3A_534 = arith.index_cast %add3A_533 : i32 to index
        %get3A_535 = arith.constant 0 : index
        %get3A_536 = tpu.vector_load %arg6[%get3A_534, %get3A_535] {strides = array<i32>} : memref<200x32xf32, #tpu.memory_space<vmem>>, vector<1x16xf32>,
        %get3A_537 = vector.shape_cast %get3A_536 : vector<1x16xf32> to vector<16xf32>
        %add3A_538 = arith.addf %add3A_510, %get3A_537 : vector<16xf32>
        %get3A_539 = arith.index_cast %add3A_533 : i32 to index
        %get3A_540 = arith.constant 16 : index
        %get3A_541 = tpu.vector_load %arg6[%get3A_539, %get3A_540] {strides = array<i32>} : memref<200x32xf32, #tpu.memory_space<vmem>>, vector<1x16xf32>,
        %get3A_542 = vector.shape_cast %get3A_541 : vector<1x16xf32> to vector<16xf32>
        %add3A_543 = arith.addf %add3A_515, %get3A_542 : vector<16xf32>
        scf.yield %add3A_538, %add3A_543, %add3A_524, %add3A_529 : vector<16xf32>, vector<16xf32>, vector<16xf32>, vector<16xf32>
      }
      %scan3A_125 = arith.constant 8 : i32
      %add3A_126 = arith.addf %scan3A_124#0, %scan3A_124#2 : vector<16xf32>
      %swap3A = arith.index_cast %add3A_101 : i32 to index
      %swap3A_127 = arith.constant 0 : index
      %swap3A_128 = tpu.vector_load %arg8[%swap3A, %swap3A_127] {strides = array<i32>} : memref<256x32xf32, #tpu.memory_space<vmem>>, vector<1x16xf32>,
      %swap3A_129 = vector.shape_cast %swap3A_128 : vector<1x16xf32> to vector<16xf32>
      %swap3A_130 = vector.shape_cast %add3A_126 : vector<16xf32> to vector<1x16xf32>
      tpu.vector_store %arg8[%swap3A, %swap3A_127], %swap3A_130 {strides = array<i32>} : memref<256x32xf32, #tpu.memory_space<vmem>>, vector<1x16xf32>,
      %add3A_131 = arith.addf %scan3A_124#1, %scan3A_124#3 : vector<16xf32>
      %swap3A_132 = arith.index_cast %add3A_101 : i32 to index
      %swap3A_133 = arith.constant 16 : index
      %swap3A_134 = tpu.vector_load %arg8[%swap3A_132, %swap3A_133] {strides = array<i32>} : memref<256x32xf32, #tpu.memory_space<vmem>>, vector<1x16xf32>,
      %swap3A_135 = vector.shape_cast %swap3A_134 : vector<1x16xf32> to vector<16xf32>
      %swap3A_136 = vector.shape_cast %add3A_131 : vector<16xf32> to vector<1x16xf32>
      tpu.vector_store %arg8[%swap3A_132, %swap3A_133], %swap3A_136 {strides = array<i32>} : memref<256x32xf32, #tpu.memory_space<vmem>>, vector<1x16xf32>,
      %add3A_137 = arith.constant 2 : i32
      %add3A_138 = arith.addi %add3A_101, %add3A_137 : i32
      %lt3A = arith.constant 256 : i32
      %lt3A_139 = arith.cmpi slt, %add3A_138, %lt3A : i32
      %convert_element_type3A = arith.extui %lt3A_139 : i1 to i32
      %cond3A = arith.constant 0 : i32
      %cond3A_140 = arith.cmpi ne, %convert_element_type3A, %cond3A : i32
      scf.if %cond3A_140 {
        %add3A_190 = arith.constant 2 : i32
        %add3A_191 = arith.addi %add3A_101, %add3A_190 : i32
        %dma_start3A_192 = arith.constant 0 : i32
        %dma_start3A_193 = arith.constant 0 : i32
        %dma_start3A_194 = tpu.memref_slice %arg6[%dma_start3A_192, %dma_start3A_193] : memref<200x32xf32, #tpu.memory_space<vmem>> -> memref<128x32xf32, #tpu.memory_space<vmem>>
        %dma_start3A_195 = arith.constant 0 : i32
        %dma_start3A_196 = tpu.memref_slice %arg5[%add3A_191, %dma_start3A_195] : memref<256x200xi32, #tpu.memory_space<vmem>> -> memref<1x128xi32, #tpu.memory_space<vmem>>
        %dma_start3A_197 = tpu.memref_squeeze %dma_start3A_196 : memref<1x128xi32, #tpu.memory_space<vmem>> -> memref<128xi32, #tpu.memory_space<vmem>>
        %dma_start3A_198 = arith.constant 0 : i32
        %dma_start3A_199 = arith.constant 0 : i32
        %dma_start3A_200 = tpu.memref_slice %arg3[%dma_start3A_198, %dma_start3A_199] : memref<1000000x32xf32, #tpu.memory_space<hbm>> -> memref<1000000x32xf32, #tpu.memory_space<hbm>>
        tpu.enqueue_indirect_dma source(%dma_start3A_200 : memref<1000000x32xf32, #tpu.memory_space<hbm>>) target(%dma_start3A_194 : memref<128x32xf32, #tpu.memory_space<vmem>>) offsets(%dma_start3A_197 : memref<128xi32, #tpu.memory_space<vmem>>) semaphore(%arg9 : memref<!tpu.dma_semaphore, #tpu.memory_space<semaphore_mem>>)
        %dma_start3A_201 = arith.constant 128 : i32
        %dma_start3A_202 = arith.constant 0 : i32
        %dma_start3A_203 = tpu.memref_slice %arg6[%dma_start3A_201, %dma_start3A_202] : memref<200x32xf32, #tpu.memory_space<vmem>> -> memref<72x32xf32, #tpu.memory_space<vmem>>
        %dma_start3A_204 = arith.constant 128 : i32
        %dma_start3A_205 = tpu.memref_slice %arg5[%add3A_191, %dma_start3A_204] : memref<256x200xi32, #tpu.memory_space<vmem>> -> memref<1x72xi32, #tpu.memory_space<vmem>>
        %dma_start3A_206 = tpu.memref_squeeze %dma_start3A_205 : memref<1x72xi32, #tpu.memory_space<vmem>> -> memref<72xi32, #tpu.memory_space<vmem>>
        %dma_start3A_207 = arith.constant 0 : i32
        %dma_start3A_208 = arith.constant 0 : i32
        %dma_start3A_209 = tpu.memref_slice %arg3[%dma_start3A_207, %dma_start3A_208] : memref<1000000x32xf32, #tpu.memory_space<hbm>> -> memref<1000000x32xf32, #tpu.memory_space<hbm>>
        tpu.enqueue_indirect_dma source(%dma_start3A_209 : memref<1000000x32xf32, #tpu.memory_space<hbm>>) target(%dma_start3A_203 : memref<72x32xf32, #tpu.memory_space<vmem>>) offsets(%dma_start3A_206 : memref<72xi32, #tpu.memory_space<vmem>>) semaphore(%arg9 : memref<!tpu.dma_semaphore, #tpu.memory_space<semaphore_mem>>)
      } else {
      }
      %mul3A_141 = arith.constant 2 : i32
      %mul3A_142 = arith.muli %mul3A_141, %scan3A_97 : i32
      %add3A_143 = arith.constant 1 : i32
      %add3A_144 = arith.addi %mul3A_142, %add3A_143 : i32
      %dma_wait3A_145 = arith.constant 0 : i32
      %dma_wait3A_146 = arith.constant 0 : i32
      %dma_wait3A_147 = tpu.memref_slice %arg7[%dma_wait3A_145, %dma_wait3A_146] : memref<200x32xf32, #tpu.memory_space<vmem>> -> memref<128x32xf32, #tpu.memory_space<vmem>>
      %dma_wait3A_148 = arith.constant 0 : i32
      %dma_wait3A_149 = tpu.memref_slice %arg5[%add3A_144, %dma_wait3A_148] : memref<256x200xi32, #tpu.memory_space<vmem>> -> memref<1x128xi32, #tpu.memory_space<vmem>>
      %dma_wait3A_150 = tpu.memref_squeeze %dma_wait3A_149 : memref<1x128xi32, #tpu.memory_space<vmem>> -> memref<128xi32, #tpu.memory_space<vmem>>
      %dma_wait3A_151 = arith.constant 0 : i32
      %dma_wait3A_152 = arith.constant 0 : i32
      %dma_wait3A_153 = tpu.memref_slice %arg3[%dma_wait3A_151, %dma_wait3A_152] : memref<1000000x32xf32, #tpu.memory_space<hbm>> -> memref<1000000x32xf32, #tpu.memory_space<hbm>>
      tpu.wait_indirect_dma semaphore(%arg10 : memref<!tpu.dma_semaphore, #tpu.memory_space<semaphore_mem>>) src(%dma_wait3A_153 : memref<1000000x32xf32, #tpu.memory_space<hbm>>) dst(%dma_wait3A_147 : memref<128x32xf32, #tpu.memory_space<vmem>>)
      %dma_wait3A_154 = arith.constant 128 : i32
      %dma_wait3A_155 = arith.constant 0 : i32
      %dma_wait3A_156 = tpu.memref_slice %arg7[%dma_wait3A_154, %dma_wait3A_155] : memref<200x32xf32, #tpu.memory_space<vmem>> -> memref<72x32xf32, #tpu.memory_space<vmem>>
      %dma_wait3A_157 = arith.constant 128 : i32
      %dma_wait3A_158 = tpu.memref_slice %arg5[%add3A_144, %dma_wait3A_157] : memref<256x200xi32, #tpu.memory_space<vmem>> -> memref<1x72xi32, #tpu.memory_space<vmem>>
      %dma_wait3A_159 = tpu.memref_squeeze %dma_wait3A_158 : memref<1x72xi32, #tpu.memory_space<vmem>> -> memref<72xi32, #tpu.memory_space<vmem>>
      %dma_wait3A_160 = arith.constant 0 : i32
      %dma_wait3A_161 = arith.constant 0 : i32
      %dma_wait3A_162 = tpu.memref_slice %arg3[%dma_wait3A_160, %dma_wait3A_161] : memref<1000000x32xf32, #tpu.memory_space<hbm>> -> memref<1000000x32xf32, #tpu.memory_space<hbm>>
      tpu.wait_indirect_dma semaphore(%arg10 : memref<!tpu.dma_semaphore, #tpu.memory_space<semaphore_mem>>) src(%dma_wait3A_162 : memref<1000000x32xf32, #tpu.memory_space<hbm>>) dst(%dma_wait3A_156 : memref<72x32xf32, #tpu.memory_space<vmem>>)
      %broadcast_in_dim3A_163 = arith.constant 0.000000e+00 : f32
      %broadcast_in_dim3A_164 = vector.broadcast %broadcast_in_dim3A_163 : f32 to vector<16xf32>
      %scan3A_165 = arith.constant 0 : i32
      %scan3A_166 = arith.constant 8 : i32
      %scan3A_167 = arith.addi %scan3A_165, %scan3A_166 : i32
      %scan3A_168 = arith.constant 1 : i32
      %scan3A_169:4 = scf.for %scan3A_190 = %scan3A_165 to %scan3A_167 step %scan3A_168 iter_args(%scan3A_191 = %broadcast_in_dim3A_164, %scan3A_192 = %broadcast_in_dim3A_164, %scan3A_193 = %broadcast_in_dim3A_164, %scan3A_194 = %broadcast_in_dim3A_164) -> (vector<16xf32>, vector<16xf32>, vector<16xf32>, vector<16xf32>)  : i32 {
        %mul3A_195 = arith.constant 25 : i32
        %mul3A_196 = arith.muli %scan3A_190, %mul3A_195 : i32
        %add3A_197 = arith.constant 0 : i32
        %add3A_198 = arith.addi %mul3A_196, %add3A_197 : i32
        %get3A = arith.index_cast %add3A_198 : i32 to index
        %get3A_199 = arith.constant 0 : index
        %get3A_200 = tpu.vector_load %arg7[%get3A, %get3A_199] {strides = array<i32>} : memref<200x32xf32, #tpu.memory_space<vmem>>, vector<1x16xf32>,
        %get3A_201 = vector.shape_cast %get3A_200 : vector<1x16xf32> to vector<16xf32>
        %add3A_202 = arith.addf %scan3A_191, %get3A_201 : vector<16xf32>
        %get3A_203 = arith.index_cast %add3A_198 : i32 to index
        %get3A_204 = arith.constant 16 : index
        %get3A_205 = tpu.vector_load %arg7[%get3A_203, %get3A_204] {strides = array<i32>} : memref<200x32xf32, #tpu.memory_space<vmem>>, vector<1x16xf32>,
        %get3A_206 = vector.shape_cast %get3A_205 : vector<1x16xf32> to vector<16xf32>
        %add3A_207 = arith.addf %scan3A_192, %get3A_206 : vector<16xf32>
        %mul3A_208 = arith.constant 25 : i32
        %mul3A_209 = arith.muli %scan3A_190, %mul3A_208 : i32
        %add3A_210 = arith.constant 1 : i32
        %add3A_211 = arith.addi %mul3A_209, %add3A_210 : i32
        %get3A_212 = arith.index_cast %add3A_211 : i32 to index
        %get3A_213 = arith.constant 0 : index
        %get3A_214 = tpu.vector_load %arg7[%get3A_212, %get3A_213] {strides = array<i32>} : memref<200x32xf32, #tpu.memory_space<vmem>>, vector<1x16xf32>,
        %get3A_215 = vector.shape_cast %get3A_214 : vector<1x16xf32> to vector<16xf32>
        %add3A_216 = arith.addf %scan3A_193, %get3A_215 : vector<16xf32>
        %get3A_217 = arith.index_cast %add3A_211 : i32 to index
        %get3A_218 = arith.constant 16 : index
        %get3A_219 = tpu.vector_load %arg7[%get3A_217, %get3A_218] {strides = array<i32>} : memref<200x32xf32, #tpu.memory_space<vmem>>, vector<1x16xf32>,
        %get3A_220 = vector.shape_cast %get3A_219 : vector<1x16xf32> to vector<16xf32>
        %add3A_221 = arith.addf %scan3A_194, %get3A_220 : vector<16xf32>
        %mul3A_222 = arith.constant 25 : i32
        %mul3A_223 = arith.muli %scan3A_190, %mul3A_222 : i32
        %add3A_224 = arith.constant 2 : i32
        %add3A_225 = arith.addi %mul3A_223, %add3A_224 : i32
        %get3A_226 = arith.index_cast %add3A_225 : i32 to index
        %get3A_227 = arith.constant 0 : index
        %get3A_228 = tpu.vector_load %arg7[%get3A_226, %get3A_227] {strides = array<i32>} : memref<200x32xf32, #tpu.memory_space<vmem>>, vector<1x16xf32>,
        %get3A_229 = vector.shape_cast %get3A_228 : vector<1x16xf32> to vector<16xf32>
        %add3A_230 = arith.addf %add3A_202, %get3A_229 : vector<16xf32>
        %get3A_231 = arith.index_cast %add3A_225 : i32 to index
        %get3A_232 = arith.constant 16 : index
        %get3A_233 = tpu.vector_load %arg7[%get3A_231, %get3A_232] {strides = array<i32>} : memref<200x32xf32, #tpu.memory_space<vmem>>, vector<1x16xf32>,
        %get3A_234 = vector.shape_cast %get3A_233 : vector<1x16xf32> to vector<16xf32>
        %add3A_235 = arith.addf %add3A_207, %get3A_234 : vector<16xf32>
        %mul3A_236 = arith.constant 25 : i32
        %mul3A_237 = arith.muli %scan3A_190, %mul3A_236 : i32
        %add3A_238 = arith.constant 3 : i32
        %add3A_239 = arith.addi %mul3A_237, %add3A_238 : i32
        %get3A_240 = arith.index_cast %add3A_239 : i32 to index
        %get3A_241 = arith.constant 0 : index
        %get3A_242 = tpu.vector_load %arg7[%get3A_240, %get3A_241] {strides = array<i32>} : memref<200x32xf32, #tpu.memory_space<vmem>>, vector<1x16xf32>,
        %get3A_243 = vector.shape_cast %get3A_242 : vector<1x16xf32> to vector<16xf32>
        %add3A_244 = arith.addf %add3A_216, %get3A_243 : vector<16xf32>
        %get3A_245 = arith.index_cast %add3A_239 : i32 to index
        %get3A_246 = arith.constant 16 : index
        %get3A_247 = tpu.vector_load %arg7[%get3A_245, %get3A_246] {strides = array<i32>} : memref<200x32xf32, #tpu.memory_space<vmem>>, vector<1x16xf32>,
        %get3A_248 = vector.shape_cast %get3A_247 : vector<1x16xf32> to vector<16xf32>
        %add3A_249 = arith.addf %add3A_221, %get3A_248 : vector<16xf32>
        %mul3A_250 = arith.constant 25 : i32
        %mul3A_251 = arith.muli %scan3A_190, %mul3A_250 : i32
        %add3A_252 = arith.constant 4 : i32
        %add3A_253 = arith.addi %mul3A_251, %add3A_252 : i32
        %get3A_254 = arith.index_cast %add3A_253 : i32 to index
        %get3A_255 = arith.constant 0 : index
        %get3A_256 = tpu.vector_load %arg7[%get3A_254, %get3A_255] {strides = array<i32>} : memref<200x32xf32, #tpu.memory_space<vmem>>, vector<1x16xf32>,
        %get3A_257 = vector.shape_cast %get3A_256 : vector<1x16xf32> to vector<16xf32>
        %add3A_258 = arith.addf %add3A_230, %get3A_257 : vector<16xf32>
        %get3A_259 = arith.index_cast %add3A_253 : i32 to index
        %get3A_260 = arith.constant 16 : index
        %get3A_261 = tpu.vector_load %arg7[%get3A_259, %get3A_260] {strides = array<i32>} : memref<200x32xf32, #tpu.memory_space<vmem>>, vector<1x16xf32>,
        %get3A_262 = vector.shape_cast %get3A_261 : vector<1x16xf32> to vector<16xf32>
        %add3A_263 = arith.addf %add3A_235, %get3A_262 : vector<16xf32>
        %mul3A_264 = arith.constant 25 : i32
        %mul3A_265 = arith.muli %scan3A_190, %mul3A_264 : i32
        %add3A_266 = arith.constant 5 : i32
        %add3A_267 = arith.addi %mul3A_265, %add3A_266 : i32
        %get3A_268 = arith.index_cast %add3A_267 : i32 to index
        %get3A_269 = arith.constant 0 : index
        %get3A_270 = tpu.vector_load %arg7[%get3A_268, %get3A_269] {strides = array<i32>} : memref<200x32xf32, #tpu.memory_space<vmem>>, vector<1x16xf32>,
        %get3A_271 = vector.shape_cast %get3A_270 : vector<1x16xf32> to vector<16xf32>
        %add3A_272 = arith.addf %add3A_244, %get3A_271 : vector<16xf32>
        %get3A_273 = arith.index_cast %add3A_267 : i32 to index
        %get3A_274 = arith.constant 16 : index
        %get3A_275 = tpu.vector_load %arg7[%get3A_273, %get3A_274] {strides = array<i32>} : memref<200x32xf32, #tpu.memory_space<vmem>>, vector<1x16xf32>,
        %get3A_276 = vector.shape_cast %get3A_275 : vector<1x16xf32> to vector<16xf32>
        %add3A_277 = arith.addf %add3A_249, %get3A_276 : vector<16xf32>
        %mul3A_278 = arith.constant 25 : i32
        %mul3A_279 = arith.muli %scan3A_190, %mul3A_278 : i32
        %add3A_280 = arith.constant 6 : i32
        %add3A_281 = arith.addi %mul3A_279, %add3A_280 : i32
        %get3A_282 = arith.index_cast %add3A_281 : i32 to index
        %get3A_283 = arith.constant 0 : index
        %get3A_284 = tpu.vector_load %arg7[%get3A_282, %get3A_283] {strides = array<i32>} : memref<200x32xf32, #tpu.memory_space<vmem>>, vector<1x16xf32>,
        %get3A_285 = vector.shape_cast %get3A_284 : vector<1x16xf32> to vector<16xf32>
        %add3A_286 = arith.addf %add3A_258, %get3A_285 : vector<16xf32>
        %get3A_287 = arith.index_cast %add3A_281 : i32 to index
        %get3A_288 = arith.constant 16 : index
        %get3A_289 = tpu.vector_load %arg7[%get3A_287, %get3A_288] {strides = array<i32>} : memref<200x32xf32, #tpu.memory_space<vmem>>, vector<1x16xf32>,
        %get3A_290 = vector.shape_cast %get3A_289 : vector<1x16xf32> to vector<16xf32>
        %add3A_291 = arith.addf %add3A_263, %get3A_290 : vector<16xf32>
        %mul3A_292 = arith.constant 25 : i32
        %mul3A_293 = arith.muli %scan3A_190, %mul3A_292 : i32
        %add3A_294 = arith.constant 7 : i32
        %add3A_295 = arith.addi %mul3A_293, %add3A_294 : i32
        %get3A_296 = arith.index_cast %add3A_295 : i32 to index
        %get3A_297 = arith.constant 0 : index
        %get3A_298 = tpu.vector_load %arg7[%get3A_296, %get3A_297] {strides = array<i32>} : memref<200x32xf32, #tpu.memory_space<vmem>>, vector<1x16xf32>,
        %get3A_299 = vector.shape_cast %get3A_298 : vector<1x16xf32> to vector<16xf32>
        %add3A_300 = arith.addf %add3A_272, %get3A_299 : vector<16xf32>
        %get3A_301 = arith.index_cast %add3A_295 : i32 to index
        %get3A_302 = arith.constant 16 : index
        %get3A_303 = tpu.vector_load %arg7[%get3A_301, %get3A_302] {strides = array<i32>} : memref<200x32xf32, #tpu.memory_space<vmem>>, vector<1x16xf32>,
        %get3A_304 = vector.shape_cast %get3A_303 : vector<1x16xf32> to vector<16xf32>
        %add3A_305 = arith.addf %add3A_277, %get3A_304 : vector<16xf32>
        %mul3A_306 = arith.constant 25 : i32
        %mul3A_307 = arith.muli %scan3A_190, %mul3A_306 : i32
        %add3A_308 = arith.constant 8 : i32
        %add3A_309 = arith.addi %mul3A_307, %add3A_308 : i32
        %get3A_310 = arith.index_cast %add3A_309 : i32 to index
        %get3A_311 = arith.constant 0 : index
        %get3A_312 = tpu.vector_load %arg7[%get3A_310, %get3A_311] {strides = array<i32>} : memref<200x32xf32, #tpu.memory_space<vmem>>, vector<1x16xf32>,
        %get3A_313 = vector.shape_cast %get3A_312 : vector<1x16xf32> to vector<16xf32>
        %add3A_314 = arith.addf %add3A_286, %get3A_313 : vector<16xf32>
        %get3A_315 = arith.index_cast %add3A_309 : i32 to index
        %get3A_316 = arith.constant 16 : index
        %get3A_317 = tpu.vector_load %arg7[%get3A_315, %get3A_316] {strides = array<i32>} : memref<200x32xf32, #tpu.memory_space<vmem>>, vector<1x16xf32>,
        %get3A_318 = vector.shape_cast %get3A_317 : vector<1x16xf32> to vector<16xf32>
        %add3A_319 = arith.addf %add3A_291, %get3A_318 : vector<16xf32>
        %mul3A_320 = arith.constant 25 : i32
        %mul3A_321 = arith.muli %scan3A_190, %mul3A_320 : i32
        %add3A_322 = arith.constant 9 : i32
        %add3A_323 = arith.addi %mul3A_321, %add3A_322 : i32
        %get3A_324 = arith.index_cast %add3A_323 : i32 to index
        %get3A_325 = arith.constant 0 : index
        %get3A_326 = tpu.vector_load %arg7[%get3A_324, %get3A_325] {strides = array<i32>} : memref<200x32xf32, #tpu.memory_space<vmem>>, vector<1x16xf32>,
        %get3A_327 = vector.shape_cast %get3A_326 : vector<1x16xf32> to vector<16xf32>
        %add3A_328 = arith.addf %add3A_300, %get3A_327 : vector<16xf32>
        %get3A_329 = arith.index_cast %add3A_323 : i32 to index
        %get3A_330 = arith.constant 16 : index
        %get3A_331 = tpu.vector_load %arg7[%get3A_329, %get3A_330] {strides = array<i32>} : memref<200x32xf32, #tpu.memory_space<vmem>>, vector<1x16xf32>,
        %get3A_332 = vector.shape_cast %get3A_331 : vector<1x16xf32> to vector<16xf32>
        %add3A_333 = arith.addf %add3A_305, %get3A_332 : vector<16xf32>
        %mul3A_334 = arith.constant 25 : i32
        %mul3A_335 = arith.muli %scan3A_190, %mul3A_334 : i32
        %add3A_336 = arith.constant 10 : i32
        %add3A_337 = arith.addi %mul3A_335, %add3A_336 : i32
        %get3A_338 = arith.index_cast %add3A_337 : i32 to index
        %get3A_339 = arith.constant 0 : index
        %get3A_340 = tpu.vector_load %arg7[%get3A_338, %get3A_339] {strides = array<i32>} : memref<200x32xf32, #tpu.memory_space<vmem>>, vector<1x16xf32>,
        %get3A_341 = vector.shape_cast %get3A_340 : vector<1x16xf32> to vector<16xf32>
        %add3A_342 = arith.addf %add3A_314, %get3A_341 : vector<16xf32>
        %get3A_343 = arith.index_cast %add3A_337 : i32 to index
        %get3A_344 = arith.constant 16 : index
        %get3A_345 = tpu.vector_load %arg7[%get3A_343, %get3A_344] {strides = array<i32>} : memref<200x32xf32, #tpu.memory_space<vmem>>, vector<1x16xf32>,
        %get3A_346 = vector.shape_cast %get3A_345 : vector<1x16xf32> to vector<16xf32>
        %add3A_347 = arith.addf %add3A_319, %get3A_346 : vector<16xf32>
        %mul3A_348 = arith.constant 25 : i32
        %mul3A_349 = arith.muli %scan3A_190, %mul3A_348 : i32
        %add3A_350 = arith.constant 11 : i32
        %add3A_351 = arith.addi %mul3A_349, %add3A_350 : i32
        %get3A_352 = arith.index_cast %add3A_351 : i32 to index
        %get3A_353 = arith.constant 0 : index
        %get3A_354 = tpu.vector_load %arg7[%get3A_352, %get3A_353] {strides = array<i32>} : memref<200x32xf32, #tpu.memory_space<vmem>>, vector<1x16xf32>,
        %get3A_355 = vector.shape_cast %get3A_354 : vector<1x16xf32> to vector<16xf32>
        %add3A_356 = arith.addf %add3A_328, %get3A_355 : vector<16xf32>
        %get3A_357 = arith.index_cast %add3A_351 : i32 to index
        %get3A_358 = arith.constant 16 : index
        %get3A_359 = tpu.vector_load %arg7[%get3A_357, %get3A_358] {strides = array<i32>} : memref<200x32xf32, #tpu.memory_space<vmem>>, vector<1x16xf32>,
        %get3A_360 = vector.shape_cast %get3A_359 : vector<1x16xf32> to vector<16xf32>
        %add3A_361 = arith.addf %add3A_333, %get3A_360 : vector<16xf32>
        %mul3A_362 = arith.constant 25 : i32
        %mul3A_363 = arith.muli %scan3A_190, %mul3A_362 : i32
        %add3A_364 = arith.constant 12 : i32
        %add3A_365 = arith.addi %mul3A_363, %add3A_364 : i32
        %get3A_366 = arith.index_cast %add3A_365 : i32 to index
        %get3A_367 = arith.constant 0 : index
        %get3A_368 = tpu.vector_load %arg7[%get3A_366, %get3A_367] {strides = array<i32>} : memref<200x32xf32, #tpu.memory_space<vmem>>, vector<1x16xf32>,
        %get3A_369 = vector.shape_cast %get3A_368 : vector<1x16xf32> to vector<16xf32>
        %add3A_370 = arith.addf %add3A_342, %get3A_369 : vector<16xf32>
        %get3A_371 = arith.index_cast %add3A_365 : i32 to index
        %get3A_372 = arith.constant 16 : index
        %get3A_373 = tpu.vector_load %arg7[%get3A_371, %get3A_372] {strides = array<i32>} : memref<200x32xf32, #tpu.memory_space<vmem>>, vector<1x16xf32>,
        %get3A_374 = vector.shape_cast %get3A_373 : vector<1x16xf32> to vector<16xf32>
        %add3A_375 = arith.addf %add3A_347, %get3A_374 : vector<16xf32>
        %mul3A_376 = arith.constant 25 : i32
        %mul3A_377 = arith.muli %scan3A_190, %mul3A_376 : i32
        %add3A_378 = arith.constant 13 : i32
        %add3A_379 = arith.addi %mul3A_377, %add3A_378 : i32
        %get3A_380 = arith.index_cast %add3A_379 : i32 to index
        %get3A_381 = arith.constant 0 : index
        %get3A_382 = tpu.vector_load %arg7[%get3A_380, %get3A_381] {strides = array<i32>} : memref<200x32xf32, #tpu.memory_space<vmem>>, vector<1x16xf32>,
        %get3A_383 = vector.shape_cast %get3A_382 : vector<1x16xf32> to vector<16xf32>
        %add3A_384 = arith.addf %add3A_356, %get3A_383 : vector<16xf32>
        %get3A_385 = arith.index_cast %add3A_379 : i32 to index
        %get3A_386 = arith.constant 16 : index
        %get3A_387 = tpu.vector_load %arg7[%get3A_385, %get3A_386] {strides = array<i32>} : memref<200x32xf32, #tpu.memory_space<vmem>>, vector<1x16xf32>,
        %get3A_388 = vector.shape_cast %get3A_387 : vector<1x16xf32> to vector<16xf32>
        %add3A_389 = arith.addf %add3A_361, %get3A_388 : vector<16xf32>
        %mul3A_390 = arith.constant 25 : i32
        %mul3A_391 = arith.muli %scan3A_190, %mul3A_390 : i32
        %add3A_392 = arith.constant 14 : i32
        %add3A_393 = arith.addi %mul3A_391, %add3A_392 : i32
        %get3A_394 = arith.index_cast %add3A_393 : i32 to index
        %get3A_395 = arith.constant 0 : index
        %get3A_396 = tpu.vector_load %arg7[%get3A_394, %get3A_395] {strides = array<i32>} : memref<200x32xf32, #tpu.memory_space<vmem>>, vector<1x16xf32>,
        %get3A_397 = vector.shape_cast %get3A_396 : vector<1x16xf32> to vector<16xf32>
        %add3A_398 = arith.addf %add3A_370, %get3A_397 : vector<16xf32>
        %get3A_399 = arith.index_cast %add3A_393 : i32 to index
        %get3A_400 = arith.constant 16 : index
        %get3A_401 = tpu.vector_load %arg7[%get3A_399, %get3A_400] {strides = array<i32>} : memref<200x32xf32, #tpu.memory_space<vmem>>, vector<1x16xf32>,
        %get3A_402 = vector.shape_cast %get3A_401 : vector<1x16xf32> to vector<16xf32>
        %add3A_403 = arith.addf %add3A_375, %get3A_402 : vector<16xf32>
        %mul3A_404 = arith.constant 25 : i32
        %mul3A_405 = arith.muli %scan3A_190, %mul3A_404 : i32
        %add3A_406 = arith.constant 15 : i32
        %add3A_407 = arith.addi %mul3A_405, %add3A_406 : i32
        %get3A_408 = arith.index_cast %add3A_407 : i32 to index
        %get3A_409 = arith.constant 0 : index
        %get3A_410 = tpu.vector_load %arg7[%get3A_408, %get3A_409] {strides = array<i32>} : memref<200x32xf32, #tpu.memory_space<vmem>>, vector<1x16xf32>,
        %get3A_411 = vector.shape_cast %get3A_410 : vector<1x16xf32> to vector<16xf32>
        %add3A_412 = arith.addf %add3A_384, %get3A_411 : vector<16xf32>
        %get3A_413 = arith.index_cast %add3A_407 : i32 to index
        %get3A_414 = arith.constant 16 : index
        %get3A_415 = tpu.vector_load %arg7[%get3A_413, %get3A_414] {strides = array<i32>} : memref<200x32xf32, #tpu.memory_space<vmem>>, vector<1x16xf32>,
        %get3A_416 = vector.shape_cast %get3A_415 : vector<1x16xf32> to vector<16xf32>
        %add3A_417 = arith.addf %add3A_389, %get3A_416 : vector<16xf32>
        %mul3A_418 = arith.constant 25 : i32
        %mul3A_419 = arith.muli %scan3A_190, %mul3A_418 : i32
        %add3A_420 = arith.constant 16 : i32
        %add3A_421 = arith.addi %mul3A_419, %add3A_420 : i32
        %get3A_422 = arith.index_cast %add3A_421 : i32 to index
        %get3A_423 = arith.constant 0 : index
        %get3A_424 = tpu.vector_load %arg7[%get3A_422, %get3A_423] {strides = array<i32>} : memref<200x32xf32, #tpu.memory_space<vmem>>, vector<1x16xf32>,
        %get3A_425 = vector.shape_cast %get3A_424 : vector<1x16xf32> to vector<16xf32>
        %add3A_426 = arith.addf %add3A_398, %get3A_425 : vector<16xf32>
        %get3A_427 = arith.index_cast %add3A_421 : i32 to index
        %get3A_428 = arith.constant 16 : index
        %get3A_429 = tpu.vector_load %arg7[%get3A_427, %get3A_428] {strides = array<i32>} : memref<200x32xf32, #tpu.memory_space<vmem>>, vector<1x16xf32>,
        %get3A_430 = vector.shape_cast %get3A_429 : vector<1x16xf32> to vector<16xf32>
        %add3A_431 = arith.addf %add3A_403, %get3A_430 : vector<16xf32>
        %mul3A_432 = arith.constant 25 : i32
        %mul3A_433 = arith.muli %scan3A_190, %mul3A_432 : i32
        %add3A_434 = arith.constant 17 : i32
        %add3A_435 = arith.addi %mul3A_433, %add3A_434 : i32
        %get3A_436 = arith.index_cast %add3A_435 : i32 to index
        %get3A_437 = arith.constant 0 : index
        %get3A_438 = tpu.vector_load %arg7[%get3A_436, %get3A_437] {strides = array<i32>} : memref<200x32xf32, #tpu.memory_space<vmem>>, vector<1x16xf32>,
        %get3A_439 = vector.shape_cast %get3A_438 : vector<1x16xf32> to vector<16xf32>
        %add3A_440 = arith.addf %add3A_412, %get3A_439 : vector<16xf32>
        %get3A_441 = arith.index_cast %add3A_435 : i32 to index
        %get3A_442 = arith.constant 16 : index
        %get3A_443 = tpu.vector_load %arg7[%get3A_441, %get3A_442] {strides = array<i32>} : memref<200x32xf32, #tpu.memory_space<vmem>>, vector<1x16xf32>,
        %get3A_444 = vector.shape_cast %get3A_443 : vector<1x16xf32> to vector<16xf32>
        %add3A_445 = arith.addf %add3A_417, %get3A_444 : vector<16xf32>
        %mul3A_446 = arith.constant 25 : i32
        %mul3A_447 = arith.muli %scan3A_190, %mul3A_446 : i32
        %add3A_448 = arith.constant 18 : i32
        %add3A_449 = arith.addi %mul3A_447, %add3A_448 : i32
        %get3A_450 = arith.index_cast %add3A_449 : i32 to index
        %get3A_451 = arith.constant 0 : index
        %get3A_452 = tpu.vector_load %arg7[%get3A_450, %get3A_451] {strides = array<i32>} : memref<200x32xf32, #tpu.memory_space<vmem>>, vector<1x16xf32>,
        %get3A_453 = vector.shape_cast %get3A_452 : vector<1x16xf32> to vector<16xf32>
        %add3A_454 = arith.addf %add3A_426, %get3A_453 : vector<16xf32>
        %get3A_455 = arith.index_cast %add3A_449 : i32 to index
        %get3A_456 = arith.constant 16 : index
        %get3A_457 = tpu.vector_load %arg7[%get3A_455, %get3A_456] {strides = array<i32>} : memref<200x32xf32, #tpu.memory_space<vmem>>, vector<1x16xf32>,
        %get3A_458 = vector.shape_cast %get3A_457 : vector<1x16xf32> to vector<16xf32>
        %add3A_459 = arith.addf %add3A_431, %get3A_458 : vector<16xf32>
        %mul3A_460 = arith.constant 25 : i32
        %mul3A_461 = arith.muli %scan3A_190, %mul3A_460 : i32
        %add3A_462 = arith.constant 19 : i32
        %add3A_463 = arith.addi %mul3A_461, %add3A_462 : i32
        %get3A_464 = arith.index_cast %add3A_463 : i32 to index
        %get3A_465 = arith.constant 0 : index
        %get3A_466 = tpu.vector_load %arg7[%get3A_464, %get3A_465] {strides = array<i32>} : memref<200x32xf32, #tpu.memory_space<vmem>>, vector<1x16xf32>,
        %get3A_467 = vector.shape_cast %get3A_466 : vector<1x16xf32> to vector<16xf32>
        %add3A_468 = arith.addf %add3A_440, %get3A_467 : vector<16xf32>
        %get3A_469 = arith.index_cast %add3A_463 : i32 to index
        %get3A_470 = arith.constant 16 : index
        %get3A_471 = tpu.vector_load %arg7[%get3A_469, %get3A_470] {strides = array<i32>} : memref<200x32xf32, #tpu.memory_space<vmem>>, vector<1x16xf32>,
        %get3A_472 = vector.shape_cast %get3A_471 : vector<1x16xf32> to vector<16xf32>
        %add3A_473 = arith.addf %add3A_445, %get3A_472 : vector<16xf32>
        %mul3A_474 = arith.constant 25 : i32
        %mul3A_475 = arith.muli %scan3A_190, %mul3A_474 : i32
        %add3A_476 = arith.constant 20 : i32
        %add3A_477 = arith.addi %mul3A_475, %add3A_476 : i32
        %get3A_478 = arith.index_cast %add3A_477 : i32 to index
        %get3A_479 = arith.constant 0 : index
        %get3A_480 = tpu.vector_load %arg7[%get3A_478, %get3A_479] {strides = array<i32>} : memref<200x32xf32, #tpu.memory_space<vmem>>, vector<1x16xf32>,
        %get3A_481 = vector.shape_cast %get3A_480 : vector<1x16xf32> to vector<16xf32>
        %add3A_482 = arith.addf %add3A_454, %get3A_481 : vector<16xf32>
        %get3A_483 = arith.index_cast %add3A_477 : i32 to index
        %get3A_484 = arith.constant 16 : index
        %get3A_485 = tpu.vector_load %arg7[%get3A_483, %get3A_484] {strides = array<i32>} : memref<200x32xf32, #tpu.memory_space<vmem>>, vector<1x16xf32>,
        %get3A_486 = vector.shape_cast %get3A_485 : vector<1x16xf32> to vector<16xf32>
        %add3A_487 = arith.addf %add3A_459, %get3A_486 : vector<16xf32>
        %mul3A_488 = arith.constant 25 : i32
        %mul3A_489 = arith.muli %scan3A_190, %mul3A_488 : i32
        %add3A_490 = arith.constant 21 : i32
        %add3A_491 = arith.addi %mul3A_489, %add3A_490 : i32
        %get3A_492 = arith.index_cast %add3A_491 : i32 to index
        %get3A_493 = arith.constant 0 : index
        %get3A_494 = tpu.vector_load %arg7[%get3A_492, %get3A_493] {strides = array<i32>} : memref<200x32xf32, #tpu.memory_space<vmem>>, vector<1x16xf32>,
        %get3A_495 = vector.shape_cast %get3A_494 : vector<1x16xf32> to vector<16xf32>
        %add3A_496 = arith.addf %add3A_468, %get3A_495 : vector<16xf32>
        %get3A_497 = arith.index_cast %add3A_491 : i32 to index
        %get3A_498 = arith.constant 16 : index
        %get3A_499 = tpu.vector_load %arg7[%get3A_497, %get3A_498] {strides = array<i32>} : memref<200x32xf32, #tpu.memory_space<vmem>>, vector<1x16xf32>,
        %get3A_500 = vector.shape_cast %get3A_499 : vector<1x16xf32> to vector<16xf32>
        %add3A_501 = arith.addf %add3A_473, %get3A_500 : vector<16xf32>
        %mul3A_502 = arith.constant 25 : i32
        %mul3A_503 = arith.muli %scan3A_190, %mul3A_502 : i32
        %add3A_504 = arith.constant 22 : i32
        %add3A_505 = arith.addi %mul3A_503, %add3A_504 : i32
        %get3A_506 = arith.index_cast %add3A_505 : i32 to index
        %get3A_507 = arith.constant 0 : index
        %get3A_508 = tpu.vector_load %arg7[%get3A_506, %get3A_507] {strides = array<i32>} : memref<200x32xf32, #tpu.memory_space<vmem>>, vector<1x16xf32>,
        %get3A_509 = vector.shape_cast %get3A_508 : vector<1x16xf32> to vector<16xf32>
        %add3A_510 = arith.addf %add3A_482, %get3A_509 : vector<16xf32>
        %get3A_511 = arith.index_cast %add3A_505 : i32 to index
        %get3A_512 = arith.constant 16 : index
        %get3A_513 = tpu.vector_load %arg7[%get3A_511, %get3A_512] {strides = array<i32>} : memref<200x32xf32, #tpu.memory_space<vmem>>, vector<1x16xf32>,
        %get3A_514 = vector.shape_cast %get3A_513 : vector<1x16xf32> to vector<16xf32>
        %add3A_515 = arith.addf %add3A_487, %get3A_514 : vector<16xf32>
        %mul3A_516 = arith.constant 25 : i32
        %mul3A_517 = arith.muli %scan3A_190, %mul3A_516 : i32
        %add3A_518 = arith.constant 23 : i32
        %add3A_519 = arith.addi %mul3A_517, %add3A_518 : i32
        %get3A_520 = arith.index_cast %add3A_519 : i32 to index
        %get3A_521 = arith.constant 0 : index
        %get3A_522 = tpu.vector_load %arg7[%get3A_520, %get3A_521] {strides = array<i32>} : memref<200x32xf32, #tpu.memory_space<vmem>>, vector<1x16xf32>,
        %get3A_523 = vector.shape_cast %get3A_522 : vector<1x16xf32> to vector<16xf32>
        %add3A_524 = arith.addf %add3A_496, %get3A_523 : vector<16xf32>
        %get3A_525 = arith.index_cast %add3A_519 : i32 to index
        %get3A_526 = arith.constant 16 : index
        %get3A_527 = tpu.vector_load %arg7[%get3A_525, %get3A_526] {strides = array<i32>} : memref<200x32xf32, #tpu.memory_space<vmem>>, vector<1x16xf32>,
        %get3A_528 = vector.shape_cast %get3A_527 : vector<1x16xf32> to vector<16xf32>
        %add3A_529 = arith.addf %add3A_501, %get3A_528 : vector<16xf32>
        %mul3A_530 = arith.constant 25 : i32
        %mul3A_531 = arith.muli %scan3A_190, %mul3A_530 : i32
        %add3A_532 = arith.constant 24 : i32
        %add3A_533 = arith.addi %mul3A_531, %add3A_532 : i32
        %get3A_534 = arith.index_cast %add3A_533 : i32 to index
        %get3A_535 = arith.constant 0 : index
        %get3A_536 = tpu.vector_load %arg7[%get3A_534, %get3A_535] {strides = array<i32>} : memref<200x32xf32, #tpu.memory_space<vmem>>, vector<1x16xf32>,
        %get3A_537 = vector.shape_cast %get3A_536 : vector<1x16xf32> to vector<16xf32>
        %add3A_538 = arith.addf %add3A_510, %get3A_537 : vector<16xf32>
        %get3A_539 = arith.index_cast %add3A_533 : i32 to index
        %get3A_540 = arith.constant 16 : index
        %get3A_541 = tpu.vector_load %arg7[%get3A_539, %get3A_540] {strides = array<i32>} : memref<200x32xf32, #tpu.memory_space<vmem>>, vector<1x16xf32>,
        %get3A_542 = vector.shape_cast %get3A_541 : vector<1x16xf32> to vector<16xf32>
        %add3A_543 = arith.addf %add3A_515, %get3A_542 : vector<16xf32>
        scf.yield %add3A_538, %add3A_543, %add3A_524, %add3A_529 : vector<16xf32>, vector<16xf32>, vector<16xf32>, vector<16xf32>
      }
      %scan3A_170 = arith.constant 8 : i32
      %add3A_171 = arith.addf %scan3A_169#0, %scan3A_169#2 : vector<16xf32>
      %swap3A_172 = arith.index_cast %add3A_144 : i32 to index
      %swap3A_173 = arith.constant 0 : index
      %swap3A_174 = tpu.vector_load %arg8[%swap3A_172, %swap3A_173] {strides = array<i32>} : memref<256x32xf32, #tpu.memory_space<vmem>>, vector<1x16xf32>,
      %swap3A_175 = vector.shape_cast %swap3A_174 : vector<1x16xf32> to vector<16xf32>
      %swap3A_176 = vector.shape_cast %add3A_171 : vector<16xf32> to vector<1x16xf32>
      tpu.vector_store %arg8[%swap3A_172, %swap3A_173], %swap3A_176 {strides = array<i32>} : memref<256x32xf32, #tpu.memory_space<vmem>>, vector<1x16xf32>,
      %add3A_177 = arith.addf %scan3A_169#1, %scan3A_169#3 : vector<16xf32>
      %swap3A_178 = arith.index_cast %add3A_144 : i32 to index
      %swap3A_179 = arith.constant 16 : index
      %swap3A_180 = tpu.vector_load %arg8[%swap3A_178, %swap3A_179] {strides = array<i32>} : memref<256x32xf32, #tpu.memory_space<vmem>>, vector<1x16xf32>,
      %swap3A_181 = vector.shape_cast %swap3A_180 : vector<1x16xf32> to vector<16xf32>
      %swap3A_182 = vector.shape_cast %add3A_177 : vector<16xf32> to vector<1x16xf32>
      tpu.vector_store %arg8[%swap3A_178, %swap3A_179], %swap3A_182 {strides = array<i32>} : memref<256x32xf32, #tpu.memory_space<vmem>>, vector<1x16xf32>,
      %add3A_183 = arith.constant 2 : i32
      %add3A_184 = arith.addi %add3A_144, %add3A_183 : i32
      %lt3A_185 = arith.constant 256 : i32
      %lt3A_186 = arith.cmpi slt, %add3A_184, %lt3A_185 : i32
      %convert_element_type3A_187 = arith.extui %lt3A_186 : i1 to i32
      %cond3A_188 = arith.constant 0 : i32
      %cond3A_189 = arith.cmpi ne, %convert_element_type3A_187, %cond3A_188 : i32
      scf.if %cond3A_189 {
        %add3A_190 = arith.constant 2 : i32
        %add3A_191 = arith.addi %add3A_144, %add3A_190 : i32
        %dma_start3A_192 = arith.constant 0 : i32
        %dma_start3A_193 = arith.constant 0 : i32
        %dma_start3A_194 = tpu.memref_slice %arg7[%dma_start3A_192, %dma_start3A_193] : memref<200x32xf32, #tpu.memory_space<vmem>> -> memref<128x32xf32, #tpu.memory_space<vmem>>
        %dma_start3A_195 = arith.constant 0 : i32
        %dma_start3A_196 = tpu.memref_slice %arg5[%add3A_191, %dma_start3A_195] : memref<256x200xi32, #tpu.memory_space<vmem>> -> memref<1x128xi32, #tpu.memory_space<vmem>>
        %dma_start3A_197 = tpu.memref_squeeze %dma_start3A_196 : memref<1x128xi32, #tpu.memory_space<vmem>> -> memref<128xi32, #tpu.memory_space<vmem>>
        %dma_start3A_198 = arith.constant 0 : i32
        %dma_start3A_199 = arith.constant 0 : i32
        %dma_start3A_200 = tpu.memref_slice %arg3[%dma_start3A_198, %dma_start3A_199] : memref<1000000x32xf32, #tpu.memory_space<hbm>> -> memref<1000000x32xf32, #tpu.memory_space<hbm>>
        tpu.enqueue_indirect_dma source(%dma_start3A_200 : memref<1000000x32xf32, #tpu.memory_space<hbm>>) target(%dma_start3A_194 : memref<128x32xf32, #tpu.memory_space<vmem>>) offsets(%dma_start3A_197 : memref<128xi32, #tpu.memory_space<vmem>>) semaphore(%arg10 : memref<!tpu.dma_semaphore, #tpu.memory_space<semaphore_mem>>)
        %dma_start3A_201 = arith.constant 128 : i32
        %dma_start3A_202 = arith.constant 0 : i32
        %dma_start3A_203 = tpu.memref_slice %arg7[%dma_start3A_201, %dma_start3A_202] : memref<200x32xf32, #tpu.memory_space<vmem>> -> memref<72x32xf32, #tpu.memory_space<vmem>>
        %dma_start3A_204 = arith.constant 128 : i32
        %dma_start3A_205 = tpu.memref_slice %arg5[%add3A_191, %dma_start3A_204] : memref<256x200xi32, #tpu.memory_space<vmem>> -> memref<1x72xi32, #tpu.memory_space<vmem>>
        %dma_start3A_206 = tpu.memref_squeeze %dma_start3A_205 : memref<1x72xi32, #tpu.memory_space<vmem>> -> memref<72xi32, #tpu.memory_space<vmem>>
        %dma_start3A_207 = arith.constant 0 : i32
        %dma_start3A_208 = arith.constant 0 : i32
        %dma_start3A_209 = tpu.memref_slice %arg3[%dma_start3A_207, %dma_start3A_208] : memref<1000000x32xf32, #tpu.memory_space<hbm>> -> memref<1000000x32xf32, #tpu.memory_space<hbm>>
        tpu.enqueue_indirect_dma source(%dma_start3A_209 : memref<1000000x32xf32, #tpu.memory_space<hbm>>) target(%dma_start3A_203 : memref<72x32xf32, #tpu.memory_space<vmem>>) offsets(%dma_start3A_206 : memref<72xi32, #tpu.memory_space<vmem>>) semaphore(%arg10 : memref<!tpu.dma_semaphore, #tpu.memory_space<semaphore_mem>>)
      } else {
      }
    }
    %scan3A_96 = arith.constant 128 : i32
    "tpu.region"() ({
      %run_scoped3A = tpu.sem_alloc : memref<!tpu.dma_semaphore, #tpu.memory_space<semaphore_mem>>
      %dma_start3A_97 = arith.constant 0 : i32
      %dma_start3A_98 = tpu.memref_slice %arg4[%add3A_50, %dma_start3A_97] : memref<16384x32xf32, #tpu.memory_space<hbm>> -> memref<256x32xf32, #tpu.memory_space<hbm>>
      %dma_start3A_99 = arith.constant 0 : i32
      %dma_start3A_100 = tpu.memref_slice %arg4[%add3A_50, %dma_start3A_99] : memref<16384x32xf32, #tpu.memory_space<hbm>> -> memref<256x32xf32, #tpu.memory_space<hbm>>
      tpu.enqueue_dma source(%arg8 : memref<256x32xf32, #tpu.memory_space<vmem>>) target(%dma_start3A_100 : memref<256x32xf32, #tpu.memory_space<hbm>>) target_semaphore(%run_scoped3A : memref<!tpu.dma_semaphore, #tpu.memory_space<semaphore_mem>>)
      %dma_wait3A = arith.constant 0 : i32
      %dma_wait3A_101 = tpu.memref_slice %arg4[%add3A_50, %dma_wait3A] : memref<16384x32xf32, #tpu.memory_space<hbm>> -> memref<256x32xf32, #tpu.memory_space<hbm>>
      %dma_wait3A_102 = arith.constant 0 : i32
      %dma_wait3A_103 = tpu.memref_slice %arg4[%add3A_50, %dma_wait3A_102] : memref<16384x32xf32, #tpu.memory_space<hbm>> -> memref<256x32xf32, #tpu.memory_space<hbm>>
      tpu.wait_dma2 semaphore(%run_scoped3A : memref<!tpu.dma_semaphore, #tpu.memory_space<semaphore_mem>>) src(%arg8 : memref<256x32xf32, #tpu.memory_space<vmem>>) dst(%dma_wait3A_103 : memref<256x32xf32, #tpu.memory_space<hbm>>)
      tpu.yield
    }) : () -> ()
    return
  }
}

#map = affine_map<(d0, d1) -> (0, 0)>
#map1 = affine_map<(d0, d1) -> (0)>
module attributes {stable_mosaic.version = 14 : i64} {
  func.func @_tr_body(%arg0: i32, %arg1: i32, %arg2: memref<32x1000000xf32, #tpu.memory_space<hbm>>, %arg3: memref<32x128xf32, #tpu.memory_space<hbm>>, %arg4: memref<32000000xf32, #tpu.memory_space<hbm>>, %arg5: memref<32x512xf32, #tpu.memory_space<vmem>>, %arg6: memref<32x512xf32, #tpu.memory_space<vmem>>, %arg7: memref<16384xf32, #tpu.memory_space<vmem>>, %arg8: memref<16384xf32, #tpu.memory_space<vmem>>, %arg9: memref<16896xf32, #tpu.memory_space<vmem>>, %arg10: memref<32x128xf32, #tpu.memory_space<vmem>>, %arg11: memref<!tpu.dma_semaphore, #tpu.memory_space<semaphore_mem>>, %arg12: memref<!tpu.dma_semaphore, #tpu.memory_space<semaphore_mem>>, %arg13: memref<!tpu.dma_semaphore, #tpu.memory_space<semaphore_mem>>, %arg14: memref<!tpu.dma_semaphore, #tpu.memory_space<semaphore_mem>>) attributes {dimension_semantics = [#tpu.dimension_semantics<core_parallel>, #tpu.dimension_semantics<subcore_parallel>], iteration_bounds = array<i64: 2, 16>, scalar_prefetch = 0 : i64, scratch_operands = 10 : i64, tpu.core_type = #tpu.core_type<sc_vector_subcore>, window_params = [{transform_indices = #map}, {transform_indices = #map}, {transform_indices = #map1}]} {
    %iota3A = tpu.iota {dimensions = array<i32: 0>} : vector<16xi32>
    %eq3A = arith.constant 0 : i32
    %eq3A_0 = arith.cmpi eq, %arg0, %eq3A : i32
    %jit3A = arith.constant 0 : i32
    %jit3A_1 = arith.constant 499968 : i32
    %select_n3A = arith.select %eq3A_0, %jit3A, %jit3A_1 : i32
    %eq3A_2 = arith.constant 0 : i32
    %eq3A_3 = arith.cmpi eq, %arg0, %eq3A_2 : i32
    %jit3A_4 = arith.constant 499968 : i32
    %jit3A_5 = arith.constant 999936 : i32
    %select_n3A_6 = arith.select %eq3A_3, %jit3A_4, %jit3A_5 : i32
    %sub3A = arith.subi %select_n3A_6, %select_n3A : i32
    %mul3A = arith.muli %arg1, %sub3A : i32
    %jit3A_7 = arith.constant 2048 : i32
    %div3A = arith.divsi %mul3A, %jit3A_7 : i32
    %sign3A = arith.constant 0 : i32
    %sign3A_8 = arith.cmpi sgt, %mul3A, %sign3A : i32
    %sign3A_9 = arith.extui %sign3A_8 : i1 to i32
    %sign3A_10 = arith.constant 0 : i32
    %sign3A_11 = arith.cmpi slt, %mul3A, %sign3A_10 : i32
    %sign3A_12 = arith.extui %sign3A_11 : i1 to i32
    %sign3A_13 = arith.subi %sign3A_9, %sign3A_12 : i32
    %sign3A_14 = arith.constant 0 : i32
    %sign3A_15 = arith.cmpi sgt, %jit3A_7, %sign3A_14 : i32
    %sign3A_16 = arith.extui %sign3A_15 : i1 to i32
    %sign3A_17 = arith.constant 0 : i32
    %sign3A_18 = arith.cmpi slt, %jit3A_7, %sign3A_17 : i32
    %sign3A_19 = arith.extui %sign3A_18 : i1 to i32
    %sign3A_20 = arith.subi %sign3A_16, %sign3A_19 : i32
    %ne3A = arith.cmpi ne, %sign3A_13, %sign3A_20 : i32
    %rem3A = arith.remsi %mul3A, %jit3A_7 : i32
    %ne3A_21 = arith.constant 0 : i32
    %ne3A_22 = arith.cmpi ne, %rem3A, %ne3A_21 : i32
    %and3A = arith.andi %ne3A, %ne3A_22 : i1
    %sub3A_23 = arith.constant 1 : i32
    %sub3A_24 = arith.subi %div3A, %sub3A_23 : i32
    %select_n3A_25 = arith.select %and3A, %sub3A_24, %div3A : i32
    %mul3A_26 = arith.constant 128 : i32
    %mul3A_27 = arith.muli %select_n3A_25, %mul3A_26 : i32
    %add3A = arith.addi %select_n3A, %mul3A_27 : i32
    %sub3A_28 = arith.constant 512 : i32
    %sub3A_29 = arith.subi %select_n3A_6, %sub3A_28 : i32
    %add3A_30 = arith.constant 0 : i32
    %add3A_31 = arith.addi %add3A, %add3A_30 : i32
    %min3A = arith.minsi %add3A_31, %sub3A_29 : i32
    %dma_start3A = arith.constant 0 : i32
    %dma_start3A_32 = tpu.memref_slice %arg2[%dma_start3A, %min3A] : memref<32x1000000xf32, #tpu.memory_space<hbm>> -> memref<32x512xf32, #tpu.memory_space<hbm>>
    %dma_start3A_33 = arith.constant 0 : i32
    %dma_start3A_34 = tpu.memref_slice %arg2[%dma_start3A_33, %min3A] : memref<32x1000000xf32, #tpu.memory_space<hbm>> -> memref<32x512xf32, #tpu.memory_space<hbm>>
    tpu.enqueue_dma source(%dma_start3A_34 : memref<32x512xf32, #tpu.memory_space<hbm>>) target(%arg5 : memref<32x512xf32, #tpu.memory_space<vmem>>) target_semaphore(%arg11 : memref<!tpu.dma_semaphore, #tpu.memory_space<semaphore_mem>>)
    %add3A_35 = arith.constant 512 : i32
    %add3A_36 = arith.addi %add3A, %add3A_35 : i32
    %min3A_37 = arith.minsi %add3A_36, %sub3A_29 : i32
    %dma_start3A_38 = arith.constant 0 : i32
    %dma_start3A_39 = tpu.memref_slice %arg2[%dma_start3A_38, %min3A_37] : memref<32x1000000xf32, #tpu.memory_space<hbm>> -> memref<32x512xf32, #tpu.memory_space<hbm>>
    %dma_start3A_40 = arith.constant 0 : i32
    %dma_start3A_41 = tpu.memref_slice %arg2[%dma_start3A_40, %min3A_37] : memref<32x1000000xf32, #tpu.memory_space<hbm>> -> memref<32x512xf32, #tpu.memory_space<hbm>>
    tpu.enqueue_dma source(%dma_start3A_41 : memref<32x512xf32, #tpu.memory_space<hbm>>) target(%arg6 : memref<32x512xf32, #tpu.memory_space<vmem>>) target_semaphore(%arg12 : memref<!tpu.dma_semaphore, #tpu.memory_space<semaphore_mem>>)
    %scan3A = arith.constant 0 : i32
    %scan3A_42 = arith.constant 0 : i32
    %scan3A_43 = arith.constant 31 : i32
    %scan3A_44 = arith.addi %scan3A_42, %scan3A_43 : i32
    %scan3A_45 = arith.constant 1 : i32
    scf.for %scan3A_66 = %scan3A_42 to %scan3A_44 step %scan3A_45  : i32 {
      %mul3A_67 = arith.constant 2 : i32
      %mul3A_68 = arith.muli %mul3A_67, %scan3A_66 : i32
      %add3A_69 = arith.constant 0 : i32
      %add3A_70 = arith.addi %mul3A_68, %add3A_69 : i32
      %mul3A_71 = arith.constant 512 : i32
      %mul3A_72 = arith.muli %mul3A_71, %add3A_70 : i32
      %add3A_73 = arith.addi %add3A, %mul3A_72 : i32
      %min3A_74 = arith.minsi %add3A_73, %sub3A_29 : i32
      %dma_wait3A_75 = arith.constant 0 : i32
      %dma_wait3A_76 = tpu.memref_slice %arg2[%dma_wait3A_75, %min3A_74] : memref<32x1000000xf32, #tpu.memory_space<hbm>> -> memref<32x512xf32, #tpu.memory_space<hbm>>
      %dma_wait3A_77 = arith.constant 0 : i32
      %dma_wait3A_78 = tpu.memref_slice %arg2[%dma_wait3A_77, %min3A_74] : memref<32x1000000xf32, #tpu.memory_space<hbm>> -> memref<32x512xf32, #tpu.memory_space<hbm>>
      tpu.wait_dma2 semaphore(%arg11 : memref<!tpu.dma_semaphore, #tpu.memory_space<semaphore_mem>>) src(%dma_wait3A_78 : memref<32x512xf32, #tpu.memory_space<hbm>>) dst(%arg5 : memref<32x512xf32, #tpu.memory_space<vmem>>)
      %ge3A = arith.constant 2 : i32
      %ge3A_79 = arith.cmpi sge, %add3A_70, %ge3A : i32
      %convert_element_type3A_80 = arith.extui %ge3A_79 : i1 to i32
      %cond3A_81 = arith.constant 0 : i32
      %cond3A_82 = arith.cmpi ne, %convert_element_type3A_80, %cond3A_81 : i32
      scf.if %cond3A_82 {
        %sub3A_153 = arith.constant 2 : i32
        %sub3A_154 = arith.subi %add3A_70, %sub3A_153 : i32
        %mul3A_155 = arith.constant 512 : i32
        %mul3A_156 = arith.muli %mul3A_155, %sub3A_154 : i32
        %add3A_157 = arith.addi %add3A, %mul3A_156 : i32
        %min3A_158 = arith.minsi %add3A_157, %sub3A_29 : i32
        %mul3A_159 = arith.constant 32 : i32
        %mul3A_160 = arith.muli %min3A_158, %mul3A_159 : i32
        %dma_wait3A_161 = tpu.memref_slice %arg4[%mul3A_160] : memref<32000000xf32, #tpu.memory_space<hbm>> -> memref<16384xf32, #tpu.memory_space<hbm>>
        %dma_wait3A_162 = tpu.memref_slice %arg4[%mul3A_160] : memref<32000000xf32, #tpu.memory_space<hbm>> -> memref<16384xf32, #tpu.memory_space<hbm>>
        tpu.wait_dma2 semaphore(%arg13 : memref<!tpu.dma_semaphore, #tpu.memory_space<semaphore_mem>>) src(%arg7 : memref<16384xf32, #tpu.memory_space<vmem>>) dst(%dma_wait3A_162 : memref<16384xf32, #tpu.memory_space<hbm>>)
      } else {
      }
      %scan3A_83 = arith.constant 0 : i32
      %scan3A_84 = arith.constant 0 : i32
      %scan3A_85 = arith.constant 32 : i32
      %scan3A_86 = arith.addi %scan3A_84, %scan3A_85 : i32
      %scan3A_87 = arith.constant 1 : i32
      scf.for %scan3A_153 = %scan3A_84 to %scan3A_86 step %scan3A_87  : i32 {
        %mul3A_154 = arith.constant 528 : i32
        %mul3A_155 = arith.muli %mul3A_154, %scan3A_153 : i32
        %mul3A_156 = arith.constant 16 : i32
        %mul3A_157 = arith.muli %mul3A_156, %scan3A_153 : i32
        %get3A = arith.constant 0 : i32
        %get3A_158 = arith.index_cast %get3A : i32 to index
        %get3A_159 = arith.index_cast %mul3A_157 : i32 to index
        %get3A_160 = tpu.vector_load %arg5[%get3A_158, %get3A_159] {strides = array<i32>} : memref<32x512xf32, #tpu.memory_space<vmem>>, vector<16xf32>,
        %mul3A_161 = arith.constant 16 : i32
        %mul3A_162 = arith.muli %mul3A_161, %scan3A_153 : i32
        %get3A_163 = arith.constant 1 : i32
        %get3A_164 = arith.index_cast %get3A_163 : i32 to index
        %get3A_165 = arith.index_cast %mul3A_162 : i32 to index
        %get3A_166 = tpu.vector_load %arg5[%get3A_164, %get3A_165] {strides = array<i32>} : memref<32x512xf32, #tpu.memory_space<vmem>>, vector<16xf32>,
        %mul3A_167 = arith.constant 16 : i32
        %mul3A_168 = arith.muli %mul3A_167, %scan3A_153 : i32
        %get3A_169 = arith.constant 2 : i32
        %get3A_170 = arith.index_cast %get3A_169 : i32 to index
        %get3A_171 = arith.index_cast %mul3A_168 : i32 to index
        %get3A_172 = tpu.vector_load %arg5[%get3A_170, %get3A_171] {strides = array<i32>} : memref<32x512xf32, #tpu.memory_space<vmem>>, vector<16xf32>,
        %mul3A_173 = arith.constant 16 : i32
        %mul3A_174 = arith.muli %mul3A_173, %scan3A_153 : i32
        %get3A_175 = arith.constant 3 : i32
        %get3A_176 = arith.index_cast %get3A_175 : i32 to index
        %get3A_177 = arith.index_cast %mul3A_174 : i32 to index
        %get3A_178 = tpu.vector_load %arg5[%get3A_176, %get3A_177] {strides = array<i32>} : memref<32x512xf32, #tpu.memory_space<vmem>>, vector<16xf32>,
        %mul3A_179 = arith.constant 16 : i32
        %mul3A_180 = arith.muli %mul3A_179, %scan3A_153 : i32
        %get3A_181 = arith.constant 4 : i32
        %get3A_182 = arith.index_cast %get3A_181 : i32 to index
        %get3A_183 = arith.index_cast %mul3A_180 : i32 to index
        %get3A_184 = tpu.vector_load %arg5[%get3A_182, %get3A_183] {strides = array<i32>} : memref<32x512xf32, #tpu.memory_space<vmem>>, vector<16xf32>,
        %mul3A_185 = arith.constant 16 : i32
        %mul3A_186 = arith.muli %mul3A_185, %scan3A_153 : i32
        %get3A_187 = arith.constant 5 : i32
        %get3A_188 = arith.index_cast %get3A_187 : i32 to index
        %get3A_189 = arith.index_cast %mul3A_186 : i32 to index
        %get3A_190 = tpu.vector_load %arg5[%get3A_188, %get3A_189] {strides = array<i32>} : memref<32x512xf32, #tpu.memory_space<vmem>>, vector<16xf32>,
        %mul3A_191 = arith.constant 16 : i32
        %mul3A_192 = arith.muli %mul3A_191, %scan3A_153 : i32
        %get3A_193 = arith.constant 6 : i32
        %get3A_194 = arith.index_cast %get3A_193 : i32 to index
        %get3A_195 = arith.index_cast %mul3A_192 : i32 to index
        %get3A_196 = tpu.vector_load %arg5[%get3A_194, %get3A_195] {strides = array<i32>} : memref<32x512xf32, #tpu.memory_space<vmem>>, vector<16xf32>,
        %mul3A_197 = arith.constant 16 : i32
        %mul3A_198 = arith.muli %mul3A_197, %scan3A_153 : i32
        %get3A_199 = arith.constant 7 : i32
        %get3A_200 = arith.index_cast %get3A_199 : i32 to index
        %get3A_201 = arith.index_cast %mul3A_198 : i32 to index
        %get3A_202 = tpu.vector_load %arg5[%get3A_200, %get3A_201] {strides = array<i32>} : memref<32x512xf32, #tpu.memory_space<vmem>>, vector<16xf32>,
        %mul3A_203 = arith.constant 33 : i32
        %mul3A_204 = vector.broadcast %mul3A_203 : i32 to vector<16xi32>
        %mul3A_205 = arith.muli %mul3A_204, %iota3A : vector<16xi32>
        %add3A_206 = arith.constant 0 : i32
        %add3A_207 = arith.addi %mul3A_155, %add3A_206 : i32
        %add3A_208 = arith.constant 0 : i32
        %add3A_209 = arith.addi %add3A_207, %add3A_208 : i32
        %add3A_210 = vector.broadcast %add3A_209 : i32 to vector<16xi32>
        %add3A_211 = arith.addi %mul3A_205, %add3A_210 : vector<16xi32>
        tpu.vector_store_idx %arg9[%add3A_211], %get3A_160 : memref<16896xf32, #tpu.memory_space<vmem>>[vector<16xi32>], vector<16xf32>,
        %mul3A_212 = arith.constant 33 : i32
        %mul3A_213 = vector.broadcast %mul3A_212 : i32 to vector<16xi32>
        %mul3A_214 = arith.muli %mul3A_213, %iota3A : vector<16xi32>
        %add3A_215 = arith.constant 0 : i32
        %add3A_216 = arith.addi %mul3A_155, %add3A_215 : i32
        %add3A_217 = arith.constant 1 : i32
        %add3A_218 = arith.addi %add3A_216, %add3A_217 : i32
        %add3A_219 = vector.broadcast %add3A_218 : i32 to vector<16xi32>
        %add3A_220 = arith.addi %mul3A_214, %add3A_219 : vector<16xi32>
        tpu.vector_store_idx %arg9[%add3A_220], %get3A_166 : memref<16896xf32, #tpu.memory_space<vmem>>[vector<16xi32>], vector<16xf32>,
        %mul3A_221 = arith.constant 33 : i32
        %mul3A_222 = vector.broadcast %mul3A_221 : i32 to vector<16xi32>
        %mul3A_223 = arith.muli %mul3A_222, %iota3A : vector<16xi32>
        %add3A_224 = arith.constant 0 : i32
        %add3A_225 = arith.addi %mul3A_155, %add3A_224 : i32
        %add3A_226 = arith.constant 2 : i32
        %add3A_227 = arith.addi %add3A_225, %add3A_226 : i32
        %add3A_228 = vector.broadcast %add3A_227 : i32 to vector<16xi32>
        %add3A_229 = arith.addi %mul3A_223, %add3A_228 : vector<16xi32>
        tpu.vector_store_idx %arg9[%add3A_229], %get3A_172 : memref<16896xf32, #tpu.memory_space<vmem>>[vector<16xi32>], vector<16xf32>,
        %mul3A_230 = arith.constant 33 : i32
        %mul3A_231 = vector.broadcast %mul3A_230 : i32 to vector<16xi32>
        %mul3A_232 = arith.muli %mul3A_231, %iota3A : vector<16xi32>
        %add3A_233 = arith.constant 0 : i32
        %add3A_234 = arith.addi %mul3A_155, %add3A_233 : i32
        %add3A_235 = arith.constant 3 : i32
        %add3A_236 = arith.addi %add3A_234, %add3A_235 : i32
        %add3A_237 = vector.broadcast %add3A_236 : i32 to vector<16xi32>
        %add3A_238 = arith.addi %mul3A_232, %add3A_237 : vector<16xi32>
        tpu.vector_store_idx %arg9[%add3A_238], %get3A_178 : memref<16896xf32, #tpu.memory_space<vmem>>[vector<16xi32>], vector<16xf32>,
        %mul3A_239 = arith.constant 33 : i32
        %mul3A_240 = vector.broadcast %mul3A_239 : i32 to vector<16xi32>
        %mul3A_241 = arith.muli %mul3A_240, %iota3A : vector<16xi32>
        %add3A_242 = arith.constant 0 : i32
        %add3A_243 = arith.addi %mul3A_155, %add3A_242 : i32
        %add3A_244 = arith.constant 4 : i32
        %add3A_245 = arith.addi %add3A_243, %add3A_244 : i32
        %add3A_246 = vector.broadcast %add3A_245 : i32 to vector<16xi32>
        %add3A_247 = arith.addi %mul3A_241, %add3A_246 : vector<16xi32>
        tpu.vector_store_idx %arg9[%add3A_247], %get3A_184 : memref<16896xf32, #tpu.memory_space<vmem>>[vector<16xi32>], vector<16xf32>,
        %mul3A_248 = arith.constant 33 : i32
        %mul3A_249 = vector.broadcast %mul3A_248 : i32 to vector<16xi32>
        %mul3A_250 = arith.muli %mul3A_249, %iota3A : vector<16xi32>
        %add3A_251 = arith.constant 0 : i32
        %add3A_252 = arith.addi %mul3A_155, %add3A_251 : i32
        %add3A_253 = arith.constant 5 : i32
        %add3A_254 = arith.addi %add3A_252, %add3A_253 : i32
        %add3A_255 = vector.broadcast %add3A_254 : i32 to vector<16xi32>
        %add3A_256 = arith.addi %mul3A_250, %add3A_255 : vector<16xi32>
        tpu.vector_store_idx %arg9[%add3A_256], %get3A_190 : memref<16896xf32, #tpu.memory_space<vmem>>[vector<16xi32>], vector<16xf32>,
        %mul3A_257 = arith.constant 33 : i32
        %mul3A_258 = vector.broadcast %mul3A_257 : i32 to vector<16xi32>
        %mul3A_259 = arith.muli %mul3A_258, %iota3A : vector<16xi32>
        %add3A_260 = arith.constant 0 : i32
        %add3A_261 = arith.addi %mul3A_155, %add3A_260 : i32
        %add3A_262 = arith.constant 6 : i32
        %add3A_263 = arith.addi %add3A_261, %add3A_262 : i32
        %add3A_264 = vector.broadcast %add3A_263 : i32 to vector<16xi32>
        %add3A_265 = arith.addi %mul3A_259, %add3A_264 : vector<16xi32>
        tpu.vector_store_idx %arg9[%add3A_265], %get3A_196 : memref<16896xf32, #tpu.memory_space<vmem>>[vector<16xi32>], vector<16xf32>,
        %mul3A_266 = arith.constant 33 : i32
        %mul3A_267 = vector.broadcast %mul3A_266 : i32 to vector<16xi32>
        %mul3A_268 = arith.muli %mul3A_267, %iota3A : vector<16xi32>
        %add3A_269 = arith.constant 0 : i32
        %add3A_270 = arith.addi %mul3A_155, %add3A_269 : i32
        %add3A_271 = arith.constant 7 : i32
        %add3A_272 = arith.addi %add3A_270, %add3A_271 : i32
        %add3A_273 = vector.broadcast %add3A_272 : i32 to vector<16xi32>
        %add3A_274 = arith.addi %mul3A_268, %add3A_273 : vector<16xi32>
        tpu.vector_store_idx %arg9[%add3A_274], %get3A_202 : memref<16896xf32, #tpu.memory_space<vmem>>[vector<16xi32>], vector<16xf32>,
        %mul3A_275 = arith.constant 16 : i32
        %mul3A_276 = arith.muli %mul3A_275, %scan3A_153 : i32
        %get3A_277 = arith.constant 8 : i32
        %get3A_278 = arith.index_cast %get3A_277 : i32 to index
        %get3A_279 = arith.index_cast %mul3A_276 : i32 to index
        %get3A_280 = tpu.vector_load %arg5[%get3A_278, %get3A_279] {strides = array<i32>} : memref<32x512xf32, #tpu.memory_space<vmem>>, vector<16xf32>,
        %mul3A_281 = arith.constant 16 : i32
        %mul3A_282 = arith.muli %mul3A_281, %scan3A_153 : i32
        %get3A_283 = arith.constant 9 : i32
        %get3A_284 = arith.index_cast %get3A_283 : i32 to index
        %get3A_285 = arith.index_cast %mul3A_282 : i32 to index
        %get3A_286 = tpu.vector_load %arg5[%get3A_284, %get3A_285] {strides = array<i32>} : memref<32x512xf32, #tpu.memory_space<vmem>>, vector<16xf32>,
        %mul3A_287 = arith.constant 16 : i32
        %mul3A_288 = arith.muli %mul3A_287, %scan3A_153 : i32
        %get3A_289 = arith.constant 10 : i32
        %get3A_290 = arith.index_cast %get3A_289 : i32 to index
        %get3A_291 = arith.index_cast %mul3A_288 : i32 to index
        %get3A_292 = tpu.vector_load %arg5[%get3A_290, %get3A_291] {strides = array<i32>} : memref<32x512xf32, #tpu.memory_space<vmem>>, vector<16xf32>,
        %mul3A_293 = arith.constant 16 : i32
        %mul3A_294 = arith.muli %mul3A_293, %scan3A_153 : i32
        %get3A_295 = arith.constant 11 : i32
        %get3A_296 = arith.index_cast %get3A_295 : i32 to index
        %get3A_297 = arith.index_cast %mul3A_294 : i32 to index
        %get3A_298 = tpu.vector_load %arg5[%get3A_296, %get3A_297] {strides = array<i32>} : memref<32x512xf32, #tpu.memory_space<vmem>>, vector<16xf32>,
        %mul3A_299 = arith.constant 16 : i32
        %mul3A_300 = arith.muli %mul3A_299, %scan3A_153 : i32
        %get3A_301 = arith.constant 12 : i32
        %get3A_302 = arith.index_cast %get3A_301 : i32 to index
        %get3A_303 = arith.index_cast %mul3A_300 : i32 to index
        %get3A_304 = tpu.vector_load %arg5[%get3A_302, %get3A_303] {strides = array<i32>} : memref<32x512xf32, #tpu.memory_space<vmem>>, vector<16xf32>,
        %mul3A_305 = arith.constant 16 : i32
        %mul3A_306 = arith.muli %mul3A_305, %scan3A_153 : i32
        %get3A_307 = arith.constant 13 : i32
        %get3A_308 = arith.index_cast %get3A_307 : i32 to index
        %get3A_309 = arith.index_cast %mul3A_306 : i32 to index
        %get3A_310 = tpu.vector_load %arg5[%get3A_308, %get3A_309] {strides = array<i32>} : memref<32x512xf32, #tpu.memory_space<vmem>>, vector<16xf32>,
        %mul3A_311 = arith.constant 16 : i32
        %mul3A_312 = arith.muli %mul3A_311, %scan3A_153 : i32
        %get3A_313 = arith.constant 14 : i32
        %get3A_314 = arith.index_cast %get3A_313 : i32 to index
        %get3A_315 = arith.index_cast %mul3A_312 : i32 to index
        %get3A_316 = tpu.vector_load %arg5[%get3A_314, %get3A_315] {strides = array<i32>} : memref<32x512xf32, #tpu.memory_space<vmem>>, vector<16xf32>,
        %mul3A_317 = arith.constant 16 : i32
        %mul3A_318 = arith.muli %mul3A_317, %scan3A_153 : i32
        %get3A_319 = arith.constant 15 : i32
        %get3A_320 = arith.index_cast %get3A_319 : i32 to index
        %get3A_321 = arith.index_cast %mul3A_318 : i32 to index
        %get3A_322 = tpu.vector_load %arg5[%get3A_320, %get3A_321] {strides = array<i32>} : memref<32x512xf32, #tpu.memory_space<vmem>>, vector<16xf32>,
        %mul3A_323 = arith.constant 33 : i32
        %mul3A_324 = vector.broadcast %mul3A_323 : i32 to vector<16xi32>
        %mul3A_325 = arith.muli %mul3A_324, %iota3A : vector<16xi32>
        %add3A_326 = arith.constant 8 : i32
        %add3A_327 = arith.addi %mul3A_155, %add3A_326 : i32
        %add3A_328 = arith.constant 0 : i32
        %add3A_329 = arith.addi %add3A_327, %add3A_328 : i32
        %add3A_330 = vector.broadcast %add3A_329 : i32 to vector<16xi32>
        %add3A_331 = arith.addi %mul3A_325, %add3A_330 : vector<16xi32>
        tpu.vector_store_idx %arg9[%add3A_331], %get3A_280 : memref<16896xf32, #tpu.memory_space<vmem>>[vector<16xi32>], vector<16xf32>,
        %mul3A_332 = arith.constant 33 : i32
        %mul3A_333 = vector.broadcast %mul3A_332 : i32 to vector<16xi32>
        %mul3A_334 = arith.muli %mul3A_333, %iota3A : vector<16xi32>
        %add3A_335 = arith.constant 8 : i32
        %add3A_336 = arith.addi %mul3A_155, %add3A_335 : i32
        %add3A_337 = arith.constant 1 : i32
        %add3A_338 = arith.addi %add3A_336, %add3A_337 : i32
        %add3A_339 = vector.broadcast %add3A_338 : i32 to vector<16xi32>
        %add3A_340 = arith.addi %mul3A_334, %add3A_339 : vector<16xi32>
        tpu.vector_store_idx %arg9[%add3A_340], %get3A_286 : memref<16896xf32, #tpu.memory_space<vmem>>[vector<16xi32>], vector<16xf32>,
        %mul3A_341 = arith.constant 33 : i32
        %mul3A_342 = vector.broadcast %mul3A_341 : i32 to vector<16xi32>
        %mul3A_343 = arith.muli %mul3A_342, %iota3A : vector<16xi32>
        %add3A_344 = arith.constant 8 : i32
        %add3A_345 = arith.addi %mul3A_155, %add3A_344 : i32
        %add3A_346 = arith.constant 2 : i32
        %add3A_347 = arith.addi %add3A_345, %add3A_346 : i32
        %add3A_348 = vector.broadcast %add3A_347 : i32 to vector<16xi32>
        %add3A_349 = arith.addi %mul3A_343, %add3A_348 : vector<16xi32>
        tpu.vector_store_idx %arg9[%add3A_349], %get3A_292 : memref<16896xf32, #tpu.memory_space<vmem>>[vector<16xi32>], vector<16xf32>,
        %mul3A_350 = arith.constant 33 : i32
        %mul3A_351 = vector.broadcast %mul3A_350 : i32 to vector<16xi32>
        %mul3A_352 = arith.muli %mul3A_351, %iota3A : vector<16xi32>
        %add3A_353 = arith.constant 8 : i32
        %add3A_354 = arith.addi %mul3A_155, %add3A_353 : i32
        %add3A_355 = arith.constant 3 : i32
        %add3A_356 = arith.addi %add3A_354, %add3A_355 : i32
        %add3A_357 = vector.broadcast %add3A_356 : i32 to vector<16xi32>
        %add3A_358 = arith.addi %mul3A_352, %add3A_357 : vector<16xi32>
        tpu.vector_store_idx %arg9[%add3A_358], %get3A_298 : memref<16896xf32, #tpu.memory_space<vmem>>[vector<16xi32>], vector<16xf32>,
        %mul3A_359 = arith.constant 33 : i32
        %mul3A_360 = vector.broadcast %mul3A_359 : i32 to vector<16xi32>
        %mul3A_361 = arith.muli %mul3A_360, %iota3A : vector<16xi32>
        %add3A_362 = arith.constant 8 : i32
        %add3A_363 = arith.addi %mul3A_155, %add3A_362 : i32
        %add3A_364 = arith.constant 4 : i32
        %add3A_365 = arith.addi %add3A_363, %add3A_364 : i32
        %add3A_366 = vector.broadcast %add3A_365 : i32 to vector<16xi32>
        %add3A_367 = arith.addi %mul3A_361, %add3A_366 : vector<16xi32>
        tpu.vector_store_idx %arg9[%add3A_367], %get3A_304 : memref<16896xf32, #tpu.memory_space<vmem>>[vector<16xi32>], vector<16xf32>,
        %mul3A_368 = arith.constant 33 : i32
        %mul3A_369 = vector.broadcast %mul3A_368 : i32 to vector<16xi32>
        %mul3A_370 = arith.muli %mul3A_369, %iota3A : vector<16xi32>
        %add3A_371 = arith.constant 8 : i32
        %add3A_372 = arith.addi %mul3A_155, %add3A_371 : i32
        %add3A_373 = arith.constant 5 : i32
        %add3A_374 = arith.addi %add3A_372, %add3A_373 : i32
        %add3A_375 = vector.broadcast %add3A_374 : i32 to vector<16xi32>
        %add3A_376 = arith.addi %mul3A_370, %add3A_375 : vector<16xi32>
        tpu.vector_store_idx %arg9[%add3A_376], %get3A_310 : memref<16896xf32, #tpu.memory_space<vmem>>[vector<16xi32>], vector<16xf32>,
        %mul3A_377 = arith.constant 33 : i32
        %mul3A_378 = vector.broadcast %mul3A_377 : i32 to vector<16xi32>
        %mul3A_379 = arith.muli %mul3A_378, %iota3A : vector<16xi32>
        %add3A_380 = arith.constant 8 : i32
        %add3A_381 = arith.addi %mul3A_155, %add3A_380 : i32
        %add3A_382 = arith.constant 6 : i32
        %add3A_383 = arith.addi %add3A_381, %add3A_382 : i32
        %add3A_384 = vector.broadcast %add3A_383 : i32 to vector<16xi32>
        %add3A_385 = arith.addi %mul3A_379, %add3A_384 : vector<16xi32>
        tpu.vector_store_idx %arg9[%add3A_385], %get3A_316 : memref<16896xf32, #tpu.memory_space<vmem>>[vector<16xi32>], vector<16xf32>,
        %mul3A_386 = arith.constant 33 : i32
        %mul3A_387 = vector.broadcast %mul3A_386 : i32 to vector<16xi32>
        %mul3A_388 = arith.muli %mul3A_387, %iota3A : vector<16xi32>
        %add3A_389 = arith.constant 8 : i32
        %add3A_390 = arith.addi %mul3A_155, %add3A_389 : i32
        %add3A_391 = arith.constant 7 : i32
        %add3A_392 = arith.addi %add3A_390, %add3A_391 : i32
        %add3A_393 = vector.broadcast %add3A_392 : i32 to vector<16xi32>
        %add3A_394 = arith.addi %mul3A_388, %add3A_393 : vector<16xi32>
        tpu.vector_store_idx %arg9[%add3A_394], %get3A_322 : memref<16896xf32, #tpu.memory_space<vmem>>[vector<16xi32>], vector<16xf32>,
        %mul3A_395 = arith.constant 16 : i32
        %mul3A_396 = arith.muli %mul3A_395, %scan3A_153 : i32
        %get3A_397 = arith.constant 16 : i32
        %get3A_398 = arith.index_cast %get3A_397 : i32 to index
        %get3A_399 = arith.index_cast %mul3A_396 : i32 to index
        %get3A_400 = tpu.vector_load %arg5[%get3A_398, %get3A_399] {strides = array<i32>} : memref<32x512xf32, #tpu.memory_space<vmem>>, vector<16xf32>,
        %mul3A_401 = arith.constant 16 : i32
        %mul3A_402 = arith.muli %mul3A_401, %scan3A_153 : i32
        %get3A_403 = arith.constant 17 : i32
        %get3A_404 = arith.index_cast %get3A_403 : i32 to index
        %get3A_405 = arith.index_cast %mul3A_402 : i32 to index
        %get3A_406 = tpu.vector_load %arg5[%get3A_404, %get3A_405] {strides = array<i32>} : memref<32x512xf32, #tpu.memory_space<vmem>>, vector<16xf32>,
        %mul3A_407 = arith.constant 16 : i32
        %mul3A_408 = arith.muli %mul3A_407, %scan3A_153 : i32
        %get3A_409 = arith.constant 18 : i32
        %get3A_410 = arith.index_cast %get3A_409 : i32 to index
        %get3A_411 = arith.index_cast %mul3A_408 : i32 to index
        %get3A_412 = tpu.vector_load %arg5[%get3A_410, %get3A_411] {strides = array<i32>} : memref<32x512xf32, #tpu.memory_space<vmem>>, vector<16xf32>,
        %mul3A_413 = arith.constant 16 : i32
        %mul3A_414 = arith.muli %mul3A_413, %scan3A_153 : i32
        %get3A_415 = arith.constant 19 : i32
        %get3A_416 = arith.index_cast %get3A_415 : i32 to index
        %get3A_417 = arith.index_cast %mul3A_414 : i32 to index
        %get3A_418 = tpu.vector_load %arg5[%get3A_416, %get3A_417] {strides = array<i32>} : memref<32x512xf32, #tpu.memory_space<vmem>>, vector<16xf32>,
        %mul3A_419 = arith.constant 16 : i32
        %mul3A_420 = arith.muli %mul3A_419, %scan3A_153 : i32
        %get3A_421 = arith.constant 20 : i32
        %get3A_422 = arith.index_cast %get3A_421 : i32 to index
        %get3A_423 = arith.index_cast %mul3A_420 : i32 to index
        %get3A_424 = tpu.vector_load %arg5[%get3A_422, %get3A_423] {strides = array<i32>} : memref<32x512xf32, #tpu.memory_space<vmem>>, vector<16xf32>,
        %mul3A_425 = arith.constant 16 : i32
        %mul3A_426 = arith.muli %mul3A_425, %scan3A_153 : i32
        %get3A_427 = arith.constant 21 : i32
        %get3A_428 = arith.index_cast %get3A_427 : i32 to index
        %get3A_429 = arith.index_cast %mul3A_426 : i32 to index
        %get3A_430 = tpu.vector_load %arg5[%get3A_428, %get3A_429] {strides = array<i32>} : memref<32x512xf32, #tpu.memory_space<vmem>>, vector<16xf32>,
        %mul3A_431 = arith.constant 16 : i32
        %mul3A_432 = arith.muli %mul3A_431, %scan3A_153 : i32
        %get3A_433 = arith.constant 22 : i32
        %get3A_434 = arith.index_cast %get3A_433 : i32 to index
        %get3A_435 = arith.index_cast %mul3A_432 : i32 to index
        %get3A_436 = tpu.vector_load %arg5[%get3A_434, %get3A_435] {strides = array<i32>} : memref<32x512xf32, #tpu.memory_space<vmem>>, vector<16xf32>,
        %mul3A_437 = arith.constant 16 : i32
        %mul3A_438 = arith.muli %mul3A_437, %scan3A_153 : i32
        %get3A_439 = arith.constant 23 : i32
        %get3A_440 = arith.index_cast %get3A_439 : i32 to index
        %get3A_441 = arith.index_cast %mul3A_438 : i32 to index
        %get3A_442 = tpu.vector_load %arg5[%get3A_440, %get3A_441] {strides = array<i32>} : memref<32x512xf32, #tpu.memory_space<vmem>>, vector<16xf32>,
        %mul3A_443 = arith.constant 33 : i32
        %mul3A_444 = vector.broadcast %mul3A_443 : i32 to vector<16xi32>
        %mul3A_445 = arith.muli %mul3A_444, %iota3A : vector<16xi32>
        %add3A_446 = arith.constant 16 : i32
        %add3A_447 = arith.addi %mul3A_155, %add3A_446 : i32
        %add3A_448 = arith.constant 0 : i32
        %add3A_449 = arith.addi %add3A_447, %add3A_448 : i32
        %add3A_450 = vector.broadcast %add3A_449 : i32 to vector<16xi32>
        %add3A_451 = arith.addi %mul3A_445, %add3A_450 : vector<16xi32>
        tpu.vector_store_idx %arg9[%add3A_451], %get3A_400 : memref<16896xf32, #tpu.memory_space<vmem>>[vector<16xi32>], vector<16xf32>,
        %mul3A_452 = arith.constant 33 : i32
        %mul3A_453 = vector.broadcast %mul3A_452 : i32 to vector<16xi32>
        %mul3A_454 = arith.muli %mul3A_453, %iota3A : vector<16xi32>
        %add3A_455 = arith.constant 16 : i32
        %add3A_456 = arith.addi %mul3A_155, %add3A_455 : i32
        %add3A_457 = arith.constant 1 : i32
        %add3A_458 = arith.addi %add3A_456, %add3A_457 : i32
        %add3A_459 = vector.broadcast %add3A_458 : i32 to vector<16xi32>
        %add3A_460 = arith.addi %mul3A_454, %add3A_459 : vector<16xi32>
        tpu.vector_store_idx %arg9[%add3A_460], %get3A_406 : memref<16896xf32, #tpu.memory_space<vmem>>[vector<16xi32>], vector<16xf32>,
        %mul3A_461 = arith.constant 33 : i32
        %mul3A_462 = vector.broadcast %mul3A_461 : i32 to vector<16xi32>
        %mul3A_463 = arith.muli %mul3A_462, %iota3A : vector<16xi32>
        %add3A_464 = arith.constant 16 : i32
        %add3A_465 = arith.addi %mul3A_155, %add3A_464 : i32
        %add3A_466 = arith.constant 2 : i32
        %add3A_467 = arith.addi %add3A_465, %add3A_466 : i32
        %add3A_468 = vector.broadcast %add3A_467 : i32 to vector<16xi32>
        %add3A_469 = arith.addi %mul3A_463, %add3A_468 : vector<16xi32>
        tpu.vector_store_idx %arg9[%add3A_469], %get3A_412 : memref<16896xf32, #tpu.memory_space<vmem>>[vector<16xi32>], vector<16xf32>,
        %mul3A_470 = arith.constant 33 : i32
        %mul3A_471 = vector.broadcast %mul3A_470 : i32 to vector<16xi32>
        %mul3A_472 = arith.muli %mul3A_471, %iota3A : vector<16xi32>
        %add3A_473 = arith.constant 16 : i32
        %add3A_474 = arith.addi %mul3A_155, %add3A_473 : i32
        %add3A_475 = arith.constant 3 : i32
        %add3A_476 = arith.addi %add3A_474, %add3A_475 : i32
        %add3A_477 = vector.broadcast %add3A_476 : i32 to vector<16xi32>
        %add3A_478 = arith.addi %mul3A_472, %add3A_477 : vector<16xi32>
        tpu.vector_store_idx %arg9[%add3A_478], %get3A_418 : memref<16896xf32, #tpu.memory_space<vmem>>[vector<16xi32>], vector<16xf32>,
        %mul3A_479 = arith.constant 33 : i32
        %mul3A_480 = vector.broadcast %mul3A_479 : i32 to vector<16xi32>
        %mul3A_481 = arith.muli %mul3A_480, %iota3A : vector<16xi32>
        %add3A_482 = arith.constant 16 : i32
        %add3A_483 = arith.addi %mul3A_155, %add3A_482 : i32
        %add3A_484 = arith.constant 4 : i32
        %add3A_485 = arith.addi %add3A_483, %add3A_484 : i32
        %add3A_486 = vector.broadcast %add3A_485 : i32 to vector<16xi32>
        %add3A_487 = arith.addi %mul3A_481, %add3A_486 : vector<16xi32>
        tpu.vector_store_idx %arg9[%add3A_487], %get3A_424 : memref<16896xf32, #tpu.memory_space<vmem>>[vector<16xi32>], vector<16xf32>,
        %mul3A_488 = arith.constant 33 : i32
        %mul3A_489 = vector.broadcast %mul3A_488 : i32 to vector<16xi32>
        %mul3A_490 = arith.muli %mul3A_489, %iota3A : vector<16xi32>
        %add3A_491 = arith.constant 16 : i32
        %add3A_492 = arith.addi %mul3A_155, %add3A_491 : i32
        %add3A_493 = arith.constant 5 : i32
        %add3A_494 = arith.addi %add3A_492, %add3A_493 : i32
        %add3A_495 = vector.broadcast %add3A_494 : i32 to vector<16xi32>
        %add3A_496 = arith.addi %mul3A_490, %add3A_495 : vector<16xi32>
        tpu.vector_store_idx %arg9[%add3A_496], %get3A_430 : memref<16896xf32, #tpu.memory_space<vmem>>[vector<16xi32>], vector<16xf32>,
        %mul3A_497 = arith.constant 33 : i32
        %mul3A_498 = vector.broadcast %mul3A_497 : i32 to vector<16xi32>
        %mul3A_499 = arith.muli %mul3A_498, %iota3A : vector<16xi32>
        %add3A_500 = arith.constant 16 : i32
        %add3A_501 = arith.addi %mul3A_155, %add3A_500 : i32
        %add3A_502 = arith.constant 6 : i32
        %add3A_503 = arith.addi %add3A_501, %add3A_502 : i32
        %add3A_504 = vector.broadcast %add3A_503 : i32 to vector<16xi32>
        %add3A_505 = arith.addi %mul3A_499, %add3A_504 : vector<16xi32>
        tpu.vector_store_idx %arg9[%add3A_505], %get3A_436 : memref<16896xf32, #tpu.memory_space<vmem>>[vector<16xi32>], vector<16xf32>,
        %mul3A_506 = arith.constant 33 : i32
        %mul3A_507 = vector.broadcast %mul3A_506 : i32 to vector<16xi32>
        %mul3A_508 = arith.muli %mul3A_507, %iota3A : vector<16xi32>
        %add3A_509 = arith.constant 16 : i32
        %add3A_510 = arith.addi %mul3A_155, %add3A_509 : i32
        %add3A_511 = arith.constant 7 : i32
        %add3A_512 = arith.addi %add3A_510, %add3A_511 : i32
        %add3A_513 = vector.broadcast %add3A_512 : i32 to vector<16xi32>
        %add3A_514 = arith.addi %mul3A_508, %add3A_513 : vector<16xi32>
        tpu.vector_store_idx %arg9[%add3A_514], %get3A_442 : memref<16896xf32, #tpu.memory_space<vmem>>[vector<16xi32>], vector<16xf32>,
        %mul3A_515 = arith.constant 16 : i32
        %mul3A_516 = arith.muli %mul3A_515, %scan3A_153 : i32
        %get3A_517 = arith.constant 24 : i32
        %get3A_518 = arith.index_cast %get3A_517 : i32 to index
        %get3A_519 = arith.index_cast %mul3A_516 : i32 to index
        %get3A_520 = tpu.vector_load %arg5[%get3A_518, %get3A_519] {strides = array<i32>} : memref<32x512xf32, #tpu.memory_space<vmem>>, vector<16xf32>,
        %mul3A_521 = arith.constant 16 : i32
        %mul3A_522 = arith.muli %mul3A_521, %scan3A_153 : i32
        %get3A_523 = arith.constant 25 : i32
        %get3A_524 = arith.index_cast %get3A_523 : i32 to index
        %get3A_525 = arith.index_cast %mul3A_522 : i32 to index
        %get3A_526 = tpu.vector_load %arg5[%get3A_524, %get3A_525] {strides = array<i32>} : memref<32x512xf32, #tpu.memory_space<vmem>>, vector<16xf32>,
        %mul3A_527 = arith.constant 16 : i32
        %mul3A_528 = arith.muli %mul3A_527, %scan3A_153 : i32
        %get3A_529 = arith.constant 26 : i32
        %get3A_530 = arith.index_cast %get3A_529 : i32 to index
        %get3A_531 = arith.index_cast %mul3A_528 : i32 to index
        %get3A_532 = tpu.vector_load %arg5[%get3A_530, %get3A_531] {strides = array<i32>} : memref<32x512xf32, #tpu.memory_space<vmem>>, vector<16xf32>,
        %mul3A_533 = arith.constant 16 : i32
        %mul3A_534 = arith.muli %mul3A_533, %scan3A_153 : i32
        %get3A_535 = arith.constant 27 : i32
        %get3A_536 = arith.index_cast %get3A_535 : i32 to index
        %get3A_537 = arith.index_cast %mul3A_534 : i32 to index
        %get3A_538 = tpu.vector_load %arg5[%get3A_536, %get3A_537] {strides = array<i32>} : memref<32x512xf32, #tpu.memory_space<vmem>>, vector<16xf32>,
        %mul3A_539 = arith.constant 16 : i32
        %mul3A_540 = arith.muli %mul3A_539, %scan3A_153 : i32
        %get3A_541 = arith.constant 28 : i32
        %get3A_542 = arith.index_cast %get3A_541 : i32 to index
        %get3A_543 = arith.index_cast %mul3A_540 : i32 to index
        %get3A_544 = tpu.vector_load %arg5[%get3A_542, %get3A_543] {strides = array<i32>} : memref<32x512xf32, #tpu.memory_space<vmem>>, vector<16xf32>,
        %mul3A_545 = arith.constant 16 : i32
        %mul3A_546 = arith.muli %mul3A_545, %scan3A_153 : i32
        %get3A_547 = arith.constant 29 : i32
        %get3A_548 = arith.index_cast %get3A_547 : i32 to index
        %get3A_549 = arith.index_cast %mul3A_546 : i32 to index
        %get3A_550 = tpu.vector_load %arg5[%get3A_548, %get3A_549] {strides = array<i32>} : memref<32x512xf32, #tpu.memory_space<vmem>>, vector<16xf32>,
        %mul3A_551 = arith.constant 16 : i32
        %mul3A_552 = arith.muli %mul3A_551, %scan3A_153 : i32
        %get3A_553 = arith.constant 30 : i32
        %get3A_554 = arith.index_cast %get3A_553 : i32 to index
        %get3A_555 = arith.index_cast %mul3A_552 : i32 to index
        %get3A_556 = tpu.vector_load %arg5[%get3A_554, %get3A_555] {strides = array<i32>} : memref<32x512xf32, #tpu.memory_space<vmem>>, vector<16xf32>,
        %mul3A_557 = arith.constant 16 : i32
        %mul3A_558 = arith.muli %mul3A_557, %scan3A_153 : i32
        %get3A_559 = arith.constant 31 : i32
        %get3A_560 = arith.index_cast %get3A_559 : i32 to index
        %get3A_561 = arith.index_cast %mul3A_558 : i32 to index
        %get3A_562 = tpu.vector_load %arg5[%get3A_560, %get3A_561] {strides = array<i32>} : memref<32x512xf32, #tpu.memory_space<vmem>>, vector<16xf32>,
        %mul3A_563 = arith.constant 33 : i32
        %mul3A_564 = vector.broadcast %mul3A_563 : i32 to vector<16xi32>
        %mul3A_565 = arith.muli %mul3A_564, %iota3A : vector<16xi32>
        %add3A_566 = arith.constant 24 : i32
        %add3A_567 = arith.addi %mul3A_155, %add3A_566 : i32
        %add3A_568 = arith.constant 0 : i32
        %add3A_569 = arith.addi %add3A_567, %add3A_568 : i32
        %add3A_570 = vector.broadcast %add3A_569 : i32 to vector<16xi32>
        %add3A_571 = arith.addi %mul3A_565, %add3A_570 : vector<16xi32>
        tpu.vector_store_idx %arg9[%add3A_571], %get3A_520 : memref<16896xf32, #tpu.memory_space<vmem>>[vector<16xi32>], vector<16xf32>,
        %mul3A_572 = arith.constant 33 : i32
        %mul3A_573 = vector.broadcast %mul3A_572 : i32 to vector<16xi32>
        %mul3A_574 = arith.muli %mul3A_573, %iota3A : vector<16xi32>
        %add3A_575 = arith.constant 24 : i32
        %add3A_576 = arith.addi %mul3A_155, %add3A_575 : i32
        %add3A_577 = arith.constant 1 : i32
        %add3A_578 = arith.addi %add3A_576, %add3A_577 : i32
        %add3A_579 = vector.broadcast %add3A_578 : i32 to vector<16xi32>
        %add3A_580 = arith.addi %mul3A_574, %add3A_579 : vector<16xi32>
        tpu.vector_store_idx %arg9[%add3A_580], %get3A_526 : memref<16896xf32, #tpu.memory_space<vmem>>[vector<16xi32>], vector<16xf32>,
        %mul3A_581 = arith.constant 33 : i32
        %mul3A_582 = vector.broadcast %mul3A_581 : i32 to vector<16xi32>
        %mul3A_583 = arith.muli %mul3A_582, %iota3A : vector<16xi32>
        %add3A_584 = arith.constant 24 : i32
        %add3A_585 = arith.addi %mul3A_155, %add3A_584 : i32
        %add3A_586 = arith.constant 2 : i32
        %add3A_587 = arith.addi %add3A_585, %add3A_586 : i32
        %add3A_588 = vector.broadcast %add3A_587 : i32 to vector<16xi32>
        %add3A_589 = arith.addi %mul3A_583, %add3A_588 : vector<16xi32>
        tpu.vector_store_idx %arg9[%add3A_589], %get3A_532 : memref<16896xf32, #tpu.memory_space<vmem>>[vector<16xi32>], vector<16xf32>,
        %mul3A_590 = arith.constant 33 : i32
        %mul3A_591 = vector.broadcast %mul3A_590 : i32 to vector<16xi32>
        %mul3A_592 = arith.muli %mul3A_591, %iota3A : vector<16xi32>
        %add3A_593 = arith.constant 24 : i32
        %add3A_594 = arith.addi %mul3A_155, %add3A_593 : i32
        %add3A_595 = arith.constant 3 : i32
        %add3A_596 = arith.addi %add3A_594, %add3A_595 : i32
        %add3A_597 = vector.broadcast %add3A_596 : i32 to vector<16xi32>
        %add3A_598 = arith.addi %mul3A_592, %add3A_597 : vector<16xi32>
        tpu.vector_store_idx %arg9[%add3A_598], %get3A_538 : memref<16896xf32, #tpu.memory_space<vmem>>[vector<16xi32>], vector<16xf32>,
        %mul3A_599 = arith.constant 33 : i32
        %mul3A_600 = vector.broadcast %mul3A_599 : i32 to vector<16xi32>
        %mul3A_601 = arith.muli %mul3A_600, %iota3A : vector<16xi32>
        %add3A_602 = arith.constant 24 : i32
        %add3A_603 = arith.addi %mul3A_155, %add3A_602 : i32
        %add3A_604 = arith.constant 4 : i32
        %add3A_605 = arith.addi %add3A_603, %add3A_604 : i32
        %add3A_606 = vector.broadcast %add3A_605 : i32 to vector<16xi32>
        %add3A_607 = arith.addi %mul3A_601, %add3A_606 : vector<16xi32>
        tpu.vector_store_idx %arg9[%add3A_607], %get3A_544 : memref<16896xf32, #tpu.memory_space<vmem>>[vector<16xi32>], vector<16xf32>,
        %mul3A_608 = arith.constant 33 : i32
        %mul3A_609 = vector.broadcast %mul3A_608 : i32 to vector<16xi32>
        %mul3A_610 = arith.muli %mul3A_609, %iota3A : vector<16xi32>
        %add3A_611 = arith.constant 24 : i32
        %add3A_612 = arith.addi %mul3A_155, %add3A_611 : i32
        %add3A_613 = arith.constant 5 : i32
        %add3A_614 = arith.addi %add3A_612, %add3A_613 : i32
        %add3A_615 = vector.broadcast %add3A_614 : i32 to vector<16xi32>
        %add3A_616 = arith.addi %mul3A_610, %add3A_615 : vector<16xi32>
        tpu.vector_store_idx %arg9[%add3A_616], %get3A_550 : memref<16896xf32, #tpu.memory_space<vmem>>[vector<16xi32>], vector<16xf32>,
        %mul3A_617 = arith.constant 33 : i32
        %mul3A_618 = vector.broadcast %mul3A_617 : i32 to vector<16xi32>
        %mul3A_619 = arith.muli %mul3A_618, %iota3A : vector<16xi32>
        %add3A_620 = arith.constant 24 : i32
        %add3A_621 = arith.addi %mul3A_155, %add3A_620 : i32
        %add3A_622 = arith.constant 6 : i32
        %add3A_623 = arith.addi %add3A_621, %add3A_622 : i32
        %add3A_624 = vector.broadcast %add3A_623 : i32 to vector<16xi32>
        %add3A_625 = arith.addi %mul3A_619, %add3A_624 : vector<16xi32>
        tpu.vector_store_idx %arg9[%add3A_625], %get3A_556 : memref<16896xf32, #tpu.memory_space<vmem>>[vector<16xi32>], vector<16xf32>,
        %mul3A_626 = arith.constant 33 : i32
        %mul3A_627 = vector.broadcast %mul3A_626 : i32 to vector<16xi32>
        %mul3A_628 = arith.muli %mul3A_627, %iota3A : vector<16xi32>
        %add3A_629 = arith.constant 24 : i32
        %add3A_630 = arith.addi %mul3A_155, %add3A_629 : i32
        %add3A_631 = arith.constant 7 : i32
        %add3A_632 = arith.addi %add3A_630, %add3A_631 : i32
        %add3A_633 = vector.broadcast %add3A_632 : i32 to vector<16xi32>
        %add3A_634 = arith.addi %mul3A_628, %add3A_633 : vector<16xi32>
        tpu.vector_store_idx %arg9[%add3A_634], %get3A_562 : memref<16896xf32, #tpu.memory_space<vmem>>[vector<16xi32>], vector<16xf32>,
      }
      %scan3A_88 = arith.constant 32 : i32
      %scan3A_89 = arith.constant 0 : i32
      %scan3A_90 = arith.constant 0 : i32
      %scan3A_91 = arith.constant 128 : i32
      %scan3A_92 = arith.addi %scan3A_90, %scan3A_91 : i32
      %scan3A_93 = arith.constant 1 : i32
      scf.for %scan3A_153 = %scan3A_90 to %scan3A_92 step %scan3A_93  : i32 {
        %mul3A_154 = arith.constant 4 : i32
        %mul3A_155 = arith.muli %mul3A_154, %scan3A_153 : i32
        %add3A_156 = arith.constant 0 : i32
        %add3A_157 = arith.addi %mul3A_155, %add3A_156 : i32
        %mul3A_158 = arith.constant 33 : i32
        %mul3A_159 = arith.muli %mul3A_158, %add3A_157 : i32
        %add3A_160 = vector.broadcast %mul3A_159 : i32 to vector<16xi32>
        %add3A_161 = arith.addi %add3A_160, %iota3A : vector<16xi32>
        %gather3A = tpu.vector_load_idx %arg9[%add3A_161] : memref<16896xf32, #tpu.memory_space<vmem>>[vector<16xi32>], vector<16xf32>,
        %mul3A_162 = arith.constant 33 : i32
        %mul3A_163 = arith.muli %mul3A_162, %add3A_157 : i32
        %add3A_164 = arith.constant 16 : i32
        %add3A_165 = arith.addi %mul3A_163, %add3A_164 : i32
        %add3A_166 = vector.broadcast %add3A_165 : i32 to vector<16xi32>
        %add3A_167 = arith.addi %add3A_166, %iota3A : vector<16xi32>
        %gather3A_168 = tpu.vector_load_idx %arg9[%add3A_167] : memref<16896xf32, #tpu.memory_space<vmem>>[vector<16xi32>], vector<16xf32>,
        %mul3A_169 = arith.constant 32 : i32
        %mul3A_170 = arith.muli %mul3A_169, %add3A_157 : i32
        %swap3A = arith.index_cast %mul3A_170 : i32 to index
        %swap3A_171 = tpu.vector_load %arg7[%swap3A] {strides = array<i32>} : memref<16384xf32, #tpu.memory_space<vmem>>, vector<16xf32>,
        tpu.vector_store %arg7[%swap3A], %gather3A {strides = array<i32>} : memref<16384xf32, #tpu.memory_space<vmem>>, vector<16xf32>,
        %mul3A_172 = arith.constant 32 : i32
        %mul3A_173 = arith.muli %mul3A_172, %add3A_157 : i32
        %add3A_174 = arith.constant 16 : i32
        %add3A_175 = arith.addi %mul3A_173, %add3A_174 : i32
        %swap3A_176 = arith.index_cast %add3A_175 : i32 to index
        %swap3A_177 = tpu.vector_load %arg7[%swap3A_176] {strides = array<i32>} : memref<16384xf32, #tpu.memory_space<vmem>>, vector<16xf32>,
        tpu.vector_store %arg7[%swap3A_176], %gather3A_168 {strides = array<i32>} : memref<16384xf32, #tpu.memory_space<vmem>>, vector<16xf32>,
        %mul3A_178 = arith.constant 4 : i32
        %mul3A_179 = arith.muli %mul3A_178, %scan3A_153 : i32
        %add3A_180 = arith.constant 1 : i32
        %add3A_181 = arith.addi %mul3A_179, %add3A_180 : i32
        %mul3A_182 = arith.constant 33 : i32
        %mul3A_183 = arith.muli %mul3A_182, %add3A_181 : i32
        %add3A_184 = vector.broadcast %mul3A_183 : i32 to vector<16xi32>
        %add3A_185 = arith.addi %add3A_184, %iota3A : vector<16xi32>
        %gather3A_186 = tpu.vector_load_idx %arg9[%add3A_185] : memref<16896xf32, #tpu.memory_space<vmem>>[vector<16xi32>], vector<16xf32>,
        %mul3A_187 = arith.constant 33 : i32
        %mul3A_188 = arith.muli %mul3A_187, %add3A_181 : i32
        %add3A_189 = arith.constant 16 : i32
        %add3A_190 = arith.addi %mul3A_188, %add3A_189 : i32
        %add3A_191 = vector.broadcast %add3A_190 : i32 to vector<16xi32>
        %add3A_192 = arith.addi %add3A_191, %iota3A : vector<16xi32>
        %gather3A_193 = tpu.vector_load_idx %arg9[%add3A_192] : memref<16896xf32, #tpu.memory_space<vmem>>[vector<16xi32>], vector<16xf32>,
        %mul3A_194 = arith.constant 32 : i32
        %mul3A_195 = arith.muli %mul3A_194, %add3A_181 : i32
        %swap3A_196 = arith.index_cast %mul3A_195 : i32 to index
        %swap3A_197 = tpu.vector_load %arg7[%swap3A_196] {strides = array<i32>} : memref<16384xf32, #tpu.memory_space<vmem>>, vector<16xf32>,
        tpu.vector_store %arg7[%swap3A_196], %gather3A_186 {strides = array<i32>} : memref<16384xf32, #tpu.memory_space<vmem>>, vector<16xf32>,
        %mul3A_198 = arith.constant 32 : i32
        %mul3A_199 = arith.muli %mul3A_198, %add3A_181 : i32
        %add3A_200 = arith.constant 16 : i32
        %add3A_201 = arith.addi %mul3A_199, %add3A_200 : i32
        %swap3A_202 = arith.index_cast %add3A_201 : i32 to index
        %swap3A_203 = tpu.vector_load %arg7[%swap3A_202] {strides = array<i32>} : memref<16384xf32, #tpu.memory_space<vmem>>, vector<16xf32>,
        tpu.vector_store %arg7[%swap3A_202], %gather3A_193 {strides = array<i32>} : memref<16384xf32, #tpu.memory_space<vmem>>, vector<16xf32>,
        %mul3A_204 = arith.constant 4 : i32
        %mul3A_205 = arith.muli %mul3A_204, %scan3A_153 : i32
        %add3A_206 = arith.constant 2 : i32
        %add3A_207 = arith.addi %mul3A_205, %add3A_206 : i32
        %mul3A_208 = arith.constant 33 : i32
        %mul3A_209 = arith.muli %mul3A_208, %add3A_207 : i32
        %add3A_210 = vector.broadcast %mul3A_209 : i32 to vector<16xi32>
        %add3A_211 = arith.addi %add3A_210, %iota3A : vector<16xi32>
        %gather3A_212 = tpu.vector_load_idx %arg9[%add3A_211] : memref<16896xf32, #tpu.memory_space<vmem>>[vector<16xi32>], vector<16xf32>,
        %mul3A_213 = arith.constant 33 : i32
        %mul3A_214 = arith.muli %mul3A_213, %add3A_207 : i32
        %add3A_215 = arith.constant 16 : i32
        %add3A_216 = arith.addi %mul3A_214, %add3A_215 : i32
        %add3A_217 = vector.broadcast %add3A_216 : i32 to vector<16xi32>
        %add3A_218 = arith.addi %add3A_217, %iota3A : vector<16xi32>
        %gather3A_219 = tpu.vector_load_idx %arg9[%add3A_218] : memref<16896xf32, #tpu.memory_space<vmem>>[vector<16xi32>], vector<16xf32>,
        %mul3A_220 = arith.constant 32 : i32
        %mul3A_221 = arith.muli %mul3A_220, %add3A_207 : i32
        %swap3A_222 = arith.index_cast %mul3A_221 : i32 to index
        %swap3A_223 = tpu.vector_load %arg7[%swap3A_222] {strides = array<i32>} : memref<16384xf32, #tpu.memory_space<vmem>>, vector<16xf32>,
        tpu.vector_store %arg7[%swap3A_222], %gather3A_212 {strides = array<i32>} : memref<16384xf32, #tpu.memory_space<vmem>>, vector<16xf32>,
        %mul3A_224 = arith.constant 32 : i32
        %mul3A_225 = arith.muli %mul3A_224, %add3A_207 : i32
        %add3A_226 = arith.constant 16 : i32
        %add3A_227 = arith.addi %mul3A_225, %add3A_226 : i32
        %swap3A_228 = arith.index_cast %add3A_227 : i32 to index
        %swap3A_229 = tpu.vector_load %arg7[%swap3A_228] {strides = array<i32>} : memref<16384xf32, #tpu.memory_space<vmem>>, vector<16xf32>,
        tpu.vector_store %arg7[%swap3A_228], %gather3A_219 {strides = array<i32>} : memref<16384xf32, #tpu.memory_space<vmem>>, vector<16xf32>,
        %mul3A_230 = arith.constant 4 : i32
        %mul3A_231 = arith.muli %mul3A_230, %scan3A_153 : i32
        %add3A_232 = arith.constant 3 : i32
        %add3A_233 = arith.addi %mul3A_231, %add3A_232 : i32
        %mul3A_234 = arith.constant 33 : i32
        %mul3A_235 = arith.muli %mul3A_234, %add3A_233 : i32
        %add3A_236 = vector.broadcast %mul3A_235 : i32 to vector<16xi32>
        %add3A_237 = arith.addi %add3A_236, %iota3A : vector<16xi32>
        %gather3A_238 = tpu.vector_load_idx %arg9[%add3A_237] : memref<16896xf32, #tpu.memory_space<vmem>>[vector<16xi32>], vector<16xf32>,
        %mul3A_239 = arith.constant 33 : i32
        %mul3A_240 = arith.muli %mul3A_239, %add3A_233 : i32
        %add3A_241 = arith.constant 16 : i32
        %add3A_242 = arith.addi %mul3A_240, %add3A_241 : i32
        %add3A_243 = vector.broadcast %add3A_242 : i32 to vector<16xi32>
        %add3A_244 = arith.addi %add3A_243, %iota3A : vector<16xi32>
        %gather3A_245 = tpu.vector_load_idx %arg9[%add3A_244] : memref<16896xf32, #tpu.memory_space<vmem>>[vector<16xi32>], vector<16xf32>,
        %mul3A_246 = arith.constant 32 : i32
        %mul3A_247 = arith.muli %mul3A_246, %add3A_233 : i32
        %swap3A_248 = arith.index_cast %mul3A_247 : i32 to index
        %swap3A_249 = tpu.vector_load %arg7[%swap3A_248] {strides = array<i32>} : memref<16384xf32, #tpu.memory_space<vmem>>, vector<16xf32>,
        tpu.vector_store %arg7[%swap3A_248], %gather3A_238 {strides = array<i32>} : memref<16384xf32, #tpu.memory_space<vmem>>, vector<16xf32>,
        %mul3A_250 = arith.constant 32 : i32
        %mul3A_251 = arith.muli %mul3A_250, %add3A_233 : i32
        %add3A_252 = arith.constant 16 : i32
        %add3A_253 = arith.addi %mul3A_251, %add3A_252 : i32
        %swap3A_254 = arith.index_cast %add3A_253 : i32 to index
        %swap3A_255 = tpu.vector_load %arg7[%swap3A_254] {strides = array<i32>} : memref<16384xf32, #tpu.memory_space<vmem>>, vector<16xf32>,
        tpu.vector_store %arg7[%swap3A_254], %gather3A_245 {strides = array<i32>} : memref<16384xf32, #tpu.memory_space<vmem>>, vector<16xf32>,
      }
      %scan3A_94 = arith.constant 128 : i32
      %mul3A_95 = arith.constant 512 : i32
      %mul3A_96 = arith.muli %mul3A_95, %add3A_70 : i32
      %add3A_97 = arith.addi %add3A, %mul3A_96 : i32
      %min3A_98 = arith.minsi %add3A_97, %sub3A_29 : i32
      %mul3A_99 = arith.constant 32 : i32
      %mul3A_100 = arith.muli %min3A_98, %mul3A_99 : i32
      %dma_start3A_101 = tpu.memref_slice %arg4[%mul3A_100] : memref<32000000xf32, #tpu.memory_space<hbm>> -> memref<16384xf32, #tpu.memory_space<hbm>>
      %dma_start3A_102 = tpu.memref_slice %arg4[%mul3A_100] : memref<32000000xf32, #tpu.memory_space<hbm>> -> memref<16384xf32, #tpu.memory_space<hbm>>
      tpu.enqueue_dma source(%arg7 : memref<16384xf32, #tpu.memory_space<vmem>>) target(%dma_start3A_102 : memref<16384xf32, #tpu.memory_space<hbm>>) target_semaphore(%arg13 : memref<!tpu.dma_semaphore, #tpu.memory_space<semaphore_mem>>)
      %add3A_103 = arith.constant 2 : i32
      %add3A_104 = arith.addi %add3A_70, %add3A_103 : i32
      %lt3A = arith.constant 62 : i32
      %lt3A_105 = arith.cmpi slt, %add3A_104, %lt3A : i32
      %convert_element_type3A_106 = arith.extui %lt3A_105 : i1 to i32
      %cond3A_107 = arith.constant 0 : i32
      %cond3A_108 = arith.cmpi ne, %convert_element_type3A_106, %cond3A_107 : i32
      scf.if %cond3A_108 {
        %add3A_153 = arith.constant 2 : i32
        %add3A_154 = arith.addi %add3A_70, %add3A_153 : i32
        %mul3A_155 = arith.constant 512 : i32
        %mul3A_156 = arith.muli %mul3A_155, %add3A_154 : i32
        %add3A_157 = arith.addi %add3A, %mul3A_156 : i32
        %min3A_158 = arith.minsi %add3A_157, %sub3A_29 : i32
        %dma_start3A_159 = arith.constant 0 : i32
        %dma_start3A_160 = tpu.memref_slice %arg2[%dma_start3A_159, %min3A_158] : memref<32x1000000xf32, #tpu.memory_space<hbm>> -> memref<32x512xf32, #tpu.memory_space<hbm>>
        %dma_start3A_161 = arith.constant 0 : i32
        %dma_start3A_162 = tpu.memref_slice %arg2[%dma_start3A_161, %min3A_158] : memref<32x1000000xf32, #tpu.memory_space<hbm>> -> memref<32x512xf32, #tpu.memory_space<hbm>>
        tpu.enqueue_dma source(%dma_start3A_162 : memref<32x512xf32, #tpu.memory_space<hbm>>) target(%arg5 : memref<32x512xf32, #tpu.memory_space<vmem>>) target_semaphore(%arg11 : memref<!tpu.dma_semaphore, #tpu.memory_space<semaphore_mem>>)
      } else {
      }
      %mul3A_109 = arith.constant 2 : i32
      %mul3A_110 = arith.muli %mul3A_109, %scan3A_66 : i32
      %add3A_111 = arith.constant 1 : i32
      %add3A_112 = arith.addi %mul3A_110, %add3A_111 : i32
      %mul3A_113 = arith.constant 512 : i32
      %mul3A_114 = arith.muli %mul3A_113, %add3A_112 : i32
      %add3A_115 = arith.addi %add3A, %mul3A_114 : i32
      %min3A_116 = arith.minsi %add3A_115, %sub3A_29 : i32
      %dma_wait3A_117 = arith.constant 0 : i32
      %dma_wait3A_118 = tpu.memref_slice %arg2[%dma_wait3A_117, %min3A_116] : memref<32x1000000xf32, #tpu.memory_space<hbm>> -> memref<32x512xf32, #tpu.memory_space<hbm>>
      %dma_wait3A_119 = arith.constant 0 : i32
      %dma_wait3A_120 = tpu.memref_slice %arg2[%dma_wait3A_119, %min3A_116] : memref<32x1000000xf32, #tpu.memory_space<hbm>> -> memref<32x512xf32, #tpu.memory_space<hbm>>
      tpu.wait_dma2 semaphore(%arg12 : memref<!tpu.dma_semaphore, #tpu.memory_space<semaphore_mem>>) src(%dma_wait3A_120 : memref<32x512xf32, #tpu.memory_space<hbm>>) dst(%arg6 : memref<32x512xf32, #tpu.memory_space<vmem>>)
      %ge3A_121 = arith.constant 2 : i32
      %ge3A_122 = arith.cmpi sge, %add3A_112, %ge3A_121 : i32
      %convert_element_type3A_123 = arith.extui %ge3A_122 : i1 to i32
      %cond3A_124 = arith.constant 0 : i32
      %cond3A_125 = arith.cmpi ne, %convert_element_type3A_123, %cond3A_124 : i32
      scf.if %cond3A_125 {
        %sub3A_153 = arith.constant 2 : i32
        %sub3A_154 = arith.subi %add3A_112, %sub3A_153 : i32
        %mul3A_155 = arith.constant 512 : i32
        %mul3A_156 = arith.muli %mul3A_155, %sub3A_154 : i32
        %add3A_157 = arith.addi %add3A, %mul3A_156 : i32
        %min3A_158 = arith.minsi %add3A_157, %sub3A_29 : i32
        %mul3A_159 = arith.constant 32 : i32
        %mul3A_160 = arith.muli %min3A_158, %mul3A_159 : i32
        %dma_wait3A_161 = tpu.memref_slice %arg4[%mul3A_160] : memref<32000000xf32, #tpu.memory_space<hbm>> -> memref<16384xf32, #tpu.memory_space<hbm>>
        %dma_wait3A_162 = tpu.memref_slice %arg4[%mul3A_160] : memref<32000000xf32, #tpu.memory_space<hbm>> -> memref<16384xf32, #tpu.memory_space<hbm>>
        tpu.wait_dma2 semaphore(%arg14 : memref<!tpu.dma_semaphore, #tpu.memory_space<semaphore_mem>>) src(%arg8 : memref<16384xf32, #tpu.memory_space<vmem>>) dst(%dma_wait3A_162 : memref<16384xf32, #tpu.memory_space<hbm>>)
      } else {
      }
      %scan3A_126 = arith.constant 0 : i32
      %scan3A_127 = arith.constant 0 : i32
      %scan3A_128 = arith.constant 32 : i32
      %scan3A_129 = arith.addi %scan3A_127, %scan3A_128 : i32
      %scan3A_130 = arith.constant 1 : i32
      scf.for %scan3A_153 = %scan3A_127 to %scan3A_129 step %scan3A_130  : i32 {
        %mul3A_154 = arith.constant 528 : i32
        %mul3A_155 = arith.muli %mul3A_154, %scan3A_153 : i32
        %mul3A_156 = arith.constant 16 : i32
        %mul3A_157 = arith.muli %mul3A_156, %scan3A_153 : i32
        %get3A = arith.constant 0 : i32
        %get3A_158 = arith.index_cast %get3A : i32 to index
        %get3A_159 = arith.index_cast %mul3A_157 : i32 to index
        %get3A_160 = tpu.vector_load %arg6[%get3A_158, %get3A_159] {strides = array<i32>} : memref<32x512xf32, #tpu.memory_space<vmem>>, vector<16xf32>,
        %mul3A_161 = arith.constant 16 : i32
        %mul3A_162 = arith.muli %mul3A_161, %scan3A_153 : i32
        %get3A_163 = arith.constant 1 : i32
        %get3A_164 = arith.index_cast %get3A_163 : i32 to index
        %get3A_165 = arith.index_cast %mul3A_162 : i32 to index
        %get3A_166 = tpu.vector_load %arg6[%get3A_164, %get3A_165] {strides = array<i32>} : memref<32x512xf32, #tpu.memory_space<vmem>>, vector<16xf32>,
        %mul3A_167 = arith.constant 16 : i32
        %mul3A_168 = arith.muli %mul3A_167, %scan3A_153 : i32
        %get3A_169 = arith.constant 2 : i32
        %get3A_170 = arith.index_cast %get3A_169 : i32 to index
        %get3A_171 = arith.index_cast %mul3A_168 : i32 to index
        %get3A_172 = tpu.vector_load %arg6[%get3A_170, %get3A_171] {strides = array<i32>} : memref<32x512xf32, #tpu.memory_space<vmem>>, vector<16xf32>,
        %mul3A_173 = arith.constant 16 : i32
        %mul3A_174 = arith.muli %mul3A_173, %scan3A_153 : i32
        %get3A_175 = arith.constant 3 : i32
        %get3A_176 = arith.index_cast %get3A_175 : i32 to index
        %get3A_177 = arith.index_cast %mul3A_174 : i32 to index
        %get3A_178 = tpu.vector_load %arg6[%get3A_176, %get3A_177] {strides = array<i32>} : memref<32x512xf32, #tpu.memory_space<vmem>>, vector<16xf32>,
        %mul3A_179 = arith.constant 16 : i32
        %mul3A_180 = arith.muli %mul3A_179, %scan3A_153 : i32
        %get3A_181 = arith.constant 4 : i32
        %get3A_182 = arith.index_cast %get3A_181 : i32 to index
        %get3A_183 = arith.index_cast %mul3A_180 : i32 to index
        %get3A_184 = tpu.vector_load %arg6[%get3A_182, %get3A_183] {strides = array<i32>} : memref<32x512xf32, #tpu.memory_space<vmem>>, vector<16xf32>,
        %mul3A_185 = arith.constant 16 : i32
        %mul3A_186 = arith.muli %mul3A_185, %scan3A_153 : i32
        %get3A_187 = arith.constant 5 : i32
        %get3A_188 = arith.index_cast %get3A_187 : i32 to index
        %get3A_189 = arith.index_cast %mul3A_186 : i32 to index
        %get3A_190 = tpu.vector_load %arg6[%get3A_188, %get3A_189] {strides = array<i32>} : memref<32x512xf32, #tpu.memory_space<vmem>>, vector<16xf32>,
        %mul3A_191 = arith.constant 16 : i32
        %mul3A_192 = arith.muli %mul3A_191, %scan3A_153 : i32
        %get3A_193 = arith.constant 6 : i32
        %get3A_194 = arith.index_cast %get3A_193 : i32 to index
        %get3A_195 = arith.index_cast %mul3A_192 : i32 to index
        %get3A_196 = tpu.vector_load %arg6[%get3A_194, %get3A_195] {strides = array<i32>} : memref<32x512xf32, #tpu.memory_space<vmem>>, vector<16xf32>,
        %mul3A_197 = arith.constant 16 : i32
        %mul3A_198 = arith.muli %mul3A_197, %scan3A_153 : i32
        %get3A_199 = arith.constant 7 : i32
        %get3A_200 = arith.index_cast %get3A_199 : i32 to index
        %get3A_201 = arith.index_cast %mul3A_198 : i32 to index
        %get3A_202 = tpu.vector_load %arg6[%get3A_200, %get3A_201] {strides = array<i32>} : memref<32x512xf32, #tpu.memory_space<vmem>>, vector<16xf32>,
        %mul3A_203 = arith.constant 33 : i32
        %mul3A_204 = vector.broadcast %mul3A_203 : i32 to vector<16xi32>
        %mul3A_205 = arith.muli %mul3A_204, %iota3A : vector<16xi32>
        %add3A_206 = arith.constant 0 : i32
        %add3A_207 = arith.addi %mul3A_155, %add3A_206 : i32
        %add3A_208 = arith.constant 0 : i32
        %add3A_209 = arith.addi %add3A_207, %add3A_208 : i32
        %add3A_210 = vector.broadcast %add3A_209 : i32 to vector<16xi32>
        %add3A_211 = arith.addi %mul3A_205, %add3A_210 : vector<16xi32>
        tpu.vector_store_idx %arg9[%add3A_211], %get3A_160 : memref<16896xf32, #tpu.memory_space<vmem>>[vector<16xi32>], vector<16xf32>,
        %mul3A_212 = arith.constant 33 : i32
        %mul3A_213 = vector.broadcast %mul3A_212 : i32 to vector<16xi32>
        %mul3A_214 = arith.muli %mul3A_213, %iota3A : vector<16xi32>
        %add3A_215 = arith.constant 0 : i32
        %add3A_216 = arith.addi %mul3A_155, %add3A_215 : i32
        %add3A_217 = arith.constant 1 : i32
        %add3A_218 = arith.addi %add3A_216, %add3A_217 : i32
        %add3A_219 = vector.broadcast %add3A_218 : i32 to vector<16xi32>
        %add3A_220 = arith.addi %mul3A_214, %add3A_219 : vector<16xi32>
        tpu.vector_store_idx %arg9[%add3A_220], %get3A_166 : memref<16896xf32, #tpu.memory_space<vmem>>[vector<16xi32>], vector<16xf32>,
        %mul3A_221 = arith.constant 33 : i32
        %mul3A_222 = vector.broadcast %mul3A_221 : i32 to vector<16xi32>
        %mul3A_223 = arith.muli %mul3A_222, %iota3A : vector<16xi32>
        %add3A_224 = arith.constant 0 : i32
        %add3A_225 = arith.addi %mul3A_155, %add3A_224 : i32
        %add3A_226 = arith.constant 2 : i32
        %add3A_227 = arith.addi %add3A_225, %add3A_226 : i32
        %add3A_228 = vector.broadcast %add3A_227 : i32 to vector<16xi32>
        %add3A_229 = arith.addi %mul3A_223, %add3A_228 : vector<16xi32>
        tpu.vector_store_idx %arg9[%add3A_229], %get3A_172 : memref<16896xf32, #tpu.memory_space<vmem>>[vector<16xi32>], vector<16xf32>,
        %mul3A_230 = arith.constant 33 : i32
        %mul3A_231 = vector.broadcast %mul3A_230 : i32 to vector<16xi32>
        %mul3A_232 = arith.muli %mul3A_231, %iota3A : vector<16xi32>
        %add3A_233 = arith.constant 0 : i32
        %add3A_234 = arith.addi %mul3A_155, %add3A_233 : i32
        %add3A_235 = arith.constant 3 : i32
        %add3A_236 = arith.addi %add3A_234, %add3A_235 : i32
        %add3A_237 = vector.broadcast %add3A_236 : i32 to vector<16xi32>
        %add3A_238 = arith.addi %mul3A_232, %add3A_237 : vector<16xi32>
        tpu.vector_store_idx %arg9[%add3A_238], %get3A_178 : memref<16896xf32, #tpu.memory_space<vmem>>[vector<16xi32>], vector<16xf32>,
        %mul3A_239 = arith.constant 33 : i32
        %mul3A_240 = vector.broadcast %mul3A_239 : i32 to vector<16xi32>
        %mul3A_241 = arith.muli %mul3A_240, %iota3A : vector<16xi32>
        %add3A_242 = arith.constant 0 : i32
        %add3A_243 = arith.addi %mul3A_155, %add3A_242 : i32
        %add3A_244 = arith.constant 4 : i32
        %add3A_245 = arith.addi %add3A_243, %add3A_244 : i32
        %add3A_246 = vector.broadcast %add3A_245 : i32 to vector<16xi32>
        %add3A_247 = arith.addi %mul3A_241, %add3A_246 : vector<16xi32>
        tpu.vector_store_idx %arg9[%add3A_247], %get3A_184 : memref<16896xf32, #tpu.memory_space<vmem>>[vector<16xi32>], vector<16xf32>,
        %mul3A_248 = arith.constant 33 : i32
        %mul3A_249 = vector.broadcast %mul3A_248 : i32 to vector<16xi32>
        %mul3A_250 = arith.muli %mul3A_249, %iota3A : vector<16xi32>
        %add3A_251 = arith.constant 0 : i32
        %add3A_252 = arith.addi %mul3A_155, %add3A_251 : i32
        %add3A_253 = arith.constant 5 : i32
        %add3A_254 = arith.addi %add3A_252, %add3A_253 : i32
        %add3A_255 = vector.broadcast %add3A_254 : i32 to vector<16xi32>
        %add3A_256 = arith.addi %mul3A_250, %add3A_255 : vector<16xi32>
        tpu.vector_store_idx %arg9[%add3A_256], %get3A_190 : memref<16896xf32, #tpu.memory_space<vmem>>[vector<16xi32>], vector<16xf32>,
        %mul3A_257 = arith.constant 33 : i32
        %mul3A_258 = vector.broadcast %mul3A_257 : i32 to vector<16xi32>
        %mul3A_259 = arith.muli %mul3A_258, %iota3A : vector<16xi32>
        %add3A_260 = arith.constant 0 : i32
        %add3A_261 = arith.addi %mul3A_155, %add3A_260 : i32
        %add3A_262 = arith.constant 6 : i32
        %add3A_263 = arith.addi %add3A_261, %add3A_262 : i32
        %add3A_264 = vector.broadcast %add3A_263 : i32 to vector<16xi32>
        %add3A_265 = arith.addi %mul3A_259, %add3A_264 : vector<16xi32>
        tpu.vector_store_idx %arg9[%add3A_265], %get3A_196 : memref<16896xf32, #tpu.memory_space<vmem>>[vector<16xi32>], vector<16xf32>,
        %mul3A_266 = arith.constant 33 : i32
        %mul3A_267 = vector.broadcast %mul3A_266 : i32 to vector<16xi32>
        %mul3A_268 = arith.muli %mul3A_267, %iota3A : vector<16xi32>
        %add3A_269 = arith.constant 0 : i32
        %add3A_270 = arith.addi %mul3A_155, %add3A_269 : i32
        %add3A_271 = arith.constant 7 : i32
        %add3A_272 = arith.addi %add3A_270, %add3A_271 : i32
        %add3A_273 = vector.broadcast %add3A_272 : i32 to vector<16xi32>
        %add3A_274 = arith.addi %mul3A_268, %add3A_273 : vector<16xi32>
        tpu.vector_store_idx %arg9[%add3A_274], %get3A_202 : memref<16896xf32, #tpu.memory_space<vmem>>[vector<16xi32>], vector<16xf32>,
        %mul3A_275 = arith.constant 16 : i32
        %mul3A_276 = arith.muli %mul3A_275, %scan3A_153 : i32
        %get3A_277 = arith.constant 8 : i32
        %get3A_278 = arith.index_cast %get3A_277 : i32 to index
        %get3A_279 = arith.index_cast %mul3A_276 : i32 to index
        %get3A_280 = tpu.vector_load %arg6[%get3A_278, %get3A_279] {strides = array<i32>} : memref<32x512xf32, #tpu.memory_space<vmem>>, vector<16xf32>,
        %mul3A_281 = arith.constant 16 : i32
        %mul3A_282 = arith.muli %mul3A_281, %scan3A_153 : i32
        %get3A_283 = arith.constant 9 : i32
        %get3A_284 = arith.index_cast %get3A_283 : i32 to index
        %get3A_285 = arith.index_cast %mul3A_282 : i32 to index
        %get3A_286 = tpu.vector_load %arg6[%get3A_284, %get3A_285] {strides = array<i32>} : memref<32x512xf32, #tpu.memory_space<vmem>>, vector<16xf32>,
        %mul3A_287 = arith.constant 16 : i32
        %mul3A_288 = arith.muli %mul3A_287, %scan3A_153 : i32
        %get3A_289 = arith.constant 10 : i32
        %get3A_290 = arith.index_cast %get3A_289 : i32 to index
        %get3A_291 = arith.index_cast %mul3A_288 : i32 to index
        %get3A_292 = tpu.vector_load %arg6[%get3A_290, %get3A_291] {strides = array<i32>} : memref<32x512xf32, #tpu.memory_space<vmem>>, vector<16xf32>,
        %mul3A_293 = arith.constant 16 : i32
        %mul3A_294 = arith.muli %mul3A_293, %scan3A_153 : i32
        %get3A_295 = arith.constant 11 : i32
        %get3A_296 = arith.index_cast %get3A_295 : i32 to index
        %get3A_297 = arith.index_cast %mul3A_294 : i32 to index
        %get3A_298 = tpu.vector_load %arg6[%get3A_296, %get3A_297] {strides = array<i32>} : memref<32x512xf32, #tpu.memory_space<vmem>>, vector<16xf32>,
        %mul3A_299 = arith.constant 16 : i32
        %mul3A_300 = arith.muli %mul3A_299, %scan3A_153 : i32
        %get3A_301 = arith.constant 12 : i32
        %get3A_302 = arith.index_cast %get3A_301 : i32 to index
        %get3A_303 = arith.index_cast %mul3A_300 : i32 to index
        %get3A_304 = tpu.vector_load %arg6[%get3A_302, %get3A_303] {strides = array<i32>} : memref<32x512xf32, #tpu.memory_space<vmem>>, vector<16xf32>,
        %mul3A_305 = arith.constant 16 : i32
        %mul3A_306 = arith.muli %mul3A_305, %scan3A_153 : i32
        %get3A_307 = arith.constant 13 : i32
        %get3A_308 = arith.index_cast %get3A_307 : i32 to index
        %get3A_309 = arith.index_cast %mul3A_306 : i32 to index
        %get3A_310 = tpu.vector_load %arg6[%get3A_308, %get3A_309] {strides = array<i32>} : memref<32x512xf32, #tpu.memory_space<vmem>>, vector<16xf32>,
        %mul3A_311 = arith.constant 16 : i32
        %mul3A_312 = arith.muli %mul3A_311, %scan3A_153 : i32
        %get3A_313 = arith.constant 14 : i32
        %get3A_314 = arith.index_cast %get3A_313 : i32 to index
        %get3A_315 = arith.index_cast %mul3A_312 : i32 to index
        %get3A_316 = tpu.vector_load %arg6[%get3A_314, %get3A_315] {strides = array<i32>} : memref<32x512xf32, #tpu.memory_space<vmem>>, vector<16xf32>,
        %mul3A_317 = arith.constant 16 : i32
        %mul3A_318 = arith.muli %mul3A_317, %scan3A_153 : i32
        %get3A_319 = arith.constant 15 : i32
        %get3A_320 = arith.index_cast %get3A_319 : i32 to index
        %get3A_321 = arith.index_cast %mul3A_318 : i32 to index
        %get3A_322 = tpu.vector_load %arg6[%get3A_320, %get3A_321] {strides = array<i32>} : memref<32x512xf32, #tpu.memory_space<vmem>>, vector<16xf32>,
        %mul3A_323 = arith.constant 33 : i32
        %mul3A_324 = vector.broadcast %mul3A_323 : i32 to vector<16xi32>
        %mul3A_325 = arith.muli %mul3A_324, %iota3A : vector<16xi32>
        %add3A_326 = arith.constant 8 : i32
        %add3A_327 = arith.addi %mul3A_155, %add3A_326 : i32
        %add3A_328 = arith.constant 0 : i32
        %add3A_329 = arith.addi %add3A_327, %add3A_328 : i32
        %add3A_330 = vector.broadcast %add3A_329 : i32 to vector<16xi32>
        %add3A_331 = arith.addi %mul3A_325, %add3A_330 : vector<16xi32>
        tpu.vector_store_idx %arg9[%add3A_331], %get3A_280 : memref<16896xf32, #tpu.memory_space<vmem>>[vector<16xi32>], vector<16xf32>,
        %mul3A_332 = arith.constant 33 : i32
        %mul3A_333 = vector.broadcast %mul3A_332 : i32 to vector<16xi32>
        %mul3A_334 = arith.muli %mul3A_333, %iota3A : vector<16xi32>
        %add3A_335 = arith.constant 8 : i32
        %add3A_336 = arith.addi %mul3A_155, %add3A_335 : i32
        %add3A_337 = arith.constant 1 : i32
        %add3A_338 = arith.addi %add3A_336, %add3A_337 : i32
        %add3A_339 = vector.broadcast %add3A_338 : i32 to vector<16xi32>
        %add3A_340 = arith.addi %mul3A_334, %add3A_339 : vector<16xi32>
        tpu.vector_store_idx %arg9[%add3A_340], %get3A_286 : memref<16896xf32, #tpu.memory_space<vmem>>[vector<16xi32>], vector<16xf32>,
        %mul3A_341 = arith.constant 33 : i32
        %mul3A_342 = vector.broadcast %mul3A_341 : i32 to vector<16xi32>
        %mul3A_343 = arith.muli %mul3A_342, %iota3A : vector<16xi32>
        %add3A_344 = arith.constant 8 : i32
        %add3A_345 = arith.addi %mul3A_155, %add3A_344 : i32
        %add3A_346 = arith.constant 2 : i32
        %add3A_347 = arith.addi %add3A_345, %add3A_346 : i32
        %add3A_348 = vector.broadcast %add3A_347 : i32 to vector<16xi32>
        %add3A_349 = arith.addi %mul3A_343, %add3A_348 : vector<16xi32>
        tpu.vector_store_idx %arg9[%add3A_349], %get3A_292 : memref<16896xf32, #tpu.memory_space<vmem>>[vector<16xi32>], vector<16xf32>,
        %mul3A_350 = arith.constant 33 : i32
        %mul3A_351 = vector.broadcast %mul3A_350 : i32 to vector<16xi32>
        %mul3A_352 = arith.muli %mul3A_351, %iota3A : vector<16xi32>
        %add3A_353 = arith.constant 8 : i32
        %add3A_354 = arith.addi %mul3A_155, %add3A_353 : i32
        %add3A_355 = arith.constant 3 : i32
        %add3A_356 = arith.addi %add3A_354, %add3A_355 : i32
        %add3A_357 = vector.broadcast %add3A_356 : i32 to vector<16xi32>
        %add3A_358 = arith.addi %mul3A_352, %add3A_357 : vector<16xi32>
        tpu.vector_store_idx %arg9[%add3A_358], %get3A_298 : memref<16896xf32, #tpu.memory_space<vmem>>[vector<16xi32>], vector<16xf32>,
        %mul3A_359 = arith.constant 33 : i32
        %mul3A_360 = vector.broadcast %mul3A_359 : i32 to vector<16xi32>
        %mul3A_361 = arith.muli %mul3A_360, %iota3A : vector<16xi32>
        %add3A_362 = arith.constant 8 : i32
        %add3A_363 = arith.addi %mul3A_155, %add3A_362 : i32
        %add3A_364 = arith.constant 4 : i32
        %add3A_365 = arith.addi %add3A_363, %add3A_364 : i32
        %add3A_366 = vector.broadcast %add3A_365 : i32 to vector<16xi32>
        %add3A_367 = arith.addi %mul3A_361, %add3A_366 : vector<16xi32>
        tpu.vector_store_idx %arg9[%add3A_367], %get3A_304 : memref<16896xf32, #tpu.memory_space<vmem>>[vector<16xi32>], vector<16xf32>,
        %mul3A_368 = arith.constant 33 : i32
        %mul3A_369 = vector.broadcast %mul3A_368 : i32 to vector<16xi32>
        %mul3A_370 = arith.muli %mul3A_369, %iota3A : vector<16xi32>
        %add3A_371 = arith.constant 8 : i32
        %add3A_372 = arith.addi %mul3A_155, %add3A_371 : i32
        %add3A_373 = arith.constant 5 : i32
        %add3A_374 = arith.addi %add3A_372, %add3A_373 : i32
        %add3A_375 = vector.broadcast %add3A_374 : i32 to vector<16xi32>
        %add3A_376 = arith.addi %mul3A_370, %add3A_375 : vector<16xi32>
        tpu.vector_store_idx %arg9[%add3A_376], %get3A_310 : memref<16896xf32, #tpu.memory_space<vmem>>[vector<16xi32>], vector<16xf32>,
        %mul3A_377 = arith.constant 33 : i32
        %mul3A_378 = vector.broadcast %mul3A_377 : i32 to vector<16xi32>
        %mul3A_379 = arith.muli %mul3A_378, %iota3A : vector<16xi32>
        %add3A_380 = arith.constant 8 : i32
        %add3A_381 = arith.addi %mul3A_155, %add3A_380 : i32
        %add3A_382 = arith.constant 6 : i32
        %add3A_383 = arith.addi %add3A_381, %add3A_382 : i32
        %add3A_384 = vector.broadcast %add3A_383 : i32 to vector<16xi32>
        %add3A_385 = arith.addi %mul3A_379, %add3A_384 : vector<16xi32>
        tpu.vector_store_idx %arg9[%add3A_385], %get3A_316 : memref<16896xf32, #tpu.memory_space<vmem>>[vector<16xi32>], vector<16xf32>,
        %mul3A_386 = arith.constant 33 : i32
        %mul3A_387 = vector.broadcast %mul3A_386 : i32 to vector<16xi32>
        %mul3A_388 = arith.muli %mul3A_387, %iota3A : vector<16xi32>
        %add3A_389 = arith.constant 8 : i32
        %add3A_390 = arith.addi %mul3A_155, %add3A_389 : i32
        %add3A_391 = arith.constant 7 : i32
        %add3A_392 = arith.addi %add3A_390, %add3A_391 : i32
        %add3A_393 = vector.broadcast %add3A_392 : i32 to vector<16xi32>
        %add3A_394 = arith.addi %mul3A_388, %add3A_393 : vector<16xi32>
        tpu.vector_store_idx %arg9[%add3A_394], %get3A_322 : memref<16896xf32, #tpu.memory_space<vmem>>[vector<16xi32>], vector<16xf32>,
        %mul3A_395 = arith.constant 16 : i32
        %mul3A_396 = arith.muli %mul3A_395, %scan3A_153 : i32
        %get3A_397 = arith.constant 16 : i32
        %get3A_398 = arith.index_cast %get3A_397 : i32 to index
        %get3A_399 = arith.index_cast %mul3A_396 : i32 to index
        %get3A_400 = tpu.vector_load %arg6[%get3A_398, %get3A_399] {strides = array<i32>} : memref<32x512xf32, #tpu.memory_space<vmem>>, vector<16xf32>,
        %mul3A_401 = arith.constant 16 : i32
        %mul3A_402 = arith.muli %mul3A_401, %scan3A_153 : i32
        %get3A_403 = arith.constant 17 : i32
        %get3A_404 = arith.index_cast %get3A_403 : i32 to index
        %get3A_405 = arith.index_cast %mul3A_402 : i32 to index
        %get3A_406 = tpu.vector_load %arg6[%get3A_404, %get3A_405] {strides = array<i32>} : memref<32x512xf32, #tpu.memory_space<vmem>>, vector<16xf32>,
        %mul3A_407 = arith.constant 16 : i32
        %mul3A_408 = arith.muli %mul3A_407, %scan3A_153 : i32
        %get3A_409 = arith.constant 18 : i32
        %get3A_410 = arith.index_cast %get3A_409 : i32 to index
        %get3A_411 = arith.index_cast %mul3A_408 : i32 to index
        %get3A_412 = tpu.vector_load %arg6[%get3A_410, %get3A_411] {strides = array<i32>} : memref<32x512xf32, #tpu.memory_space<vmem>>, vector<16xf32>,
        %mul3A_413 = arith.constant 16 : i32
        %mul3A_414 = arith.muli %mul3A_413, %scan3A_153 : i32
        %get3A_415 = arith.constant 19 : i32
        %get3A_416 = arith.index_cast %get3A_415 : i32 to index
        %get3A_417 = arith.index_cast %mul3A_414 : i32 to index
        %get3A_418 = tpu.vector_load %arg6[%get3A_416, %get3A_417] {strides = array<i32>} : memref<32x512xf32, #tpu.memory_space<vmem>>, vector<16xf32>,
        %mul3A_419 = arith.constant 16 : i32
        %mul3A_420 = arith.muli %mul3A_419, %scan3A_153 : i32
        %get3A_421 = arith.constant 20 : i32
        %get3A_422 = arith.index_cast %get3A_421 : i32 to index
        %get3A_423 = arith.index_cast %mul3A_420 : i32 to index
        %get3A_424 = tpu.vector_load %arg6[%get3A_422, %get3A_423] {strides = array<i32>} : memref<32x512xf32, #tpu.memory_space<vmem>>, vector<16xf32>,
        %mul3A_425 = arith.constant 16 : i32
        %mul3A_426 = arith.muli %mul3A_425, %scan3A_153 : i32
        %get3A_427 = arith.constant 21 : i32
        %get3A_428 = arith.index_cast %get3A_427 : i32 to index
        %get3A_429 = arith.index_cast %mul3A_426 : i32 to index
        %get3A_430 = tpu.vector_load %arg6[%get3A_428, %get3A_429] {strides = array<i32>} : memref<32x512xf32, #tpu.memory_space<vmem>>, vector<16xf32>,
        %mul3A_431 = arith.constant 16 : i32
        %mul3A_432 = arith.muli %mul3A_431, %scan3A_153 : i32
        %get3A_433 = arith.constant 22 : i32
        %get3A_434 = arith.index_cast %get3A_433 : i32 to index
        %get3A_435 = arith.index_cast %mul3A_432 : i32 to index
        %get3A_436 = tpu.vector_load %arg6[%get3A_434, %get3A_435] {strides = array<i32>} : memref<32x512xf32, #tpu.memory_space<vmem>>, vector<16xf32>,
        %mul3A_437 = arith.constant 16 : i32
        %mul3A_438 = arith.muli %mul3A_437, %scan3A_153 : i32
        %get3A_439 = arith.constant 23 : i32
        %get3A_440 = arith.index_cast %get3A_439 : i32 to index
        %get3A_441 = arith.index_cast %mul3A_438 : i32 to index
        %get3A_442 = tpu.vector_load %arg6[%get3A_440, %get3A_441] {strides = array<i32>} : memref<32x512xf32, #tpu.memory_space<vmem>>, vector<16xf32>,
        %mul3A_443 = arith.constant 33 : i32
        %mul3A_444 = vector.broadcast %mul3A_443 : i32 to vector<16xi32>
        %mul3A_445 = arith.muli %mul3A_444, %iota3A : vector<16xi32>
        %add3A_446 = arith.constant 16 : i32
        %add3A_447 = arith.addi %mul3A_155, %add3A_446 : i32
        %add3A_448 = arith.constant 0 : i32
        %add3A_449 = arith.addi %add3A_447, %add3A_448 : i32
        %add3A_450 = vector.broadcast %add3A_449 : i32 to vector<16xi32>
        %add3A_451 = arith.addi %mul3A_445, %add3A_450 : vector<16xi32>
        tpu.vector_store_idx %arg9[%add3A_451], %get3A_400 : memref<16896xf32, #tpu.memory_space<vmem>>[vector<16xi32>], vector<16xf32>,
        %mul3A_452 = arith.constant 33 : i32
        %mul3A_453 = vector.broadcast %mul3A_452 : i32 to vector<16xi32>
        %mul3A_454 = arith.muli %mul3A_453, %iota3A : vector<16xi32>
        %add3A_455 = arith.constant 16 : i32
        %add3A_456 = arith.addi %mul3A_155, %add3A_455 : i32
        %add3A_457 = arith.constant 1 : i32
        %add3A_458 = arith.addi %add3A_456, %add3A_457 : i32
        %add3A_459 = vector.broadcast %add3A_458 : i32 to vector<16xi32>
        %add3A_460 = arith.addi %mul3A_454, %add3A_459 : vector<16xi32>
        tpu.vector_store_idx %arg9[%add3A_460], %get3A_406 : memref<16896xf32, #tpu.memory_space<vmem>>[vector<16xi32>], vector<16xf32>,
        %mul3A_461 = arith.constant 33 : i32
        %mul3A_462 = vector.broadcast %mul3A_461 : i32 to vector<16xi32>
        %mul3A_463 = arith.muli %mul3A_462, %iota3A : vector<16xi32>
        %add3A_464 = arith.constant 16 : i32
        %add3A_465 = arith.addi %mul3A_155, %add3A_464 : i32
        %add3A_466 = arith.constant 2 : i32
        %add3A_467 = arith.addi %add3A_465, %add3A_466 : i32
        %add3A_468 = vector.broadcast %add3A_467 : i32 to vector<16xi32>
        %add3A_469 = arith.addi %mul3A_463, %add3A_468 : vector<16xi32>
        tpu.vector_store_idx %arg9[%add3A_469], %get3A_412 : memref<16896xf32, #tpu.memory_space<vmem>>[vector<16xi32>], vector<16xf32>,
        %mul3A_470 = arith.constant 33 : i32
        %mul3A_471 = vector.broadcast %mul3A_470 : i32 to vector<16xi32>
        %mul3A_472 = arith.muli %mul3A_471, %iota3A : vector<16xi32>
        %add3A_473 = arith.constant 16 : i32
        %add3A_474 = arith.addi %mul3A_155, %add3A_473 : i32
        %add3A_475 = arith.constant 3 : i32
        %add3A_476 = arith.addi %add3A_474, %add3A_475 : i32
        %add3A_477 = vector.broadcast %add3A_476 : i32 to vector<16xi32>
        %add3A_478 = arith.addi %mul3A_472, %add3A_477 : vector<16xi32>
        tpu.vector_store_idx %arg9[%add3A_478], %get3A_418 : memref<16896xf32, #tpu.memory_space<vmem>>[vector<16xi32>], vector<16xf32>,
        %mul3A_479 = arith.constant 33 : i32
        %mul3A_480 = vector.broadcast %mul3A_479 : i32 to vector<16xi32>
        %mul3A_481 = arith.muli %mul3A_480, %iota3A : vector<16xi32>
        %add3A_482 = arith.constant 16 : i32
        %add3A_483 = arith.addi %mul3A_155, %add3A_482 : i32
        %add3A_484 = arith.constant 4 : i32
        %add3A_485 = arith.addi %add3A_483, %add3A_484 : i32
        %add3A_486 = vector.broadcast %add3A_485 : i32 to vector<16xi32>
        %add3A_487 = arith.addi %mul3A_481, %add3A_486 : vector<16xi32>
        tpu.vector_store_idx %arg9[%add3A_487], %get3A_424 : memref<16896xf32, #tpu.memory_space<vmem>>[vector<16xi32>], vector<16xf32>,
        %mul3A_488 = arith.constant 33 : i32
        %mul3A_489 = vector.broadcast %mul3A_488 : i32 to vector<16xi32>
        %mul3A_490 = arith.muli %mul3A_489, %iota3A : vector<16xi32>
        %add3A_491 = arith.constant 16 : i32
        %add3A_492 = arith.addi %mul3A_155, %add3A_491 : i32
        %add3A_493 = arith.constant 5 : i32
        %add3A_494 = arith.addi %add3A_492, %add3A_493 : i32
        %add3A_495 = vector.broadcast %add3A_494 : i32 to vector<16xi32>
        %add3A_496 = arith.addi %mul3A_490, %add3A_495 : vector<16xi32>
        tpu.vector_store_idx %arg9[%add3A_496], %get3A_430 : memref<16896xf32, #tpu.memory_space<vmem>>[vector<16xi32>], vector<16xf32>,
        %mul3A_497 = arith.constant 33 : i32
        %mul3A_498 = vector.broadcast %mul3A_497 : i32 to vector<16xi32>
        %mul3A_499 = arith.muli %mul3A_498, %iota3A : vector<16xi32>
        %add3A_500 = arith.constant 16 : i32
        %add3A_501 = arith.addi %mul3A_155, %add3A_500 : i32
        %add3A_502 = arith.constant 6 : i32
        %add3A_503 = arith.addi %add3A_501, %add3A_502 : i32
        %add3A_504 = vector.broadcast %add3A_503 : i32 to vector<16xi32>
        %add3A_505 = arith.addi %mul3A_499, %add3A_504 : vector<16xi32>
        tpu.vector_store_idx %arg9[%add3A_505], %get3A_436 : memref<16896xf32, #tpu.memory_space<vmem>>[vector<16xi32>], vector<16xf32>,
        %mul3A_506 = arith.constant 33 : i32
        %mul3A_507 = vector.broadcast %mul3A_506 : i32 to vector<16xi32>
        %mul3A_508 = arith.muli %mul3A_507, %iota3A : vector<16xi32>
        %add3A_509 = arith.constant 16 : i32
        %add3A_510 = arith.addi %mul3A_155, %add3A_509 : i32
        %add3A_511 = arith.constant 7 : i32
        %add3A_512 = arith.addi %add3A_510, %add3A_511 : i32
        %add3A_513 = vector.broadcast %add3A_512 : i32 to vector<16xi32>
        %add3A_514 = arith.addi %mul3A_508, %add3A_513 : vector<16xi32>
        tpu.vector_store_idx %arg9[%add3A_514], %get3A_442 : memref<16896xf32, #tpu.memory_space<vmem>>[vector<16xi32>], vector<16xf32>,
        %mul3A_515 = arith.constant 16 : i32
        %mul3A_516 = arith.muli %mul3A_515, %scan3A_153 : i32
        %get3A_517 = arith.constant 24 : i32
        %get3A_518 = arith.index_cast %get3A_517 : i32 to index
        %get3A_519 = arith.index_cast %mul3A_516 : i32 to index
        %get3A_520 = tpu.vector_load %arg6[%get3A_518, %get3A_519] {strides = array<i32>} : memref<32x512xf32, #tpu.memory_space<vmem>>, vector<16xf32>,
        %mul3A_521 = arith.constant 16 : i32
        %mul3A_522 = arith.muli %mul3A_521, %scan3A_153 : i32
        %get3A_523 = arith.constant 25 : i32
        %get3A_524 = arith.index_cast %get3A_523 : i32 to index
        %get3A_525 = arith.index_cast %mul3A_522 : i32 to index
        %get3A_526 = tpu.vector_load %arg6[%get3A_524, %get3A_525] {strides = array<i32>} : memref<32x512xf32, #tpu.memory_space<vmem>>, vector<16xf32>,
        %mul3A_527 = arith.constant 16 : i32
        %mul3A_528 = arith.muli %mul3A_527, %scan3A_153 : i32
        %get3A_529 = arith.constant 26 : i32
        %get3A_530 = arith.index_cast %get3A_529 : i32 to index
        %get3A_531 = arith.index_cast %mul3A_528 : i32 to index
        %get3A_532 = tpu.vector_load %arg6[%get3A_530, %get3A_531] {strides = array<i32>} : memref<32x512xf32, #tpu.memory_space<vmem>>, vector<16xf32>,
        %mul3A_533 = arith.constant 16 : i32
        %mul3A_534 = arith.muli %mul3A_533, %scan3A_153 : i32
        %get3A_535 = arith.constant 27 : i32
        %get3A_536 = arith.index_cast %get3A_535 : i32 to index
        %get3A_537 = arith.index_cast %mul3A_534 : i32 to index
        %get3A_538 = tpu.vector_load %arg6[%get3A_536, %get3A_537] {strides = array<i32>} : memref<32x512xf32, #tpu.memory_space<vmem>>, vector<16xf32>,
        %mul3A_539 = arith.constant 16 : i32
        %mul3A_540 = arith.muli %mul3A_539, %scan3A_153 : i32
        %get3A_541 = arith.constant 28 : i32
        %get3A_542 = arith.index_cast %get3A_541 : i32 to index
        %get3A_543 = arith.index_cast %mul3A_540 : i32 to index
        %get3A_544 = tpu.vector_load %arg6[%get3A_542, %get3A_543] {strides = array<i32>} : memref<32x512xf32, #tpu.memory_space<vmem>>, vector<16xf32>,
        %mul3A_545 = arith.constant 16 : i32
        %mul3A_546 = arith.muli %mul3A_545, %scan3A_153 : i32
        %get3A_547 = arith.constant 29 : i32
        %get3A_548 = arith.index_cast %get3A_547 : i32 to index
        %get3A_549 = arith.index_cast %mul3A_546 : i32 to index
        %get3A_550 = tpu.vector_load %arg6[%get3A_548, %get3A_549] {strides = array<i32>} : memref<32x512xf32, #tpu.memory_space<vmem>>, vector<16xf32>,
        %mul3A_551 = arith.constant 16 : i32
        %mul3A_552 = arith.muli %mul3A_551, %scan3A_153 : i32
        %get3A_553 = arith.constant 30 : i32
        %get3A_554 = arith.index_cast %get3A_553 : i32 to index
        %get3A_555 = arith.index_cast %mul3A_552 : i32 to index
        %get3A_556 = tpu.vector_load %arg6[%get3A_554, %get3A_555] {strides = array<i32>} : memref<32x512xf32, #tpu.memory_space<vmem>>, vector<16xf32>,
        %mul3A_557 = arith.constant 16 : i32
        %mul3A_558 = arith.muli %mul3A_557, %scan3A_153 : i32
        %get3A_559 = arith.constant 31 : i32
        %get3A_560 = arith.index_cast %get3A_559 : i32 to index
        %get3A_561 = arith.index_cast %mul3A_558 : i32 to index
        %get3A_562 = tpu.vector_load %arg6[%get3A_560, %get3A_561] {strides = array<i32>} : memref<32x512xf32, #tpu.memory_space<vmem>>, vector<16xf32>,
        %mul3A_563 = arith.constant 33 : i32
        %mul3A_564 = vector.broadcast %mul3A_563 : i32 to vector<16xi32>
        %mul3A_565 = arith.muli %mul3A_564, %iota3A : vector<16xi32>
        %add3A_566 = arith.constant 24 : i32
        %add3A_567 = arith.addi %mul3A_155, %add3A_566 : i32
        %add3A_568 = arith.constant 0 : i32
        %add3A_569 = arith.addi %add3A_567, %add3A_568 : i32
        %add3A_570 = vector.broadcast %add3A_569 : i32 to vector<16xi32>
        %add3A_571 = arith.addi %mul3A_565, %add3A_570 : vector<16xi32>
        tpu.vector_store_idx %arg9[%add3A_571], %get3A_520 : memref<16896xf32, #tpu.memory_space<vmem>>[vector<16xi32>], vector<16xf32>,
        %mul3A_572 = arith.constant 33 : i32
        %mul3A_573 = vector.broadcast %mul3A_572 : i32 to vector<16xi32>
        %mul3A_574 = arith.muli %mul3A_573, %iota3A : vector<16xi32>
        %add3A_575 = arith.constant 24 : i32
        %add3A_576 = arith.addi %mul3A_155, %add3A_575 : i32
        %add3A_577 = arith.constant 1 : i32
        %add3A_578 = arith.addi %add3A_576, %add3A_577 : i32
        %add3A_579 = vector.broadcast %add3A_578 : i32 to vector<16xi32>
        %add3A_580 = arith.addi %mul3A_574, %add3A_579 : vector<16xi32>
        tpu.vector_store_idx %arg9[%add3A_580], %get3A_526 : memref<16896xf32, #tpu.memory_space<vmem>>[vector<16xi32>], vector<16xf32>,
        %mul3A_581 = arith.constant 33 : i32
        %mul3A_582 = vector.broadcast %mul3A_581 : i32 to vector<16xi32>
        %mul3A_583 = arith.muli %mul3A_582, %iota3A : vector<16xi32>
        %add3A_584 = arith.constant 24 : i32
        %add3A_585 = arith.addi %mul3A_155, %add3A_584 : i32
        %add3A_586 = arith.constant 2 : i32
        %add3A_587 = arith.addi %add3A_585, %add3A_586 : i32
        %add3A_588 = vector.broadcast %add3A_587 : i32 to vector<16xi32>
        %add3A_589 = arith.addi %mul3A_583, %add3A_588 : vector<16xi32>
        tpu.vector_store_idx %arg9[%add3A_589], %get3A_532 : memref<16896xf32, #tpu.memory_space<vmem>>[vector<16xi32>], vector<16xf32>,
        %mul3A_590 = arith.constant 33 : i32
        %mul3A_591 = vector.broadcast %mul3A_590 : i32 to vector<16xi32>
        %mul3A_592 = arith.muli %mul3A_591, %iota3A : vector<16xi32>
        %add3A_593 = arith.constant 24 : i32
        %add3A_594 = arith.addi %mul3A_155, %add3A_593 : i32
        %add3A_595 = arith.constant 3 : i32
        %add3A_596 = arith.addi %add3A_594, %add3A_595 : i32
        %add3A_597 = vector.broadcast %add3A_596 : i32 to vector<16xi32>
        %add3A_598 = arith.addi %mul3A_592, %add3A_597 : vector<16xi32>
        tpu.vector_store_idx %arg9[%add3A_598], %get3A_538 : memref<16896xf32, #tpu.memory_space<vmem>>[vector<16xi32>], vector<16xf32>,
        %mul3A_599 = arith.constant 33 : i32
        %mul3A_600 = vector.broadcast %mul3A_599 : i32 to vector<16xi32>
        %mul3A_601 = arith.muli %mul3A_600, %iota3A : vector<16xi32>
        %add3A_602 = arith.constant 24 : i32
        %add3A_603 = arith.addi %mul3A_155, %add3A_602 : i32
        %add3A_604 = arith.constant 4 : i32
        %add3A_605 = arith.addi %add3A_603, %add3A_604 : i32
        %add3A_606 = vector.broadcast %add3A_605 : i32 to vector<16xi32>
        %add3A_607 = arith.addi %mul3A_601, %add3A_606 : vector<16xi32>
        tpu.vector_store_idx %arg9[%add3A_607], %get3A_544 : memref<16896xf32, #tpu.memory_space<vmem>>[vector<16xi32>], vector<16xf32>,
        %mul3A_608 = arith.constant 33 : i32
        %mul3A_609 = vector.broadcast %mul3A_608 : i32 to vector<16xi32>
        %mul3A_610 = arith.muli %mul3A_609, %iota3A : vector<16xi32>
        %add3A_611 = arith.constant 24 : i32
        %add3A_612 = arith.addi %mul3A_155, %add3A_611 : i32
        %add3A_613 = arith.constant 5 : i32
        %add3A_614 = arith.addi %add3A_612, %add3A_613 : i32
        %add3A_615 = vector.broadcast %add3A_614 : i32 to vector<16xi32>
        %add3A_616 = arith.addi %mul3A_610, %add3A_615 : vector<16xi32>
        tpu.vector_store_idx %arg9[%add3A_616], %get3A_550 : memref<16896xf32, #tpu.memory_space<vmem>>[vector<16xi32>], vector<16xf32>,
        %mul3A_617 = arith.constant 33 : i32
        %mul3A_618 = vector.broadcast %mul3A_617 : i32 to vector<16xi32>
        %mul3A_619 = arith.muli %mul3A_618, %iota3A : vector<16xi32>
        %add3A_620 = arith.constant 24 : i32
        %add3A_621 = arith.addi %mul3A_155, %add3A_620 : i32
        %add3A_622 = arith.constant 6 : i32
        %add3A_623 = arith.addi %add3A_621, %add3A_622 : i32
        %add3A_624 = vector.broadcast %add3A_623 : i32 to vector<16xi32>
        %add3A_625 = arith.addi %mul3A_619, %add3A_624 : vector<16xi32>
        tpu.vector_store_idx %arg9[%add3A_625], %get3A_556 : memref<16896xf32, #tpu.memory_space<vmem>>[vector<16xi32>], vector<16xf32>,
        %mul3A_626 = arith.constant 33 : i32
        %mul3A_627 = vector.broadcast %mul3A_626 : i32 to vector<16xi32>
        %mul3A_628 = arith.muli %mul3A_627, %iota3A : vector<16xi32>
        %add3A_629 = arith.constant 24 : i32
        %add3A_630 = arith.addi %mul3A_155, %add3A_629 : i32
        %add3A_631 = arith.constant 7 : i32
        %add3A_632 = arith.addi %add3A_630, %add3A_631 : i32
        %add3A_633 = vector.broadcast %add3A_632 : i32 to vector<16xi32>
        %add3A_634 = arith.addi %mul3A_628, %add3A_633 : vector<16xi32>
        tpu.vector_store_idx %arg9[%add3A_634], %get3A_562 : memref<16896xf32, #tpu.memory_space<vmem>>[vector<16xi32>], vector<16xf32>,
      }
      %scan3A_131 = arith.constant 32 : i32
      %scan3A_132 = arith.constant 0 : i32
      %scan3A_133 = arith.constant 0 : i32
      %scan3A_134 = arith.constant 128 : i32
      %scan3A_135 = arith.addi %scan3A_133, %scan3A_134 : i32
      %scan3A_136 = arith.constant 1 : i32
      scf.for %scan3A_153 = %scan3A_133 to %scan3A_135 step %scan3A_136  : i32 {
        %mul3A_154 = arith.constant 4 : i32
        %mul3A_155 = arith.muli %mul3A_154, %scan3A_153 : i32
        %add3A_156 = arith.constant 0 : i32
        %add3A_157 = arith.addi %mul3A_155, %add3A_156 : i32
        %mul3A_158 = arith.constant 33 : i32
        %mul3A_159 = arith.muli %mul3A_158, %add3A_157 : i32
        %add3A_160 = vector.broadcast %mul3A_159 : i32 to vector<16xi32>
        %add3A_161 = arith.addi %add3A_160, %iota3A : vector<16xi32>
        %gather3A = tpu.vector_load_idx %arg9[%add3A_161] : memref<16896xf32, #tpu.memory_space<vmem>>[vector<16xi32>], vector<16xf32>,
        %mul3A_162 = arith.constant 33 : i32
        %mul3A_163 = arith.muli %mul3A_162, %add3A_157 : i32
        %add3A_164 = arith.constant 16 : i32
        %add3A_165 = arith.addi %mul3A_163, %add3A_164 : i32
        %add3A_166 = vector.broadcast %add3A_165 : i32 to vector<16xi32>
        %add3A_167 = arith.addi %add3A_166, %iota3A : vector<16xi32>
        %gather3A_168 = tpu.vector_load_idx %arg9[%add3A_167] : memref<16896xf32, #tpu.memory_space<vmem>>[vector<16xi32>], vector<16xf32>,
        %mul3A_169 = arith.constant 32 : i32
        %mul3A_170 = arith.muli %mul3A_169, %add3A_157 : i32
        %swap3A = arith.index_cast %mul3A_170 : i32 to index
        %swap3A_171 = tpu.vector_load %arg8[%swap3A] {strides = array<i32>} : memref<16384xf32, #tpu.memory_space<vmem>>, vector<16xf32>,
        tpu.vector_store %arg8[%swap3A], %gather3A {strides = array<i32>} : memref<16384xf32, #tpu.memory_space<vmem>>, vector<16xf32>,
        %mul3A_172 = arith.constant 32 : i32
        %mul3A_173 = arith.muli %mul3A_172, %add3A_157 : i32
        %add3A_174 = arith.constant 16 : i32
        %add3A_175 = arith.addi %mul3A_173, %add3A_174 : i32
        %swap3A_176 = arith.index_cast %add3A_175 : i32 to index
        %swap3A_177 = tpu.vector_load %arg8[%swap3A_176] {strides = array<i32>} : memref<16384xf32, #tpu.memory_space<vmem>>, vector<16xf32>,
        tpu.vector_store %arg8[%swap3A_176], %gather3A_168 {strides = array<i32>} : memref<16384xf32, #tpu.memory_space<vmem>>, vector<16xf32>,
        %mul3A_178 = arith.constant 4 : i32
        %mul3A_179 = arith.muli %mul3A_178, %scan3A_153 : i32
        %add3A_180 = arith.constant 1 : i32
        %add3A_181 = arith.addi %mul3A_179, %add3A_180 : i32
        %mul3A_182 = arith.constant 33 : i32
        %mul3A_183 = arith.muli %mul3A_182, %add3A_181 : i32
        %add3A_184 = vector.broadcast %mul3A_183 : i32 to vector<16xi32>
        %add3A_185 = arith.addi %add3A_184, %iota3A : vector<16xi32>
        %gather3A_186 = tpu.vector_load_idx %arg9[%add3A_185] : memref<16896xf32, #tpu.memory_space<vmem>>[vector<16xi32>], vector<16xf32>,
        %mul3A_187 = arith.constant 33 : i32
        %mul3A_188 = arith.muli %mul3A_187, %add3A_181 : i32
        %add3A_189 = arith.constant 16 : i32
        %add3A_190 = arith.addi %mul3A_188, %add3A_189 : i32
        %add3A_191 = vector.broadcast %add3A_190 : i32 to vector<16xi32>
        %add3A_192 = arith.addi %add3A_191, %iota3A : vector<16xi32>
        %gather3A_193 = tpu.vector_load_idx %arg9[%add3A_192] : memref<16896xf32, #tpu.memory_space<vmem>>[vector<16xi32>], vector<16xf32>,
        %mul3A_194 = arith.constant 32 : i32
        %mul3A_195 = arith.muli %mul3A_194, %add3A_181 : i32
        %swap3A_196 = arith.index_cast %mul3A_195 : i32 to index
        %swap3A_197 = tpu.vector_load %arg8[%swap3A_196] {strides = array<i32>} : memref<16384xf32, #tpu.memory_space<vmem>>, vector<16xf32>,
        tpu.vector_store %arg8[%swap3A_196], %gather3A_186 {strides = array<i32>} : memref<16384xf32, #tpu.memory_space<vmem>>, vector<16xf32>,
        %mul3A_198 = arith.constant 32 : i32
        %mul3A_199 = arith.muli %mul3A_198, %add3A_181 : i32
        %add3A_200 = arith.constant 16 : i32
        %add3A_201 = arith.addi %mul3A_199, %add3A_200 : i32
        %swap3A_202 = arith.index_cast %add3A_201 : i32 to index
        %swap3A_203 = tpu.vector_load %arg8[%swap3A_202] {strides = array<i32>} : memref<16384xf32, #tpu.memory_space<vmem>>, vector<16xf32>,
        tpu.vector_store %arg8[%swap3A_202], %gather3A_193 {strides = array<i32>} : memref<16384xf32, #tpu.memory_space<vmem>>, vector<16xf32>,
        %mul3A_204 = arith.constant 4 : i32
        %mul3A_205 = arith.muli %mul3A_204, %scan3A_153 : i32
        %add3A_206 = arith.constant 2 : i32
        %add3A_207 = arith.addi %mul3A_205, %add3A_206 : i32
        %mul3A_208 = arith.constant 33 : i32
        %mul3A_209 = arith.muli %mul3A_208, %add3A_207 : i32
        %add3A_210 = vector.broadcast %mul3A_209 : i32 to vector<16xi32>
        %add3A_211 = arith.addi %add3A_210, %iota3A : vector<16xi32>
        %gather3A_212 = tpu.vector_load_idx %arg9[%add3A_211] : memref<16896xf32, #tpu.memory_space<vmem>>[vector<16xi32>], vector<16xf32>,
        %mul3A_213 = arith.constant 33 : i32
        %mul3A_214 = arith.muli %mul3A_213, %add3A_207 : i32
        %add3A_215 = arith.constant 16 : i32
        %add3A_216 = arith.addi %mul3A_214, %add3A_215 : i32
        %add3A_217 = vector.broadcast %add3A_216 : i32 to vector<16xi32>
        %add3A_218 = arith.addi %add3A_217, %iota3A : vector<16xi32>
        %gather3A_219 = tpu.vector_load_idx %arg9[%add3A_218] : memref<16896xf32, #tpu.memory_space<vmem>>[vector<16xi32>], vector<16xf32>,
        %mul3A_220 = arith.constant 32 : i32
        %mul3A_221 = arith.muli %mul3A_220, %add3A_207 : i32
        %swap3A_222 = arith.index_cast %mul3A_221 : i32 to index
        %swap3A_223 = tpu.vector_load %arg8[%swap3A_222] {strides = array<i32>} : memref<16384xf32, #tpu.memory_space<vmem>>, vector<16xf32>,
        tpu.vector_store %arg8[%swap3A_222], %gather3A_212 {strides = array<i32>} : memref<16384xf32, #tpu.memory_space<vmem>>, vector<16xf32>,
        %mul3A_224 = arith.constant 32 : i32
        %mul3A_225 = arith.muli %mul3A_224, %add3A_207 : i32
        %add3A_226 = arith.constant 16 : i32
        %add3A_227 = arith.addi %mul3A_225, %add3A_226 : i32
        %swap3A_228 = arith.index_cast %add3A_227 : i32 to index
        %swap3A_229 = tpu.vector_load %arg8[%swap3A_228] {strides = array<i32>} : memref<16384xf32, #tpu.memory_space<vmem>>, vector<16xf32>,
        tpu.vector_store %arg8[%swap3A_228], %gather3A_219 {strides = array<i32>} : memref<16384xf32, #tpu.memory_space<vmem>>, vector<16xf32>,
        %mul3A_230 = arith.constant 4 : i32
        %mul3A_231 = arith.muli %mul3A_230, %scan3A_153 : i32
        %add3A_232 = arith.constant 3 : i32
        %add3A_233 = arith.addi %mul3A_231, %add3A_232 : i32
        %mul3A_234 = arith.constant 33 : i32
        %mul3A_235 = arith.muli %mul3A_234, %add3A_233 : i32
        %add3A_236 = vector.broadcast %mul3A_235 : i32 to vector<16xi32>
        %add3A_237 = arith.addi %add3A_236, %iota3A : vector<16xi32>
        %gather3A_238 = tpu.vector_load_idx %arg9[%add3A_237] : memref<16896xf32, #tpu.memory_space<vmem>>[vector<16xi32>], vector<16xf32>,
        %mul3A_239 = arith.constant 33 : i32
        %mul3A_240 = arith.muli %mul3A_239, %add3A_233 : i32
        %add3A_241 = arith.constant 16 : i32
        %add3A_242 = arith.addi %mul3A_240, %add3A_241 : i32
        %add3A_243 = vector.broadcast %add3A_242 : i32 to vector<16xi32>
        %add3A_244 = arith.addi %add3A_243, %iota3A : vector<16xi32>
        %gather3A_245 = tpu.vector_load_idx %arg9[%add3A_244] : memref<16896xf32, #tpu.memory_space<vmem>>[vector<16xi32>], vector<16xf32>,
        %mul3A_246 = arith.constant 32 : i32
        %mul3A_247 = arith.muli %mul3A_246, %add3A_233 : i32
        %swap3A_248 = arith.index_cast %mul3A_247 : i32 to index
        %swap3A_249 = tpu.vector_load %arg8[%swap3A_248] {strides = array<i32>} : memref<16384xf32, #tpu.memory_space<vmem>>, vector<16xf32>,
        tpu.vector_store %arg8[%swap3A_248], %gather3A_238 {strides = array<i32>} : memref<16384xf32, #tpu.memory_space<vmem>>, vector<16xf32>,
        %mul3A_250 = arith.constant 32 : i32
        %mul3A_251 = arith.muli %mul3A_250, %add3A_233 : i32
        %add3A_252 = arith.constant 16 : i32
        %add3A_253 = arith.addi %mul3A_251, %add3A_252 : i32
        %swap3A_254 = arith.index_cast %add3A_253 : i32 to index
        %swap3A_255 = tpu.vector_load %arg8[%swap3A_254] {strides = array<i32>} : memref<16384xf32, #tpu.memory_space<vmem>>, vector<16xf32>,
        tpu.vector_store %arg8[%swap3A_254], %gather3A_245 {strides = array<i32>} : memref<16384xf32, #tpu.memory_space<vmem>>, vector<16xf32>,
      }
      %scan3A_137 = arith.constant 128 : i32
      %mul3A_138 = arith.constant 512 : i32
      %mul3A_139 = arith.muli %mul3A_138, %add3A_112 : i32
      %add3A_140 = arith.addi %add3A, %mul3A_139 : i32
      %min3A_141 = arith.minsi %add3A_140, %sub3A_29 : i32
      %mul3A_142 = arith.constant 32 : i32
      %mul3A_143 = arith.muli %min3A_141, %mul3A_142 : i32
      %dma_start3A_144 = tpu.memref_slice %arg4[%mul3A_143] : memref<32000000xf32, #tpu.memory_space<hbm>> -> memref<16384xf32, #tpu.memory_space<hbm>>
      %dma_start3A_145 = tpu.memref_slice %arg4[%mul3A_143] : memref<32000000xf32, #tpu.memory_space<hbm>> -> memref<16384xf32, #tpu.memory_space<hbm>>
      tpu.enqueue_dma source(%arg8 : memref<16384xf32, #tpu.memory_space<vmem>>) target(%dma_start3A_145 : memref<16384xf32, #tpu.memory_space<hbm>>) target_semaphore(%arg14 : memref<!tpu.dma_semaphore, #tpu.memory_space<semaphore_mem>>)
      %add3A_146 = arith.constant 2 : i32
      %add3A_147 = arith.addi %add3A_112, %add3A_146 : i32
      %lt3A_148 = arith.constant 62 : i32
      %lt3A_149 = arith.cmpi slt, %add3A_147, %lt3A_148 : i32
      %convert_element_type3A_150 = arith.extui %lt3A_149 : i1 to i32
      %cond3A_151 = arith.constant 0 : i32
      %cond3A_152 = arith.cmpi ne, %convert_element_type3A_150, %cond3A_151 : i32
      scf.if %cond3A_152 {
        %add3A_153 = arith.constant 2 : i32
        %add3A_154 = arith.addi %add3A_112, %add3A_153 : i32
        %mul3A_155 = arith.constant 512 : i32
        %mul3A_156 = arith.muli %mul3A_155, %add3A_154 : i32
        %add3A_157 = arith.addi %add3A, %mul3A_156 : i32
        %min3A_158 = arith.minsi %add3A_157, %sub3A_29 : i32
        %dma_start3A_159 = arith.constant 0 : i32
        %dma_start3A_160 = tpu.memref_slice %arg2[%dma_start3A_159, %min3A_158] : memref<32x1000000xf32, #tpu.memory_space<hbm>> -> memref<32x512xf32, #tpu.memory_space<hbm>>
        %dma_start3A_161 = arith.constant 0 : i32
        %dma_start3A_162 = tpu.memref_slice %arg2[%dma_start3A_161, %min3A_158] : memref<32x1000000xf32, #tpu.memory_space<hbm>> -> memref<32x512xf32, #tpu.memory_space<hbm>>
        tpu.enqueue_dma source(%dma_start3A_162 : memref<32x512xf32, #tpu.memory_space<hbm>>) target(%arg6 : memref<32x512xf32, #tpu.memory_space<vmem>>) target_semaphore(%arg12 : memref<!tpu.dma_semaphore, #tpu.memory_space<semaphore_mem>>)
      } else {
      }
    }
    %scan3A_46 = arith.constant 31 : i32
    %add3A_47 = arith.constant 30720 : i32
    %add3A_48 = arith.addi %add3A, %add3A_47 : i32
    %min3A_49 = arith.minsi %add3A_48, %sub3A_29 : i32
    %mul3A_50 = arith.constant 32 : i32
    %mul3A_51 = arith.muli %min3A_49, %mul3A_50 : i32
    %dma_wait3A = tpu.memref_slice %arg4[%mul3A_51] : memref<32000000xf32, #tpu.memory_space<hbm>> -> memref<16384xf32, #tpu.memory_space<hbm>>
    %dma_wait3A_52 = tpu.memref_slice %arg4[%mul3A_51] : memref<32000000xf32, #tpu.memory_space<hbm>> -> memref<16384xf32, #tpu.memory_space<hbm>>
    tpu.wait_dma2 semaphore(%arg13 : memref<!tpu.dma_semaphore, #tpu.memory_space<semaphore_mem>>) src(%arg7 : memref<16384xf32, #tpu.memory_space<vmem>>) dst(%dma_wait3A_52 : memref<16384xf32, #tpu.memory_space<hbm>>)
    %add3A_53 = arith.constant 31232 : i32
    %add3A_54 = arith.addi %add3A, %add3A_53 : i32
    %min3A_55 = arith.minsi %add3A_54, %sub3A_29 : i32
    %mul3A_56 = arith.constant 32 : i32
    %mul3A_57 = arith.muli %min3A_55, %mul3A_56 : i32
    %dma_wait3A_58 = tpu.memref_slice %arg4[%mul3A_57] : memref<32000000xf32, #tpu.memory_space<hbm>> -> memref<16384xf32, #tpu.memory_space<hbm>>
    %dma_wait3A_59 = tpu.memref_slice %arg4[%mul3A_57] : memref<32000000xf32, #tpu.memory_space<hbm>> -> memref<16384xf32, #tpu.memory_space<hbm>>
    tpu.wait_dma2 semaphore(%arg14 : memref<!tpu.dma_semaphore, #tpu.memory_space<semaphore_mem>>) src(%arg8 : memref<16384xf32, #tpu.memory_space<vmem>>) dst(%dma_wait3A_59 : memref<16384xf32, #tpu.memory_space<hbm>>)
    %eq3A_60 = arith.constant 1 : i32
    %eq3A_61 = arith.cmpi eq, %arg0, %eq3A_60 : i32
    %eq3A_62 = arith.constant 15 : i32
    %eq3A_63 = arith.cmpi eq, %arg1, %eq3A_62 : i32
    %and3A_64 = arith.andi %eq3A_61, %eq3A_63 : i1
    %convert_element_type3A = arith.extui %and3A_64 : i1 to i32
    %cond3A = arith.constant 0 : i32
    %cond3A_65 = arith.cmpi ne, %convert_element_type3A, %cond3A : i32
    scf.if %cond3A_65 {
      tpu.enqueue_dma source(%arg3 : memref<32x128xf32, #tpu.memory_space<hbm>>) target(%arg10 : memref<32x128xf32, #tpu.memory_space<vmem>>) target_semaphore(%arg11 : memref<!tpu.dma_semaphore, #tpu.memory_space<semaphore_mem>>)
      tpu.wait_dma2 semaphore(%arg11 : memref<!tpu.dma_semaphore, #tpu.memory_space<semaphore_mem>>) src(%arg3 : memref<32x128xf32, #tpu.memory_space<hbm>>) dst(%arg10 : memref<32x128xf32, #tpu.memory_space<vmem>>)
      %scan3A_66 = arith.constant 0 : i32
      %scan3A_67 = arith.constant 0 : i32
      %scan3A_68 = arith.constant 8 : i32
      %scan3A_69 = arith.addi %scan3A_67, %scan3A_68 : i32
      %scan3A_70 = arith.constant 1 : i32
      scf.for %scan3A_88 = %scan3A_67 to %scan3A_69 step %scan3A_70  : i32 {
        %mul3A_89 = arith.constant 512 : i32
        %mul3A_90 = arith.muli %mul3A_89, %scan3A_88 : i32
        %mul3A_91 = arith.constant 16 : i32
        %mul3A_92 = arith.muli %mul3A_91, %scan3A_88 : i32
        %get3A = arith.constant 0 : i32
        %get3A_93 = arith.index_cast %get3A : i32 to index
        %get3A_94 = arith.index_cast %mul3A_92 : i32 to index
        %get3A_95 = tpu.vector_load %arg10[%get3A_93, %get3A_94] {strides = array<i32>} : memref<32x128xf32, #tpu.memory_space<vmem>>, vector<16xf32>,
        %mul3A_96 = arith.constant 16 : i32
        %mul3A_97 = arith.muli %mul3A_96, %scan3A_88 : i32
        %get3A_98 = arith.constant 1 : i32
        %get3A_99 = arith.index_cast %get3A_98 : i32 to index
        %get3A_100 = arith.index_cast %mul3A_97 : i32 to index
        %get3A_101 = tpu.vector_load %arg10[%get3A_99, %get3A_100] {strides = array<i32>} : memref<32x128xf32, #tpu.memory_space<vmem>>, vector<16xf32>,
        %mul3A_102 = arith.constant 16 : i32
        %mul3A_103 = arith.muli %mul3A_102, %scan3A_88 : i32
        %get3A_104 = arith.constant 2 : i32
        %get3A_105 = arith.index_cast %get3A_104 : i32 to index
        %get3A_106 = arith.index_cast %mul3A_103 : i32 to index
        %get3A_107 = tpu.vector_load %arg10[%get3A_105, %get3A_106] {strides = array<i32>} : memref<32x128xf32, #tpu.memory_space<vmem>>, vector<16xf32>,
        %mul3A_108 = arith.constant 16 : i32
        %mul3A_109 = arith.muli %mul3A_108, %scan3A_88 : i32
        %get3A_110 = arith.constant 3 : i32
        %get3A_111 = arith.index_cast %get3A_110 : i32 to index
        %get3A_112 = arith.index_cast %mul3A_109 : i32 to index
        %get3A_113 = tpu.vector_load %arg10[%get3A_111, %get3A_112] {strides = array<i32>} : memref<32x128xf32, #tpu.memory_space<vmem>>, vector<16xf32>,
        %mul3A_114 = arith.constant 16 : i32
        %mul3A_115 = arith.muli %mul3A_114, %scan3A_88 : i32
        %get3A_116 = arith.constant 4 : i32
        %get3A_117 = arith.index_cast %get3A_116 : i32 to index
        %get3A_118 = arith.index_cast %mul3A_115 : i32 to index
        %get3A_119 = tpu.vector_load %arg10[%get3A_117, %get3A_118] {strides = array<i32>} : memref<32x128xf32, #tpu.memory_space<vmem>>, vector<16xf32>,
        %mul3A_120 = arith.constant 16 : i32
        %mul3A_121 = arith.muli %mul3A_120, %scan3A_88 : i32
        %get3A_122 = arith.constant 5 : i32
        %get3A_123 = arith.index_cast %get3A_122 : i32 to index
        %get3A_124 = arith.index_cast %mul3A_121 : i32 to index
        %get3A_125 = tpu.vector_load %arg10[%get3A_123, %get3A_124] {strides = array<i32>} : memref<32x128xf32, #tpu.memory_space<vmem>>, vector<16xf32>,
        %mul3A_126 = arith.constant 16 : i32
        %mul3A_127 = arith.muli %mul3A_126, %scan3A_88 : i32
        %get3A_128 = arith.constant 6 : i32
        %get3A_129 = arith.index_cast %get3A_128 : i32 to index
        %get3A_130 = arith.index_cast %mul3A_127 : i32 to index
        %get3A_131 = tpu.vector_load %arg10[%get3A_129, %get3A_130] {strides = array<i32>} : memref<32x128xf32, #tpu.memory_space<vmem>>, vector<16xf32>,
        %mul3A_132 = arith.constant 16 : i32
        %mul3A_133 = arith.muli %mul3A_132, %scan3A_88 : i32
        %get3A_134 = arith.constant 7 : i32
        %get3A_135 = arith.index_cast %get3A_134 : i32 to index
        %get3A_136 = arith.index_cast %mul3A_133 : i32 to index
        %get3A_137 = tpu.vector_load %arg10[%get3A_135, %get3A_136] {strides = array<i32>} : memref<32x128xf32, #tpu.memory_space<vmem>>, vector<16xf32>,
        %mul3A_138 = arith.constant 32 : i32
        %mul3A_139 = vector.broadcast %mul3A_138 : i32 to vector<16xi32>
        %mul3A_140 = arith.muli %mul3A_139, %iota3A : vector<16xi32>
        %add3A_141 = arith.constant 0 : i32
        %add3A_142 = arith.addi %mul3A_90, %add3A_141 : i32
        %add3A_143 = arith.constant 0 : i32
        %add3A_144 = arith.addi %add3A_142, %add3A_143 : i32
        %add3A_145 = vector.broadcast %add3A_144 : i32 to vector<16xi32>
        %add3A_146 = arith.addi %mul3A_140, %add3A_145 : vector<16xi32>
        tpu.vector_store_idx %arg7[%add3A_146], %get3A_95 : memref<16384xf32, #tpu.memory_space<vmem>>[vector<16xi32>], vector<16xf32>,
        %mul3A_147 = arith.constant 32 : i32
        %mul3A_148 = vector.broadcast %mul3A_147 : i32 to vector<16xi32>
        %mul3A_149 = arith.muli %mul3A_148, %iota3A : vector<16xi32>
        %add3A_150 = arith.constant 0 : i32
        %add3A_151 = arith.addi %mul3A_90, %add3A_150 : i32
        %add3A_152 = arith.constant 1 : i32
        %add3A_153 = arith.addi %add3A_151, %add3A_152 : i32
        %add3A_154 = vector.broadcast %add3A_153 : i32 to vector<16xi32>
        %add3A_155 = arith.addi %mul3A_149, %add3A_154 : vector<16xi32>
        tpu.vector_store_idx %arg7[%add3A_155], %get3A_101 : memref<16384xf32, #tpu.memory_space<vmem>>[vector<16xi32>], vector<16xf32>,
        %mul3A_156 = arith.constant 32 : i32
        %mul3A_157 = vector.broadcast %mul3A_156 : i32 to vector<16xi32>
        %mul3A_158 = arith.muli %mul3A_157, %iota3A : vector<16xi32>
        %add3A_159 = arith.constant 0 : i32
        %add3A_160 = arith.addi %mul3A_90, %add3A_159 : i32
        %add3A_161 = arith.constant 2 : i32
        %add3A_162 = arith.addi %add3A_160, %add3A_161 : i32
        %add3A_163 = vector.broadcast %add3A_162 : i32 to vector<16xi32>
        %add3A_164 = arith.addi %mul3A_158, %add3A_163 : vector<16xi32>
        tpu.vector_store_idx %arg7[%add3A_164], %get3A_107 : memref<16384xf32, #tpu.memory_space<vmem>>[vector<16xi32>], vector<16xf32>,
        %mul3A_165 = arith.constant 32 : i32
        %mul3A_166 = vector.broadcast %mul3A_165 : i32 to vector<16xi32>
        %mul3A_167 = arith.muli %mul3A_166, %iota3A : vector<16xi32>
        %add3A_168 = arith.constant 0 : i32
        %add3A_169 = arith.addi %mul3A_90, %add3A_168 : i32
        %add3A_170 = arith.constant 3 : i32
        %add3A_171 = arith.addi %add3A_169, %add3A_170 : i32
        %add3A_172 = vector.broadcast %add3A_171 : i32 to vector<16xi32>
        %add3A_173 = arith.addi %mul3A_167, %add3A_172 : vector<16xi32>
        tpu.vector_store_idx %arg7[%add3A_173], %get3A_113 : memref<16384xf32, #tpu.memory_space<vmem>>[vector<16xi32>], vector<16xf32>,
        %mul3A_174 = arith.constant 32 : i32
        %mul3A_175 = vector.broadcast %mul3A_174 : i32 to vector<16xi32>
        %mul3A_176 = arith.muli %mul3A_175, %iota3A : vector<16xi32>
        %add3A_177 = arith.constant 0 : i32
        %add3A_178 = arith.addi %mul3A_90, %add3A_177 : i32
        %add3A_179 = arith.constant 4 : i32
        %add3A_180 = arith.addi %add3A_178, %add3A_179 : i32
        %add3A_181 = vector.broadcast %add3A_180 : i32 to vector<16xi32>
        %add3A_182 = arith.addi %mul3A_176, %add3A_181 : vector<16xi32>
        tpu.vector_store_idx %arg7[%add3A_182], %get3A_119 : memref<16384xf32, #tpu.memory_space<vmem>>[vector<16xi32>], vector<16xf32>,
        %mul3A_183 = arith.constant 32 : i32
        %mul3A_184 = vector.broadcast %mul3A_183 : i32 to vector<16xi32>
        %mul3A_185 = arith.muli %mul3A_184, %iota3A : vector<16xi32>
        %add3A_186 = arith.constant 0 : i32
        %add3A_187 = arith.addi %mul3A_90, %add3A_186 : i32
        %add3A_188 = arith.constant 5 : i32
        %add3A_189 = arith.addi %add3A_187, %add3A_188 : i32
        %add3A_190 = vector.broadcast %add3A_189 : i32 to vector<16xi32>
        %add3A_191 = arith.addi %mul3A_185, %add3A_190 : vector<16xi32>
        tpu.vector_store_idx %arg7[%add3A_191], %get3A_125 : memref<16384xf32, #tpu.memory_space<vmem>>[vector<16xi32>], vector<16xf32>,
        %mul3A_192 = arith.constant 32 : i32
        %mul3A_193 = vector.broadcast %mul3A_192 : i32 to vector<16xi32>
        %mul3A_194 = arith.muli %mul3A_193, %iota3A : vector<16xi32>
        %add3A_195 = arith.constant 0 : i32
        %add3A_196 = arith.addi %mul3A_90, %add3A_195 : i32
        %add3A_197 = arith.constant 6 : i32
        %add3A_198 = arith.addi %add3A_196, %add3A_197 : i32
        %add3A_199 = vector.broadcast %add3A_198 : i32 to vector<16xi32>
        %add3A_200 = arith.addi %mul3A_194, %add3A_199 : vector<16xi32>
        tpu.vector_store_idx %arg7[%add3A_200], %get3A_131 : memref<16384xf32, #tpu.memory_space<vmem>>[vector<16xi32>], vector<16xf32>,
        %mul3A_201 = arith.constant 32 : i32
        %mul3A_202 = vector.broadcast %mul3A_201 : i32 to vector<16xi32>
        %mul3A_203 = arith.muli %mul3A_202, %iota3A : vector<16xi32>
        %add3A_204 = arith.constant 0 : i32
        %add3A_205 = arith.addi %mul3A_90, %add3A_204 : i32
        %add3A_206 = arith.constant 7 : i32
        %add3A_207 = arith.addi %add3A_205, %add3A_206 : i32
        %add3A_208 = vector.broadcast %add3A_207 : i32 to vector<16xi32>
        %add3A_209 = arith.addi %mul3A_203, %add3A_208 : vector<16xi32>
        tpu.vector_store_idx %arg7[%add3A_209], %get3A_137 : memref<16384xf32, #tpu.memory_space<vmem>>[vector<16xi32>], vector<16xf32>,
        %mul3A_210 = arith.constant 16 : i32
        %mul3A_211 = arith.muli %mul3A_210, %scan3A_88 : i32
        %get3A_212 = arith.constant 8 : i32
        %get3A_213 = arith.index_cast %get3A_212 : i32 to index
        %get3A_214 = arith.index_cast %mul3A_211 : i32 to index
        %get3A_215 = tpu.vector_load %arg10[%get3A_213, %get3A_214] {strides = array<i32>} : memref<32x128xf32, #tpu.memory_space<vmem>>, vector<16xf32>,
        %mul3A_216 = arith.constant 16 : i32
        %mul3A_217 = arith.muli %mul3A_216, %scan3A_88 : i32
        %get3A_218 = arith.constant 9 : i32
        %get3A_219 = arith.index_cast %get3A_218 : i32 to index
        %get3A_220 = arith.index_cast %mul3A_217 : i32 to index
        %get3A_221 = tpu.vector_load %arg10[%get3A_219, %get3A_220] {strides = array<i32>} : memref<32x128xf32, #tpu.memory_space<vmem>>, vector<16xf32>,
        %mul3A_222 = arith.constant 16 : i32
        %mul3A_223 = arith.muli %mul3A_222, %scan3A_88 : i32
        %get3A_224 = arith.constant 10 : i32
        %get3A_225 = arith.index_cast %get3A_224 : i32 to index
        %get3A_226 = arith.index_cast %mul3A_223 : i32 to index
        %get3A_227 = tpu.vector_load %arg10[%get3A_225, %get3A_226] {strides = array<i32>} : memref<32x128xf32, #tpu.memory_space<vmem>>, vector<16xf32>,
        %mul3A_228 = arith.constant 16 : i32
        %mul3A_229 = arith.muli %mul3A_228, %scan3A_88 : i32
        %get3A_230 = arith.constant 11 : i32
        %get3A_231 = arith.index_cast %get3A_230 : i32 to index
        %get3A_232 = arith.index_cast %mul3A_229 : i32 to index
        %get3A_233 = tpu.vector_load %arg10[%get3A_231, %get3A_232] {strides = array<i32>} : memref<32x128xf32, #tpu.memory_space<vmem>>, vector<16xf32>,
        %mul3A_234 = arith.constant 16 : i32
        %mul3A_235 = arith.muli %mul3A_234, %scan3A_88 : i32
        %get3A_236 = arith.constant 12 : i32
        %get3A_237 = arith.index_cast %get3A_236 : i32 to index
        %get3A_238 = arith.index_cast %mul3A_235 : i32 to index
        %get3A_239 = tpu.vector_load %arg10[%get3A_237, %get3A_238] {strides = array<i32>} : memref<32x128xf32, #tpu.memory_space<vmem>>, vector<16xf32>,
        %mul3A_240 = arith.constant 16 : i32
        %mul3A_241 = arith.muli %mul3A_240, %scan3A_88 : i32
        %get3A_242 = arith.constant 13 : i32
        %get3A_243 = arith.index_cast %get3A_242 : i32 to index
        %get3A_244 = arith.index_cast %mul3A_241 : i32 to index
        %get3A_245 = tpu.vector_load %arg10[%get3A_243, %get3A_244] {strides = array<i32>} : memref<32x128xf32, #tpu.memory_space<vmem>>, vector<16xf32>,
        %mul3A_246 = arith.constant 16 : i32
        %mul3A_247 = arith.muli %mul3A_246, %scan3A_88 : i32
        %get3A_248 = arith.constant 14 : i32
        %get3A_249 = arith.index_cast %get3A_248 : i32 to index
        %get3A_250 = arith.index_cast %mul3A_247 : i32 to index
        %get3A_251 = tpu.vector_load %arg10[%get3A_249, %get3A_250] {strides = array<i32>} : memref<32x128xf32, #tpu.memory_space<vmem>>, vector<16xf32>,
        %mul3A_252 = arith.constant 16 : i32
        %mul3A_253 = arith.muli %mul3A_252, %scan3A_88 : i32
        %get3A_254 = arith.constant 15 : i32
        %get3A_255 = arith.index_cast %get3A_254 : i32 to index
        %get3A_256 = arith.index_cast %mul3A_253 : i32 to index
        %get3A_257 = tpu.vector_load %arg10[%get3A_255, %get3A_256] {strides = array<i32>} : memref<32x128xf32, #tpu.memory_space<vmem>>, vector<16xf32>,
        %mul3A_258 = arith.constant 32 : i32
        %mul3A_259 = vector.broadcast %mul3A_258 : i32 to vector<16xi32>
        %mul3A_260 = arith.muli %mul3A_259, %iota3A : vector<16xi32>
        %add3A_261 = arith.constant 8 : i32
        %add3A_262 = arith.addi %mul3A_90, %add3A_261 : i32
        %add3A_263 = arith.constant 0 : i32
        %add3A_264 = arith.addi %add3A_262, %add3A_263 : i32
        %add3A_265 = vector.broadcast %add3A_264 : i32 to vector<16xi32>
        %add3A_266 = arith.addi %mul3A_260, %add3A_265 : vector<16xi32>
        tpu.vector_store_idx %arg7[%add3A_266], %get3A_215 : memref<16384xf32, #tpu.memory_space<vmem>>[vector<16xi32>], vector<16xf32>,
        %mul3A_267 = arith.constant 32 : i32
        %mul3A_268 = vector.broadcast %mul3A_267 : i32 to vector<16xi32>
        %mul3A_269 = arith.muli %mul3A_268, %iota3A : vector<16xi32>
        %add3A_270 = arith.constant 8 : i32
        %add3A_271 = arith.addi %mul3A_90, %add3A_270 : i32
        %add3A_272 = arith.constant 1 : i32
        %add3A_273 = arith.addi %add3A_271, %add3A_272 : i32
        %add3A_274 = vector.broadcast %add3A_273 : i32 to vector<16xi32>
        %add3A_275 = arith.addi %mul3A_269, %add3A_274 : vector<16xi32>
        tpu.vector_store_idx %arg7[%add3A_275], %get3A_221 : memref<16384xf32, #tpu.memory_space<vmem>>[vector<16xi32>], vector<16xf32>,
        %mul3A_276 = arith.constant 32 : i32
        %mul3A_277 = vector.broadcast %mul3A_276 : i32 to vector<16xi32>
        %mul3A_278 = arith.muli %mul3A_277, %iota3A : vector<16xi32>
        %add3A_279 = arith.constant 8 : i32
        %add3A_280 = arith.addi %mul3A_90, %add3A_279 : i32
        %add3A_281 = arith.constant 2 : i32
        %add3A_282 = arith.addi %add3A_280, %add3A_281 : i32
        %add3A_283 = vector.broadcast %add3A_282 : i32 to vector<16xi32>
        %add3A_284 = arith.addi %mul3A_278, %add3A_283 : vector<16xi32>
        tpu.vector_store_idx %arg7[%add3A_284], %get3A_227 : memref<16384xf32, #tpu.memory_space<vmem>>[vector<16xi32>], vector<16xf32>,
        %mul3A_285 = arith.constant 32 : i32
        %mul3A_286 = vector.broadcast %mul3A_285 : i32 to vector<16xi32>
        %mul3A_287 = arith.muli %mul3A_286, %iota3A : vector<16xi32>
        %add3A_288 = arith.constant 8 : i32
        %add3A_289 = arith.addi %mul3A_90, %add3A_288 : i32
        %add3A_290 = arith.constant 3 : i32
        %add3A_291 = arith.addi %add3A_289, %add3A_290 : i32
        %add3A_292 = vector.broadcast %add3A_291 : i32 to vector<16xi32>
        %add3A_293 = arith.addi %mul3A_287, %add3A_292 : vector<16xi32>
        tpu.vector_store_idx %arg7[%add3A_293], %get3A_233 : memref<16384xf32, #tpu.memory_space<vmem>>[vector<16xi32>], vector<16xf32>,
        %mul3A_294 = arith.constant 32 : i32
        %mul3A_295 = vector.broadcast %mul3A_294 : i32 to vector<16xi32>
        %mul3A_296 = arith.muli %mul3A_295, %iota3A : vector<16xi32>
        %add3A_297 = arith.constant 8 : i32
        %add3A_298 = arith.addi %mul3A_90, %add3A_297 : i32
        %add3A_299 = arith.constant 4 : i32
        %add3A_300 = arith.addi %add3A_298, %add3A_299 : i32
        %add3A_301 = vector.broadcast %add3A_300 : i32 to vector<16xi32>
        %add3A_302 = arith.addi %mul3A_296, %add3A_301 : vector<16xi32>
        tpu.vector_store_idx %arg7[%add3A_302], %get3A_239 : memref<16384xf32, #tpu.memory_space<vmem>>[vector<16xi32>], vector<16xf32>,
        %mul3A_303 = arith.constant 32 : i32
        %mul3A_304 = vector.broadcast %mul3A_303 : i32 to vector<16xi32>
        %mul3A_305 = arith.muli %mul3A_304, %iota3A : vector<16xi32>
        %add3A_306 = arith.constant 8 : i32
        %add3A_307 = arith.addi %mul3A_90, %add3A_306 : i32
        %add3A_308 = arith.constant 5 : i32
        %add3A_309 = arith.addi %add3A_307, %add3A_308 : i32
        %add3A_310 = vector.broadcast %add3A_309 : i32 to vector<16xi32>
        %add3A_311 = arith.addi %mul3A_305, %add3A_310 : vector<16xi32>
        tpu.vector_store_idx %arg7[%add3A_311], %get3A_245 : memref<16384xf32, #tpu.memory_space<vmem>>[vector<16xi32>], vector<16xf32>,
        %mul3A_312 = arith.constant 32 : i32
        %mul3A_313 = vector.broadcast %mul3A_312 : i32 to vector<16xi32>
        %mul3A_314 = arith.muli %mul3A_313, %iota3A : vector<16xi32>
        %add3A_315 = arith.constant 8 : i32
        %add3A_316 = arith.addi %mul3A_90, %add3A_315 : i32
        %add3A_317 = arith.constant 6 : i32
        %add3A_318 = arith.addi %add3A_316, %add3A_317 : i32
        %add3A_319 = vector.broadcast %add3A_318 : i32 to vector<16xi32>
        %add3A_320 = arith.addi %mul3A_314, %add3A_319 : vector<16xi32>
        tpu.vector_store_idx %arg7[%add3A_320], %get3A_251 : memref<16384xf32, #tpu.memory_space<vmem>>[vector<16xi32>], vector<16xf32>,
        %mul3A_321 = arith.constant 32 : i32
        %mul3A_322 = vector.broadcast %mul3A_321 : i32 to vector<16xi32>
        %mul3A_323 = arith.muli %mul3A_322, %iota3A : vector<16xi32>
        %add3A_324 = arith.constant 8 : i32
        %add3A_325 = arith.addi %mul3A_90, %add3A_324 : i32
        %add3A_326 = arith.constant 7 : i32
        %add3A_327 = arith.addi %add3A_325, %add3A_326 : i32
        %add3A_328 = vector.broadcast %add3A_327 : i32 to vector<16xi32>
        %add3A_329 = arith.addi %mul3A_323, %add3A_328 : vector<16xi32>
        tpu.vector_store_idx %arg7[%add3A_329], %get3A_257 : memref<16384xf32, #tpu.memory_space<vmem>>[vector<16xi32>], vector<16xf32>,
        %mul3A_330 = arith.constant 16 : i32
        %mul3A_331 = arith.muli %mul3A_330, %scan3A_88 : i32
        %get3A_332 = arith.constant 16 : i32
        %get3A_333 = arith.index_cast %get3A_332 : i32 to index
        %get3A_334 = arith.index_cast %mul3A_331 : i32 to index
        %get3A_335 = tpu.vector_load %arg10[%get3A_333, %get3A_334] {strides = array<i32>} : memref<32x128xf32, #tpu.memory_space<vmem>>, vector<16xf32>,
        %mul3A_336 = arith.constant 16 : i32
        %mul3A_337 = arith.muli %mul3A_336, %scan3A_88 : i32
        %get3A_338 = arith.constant 17 : i32
        %get3A_339 = arith.index_cast %get3A_338 : i32 to index
        %get3A_340 = arith.index_cast %mul3A_337 : i32 to index
        %get3A_341 = tpu.vector_load %arg10[%get3A_339, %get3A_340] {strides = array<i32>} : memref<32x128xf32, #tpu.memory_space<vmem>>, vector<16xf32>,
        %mul3A_342 = arith.constant 16 : i32
        %mul3A_343 = arith.muli %mul3A_342, %scan3A_88 : i32
        %get3A_344 = arith.constant 18 : i32
        %get3A_345 = arith.index_cast %get3A_344 : i32 to index
        %get3A_346 = arith.index_cast %mul3A_343 : i32 to index
        %get3A_347 = tpu.vector_load %arg10[%get3A_345, %get3A_346] {strides = array<i32>} : memref<32x128xf32, #tpu.memory_space<vmem>>, vector<16xf32>,
        %mul3A_348 = arith.constant 16 : i32
        %mul3A_349 = arith.muli %mul3A_348, %scan3A_88 : i32
        %get3A_350 = arith.constant 19 : i32
        %get3A_351 = arith.index_cast %get3A_350 : i32 to index
        %get3A_352 = arith.index_cast %mul3A_349 : i32 to index
        %get3A_353 = tpu.vector_load %arg10[%get3A_351, %get3A_352] {strides = array<i32>} : memref<32x128xf32, #tpu.memory_space<vmem>>, vector<16xf32>,
        %mul3A_354 = arith.constant 16 : i32
        %mul3A_355 = arith.muli %mul3A_354, %scan3A_88 : i32
        %get3A_356 = arith.constant 20 : i32
        %get3A_357 = arith.index_cast %get3A_356 : i32 to index
        %get3A_358 = arith.index_cast %mul3A_355 : i32 to index
        %get3A_359 = tpu.vector_load %arg10[%get3A_357, %get3A_358] {strides = array<i32>} : memref<32x128xf32, #tpu.memory_space<vmem>>, vector<16xf32>,
        %mul3A_360 = arith.constant 16 : i32
        %mul3A_361 = arith.muli %mul3A_360, %scan3A_88 : i32
        %get3A_362 = arith.constant 21 : i32
        %get3A_363 = arith.index_cast %get3A_362 : i32 to index
        %get3A_364 = arith.index_cast %mul3A_361 : i32 to index
        %get3A_365 = tpu.vector_load %arg10[%get3A_363, %get3A_364] {strides = array<i32>} : memref<32x128xf32, #tpu.memory_space<vmem>>, vector<16xf32>,
        %mul3A_366 = arith.constant 16 : i32
        %mul3A_367 = arith.muli %mul3A_366, %scan3A_88 : i32
        %get3A_368 = arith.constant 22 : i32
        %get3A_369 = arith.index_cast %get3A_368 : i32 to index
        %get3A_370 = arith.index_cast %mul3A_367 : i32 to index
        %get3A_371 = tpu.vector_load %arg10[%get3A_369, %get3A_370] {strides = array<i32>} : memref<32x128xf32, #tpu.memory_space<vmem>>, vector<16xf32>,
        %mul3A_372 = arith.constant 16 : i32
        %mul3A_373 = arith.muli %mul3A_372, %scan3A_88 : i32
        %get3A_374 = arith.constant 23 : i32
        %get3A_375 = arith.index_cast %get3A_374 : i32 to index
        %get3A_376 = arith.index_cast %mul3A_373 : i32 to index
        %get3A_377 = tpu.vector_load %arg10[%get3A_375, %get3A_376] {strides = array<i32>} : memref<32x128xf32, #tpu.memory_space<vmem>>, vector<16xf32>,
        %mul3A_378 = arith.constant 32 : i32
        %mul3A_379 = vector.broadcast %mul3A_378 : i32 to vector<16xi32>
        %mul3A_380 = arith.muli %mul3A_379, %iota3A : vector<16xi32>
        %add3A_381 = arith.constant 16 : i32
        %add3A_382 = arith.addi %mul3A_90, %add3A_381 : i32
        %add3A_383 = arith.constant 0 : i32
        %add3A_384 = arith.addi %add3A_382, %add3A_383 : i32
        %add3A_385 = vector.broadcast %add3A_384 : i32 to vector<16xi32>
        %add3A_386 = arith.addi %mul3A_380, %add3A_385 : vector<16xi32>
        tpu.vector_store_idx %arg7[%add3A_386], %get3A_335 : memref<16384xf32, #tpu.memory_space<vmem>>[vector<16xi32>], vector<16xf32>,
        %mul3A_387 = arith.constant 32 : i32
        %mul3A_388 = vector.broadcast %mul3A_387 : i32 to vector<16xi32>
        %mul3A_389 = arith.muli %mul3A_388, %iota3A : vector<16xi32>
        %add3A_390 = arith.constant 16 : i32
        %add3A_391 = arith.addi %mul3A_90, %add3A_390 : i32
        %add3A_392 = arith.constant 1 : i32
        %add3A_393 = arith.addi %add3A_391, %add3A_392 : i32
        %add3A_394 = vector.broadcast %add3A_393 : i32 to vector<16xi32>
        %add3A_395 = arith.addi %mul3A_389, %add3A_394 : vector<16xi32>
        tpu.vector_store_idx %arg7[%add3A_395], %get3A_341 : memref<16384xf32, #tpu.memory_space<vmem>>[vector<16xi32>], vector<16xf32>,
        %mul3A_396 = arith.constant 32 : i32
        %mul3A_397 = vector.broadcast %mul3A_396 : i32 to vector<16xi32>
        %mul3A_398 = arith.muli %mul3A_397, %iota3A : vector<16xi32>
        %add3A_399 = arith.constant 16 : i32
        %add3A_400 = arith.addi %mul3A_90, %add3A_399 : i32
        %add3A_401 = arith.constant 2 : i32
        %add3A_402 = arith.addi %add3A_400, %add3A_401 : i32
        %add3A_403 = vector.broadcast %add3A_402 : i32 to vector<16xi32>
        %add3A_404 = arith.addi %mul3A_398, %add3A_403 : vector<16xi32>
        tpu.vector_store_idx %arg7[%add3A_404], %get3A_347 : memref<16384xf32, #tpu.memory_space<vmem>>[vector<16xi32>], vector<16xf32>,
        %mul3A_405 = arith.constant 32 : i32
        %mul3A_406 = vector.broadcast %mul3A_405 : i32 to vector<16xi32>
        %mul3A_407 = arith.muli %mul3A_406, %iota3A : vector<16xi32>
        %add3A_408 = arith.constant 16 : i32
        %add3A_409 = arith.addi %mul3A_90, %add3A_408 : i32
        %add3A_410 = arith.constant 3 : i32
        %add3A_411 = arith.addi %add3A_409, %add3A_410 : i32
        %add3A_412 = vector.broadcast %add3A_411 : i32 to vector<16xi32>
        %add3A_413 = arith.addi %mul3A_407, %add3A_412 : vector<16xi32>
        tpu.vector_store_idx %arg7[%add3A_413], %get3A_353 : memref<16384xf32, #tpu.memory_space<vmem>>[vector<16xi32>], vector<16xf32>,
        %mul3A_414 = arith.constant 32 : i32
        %mul3A_415 = vector.broadcast %mul3A_414 : i32 to vector<16xi32>
        %mul3A_416 = arith.muli %mul3A_415, %iota3A : vector<16xi32>
        %add3A_417 = arith.constant 16 : i32
        %add3A_418 = arith.addi %mul3A_90, %add3A_417 : i32
        %add3A_419 = arith.constant 4 : i32
        %add3A_420 = arith.addi %add3A_418, %add3A_419 : i32
        %add3A_421 = vector.broadcast %add3A_420 : i32 to vector<16xi32>
        %add3A_422 = arith.addi %mul3A_416, %add3A_421 : vector<16xi32>
        tpu.vector_store_idx %arg7[%add3A_422], %get3A_359 : memref<16384xf32, #tpu.memory_space<vmem>>[vector<16xi32>], vector<16xf32>,
        %mul3A_423 = arith.constant 32 : i32
        %mul3A_424 = vector.broadcast %mul3A_423 : i32 to vector<16xi32>
        %mul3A_425 = arith.muli %mul3A_424, %iota3A : vector<16xi32>
        %add3A_426 = arith.constant 16 : i32
        %add3A_427 = arith.addi %mul3A_90, %add3A_426 : i32
        %add3A_428 = arith.constant 5 : i32
        %add3A_429 = arith.addi %add3A_427, %add3A_428 : i32
        %add3A_430 = vector.broadcast %add3A_429 : i32 to vector<16xi32>
        %add3A_431 = arith.addi %mul3A_425, %add3A_430 : vector<16xi32>
        tpu.vector_store_idx %arg7[%add3A_431], %get3A_365 : memref<16384xf32, #tpu.memory_space<vmem>>[vector<16xi32>], vector<16xf32>,
        %mul3A_432 = arith.constant 32 : i32
        %mul3A_433 = vector.broadcast %mul3A_432 : i32 to vector<16xi32>
        %mul3A_434 = arith.muli %mul3A_433, %iota3A : vector<16xi32>
        %add3A_435 = arith.constant 16 : i32
        %add3A_436 = arith.addi %mul3A_90, %add3A_435 : i32
        %add3A_437 = arith.constant 6 : i32
        %add3A_438 = arith.addi %add3A_436, %add3A_437 : i32
        %add3A_439 = vector.broadcast %add3A_438 : i32 to vector<16xi32>
        %add3A_440 = arith.addi %mul3A_434, %add3A_439 : vector<16xi32>
        tpu.vector_store_idx %arg7[%add3A_440], %get3A_371 : memref<16384xf32, #tpu.memory_space<vmem>>[vector<16xi32>], vector<16xf32>,
        %mul3A_441 = arith.constant 32 : i32
        %mul3A_442 = vector.broadcast %mul3A_441 : i32 to vector<16xi32>
        %mul3A_443 = arith.muli %mul3A_442, %iota3A : vector<16xi32>
        %add3A_444 = arith.constant 16 : i32
        %add3A_445 = arith.addi %mul3A_90, %add3A_444 : i32
        %add3A_446 = arith.constant 7 : i32
        %add3A_447 = arith.addi %add3A_445, %add3A_446 : i32
        %add3A_448 = vector.broadcast %add3A_447 : i32 to vector<16xi32>
        %add3A_449 = arith.addi %mul3A_443, %add3A_448 : vector<16xi32>
        tpu.vector_store_idx %arg7[%add3A_449], %get3A_377 : memref<16384xf32, #tpu.memory_space<vmem>>[vector<16xi32>], vector<16xf32>,
        %mul3A_450 = arith.constant 16 : i32
        %mul3A_451 = arith.muli %mul3A_450, %scan3A_88 : i32
        %get3A_452 = arith.constant 24 : i32
        %get3A_453 = arith.index_cast %get3A_452 : i32 to index
        %get3A_454 = arith.index_cast %mul3A_451 : i32 to index
        %get3A_455 = tpu.vector_load %arg10[%get3A_453, %get3A_454] {strides = array<i32>} : memref<32x128xf32, #tpu.memory_space<vmem>>, vector<16xf32>,
        %mul3A_456 = arith.constant 16 : i32
        %mul3A_457 = arith.muli %mul3A_456, %scan3A_88 : i32
        %get3A_458 = arith.constant 25 : i32
        %get3A_459 = arith.index_cast %get3A_458 : i32 to index
        %get3A_460 = arith.index_cast %mul3A_457 : i32 to index
        %get3A_461 = tpu.vector_load %arg10[%get3A_459, %get3A_460] {strides = array<i32>} : memref<32x128xf32, #tpu.memory_space<vmem>>, vector<16xf32>,
        %mul3A_462 = arith.constant 16 : i32
        %mul3A_463 = arith.muli %mul3A_462, %scan3A_88 : i32
        %get3A_464 = arith.constant 26 : i32
        %get3A_465 = arith.index_cast %get3A_464 : i32 to index
        %get3A_466 = arith.index_cast %mul3A_463 : i32 to index
        %get3A_467 = tpu.vector_load %arg10[%get3A_465, %get3A_466] {strides = array<i32>} : memref<32x128xf32, #tpu.memory_space<vmem>>, vector<16xf32>,
        %mul3A_468 = arith.constant 16 : i32
        %mul3A_469 = arith.muli %mul3A_468, %scan3A_88 : i32
        %get3A_470 = arith.constant 27 : i32
        %get3A_471 = arith.index_cast %get3A_470 : i32 to index
        %get3A_472 = arith.index_cast %mul3A_469 : i32 to index
        %get3A_473 = tpu.vector_load %arg10[%get3A_471, %get3A_472] {strides = array<i32>} : memref<32x128xf32, #tpu.memory_space<vmem>>, vector<16xf32>,
        %mul3A_474 = arith.constant 16 : i32
        %mul3A_475 = arith.muli %mul3A_474, %scan3A_88 : i32
        %get3A_476 = arith.constant 28 : i32
        %get3A_477 = arith.index_cast %get3A_476 : i32 to index
        %get3A_478 = arith.index_cast %mul3A_475 : i32 to index
        %get3A_479 = tpu.vector_load %arg10[%get3A_477, %get3A_478] {strides = array<i32>} : memref<32x128xf32, #tpu.memory_space<vmem>>, vector<16xf32>,
        %mul3A_480 = arith.constant 16 : i32
        %mul3A_481 = arith.muli %mul3A_480, %scan3A_88 : i32
        %get3A_482 = arith.constant 29 : i32
        %get3A_483 = arith.index_cast %get3A_482 : i32 to index
        %get3A_484 = arith.index_cast %mul3A_481 : i32 to index
        %get3A_485 = tpu.vector_load %arg10[%get3A_483, %get3A_484] {strides = array<i32>} : memref<32x128xf32, #tpu.memory_space<vmem>>, vector<16xf32>,
        %mul3A_486 = arith.constant 16 : i32
        %mul3A_487 = arith.muli %mul3A_486, %scan3A_88 : i32
        %get3A_488 = arith.constant 30 : i32
        %get3A_489 = arith.index_cast %get3A_488 : i32 to index
        %get3A_490 = arith.index_cast %mul3A_487 : i32 to index
        %get3A_491 = tpu.vector_load %arg10[%get3A_489, %get3A_490] {strides = array<i32>} : memref<32x128xf32, #tpu.memory_space<vmem>>, vector<16xf32>,
        %mul3A_492 = arith.constant 16 : i32
        %mul3A_493 = arith.muli %mul3A_492, %scan3A_88 : i32
        %get3A_494 = arith.constant 31 : i32
        %get3A_495 = arith.index_cast %get3A_494 : i32 to index
        %get3A_496 = arith.index_cast %mul3A_493 : i32 to index
        %get3A_497 = tpu.vector_load %arg10[%get3A_495, %get3A_496] {strides = array<i32>} : memref<32x128xf32, #tpu.memory_space<vmem>>, vector<16xf32>,
        %mul3A_498 = arith.constant 32 : i32
        %mul3A_499 = vector.broadcast %mul3A_498 : i32 to vector<16xi32>
        %mul3A_500 = arith.muli %mul3A_499, %iota3A : vector<16xi32>
        %add3A_501 = arith.constant 24 : i32
        %add3A_502 = arith.addi %mul3A_90, %add3A_501 : i32
        %add3A_503 = arith.constant 0 : i32
        %add3A_504 = arith.addi %add3A_502, %add3A_503 : i32
        %add3A_505 = vector.broadcast %add3A_504 : i32 to vector<16xi32>
        %add3A_506 = arith.addi %mul3A_500, %add3A_505 : vector<16xi32>
        tpu.vector_store_idx %arg7[%add3A_506], %get3A_455 : memref<16384xf32, #tpu.memory_space<vmem>>[vector<16xi32>], vector<16xf32>,
        %mul3A_507 = arith.constant 32 : i32
        %mul3A_508 = vector.broadcast %mul3A_507 : i32 to vector<16xi32>
        %mul3A_509 = arith.muli %mul3A_508, %iota3A : vector<16xi32>
        %add3A_510 = arith.constant 24 : i32
        %add3A_511 = arith.addi %mul3A_90, %add3A_510 : i32
        %add3A_512 = arith.constant 1 : i32
        %add3A_513 = arith.addi %add3A_511, %add3A_512 : i32
        %add3A_514 = vector.broadcast %add3A_513 : i32 to vector<16xi32>
        %add3A_515 = arith.addi %mul3A_509, %add3A_514 : vector<16xi32>
        tpu.vector_store_idx %arg7[%add3A_515], %get3A_461 : memref<16384xf32, #tpu.memory_space<vmem>>[vector<16xi32>], vector<16xf32>,
        %mul3A_516 = arith.constant 32 : i32
        %mul3A_517 = vector.broadcast %mul3A_516 : i32 to vector<16xi32>
        %mul3A_518 = arith.muli %mul3A_517, %iota3A : vector<16xi32>
        %add3A_519 = arith.constant 24 : i32
        %add3A_520 = arith.addi %mul3A_90, %add3A_519 : i32
        %add3A_521 = arith.constant 2 : i32
        %add3A_522 = arith.addi %add3A_520, %add3A_521 : i32
        %add3A_523 = vector.broadcast %add3A_522 : i32 to vector<16xi32>
        %add3A_524 = arith.addi %mul3A_518, %add3A_523 : vector<16xi32>
        tpu.vector_store_idx %arg7[%add3A_524], %get3A_467 : memref<16384xf32, #tpu.memory_space<vmem>>[vector<16xi32>], vector<16xf32>,
        %mul3A_525 = arith.constant 32 : i32
        %mul3A_526 = vector.broadcast %mul3A_525 : i32 to vector<16xi32>
        %mul3A_527 = arith.muli %mul3A_526, %iota3A : vector<16xi32>
        %add3A_528 = arith.constant 24 : i32
        %add3A_529 = arith.addi %mul3A_90, %add3A_528 : i32
        %add3A_530 = arith.constant 3 : i32
        %add3A_531 = arith.addi %add3A_529, %add3A_530 : i32
        %add3A_532 = vector.broadcast %add3A_531 : i32 to vector<16xi32>
        %add3A_533 = arith.addi %mul3A_527, %add3A_532 : vector<16xi32>
        tpu.vector_store_idx %arg7[%add3A_533], %get3A_473 : memref<16384xf32, #tpu.memory_space<vmem>>[vector<16xi32>], vector<16xf32>,
        %mul3A_534 = arith.constant 32 : i32
        %mul3A_535 = vector.broadcast %mul3A_534 : i32 to vector<16xi32>
        %mul3A_536 = arith.muli %mul3A_535, %iota3A : vector<16xi32>
        %add3A_537 = arith.constant 24 : i32
        %add3A_538 = arith.addi %mul3A_90, %add3A_537 : i32
        %add3A_539 = arith.constant 4 : i32
        %add3A_540 = arith.addi %add3A_538, %add3A_539 : i32
        %add3A_541 = vector.broadcast %add3A_540 : i32 to vector<16xi32>
        %add3A_542 = arith.addi %mul3A_536, %add3A_541 : vector<16xi32>
        tpu.vector_store_idx %arg7[%add3A_542], %get3A_479 : memref<16384xf32, #tpu.memory_space<vmem>>[vector<16xi32>], vector<16xf32>,
        %mul3A_543 = arith.constant 32 : i32
        %mul3A_544 = vector.broadcast %mul3A_543 : i32 to vector<16xi32>
        %mul3A_545 = arith.muli %mul3A_544, %iota3A : vector<16xi32>
        %add3A_546 = arith.constant 24 : i32
        %add3A_547 = arith.addi %mul3A_90, %add3A_546 : i32
        %add3A_548 = arith.constant 5 : i32
        %add3A_549 = arith.addi %add3A_547, %add3A_548 : i32
        %add3A_550 = vector.broadcast %add3A_549 : i32 to vector<16xi32>
        %add3A_551 = arith.addi %mul3A_545, %add3A_550 : vector<16xi32>
        tpu.vector_store_idx %arg7[%add3A_551], %get3A_485 : memref<16384xf32, #tpu.memory_space<vmem>>[vector<16xi32>], vector<16xf32>,
        %mul3A_552 = arith.constant 32 : i32
        %mul3A_553 = vector.broadcast %mul3A_552 : i32 to vector<16xi32>
        %mul3A_554 = arith.muli %mul3A_553, %iota3A : vector<16xi32>
        %add3A_555 = arith.constant 24 : i32
        %add3A_556 = arith.addi %mul3A_90, %add3A_555 : i32
        %add3A_557 = arith.constant 6 : i32
        %add3A_558 = arith.addi %add3A_556, %add3A_557 : i32
        %add3A_559 = vector.broadcast %add3A_558 : i32 to vector<16xi32>
        %add3A_560 = arith.addi %mul3A_554, %add3A_559 : vector<16xi32>
        tpu.vector_store_idx %arg7[%add3A_560], %get3A_491 : memref<16384xf32, #tpu.memory_space<vmem>>[vector<16xi32>], vector<16xf32>,
        %mul3A_561 = arith.constant 32 : i32
        %mul3A_562 = vector.broadcast %mul3A_561 : i32 to vector<16xi32>
        %mul3A_563 = arith.muli %mul3A_562, %iota3A : vector<16xi32>
        %add3A_564 = arith.constant 24 : i32
        %add3A_565 = arith.addi %mul3A_90, %add3A_564 : i32
        %add3A_566 = arith.constant 7 : i32
        %add3A_567 = arith.addi %add3A_565, %add3A_566 : i32
        %add3A_568 = vector.broadcast %add3A_567 : i32 to vector<16xi32>
        %add3A_569 = arith.addi %mul3A_563, %add3A_568 : vector<16xi32>
        tpu.vector_store_idx %arg7[%add3A_569], %get3A_497 : memref<16384xf32, #tpu.memory_space<vmem>>[vector<16xi32>], vector<16xf32>,
      }
      %scan3A_71 = arith.constant 8 : i32
      %dma_start3A_72 = arith.constant 0 : i32
      %dma_start3A_73 = tpu.memref_slice %arg7[%dma_start3A_72] : memref<16384xf32, #tpu.memory_space<vmem>> -> memref<4096xf32, #tpu.memory_space<vmem>>
      %dma_start3A_74 = arith.constant 31995904 : i32
      %dma_start3A_75 = tpu.memref_slice %arg4[%dma_start3A_74] : memref<32000000xf32, #tpu.memory_space<hbm>> -> memref<4096xf32, #tpu.memory_space<hbm>>
      %dma_start3A_76 = arith.constant 31995904 : i32
      %dma_start3A_77 = tpu.memref_slice %arg4[%dma_start3A_76] : memref<32000000xf32, #tpu.memory_space<hbm>> -> memref<4096xf32, #tpu.memory_space<hbm>>
      %dma_start3A_78 = arith.constant 0 : i32
      %dma_start3A_79 = tpu.memref_slice %arg7[%dma_start3A_78] : memref<16384xf32, #tpu.memory_space<vmem>> -> memref<4096xf32, #tpu.memory_space<vmem>>
      tpu.enqueue_dma source(%dma_start3A_79 : memref<4096xf32, #tpu.memory_space<vmem>>) target(%dma_start3A_77 : memref<4096xf32, #tpu.memory_space<hbm>>) target_semaphore(%arg13 : memref<!tpu.dma_semaphore, #tpu.memory_space<semaphore_mem>>)
      %dma_wait3A_80 = arith.constant 0 : i32
      %dma_wait3A_81 = tpu.memref_slice %arg7[%dma_wait3A_80] : memref<16384xf32, #tpu.memory_space<vmem>> -> memref<4096xf32, #tpu.memory_space<vmem>>
      %dma_wait3A_82 = arith.constant 31995904 : i32
      %dma_wait3A_83 = tpu.memref_slice %arg4[%dma_wait3A_82] : memref<32000000xf32, #tpu.memory_space<hbm>> -> memref<4096xf32, #tpu.memory_space<hbm>>
      %dma_wait3A_84 = arith.constant 31995904 : i32
      %dma_wait3A_85 = tpu.memref_slice %arg4[%dma_wait3A_84] : memref<32000000xf32, #tpu.memory_space<hbm>> -> memref<4096xf32, #tpu.memory_space<hbm>>
      %dma_wait3A_86 = arith.constant 0 : i32
      %dma_wait3A_87 = tpu.memref_slice %arg7[%dma_wait3A_86] : memref<16384xf32, #tpu.memory_space<vmem>> -> memref<4096xf32, #tpu.memory_space<vmem>>
      tpu.wait_dma2 semaphore(%arg13 : memref<!tpu.dma_semaphore, #tpu.memory_space<semaphore_mem>>) src(%dma_wait3A_87 : memref<4096xf32, #tpu.memory_space<vmem>>) dst(%dma_wait3A_85 : memref<4096xf32, #tpu.memory_space<hbm>>)
    } else {
    }
    return
  }
}

module attributes {stable_mosaic.version = 14 : i64} {
  func.func @_mlp_body(%arg0: memref<16384x32xf32, #tpu.memory_space<vmem>>, %arg1: memref<32x64xf32, #tpu.memory_space<vmem>>, %arg2: memref<1x64xf32, #tpu.memory_space<vmem>>, %arg3: memref<64x1xf32, #tpu.memory_space<vmem>>, %arg4: memref<1x1xf32, #tpu.memory_space<vmem>>, %arg5: memref<16384x1xf32, #tpu.memory_space<vmem>>) attributes {dimension_semantics = [], scalar_prefetch = 0 : i64, scratch_operands = 0 : i64, tpu.core_type = #tpu.core_type<tc>} {
    %get3A = arith.constant 0 : index
    %get3A_0 = arith.constant 0 : index
    %get3A_1 = vector.load %arg0[%get3A, %get3A_0] : memref<16384x32xf32, #tpu.memory_space<vmem>>, vector<16384x32xf32>
    %mul3A = arith.constant 5.000000e-03 : f32
    %mul3A_2 = vector.broadcast %mul3A : f32 to vector<16384x32xf32>
    %mul3A_3 = arith.mulf %get3A_1, %mul3A_2 : vector<16384x32xf32>
    %get3A_4 = arith.constant 0 : index
    %get3A_5 = arith.constant 0 : index
    %get3A_6 = vector.load %arg1[%get3A_4, %get3A_5] : memref<32x64xf32, #tpu.memory_space<vmem>>, vector<32x64xf32>
    %dot_general3A = arith.constant dense<0.000000e+00> : vector<16384x64xf32>
    %dot_general3A_7 = tpu.matmul %mul3A_3, %get3A_6, %dot_general3A {dimension_numbers = #tpu.dot_dimension_numbers<[1], [0], [0], [1], [0, 0, 1, 1], [], []>, transpose_lhs_hint = false} : vector<16384x32xf32>, vector<32x64xf32>, vector<16384x64xf32> -> vector<16384x64xf32>
    %get3A_8 = arith.constant 0 : index
    %get3A_9 = arith.constant 0 : index
    %get3A_10 = vector.load %arg2[%get3A_8, %get3A_9] : memref<1x64xf32, #tpu.memory_space<vmem>>, vector<1x64xf32>
    %add3A = vector.broadcast %get3A_10 : vector<1x64xf32> to vector<16384x64xf32>
    %add3A_11 = arith.addf %dot_general3A_7, %add3A : vector<16384x64xf32>
    %max3A = arith.constant 0.000000e+00 : f32
    %max3A_12 = vector.broadcast %max3A : f32 to vector<16384x64xf32>
    %max3A_13 = arith.maximumf %add3A_11, %max3A_12 : vector<16384x64xf32>
    %get3A_14 = arith.constant 0 : index
    %get3A_15 = arith.constant 0 : index
    %get3A_16 = vector.load %arg3[%get3A_14, %get3A_15] : memref<64x1xf32, #tpu.memory_space<vmem>>, vector<64x1xf32>
    %dot_general3A_17 = arith.constant dense<0.000000e+00> : vector<16384x1xf32>
    %dot_general3A_18 = tpu.matmul %max3A_13, %get3A_16, %dot_general3A_17 {dimension_numbers = #tpu.dot_dimension_numbers<[1], [0], [0], [1], [0, 0, 1, 1], [], []>, transpose_lhs_hint = false} : vector<16384x64xf32>, vector<64x1xf32>, vector<16384x1xf32> -> vector<16384x1xf32>
    %get3A_19 = arith.constant 0 : index
    %get3A_20 = arith.constant 0 : index
    %get3A_21 = vector.load %arg4[%get3A_19, %get3A_20] : memref<1x1xf32, #tpu.memory_space<vmem>>, vector<1x1xf32>
    %add3A_22 = vector.broadcast %get3A_21 : vector<1x1xf32> to vector<16384x1xf32>
    %add3A_23 = arith.addf %dot_general3A_18, %add3A_22 : vector<16384x1xf32>
    %logistic3A = arith.negf %add3A_23 : vector<16384x1xf32>
    %logistic3A_24 = math.exp %logistic3A : vector<16384x1xf32>
    %logistic3A_25 = arith.constant 1.000000e+00 : f32
    %logistic3A_26 = vector.broadcast %logistic3A_25 : f32 to vector<16384x1xf32>
    %logistic3A_27 = arith.addf %logistic3A_26, %logistic3A_24 : vector<16384x1xf32>
    %logistic3A_28 = arith.divf %logistic3A_26, %logistic3A_27 : vector<16384x1xf32>
    %swap3A = arith.constant 0 : index
    %swap3A_29 = arith.constant 0 : index
    %swap3A_30 = vector.load %arg5[%swap3A, %swap3A_29] : memref<16384x1xf32, #tpu.memory_space<vmem>>, vector<16384x1xf32>
    tpu.vector_store %arg5[%swap3A, %swap3A_29], %logistic3A_28 {strides = array<i32>} : memref<16384x1xf32, #tpu.memory_space<vmem>>, vector<16384x1xf32>,
    return
  }
}

</mosaic_0001>

<sc_bundles>
// kernel: kernel.5.cloned.1.call-start
scs
__scs_entry_jumppad:
0x0: {  	(pc) =	sbr.rel $0x88, $3  }
0x1: {  	(tag) =	ssettag $0x0;
	lr =	simm.s32 $0x1  }
0x2: {  	[smem:$0x3F9B] =	sst lr;
	_ =	strace $0xD0000000  }
0x3: {  	_ = 	snop  }
0x4: {  	_ = 	snop  }
0x5: {  	_ = 	snop  }
0x6: {  	_ = 	snop  }
0x7: {  	_ = 	snop  }
__scs_overlays_trampoline_lowered:
0x8: {  	[smem:$0x3FAA] =	sst s0  }
0x9: {  	[smem:$0x3FAB] =	sst s1  }
0xa: {  	[smem:$0x3FAC] =	sst s2  }
0xb: {  	[smem:$0x3FAD] =	sst s3  }
0xc: {  	[smem:$0x3FAE] =	sst s4  }
0xd: {  	[smem:$0x3FAF] =	sst s5  }
0xe: {  	[smem:$0x3FB0] =	sst s6  }
0xf: {  	[smem:$0x3FB1] =	sst s7  }
0x10: {  	[smem:$0x3FB2] =	sst s8  }
0x11: {  	[smem:$0x3FB3] =	sst s9;
	s0 =	simm.s32 @!p0 $0x0  }
0x12: {  	s1 =	sld [smem:$0x3F99];
	s0 =	simm.s32 @p0 $0x1  }
0x13: {  	[smem:$0x3FB4] =	sst s0;
	s0 =	simm.s32 @!p1 $0x0  }
0x14: {  	s2 =	sld [smem:$0x3F98];
	s0 =	simm.s32 @p1 $0x1  }
0x15: {  	[smem:$0x3FB5] =	sst s0;
	s0 =	simm.s32 @!p2 $0x0  }
0x16: {  	s3 =	sld [smem:$0x3FDB];
	s0 =	simm.s32 @p2 $0x1  }
0x17: {  	s4 =	simm.s32 $0x1BF5;
	[smem:$0x3FB7] =	sst s0  }
0x18: {  	s0 =	sld [smem:$0x3F9A];
	_ =	swait.ge [sflag:s4], $0x0  }
0x19: {  	s7 =	sld [smem:$0x3F9B]  }
0x1a: {  	s8 =	sadd.s32 $0xFFFFE003, lr  }
0x1b: {  	s9 =	sadd.s32 $0xFFFFFEF7, lr;
	s5 =	simm.s32 $0xFFFFFFFF;
	p2 =	slt.u32 s8, $0xFFFFF086  }
0x1c: {  	p1 =	slt.u32 s9, $0xF7A;
	s5 =	simm.s32 @!p2 $0x0  }
0x1d: {  	s5 =	simm.s32 @p1 $0x1;
	p0 =	seq.s32 s7, s2  }
0x1e: {  	s7 =	smul.u32 @!p0 $0xF7A, s2;
	p2 =	seq.s32 @!p0 s5, $0x0  }
0x1f: {  	s9 =	smul.u32 $0xF7A, s1;
	s8 =	simm.s32 @!p0 $0x1BF5;
	p2 =	por !p2, p0  }
0x20: {  	[sflag:s8] =	ssyncset.s32 @!p0 $0xFFFFF086;
	s6 =	sadd.s32 @!p0 s3, s7;
	s7 =	simm.s32 @!p0 $0x108  }
0x21: {  	s3 =	sadd.s32 s3, s9;
	s6 =	sadd.s32 @!p0 $0x88, s6;
	s7 =	simm.s32 @p2 $0x1082  }
0x22: {  	[simem:s7], [sflag:s8] =	dma.local @!p0 [hbm:s6], $0xF7A  }
0x23: {  	s9 =	sor.u32 $0xD0000000, s2;
	s6 =	simm.s32 $0x108;
	_ =	swait.ge @!p0 [sflag:s8], $0x0  }
0x24: {  	s3 =	sadd.s32 $0x88, s3;
	s6 =	simm.s32 @!p1 $0x1082;
	[sflag:s4] =	ssyncset.s32 $0xFFFFF086  }
0x25: {  	[simem:s6], [sflag:s4] =	dma.local [hbm:s3], $0xF7A  }
0x26: {  	[smem:$0x3F9B] =	sst s1;
	(tag) =	ssettag s2;
	_ =	strace s9  }
0x27: {  	s1 =	sld [smem:$0x3FAB]  }
0x28: {  	s2 =	sld [smem:$0x3FAC]  }
0x29: {  	s4 =	sld [smem:$0x3FAE]  }
0x2a: {  	p0 =	seq.s32 s5, $0x0;
	s5 =	sld [smem:$0x3FAF]  }
0x2b: {  	s6 =	sld [smem:$0x3FB0]  }
0x2c: {  	s7 =	sld [smem:$0x3FB1]  }
0x2d: {  	s3 =	simm.s32 $0x108;
	s8 =	sld [smem:$0x3FB2]  }
0x2e: {  	s3 =	simm.s32 @!p0 $0x1082;
	s9 =	sld [smem:$0x3FB3]  }
0x2f: {  	lr =	sadd.s32 s0, s3;
	s0 =	sld [smem:$0x3FAA]  }
0x30: {  	s3 =	sld [smem:$0x3FAD]  }
0x31: {  	[smem:$0x3FB6] =	sst s10  }
0x32: {  	s10 =	sld [smem:$0x3FB4];
	_ =	sdelay $0x3  }
0x33: {  	p0 =	seq.s32 s10, $0x1;
	s10 =	sld [smem:$0x3FB6];
	_ =	sdelay $0x3  }
0x34: {  	[smem:$0x3FB6] =	sst s10  }
0x35: {  	s10 =	sld [smem:$0x3FB5];
	_ =	sdelay $0x3  }
0x36: {  	p1 =	seq.s32 s10, $0x1;
	s10 =	sld [smem:$0x3FB6];
	_ =	sdelay $0x3  }
0x37: {  	[smem:$0x3FB6] =	sst s10  }
0x38: {  	s10 =	sld [smem:$0x3FB7]  }
0x39: {  	_ = 	snop;
	(pc) =	sbr.ind lr, $3  }
0x3a: {  	_ = 	snop  }
0x3b: {  	_ = 	snop  }
0x3c: {  	p2 =	seq.s32 s10, $0x1;
	s10 =	sld [smem:$0x3FB6]  }
0x3d: {  	_ =	shalt  }
0x3e: {  	_ =	shalt  }
0x3f: {  	_ =	shalt  }
0x40: {  	_ =	shalt  }
0x41: {  	_ =	shalt  }
0x42: {  	_ =	shalt  }
0x43: {  	_ =	shalt  }
0x44: {  	_ =	shalt  }
0x45: {  	_ =	shalt  }
0x46: {  	_ =	shalt  }
0x47: {  	_ =	shalt  }
0x48: {  	_ =	shalt  }
0x49: {  	_ =	shalt  }
0x4a: {  	_ =	shalt  }
0x4b: {  	_ =	shalt  }
0x4c: {  	_ =	shalt  }
0x4d: {  	_ =	shalt  }
0x4e: {  	_ =	shalt  }
0x4f: {  	_ =	shalt  }
0x50: {  	_ =	shalt  }
0x51: {  	_ =	shalt  }
0x52: {  	_ =	shalt  }
0x53: {  	_ =	shalt  }
0x54: {  	_ =	shalt  }
0x55: {  	_ =	shalt  }
0x56: {  	_ =	shalt  }
0x57: {  	_ =	shalt  }
0x58: {  	_ =	shalt  }
0x59: {  	_ =	shalt  }
0x5a: {  	_ =	shalt  }
0x5b: {  	_ =	shalt  }
0x5c: {  	_ =	shalt  }
0x5d: {  	_ =	shalt  }
0x5e: {  	_ =	shalt  }
0x5f: {  	_ =	shalt  }
0x60: {  	_ =	shalt  }
0x61: {  	_ =	shalt  }
0x62: {  	_ =	shalt  }
0x63: {  	_ =	shalt  }
0x64: {  	_ =	shalt  }
0x65: {  	_ =	shalt  }
0x66: {  	_ =	shalt  }
0x67: {  	_ =	shalt  }
0x68: {  	_ =	shalt  }
0x69: {  	_ =	shalt  }
0x6a: {  	_ =	shalt  }
0x6b: {  	_ =	shalt  }
0x6c: {  	_ =	shalt  }
0x6d: {  	_ =	shalt  }
0x6e: {  	_ =	shalt  }
0x6f: {  	_ =	shalt  }
0x70: {  	_ =	shalt  }
0x71: {  	_ =	shalt  }
0x72: {  	_ =	shalt  }
0x73: {  	_ =	shalt  }
0x74: {  	_ =	shalt  }
0x75: {  	_ =	shalt  }
0x76: {  	_ =	shalt  }
0x77: {  	_ =	shalt  }
0x78: {  	_ =	shalt  }
0x79: {  	_ =	shalt  }
0x7a: {  	_ =	shalt  }
0x7b: {  	_ =	shalt  }
0x7c: {  	_ =	shalt  }
0x7d: {  	_ =	shalt  }
0x7e: {  	_ =	shalt  }
0x7f: {  	_ =	shalt  }
0x80: {  	_ =	shalt  }
0x81: {  	_ =	shalt  }
0x82: {  	_ =	shalt  }
0x83: {  	_ =	shalt  }
0x84: {  	_ =	shalt  }
0x85: {  	_ =	shalt  }
0x86: {  	_ =	shalt  }
0x87: {  	_ =	shalt  }
.Lfunc_end0:
.L_simem_size_0:
called_computation_lowered:
.L_overlay_start_0:
0x88: {  	s2 =	sld [smem:$0x3FD9]  }
0x89: {  	s3 =	sld [smem:$0x3FFE];
	_ =	sdelay $0x1  }
0x8a: {  	s1 =	srdreg.scid  }
0x8b: {  	s0 =	sand.u32 $0x1, s1  }
0x8c: {  	s17 =	sshll.u32 s0, $0xA;
	s2 =	sadd.s32 s3, s2  }
0x8d: {  	s2 =	sadd.s32 s2, s17  }
0x8e: {  	[smem:$0x3FC2] =	sst s2  }
0x8f: {  	_ = 	snop  }
0x90: {  	s2 =	sld [smem:$0x3FC8]  }
0x91: {  	s18 =	sld [smem:$0x3FD0];
	(tm) =	ssettm $0x1  }
0x92: {  	s4 =	sld [smem:$0x3FFB];
	_ =	sdelay $0x3  }
0x93: {  	_ =	strace s4  }
0x94: {  	s4 =	sld [smem:$0x3FFC];
	_ =	sdelay $0x3  }
0x95: {  	_ =	strace s4  }
0x96: {  	s4 =	sld [smem:$0x3FFD];
	_ =	sdelay $0x3  }
0x97: {  	_ =	strace s4  }
0x98: {  	_ =	strace $0x8FFFFFFF  }
0x99: {  	s19 =	sld [smem:$0x3FDB];
	_ =	sdelay $0x1  }
0x9a: {  	s5 =	simm.s32 $_scs_section_size  }
0x9b: {  	s6 =	simm.s32 $_size__tile_overlayer_lowered;
	s7 =	simm.s32 $_tile_overlayer_lowered  }
0x9c: {  	s22 =	simm.s32 $0x1BFF;
	s21 =	sshll.u32 s7, $0x1;
	s4 =	sadd.s32 s5, s19  }
0x9d: {  	s8 =	simm.s32 $0x0;
	s20 =	sshll.u32 s6, $0x1;
	s6 =	sadd.s32 s21, s4  }
0x9e: {  	[timem:s8], [sflag:s22] =	dma.local [hbm:s6], s20  }
0x9f: {  	_ =	swait.ge [sflag:s22], s20  }
0xa0: {  	s5 =	ssub.s32 $0x0, s20;
	[sflag:s22] =	ssyncset.done $0x0  }
0xa1: {  	[sflag:s22] =	ssyncadd.s32 s5;
	_ =	sdelay $0x1  }
0xa2: {  	s23 =	simm.s32 $0x1B8B  }
0xa3: {  	_ =	swait.ge [sflag:s23], $0x1  }
0xa4: {  	[sflag:s23] =	ssyncset.done $0x0  }
0xa5: {  	s25 =	simm.s32 $0x1B8E;
	s24 =	sld [smem:$0x3FFE];
	[sflag:s23] =	ssyncadd.s32 $0xFFFFFFFF  }
0xa6: {  	s26 =	simm.s32 $execute0_lowered;
	[smem:$0x3FD2] =	sst s25  }
0xa7: {  	s6 =	sshll.u32 s26, $0x1;
	_ =	strace $0x80000046;
	[dreg:$0x1] =	wrdreg $0xFFFFFFFF  }
0xa8: {  	s28 =	simm.s32 $_size_execute0_lowered;
	s4 =	sadd.s32 s4, s6;
	[dreg:$0x0] =	wrdreg $0x0  }
0xa9: {  	s6 =	sshll.u32 s28, $0x1;
	[dreg:$0x2] =	wrdreg s4  }
0xaa: {  	[dreg:$0x3] =	wrdreg s6  }
0xab: {  	[dreg:$0x4] =	wrdreg $0xC0  }
0xac: {  	_ =	task [dreg:s8], $0x5FFFF  }
0xad: {  	[dreg:$0x1] =	wrdreg $0xFFFFFFFF  }
0xae: {  	[dreg:$0x0] =	wrdreg $0x60  }
0xaf: {  	[dreg:$0x2] =	wrdreg s2  }
0xb0: {  	[dreg:$0x3] =	wrdreg s18  }
0xb1: {  	[dreg:$0x4] =	wrdreg s24  }
0xb2: {  	[dreg:$0x5] =	wrdreg $0x9  }
0xb3: {  	_ =	task.clear_ibuf [dreg:s8], $0x6FFFF;
	_ =	strace $0x90000046  }
0xb4: {  	s29 =	simm.s32 $0x9;
	_ =	strace $0x80000048  }
0xb5: {  	_ =	swait.ge [sflag:s29], $0x1  }
0xb6: {  	[sflag:s29] =	ssyncadd.s32 $0xFFFFFFFF  }
0xb7: {  	_ =	strace $0x90000048  }
0xb8: {  	_ =	sfence  }
0xb9: {  	s30 =	sld [smem:$0x0];
	_ =	sdelay $0x2  }
0xba: {  	s31 =	sshll.u32 s1, $0xD;
	s1 =	sshrl.u32 s1, $0x2  }
0xbb: {  	s3 =	sand.u32 $0x4000, s31;
	s1 =	sadd.s32 s1, s30  }
0xbc: {  	s0 =	sor.u32 s3, s0;
	s1 =	sshll.u32 s1, $0x11  }
0xbd: {  	s0 =	sor.u32 s1, s0  }
0xbe: {  	s0 =	sadd.s32 $0x8F2B, s0  }
0xbf: {  	[sflag:s0] =	ssyncadd.remote.s32 $0x1  }
0xc0: {  	_ =	sfence.sel $0xFFFF  }
0xc1: {  	[dreg:$0x0] =	wrdreg $0xFFFFFFFF;
	(pc) =	sbr.abs _section_cstart, $3  }
0xc2: {  	[dreg:$0x1] =	wrdreg $0xFFFFFFFF  }
0xc3: {  	_ =	task.clear_ibuf [dreg:s8], $0x2FFFF;
	_ =	strace $0x9FFFFFFF  }
0xc4: {  	(tm) =	ssettm $0x7FFFFFFF  }
0xc5: {  	_ =	shalt  }
tec
execute0_lowered:
.L_overlay_start_1:
0x0: {  	(tag) =	ssettag $0x1  }
0x1: {  	s1 =	rddreg [dreg:$0x0]  }
0x2: {  	s0 =	rddreg [dreg:$0x2];
	s4 =	simm.s32 $0x0;
	s2 =	srdreg.scid  }
0x3: {  	s11 =	stileid.u32;
	s15 =	simm.s32 $0x1000;
	s16 =	simm.s32 $0x7A1400  }
0x4: {  	s17 =	simm.s32 $0x4000;
	s18 =	simm.s32 $0x1;
	s19 =	simm.s32 $0x10000  }
0x5: {  	s20 =	simm.s32 $0x8000;
	s21 =	simm.s32 $0x2;
	s22 =	simm.s32 $0xC000  }
0x6: {  	s23 =	simm.s32 $0x3;
	s24 =	simm.s32 $0x4;
	s26 =	simm.s32 $0x0  }
0x7: {  	[smem:$0x7FF] =	sst s4;
	s2 =	sand.u32 $0x1, s2;
	s3 =	smul.u32 $0x7A10, s11  }
0x8: {  	s5 =	sadd.s32 $0x1000, s0;
	p1 =	seq.s32 s11, $0xF;
	s0 =	sadd.s32 $0x3D1700, s0  }
0x9: {  	_ =	strace $0x80000047;
	s6 =	ssub.s32 $0x0, s2;
	p0 =	seq.s32 s2, $0x0  }
0xa: {  	s9 =	ssub.s32 $0x2, s2;
	p6 =	seq.s32 s2, $0x1;
	[dreg:$0x4] =	wrdreg s0  }
0xb: {  	s7 =	sand.u32 $0x7A100, s6;
	s3 =	sand.u32 $0x7FF80, s3;
	s6 =	simm.s32 $0x79F00  }
.Ltmp0:
0xc: {  	s30 =	sshrl.u32 s9, $0x1;
	s7 =	sadd.s32 s3, s7;
	(pc) =	sbr.rel .LBB2_1-.Ltmp0, $4  }
0xd: {  	s6 =	simm.s32 @!p0 $0xF4000;
	s3 =	ssub.s32 s9, s30;
	p0 =	por !p1, !p6  }
0xe: {  	s10 =	smin.u32 s7, s6;
	s8 =	sadd.s32 $0x200, s7;
	s11 =	sadd.s32 $0x400, s7  }
0xf: {  	v0 =	vlaneseq.u32;
	s12 =	sadd.s32 $0x600, s7;
	p0 =	por !p0, !p0;
	s31 =	smin.u32 s8, s6  }
0x10: {  	v1 =	vmul.u32 $0x21, v0;
	v2 =	vmul.u32 $0x20, v0;
	s14 =	smax.u32 s3, $0x1;
	s9 =	sadd.s32 s1, s10;
	s10 =	sadd.s32 s1, s31  }
.LBB2_16:
0x11: {  	s26 =	sadd.s32 $0x1, s26  }
0x12: {  	p1 =	sne.s32 s26, s14  }
.Ltmp1:
0x13: {  	_ = 	snop;
	(pc) =	sbr.rel @!p1 .LBB2_17-.Ltmp1, $1  }
0x14: {  	_ =	sdelay $0x3  }
.LBB2_1:
0x15: {  	[tilespmem:s4], [sflag:$0x1] =	stream.strided.gather [hbm4b:s9+s15], $0x4000, s16, s15, $0x38;
	[tilespmem:$0x15200] =	vst v63  }
0x16: {  	s28 =	simm.s32 $0x0  }
0x17: {  	[tilespmem:s17], [sflag:$0x2] =	stream.strided.gather [hbm4b:s10+s15], $0x4000, s16, s15, $0x38;
	[tilespmem:$0x15200] =	vst v63  }
.LBB2_2:
0x18: {  	_ =	swait.ge [sflag:s18], $0x4000  }
0x19: {  	p1 =	seq.s32 s28, $0x0;
	[sflag:s18] =	ssyncset.done $0x0  }
0x1a: {  	s0 =	simm.s32 @!p1 $0x3;
	[sflag:s18] =	ssyncadd.s32 $0xFFFFC000  }
0x1b: {  	s29 =	sshll.u32 s28, $0xA;
	s31 =	simm.s32 $0x1F;
	_ =	swait.ge @!p1 [sflag:s0], $0x4000  }
0x1c: {  	s3 =	simm.s32 $0x0;
	s2 =	sadd.s32 s7, s29;
	[sflag:s0] =	ssyncset.done @!p1 $0x0  }
0x1d: {  	s30 =	smin.u32 s2, s6;
	[sflag:s0] =	ssyncadd.s32 @!p1 $0xFFFFC000;
	s0 =	simm.s32 $0x0  }
.LBB2_3:
0x1e: {  	s2 =	sand.u32 $0x70, s0;
	s13 =	sand.u32 $0xC00, s3  }
0x1f: {  	s2 =	sor.u32 s2, s13  }
0x20: {  	v3 =	vld [tilespmem:s2+$0x0]  }
0x21: {  	s25 =	sadd.s32 $0xFFFFFFE1, s31;
	v4 =	vld [tilespmem:s2+$0x80]  }
0x22: {  	v7 =	vadd.s32 s25, v1;
	s25 =	sadd.s32 $0xFFFFFFE2, s31;
	v5 =	vld [tilespmem:s2+$0x100]  }
0x23: {  	s13 =	sadd.s32 $0xFFFFFFE3, s31;
	v6 =	vld [tilespmem:s2+$0x180];
	v9 =	vadd.s32 s25, v1  }
0x24: {  	v8 =	vld [tilespmem:s2+$0x200];
	s25 =	sor.u32 s3, s0;
	v11 =	vadd.s32 s13, v1;
	s13 =	sadd.s32 $0xFFFFFFE4, s31  }
0x25: {  	v10 =	vld [tilespmem:s2+$0x280];
	s25 =	sor.u32 $0x380, s25;
	v13 =	vadd.s32 s13, v1;
	s13 =	sadd.s32 $0xFFFFFFE5, s31  }
0x26: {  	v14 =	vld [tilespmem:s25+$0x0];
	v15 =	vadd.s32 s13, v1;
	s25 =	sadd.s32 $0xFFFFFFE6, s31  }
0x27: {  	v12 =	vld [tilespmem:s2+$0x300];
	[tilespmem:v7+s19+$0x0] =	vst.idx.msk $0xffff, v3;
	v3 =	vadd.s32 s25, v1;
	s25 =	sadd.s32 $0xFFFFFFE7, s31  }
0x28: {  	[tilespmem:v9+s19+$0x0] =	vst.idx.msk $0xffff, v4;
	v41 =	vadd.s32 s25, v1;
	s25 =	sadd.s32 $0xFFFFFFE8, s31  }
0x29: {  	[tilespmem:v11+s19+$0x0] =	vst.idx.msk $0xffff, v5;
	v42 =	vadd.s32 s25, v1  }
0x2a: {  	[tilespmem:v13+s19+$0x0] =	vst.idx.msk $0xffff, v6  }
0x2b: {  	[tilespmem:v15+s19+$0x0] =	vst.idx.msk $0xffff, v8  }
0x2c: {  	[tilespmem:v3+s19+$0x0] =	vst.idx.msk $0xffff, v10  }
0x2d: {  	[tilespmem:v41+s19+$0x0] =	vst.idx.msk $0xffff, v12  }
0x2e: {  	[tilespmem:v42+s19+$0x0] =	vst.idx.msk $0xffff, v14  }
0x2f: {  	v3 =	vld [tilespmem:s2+$0x1000]  }
0x30: {  	s25 =	sadd.s32 $0xFFFFFFE9, s31;
	v4 =	vld [tilespmem:s2+$0x1080]  }
0x31: {  	v43 =	vadd.s32 s25, v1;
	s25 =	sadd.s32 $0xFFFFFFEA, s31;
	v5 =	vld [tilespmem:s2+$0x1100]  }
0x32: {  	v44 =	vadd.s32 s25, v1;
	s25 =	sadd.s32 $0xFFFFFFEB, s31;
	v6 =	vld [tilespmem:s2+$0x1180]  }
0x33: {  	v45 =	vadd.s32 s25, v1;
	s25 =	sadd.s32 $0xFFFFFFEC, s31;
	v8 =	vld [tilespmem:s2+$0x1200]  }
0x34: {  	v46 =	vadd.s32 s25, v1;
	s25 =	sadd.s32 $0xFFFFFFED, s31;
	v10 =	vld [tilespmem:s2+$0x1280]  }
0x35: {  	v47 =	vadd.s32 s25, v1;
	s25 =	sadd.s32 $0xFFFFFFEE, s31;
	v12 =	vld [tilespmem:s2+$0x1300]  }
0x36: {  	v14 =	vld [tilespmem:s2+$0x1380];
	[tilespmem:v43+s19+$0x0] =	vst.idx.msk $0xffff, v3;
	v3 =	vadd.s32 s25, v1;
	s25 =	sadd.s32 $0xFFFFFFEF, s31  }
0x37: {  	[tilespmem:v44+s19+$0x0] =	vst.idx.msk $0xffff, v4;
	v48 =	vadd.s32 s25, v1;
	s25 =	sadd.s32 $0xFFFFFFF0, s31  }
0x38: {  	[tilespmem:v45+s19+$0x0] =	vst.idx.msk $0xffff, v5;
	v49 =	vadd.s32 s25, v1  }
0x39: {  	[tilespmem:v46+s19+$0x0] =	vst.idx.msk $0xffff, v6  }
0x3a: {  	[tilespmem:v47+s19+$0x0] =	vst.idx.msk $0xffff, v8  }
0x3b: {  	[tilespmem:v3+s19+$0x0] =	vst.idx.msk $0xffff, v10  }
0x3c: {  	[tilespmem:v48+s19+$0x0] =	vst.idx.msk $0xffff, v12  }
0x3d: {  	[tilespmem:v49+s19+$0x0] =	vst.idx.msk $0xffff, v14  }
0x3e: {  	v3 =	vld [tilespmem:s2+$0x2000]  }
0x3f: {  	s25 =	sadd.s32 $0xFFFFFFF1, s31;
	v4 =	vld [tilespmem:s2+$0x2080]  }
0x40: {  	v50 =	vadd.s32 s25, v1;
	s25 =	sadd.s32 $0xFFFFFFF2, s31;
	v5 =	vld [tilespmem:s2+$0x2100]  }
0x41: {  	v51 =	vadd.s32 s25, v1;
	s25 =	sadd.s32 $0xFFFFFFF3, s31;
	v6 =	vld [tilespmem:s2+$0x2180]  }
0x42: {  	v52 =	vadd.s32 s25, v1;
	s25 =	sadd.s32 $0xFFFFFFF4, s31;
	v8 =	vld [tilespmem:s2+$0x2200]  }
0x43: {  	v53 =	vadd.s32 s25, v1;
	s25 =	sadd.s32 $0xFFFFFFF5, s31;
	v10 =	vld [tilespmem:s2+$0x2280]  }
0x44: {  	v54 =	vadd.s32 s25, v1;
	s25 =	sadd.s32 $0xFFFFFFF6, s31;
	v12 =	vld [tilespmem:s2+$0x2300]  }
0x45: {  	v14 =	vld [tilespmem:s2+$0x2380];
	[tilespmem:v50+s19+$0x0] =	vst.idx.msk $0xffff, v3;
	v3 =	vadd.s32 s25, v1;
	s25 =	sadd.s32 $0xFFFFFFF7, s31  }
0x46: {  	[tilespmem:v51+s19+$0x0] =	vst.idx.msk $0xffff, v4;
	v55 =	vadd.s32 s25, v1;
	s25 =	sadd.s32 $0xFFFFFFF8, s31  }
0x47: {  	[tilespmem:v52+s19+$0x0] =	vst.idx.msk $0xffff, v5;
	v56 =	vadd.s32 s25, v1  }
0x48: {  	[tilespmem:v53+s19+$0x0] =	vst.idx.msk $0xffff, v6  }
0x49: {  	[tilespmem:v54+s19+$0x0] =	vst.idx.msk $0xffff, v8  }
0x4a: {  	[tilespmem:v3+s19+$0x0] =	vst.idx.msk $0xffff, v10  }
0x4b: {  	[tilespmem:v55+s19+$0x0] =	vst.idx.msk $0xffff, v12  }
0x4c: {  	[tilespmem:v56+s19+$0x0] =	vst.idx.msk $0xffff, v14  }
0x4d: {  	v3 =	vld [tilespmem:s2+$0x3000]  }
0x4e: {  	s25 =	sadd.s32 $0xFFFFFFF9, s31;
	v4 =	vld [tilespmem:s2+$0x3080]  }
0x4f: {  	v57 =	vadd.s32 s25, v1;
	s25 =	sadd.s32 $0xFFFFFFFA, s31;
	v5 =	vld [tilespmem:s2+$0x3100]  }
0x50: {  	v58 =	vadd.s32 s25, v1;
	s25 =	sadd.s32 $0xFFFFFFFB, s31;
	v6 =	vld [tilespmem:s2+$0x3180]  }
0x51: {  	v59 =	vadd.s32 s25, v1;
	s25 =	sadd.s32 $0xFFFFFFFC, s31;
	v8 =	vld [tilespmem:s2+$0x3200]  }
0x52: {  	v60 =	vadd.s32 s25, v1;
	s25 =	sadd.s32 $0xFFFFFFFD, s31;
	v10 =	vld [tilespmem:s2+$0x3280]  }
0x53: {  	s13 =	sadd.s32 $0xFFFFFFFE, s31;
	v61 =	vadd.s32 s25, v1;
	v12 =	vld [tilespmem:s2+$0x3300]  }
0x54: {  	s25 =	sadd.s32 $0xFFFFFFFF, s31;
	v14 =	vld [tilespmem:s2+$0x3380];
	[tilespmem:v57+s19+$0x0] =	vst.idx.msk $0xffff, v3;
	v3 =	vadd.s32 s13, v1  }
0x55: {  	v62 =	vadd.s32 s25, v1;
	[tilespmem:v58+s19+$0x0] =	vst.idx.msk $0xffff, v4  }
0x56: {  	v63 =	vadd.s32 s31, v1;
	p2 =	sne.s32 s31, $0x400F;
	[tilespmem:v59+s19+$0x0] =	vst.idx.msk $0xffff, v5  }
.Ltmp2:
0x57: {  	[tilespmem:v60+s19+$0x0] =	vst.idx.msk $0xffff, v6;
	(pc) =	sbr.rel @p2 .LBB2_3-.Ltmp2, $4  }
0x58: {  	[tilespmem:v61+s19+$0x0] =	vst.idx.msk $0xffff, v8  }
0x59: {  	[tilespmem:v3+s19+$0x0] =	vst.idx.msk $0xffff, v10  }
0x5a: {  	[tilespmem:v62+s19+$0x0] =	vst.idx.msk $0xffff, v12  }
0x5b: {  	s3 =	sadd.s32 $0x80, s3;
	s0 =	sadd.s32 $0x10, s0;
	s31 =	sadd.s32 $0x210, s31;
	[tilespmem:v63+s19+$0x0] =	vst.idx.msk $0xffff, v14  }
0x5c: {  	s0 =	simm.s32 $0x0  }
0x5d: {  	s2 =	simm.s32 $0x10;
	v3 =	vadd.s32 s0, v0  }
0x5e: {  	v4 =	vadd.s32 s2, v0;
	_ =	sdelay $0x3  }
0x5f: {  	v3 =	vld.idx.msk [tilespmem:v3+s19+$0x0], $0xffff  }
0x60: {  	s3 =	simm.s32 $0x21;
	v4 =	vld.idx.msk [tilespmem:v4+s19+$0x0], $0xffff  }
0x61: {  	s13 =	simm.s32 $0x31;
	v5 =	vadd.s32 s3, v0  }
0x62: {  	v6 =	vadd.s32 s13, v0  }
0x63: {  	s0 =	simm.s32 $0x8040  }
0x64: {  	[tilespmem:s0+$0xFFFFFFC0] =	vst v3  }
0x65: {  	[tilespmem:s0+$0xFFFFFFD0] =	vst v4  }
0x66: {  	v3 =	vld.idx.msk [tilespmem:v5+s19+$0x0], $0xffff  }
0x67: {  	s2 =	simm.s32 $0x42;
	v4 =	vld.idx.msk [tilespmem:v6+s19+$0x0], $0xffff  }
0x68: {  	v5 =	vadd.s32 s2, v0  }
0x69: {  	s25 =	simm.s32 $0x52  }
0x6a: {  	s3 =	simm.s32 $0x20;
	v6 =	vadd.s32 s25, v0  }
0x6b: {  	s2 =	sor.u32 $0x30, s3;
	[tilespmem:s0+$0xFFFFFFE0] =	vst v3  }
0x6c: {  	[tilespmem:s2+$0x8000] =	vst v4  }
0x6d: {  	v3 =	vld.idx.msk [tilespmem:v5+s19+$0x0], $0xffff;
	_ =	sdelay $0x1  }
0x6e: {  	s13 =	simm.s32 $0x63;
	v4 =	vld.idx.msk [tilespmem:v6+s19+$0x0], $0xffff  }
0x6f: {  	v5 =	vadd.s32 s13, v0  }
0x70: {  	s3 =	simm.s32 $0x73  }
0x71: {  	s25 =	simm.s32 $0x40;
	[tilespmem:s0+$0x0] =	vst v3;
	v3 =	vadd.s32 s3, v0  }
0x72: {  	s2 =	sor.u32 $0x50, s25  }
0x73: {  	[tilespmem:s2+$0x8000] =	vst v4  }
0x74: {  	v6 =	vld.idx.msk [tilespmem:v5+s19+$0x0], $0xffff;
	_ =	sdelay $0x1  }
0x75: {  	s13 =	simm.s32 $0x84;
	v3 =	vld.idx.msk [tilespmem:v3+s19+$0x0], $0xffff  }
0x76: {  	s25 =	simm.s32 $0x94;
	v4 =	vadd.s32 s13, v0  }
0x77: {  	s3 =	simm.s32 $0x60;
	v5 =	vadd.s32 s25, v0  }
0x78: {  	s31 =	simm.s32 $0x17B;
	s2 =	simm.s32 $0xF7;
	s13 =	sor.u32 $0x70, s3;
	[tilespmem:s0+$0x20] =	vst v6  }
.LBB2_5:
0x79: {  	s3 =	sadd.s32 $0x80, s3  }
0x7a: {  	[tilespmem:s13+$0x8000] =	vst v3;
	s0 =	sadd.s32 $0x80, s0;
	s13 =	smov.u32 s31;
	s25 =	sadd.s32 $0x84, s31  }
0x7b: {  	p2 =	sne.s32 s31, $0x41EF;
	v3 =	vld.idx.msk [tilespmem:v4+s19+$0x0], $0xffff  }
0x7c: {  	v4 =	vld.idx.msk [tilespmem:v5+s19+$0x0], $0xffff  }
0x7d: {  	s31 =	sadd.s32 $0xFFFFFFAE, s2  }
0x7e: {  	v5 =	vadd.s32 s31, v0;
	s31 =	sadd.s32 $0xFFFFFFBE, s2  }
0x7f: {  	v6 =	vadd.s32 s31, v0;
	_ =	sdelay $0x1  }
0x80: {  	[tilespmem:s0+$0xFFFFFFC0] =	vst v3  }
0x81: {  	[tilespmem:s0+$0xFFFFFFD0] =	vst v4  }
0x82: {  	v3 =	vld.idx.msk [tilespmem:v5+s19+$0x0], $0xffff  }
0x83: {  	v4 =	vld.idx.msk [tilespmem:v6+s19+$0x0], $0xffff  }
0x84: {  	s31 =	sadd.s32 $0xFFFFFFCF, s2  }
0x85: {  	v5 =	vadd.s32 s31, v0;
	s31 =	sadd.s32 $0xFFFFFFDF, s2  }
0x86: {  	v6 =	vadd.s32 s31, v0  }
0x87: {  	s31 =	sadd.s32 $0xFFFFFFC0, s3  }
0x88: {  	s31 =	sor.u32 $0x30, s31;
	[tilespmem:s0+$0xFFFFFFE0] =	vst v3  }
0x89: {  	[tilespmem:s31+$0x8000] =	vst v4  }
0x8a: {  	v3 =	vld.idx.msk [tilespmem:v5+s19+$0x0], $0xffff  }
0x8b: {  	v4 =	vld.idx.msk [tilespmem:v6+s19+$0x0], $0xffff  }
0x8c: {  	s31 =	sadd.s32 $0xFFFFFFF0, s2  }
0x8d: {  	v5 =	vadd.s32 s31, v0  }
0x8e: {  	v6 =	vadd.s32 s2, v0;
	s2 =	smov.u32 s13  }
0x8f: {  	s13 =	sadd.s32 $0xFFFFFFE0, s3  }
0x90: {  	s13 =	sor.u32 $0x50, s13;
	[tilespmem:s0+$0x0] =	vst v3  }
0x91: {  	[tilespmem:s13+$0x8000] =	vst v4  }
0x92: {  	v7 =	vld.idx.msk [tilespmem:v5+s19+$0x0], $0xffff  }
0x93: {  	v3 =	vld.idx.msk [tilespmem:v6+s19+$0x0], $0xffff  }
.Ltmp3:
0x94: {  	s13 =	sadd.s32 $0xFFFFFF8D, s2;
	(pc) =	sbr.rel @p2 .LBB2_5-.Ltmp3, $3  }
0x95: {  	v4 =	vadd.s32 s13, v0;
	s13 =	sadd.s32 $0xFFFFFF9D, s2  }
0x96: {  	v5 =	vadd.s32 s13, v0;
	_ =	sdelay $0x1  }
0x97: {  	s31 =	smov.u32 s25;
	s13 =	sor.u32 $0x70, s3;
	[tilespmem:s0+$0x20] =	vst v7  }
0x98: {  	_ =	sdelay $0x2  }
0x99: {  	[tilespmem:s13+$0x8000] =	vst v3  }
0x9a: {  	v3 =	vld.idx.msk [tilespmem:v4+s19+$0x0], $0xffff  }
0x9b: {  	s25 =	sadd.s32 $0xFFFFFFAE, s2;
	v58 =	vld.idx.msk [tilespmem:v5+s19+$0x0], $0xffff  }
0x9c: {  	v59 =	vadd.s32 s25, v0;
	s25 =	sadd.s32 $0xFFFFFFBE, s2  }
0x9d: {  	v6 =	vadd.s32 s25, v0  }
0x9e: {  	s0 =	sadd.s32 $0x80, s0  }
0x9f: {  	[tilespmem:s0+$0xFFFFFFC0] =	vst v3  }
0xa0: {  	[tilespmem:s0+$0xFFFFFFD0] =	vst v58  }
0xa1: {  	v3 =	vld.idx.msk [tilespmem:v59+s19+$0x0], $0xffff  }
0xa2: {  	s25 =	sadd.s32 $0xFFFFFFCF, s2;
	v4 =	vld.idx.msk [tilespmem:v6+s19+$0x0], $0xffff  }
0xa3: {  	v60 =	vadd.s32 s25, v0;
	s25 =	sadd.s32 $0xFFFFFFDF, s2  }
0xa4: {  	s3 =	sadd.s32 $0x80, s3;
	v61 =	vadd.s32 s25, v0  }
0xa5: {  	s25 =	sadd.s32 $0xFFFFFFC0, s3  }
0xa6: {  	s13 =	sor.u32 $0x30, s25;
	[tilespmem:s0+$0xFFFFFFE0] =	vst v3  }
0xa7: {  	[tilespmem:s13+$0x8000] =	vst v4  }
0xa8: {  	v3 =	vld.idx.msk [tilespmem:v60+s19+$0x0], $0xffff  }
0xa9: {  	s25 =	sadd.s32 $0xFFFFFFF0, s2;
	v4 =	vld.idx.msk [tilespmem:v61+s19+$0x0], $0xffff  }
0xaa: {  	v62 =	vadd.s32 s25, v0  }
0xab: {  	v63 =	vadd.s32 s2, v0  }
0xac: {  	s25 =	sadd.s32 $0xFFFFFFE0, s3  }
0xad: {  	s2 =	sor.u32 $0x50, s25;
	[tilespmem:s0+$0x0] =	vst v3  }
0xae: {  	[tilespmem:s2+$0x8000] =	vst v4  }
0xaf: {  	v3 =	vld.idx.msk [tilespmem:v62+s19+$0x0], $0xffff  }
0xb0: {  	v4 =	vld.idx.msk [tilespmem:v63+s19+$0x0], $0xffff;
	_ =	sdelay $0x2  }
0xb1: {  	p2 =	seq.s32 s28, $0x1E  }
0xb2: {  	s2 =	sor.u32 $0x70, s3;
	s3 =	sshll.u32 s30, $0x2;
	[tilespmem:s0+$0x20] =	vst v3;
	s0 =	sadd.s32 @!p2 s29, s11  }
0xb3: {  	s13 =	sadd.s32 s5, s3;
	s3 =	simm.s32 @!p2 $0x7A1400;
	[tilespmem:s2+$0x8000] =	vst v4;
	s0 =	smin.u32 @!p2 s0, s6  }
0xb4: {  	[hbm4b:s13+s4] =	stream.linear.scatter [tilespmem:s20], [sflag:$0x3], $0x4000, $0x38;
	[tilespmem:$0x15200] =	vst v63  }
0xb5: {  	s2 =	simm.s32 @!p2 $0x1000;
	s0 =	sadd.s32 @!p2 s1, s0;
	s13 =	simm.s32 @!p2 $0x0  }
0xb6: {  	[tilespmem:s13], [sflag:$0x1] =	stream.strided.gather @!p2 [hbm4b:s0+s2], $0x4000, s3, s2, $0x38;
	[tilespmem:$0x15200] =	vst v63  }
0xb7: {  	_ =	swait.ge [sflag:s21], $0x4000  }
0xb8: {  	[sflag:s21] =	ssyncset.done $0x0  }
0xb9: {  	s0 =	simm.s32 @!p1 $0x4;
	[sflag:s21] =	ssyncadd.s32 $0xFFFFC000  }
0xba: {  	s25 =	sadd.s32 s29, s8;
	_ =	swait.ge @!p1 [sflag:s0], $0x4000  }
0xbb: {  	s31 =	simm.s32 $0x1F;
	s30 =	smin.u32 s25, s6;
	[sflag:s0] =	ssyncset.done @!p1 $0x0  }
0xbc: {  	s3 =	simm.s32 $0x0;
	[sflag:s0] =	ssyncadd.s32 @!p1 $0xFFFFC000;
	s0 =	simm.s32 $0x0  }
.LBB2_7:
0xbd: {  	s2 =	sand.u32 $0x70, s0;
	s13 =	sand.u32 $0xC00, s3  }
0xbe: {  	s2 =	sor.u32 s2, s13  }
0xbf: {  	v3 =	vld [tilespmem:s2+$0x4000]  }
0xc0: {  	s25 =	sadd.s32 $0xFFFFFFE1, s31;
	v4 =	vld [tilespmem:s2+$0x4080]  }
0xc1: {  	v7 =	vadd.s32 s25, v1;
	s25 =	sadd.s32 $0xFFFFFFE2, s31;
	v5 =	vld [tilespmem:s2+$0x4100]  }
0xc2: {  	s13 =	sadd.s32 $0xFFFFFFE3, s31;
	v6 =	vld [tilespmem:s2+$0x4180];
	v9 =	vadd.s32 s25, v1  }
0xc3: {  	v8 =	vld [tilespmem:s2+$0x4200];
	s25 =	sor.u32 s3, s0;
	v11 =	vadd.s32 s13, v1;
	s13 =	sadd.s32 $0xFFFFFFE4, s31  }
0xc4: {  	v10 =	vld [tilespmem:s2+$0x4280];
	s25 =	sor.u32 $0x380, s25;
	v13 =	vadd.s32 s13, v1;
	s13 =	sadd.s32 $0xFFFFFFE5, s31  }
0xc5: {  	v14 =	vld [tilespmem:s25+$0x4000];
	v15 =	vadd.s32 s13, v1;
	s25 =	sadd.s32 $0xFFFFFFE6, s31  }
0xc6: {  	v12 =	vld [tilespmem:s2+$0x4300];
	[tilespmem:v7+s19+$0x0] =	vst.idx.msk $0xffff, v3;
	v3 =	vadd.s32 s25, v1;
	s25 =	sadd.s32 $0xFFFFFFE7, s31  }
0xc7: {  	[tilespmem:v9+s19+$0x0] =	vst.idx.msk $0xffff, v4;
	v41 =	vadd.s32 s25, v1;
	s25 =	sadd.s32 $0xFFFFFFE8, s31  }
0xc8: {  	[tilespmem:v11+s19+$0x0] =	vst.idx.msk $0xffff, v5;
	v42 =	vadd.s32 s25, v1  }
0xc9: {  	[tilespmem:v13+s19+$0x0] =	vst.idx.msk $0xffff, v6  }
0xca: {  	[tilespmem:v15+s19+$0x0] =	vst.idx.msk $0xffff, v8  }
0xcb: {  	[tilespmem:v3+s19+$0x0] =	vst.idx.msk $0xffff, v10  }
0xcc: {  	[tilespmem:v41+s19+$0x0] =	vst.idx.msk $0xffff, v12  }
0xcd: {  	[tilespmem:v42+s19+$0x0] =	vst.idx.msk $0xffff, v14  }
0xce: {  	v3 =	vld [tilespmem:s2+$0x5000]  }
0xcf: {  	s25 =	sadd.s32 $0xFFFFFFE9, s31;
	v4 =	vld [tilespmem:s2+$0x5080]  }
0xd0: {  	v43 =	vadd.s32 s25, v1;
	s25 =	sadd.s32 $0xFFFFFFEA, s31;
	v5 =	vld [tilespmem:s2+$0x5100]  }
0xd1: {  	v44 =	vadd.s32 s25, v1;
	s25 =	sadd.s32 $0xFFFFFFEB, s31;
	v6 =	vld [tilespmem:s2+$0x5180]  }
0xd2: {  	v45 =	vadd.s32 s25, v1;
	s25 =	sadd.s32 $0xFFFFFFEC, s31;
	v8 =	vld [tilespmem:s2+$0x5200]  }
0xd3: {  	v46 =	vadd.s32 s25, v1;
	s25 =	sadd.s32 $0xFFFFFFED, s31;
	v10 =	vld [tilespmem:s2+$0x5280]  }
0xd4: {  	v47 =	vadd.s32 s25, v1;
	s25 =	sadd.s32 $0xFFFFFFEE, s31;
	v12 =	vld [tilespmem:s2+$0x5300]  }
0xd5: {  	v14 =	vld [tilespmem:s2+$0x5380];
	[tilespmem:v43+s19+$0x0] =	vst.idx.msk $0xffff, v3;
	v3 =	vadd.s32 s25, v1;
	s25 =	sadd.s32 $0xFFFFFFEF, s31  }
0xd6: {  	[tilespmem:v44+s19+$0x0] =	vst.idx.msk $0xffff, v4;
	v48 =	vadd.s32 s25, v1;
	s25 =	sadd.s32 $0xFFFFFFF0, s31  }
0xd7: {  	[tilespmem:v45+s19+$0x0] =	vst.idx.msk $0xffff, v5;
	v49 =	vadd.s32 s25, v1  }
0xd8: {  	[tilespmem:v46+s19+$0x0] =	vst.idx.msk $0xffff, v6  }
0xd9: {  	[tilespmem:v47+s19+$0x0] =	vst.idx.msk $0xffff, v8  }
0xda: {  	[tilespmem:v3+s19+$0x0] =	vst.idx.msk $0xffff, v10  }
0xdb: {  	[tilespmem:v48+s19+$0x0] =	vst.idx.msk $0xffff, v12  }
0xdc: {  	[tilespmem:v49+s19+$0x0] =	vst.idx.msk $0xffff, v14  }
0xdd: {  	v3 =	vld [tilespmem:s2+$0x6000]  }
0xde: {  	s25 =	sadd.s32 $0xFFFFFFF1, s31;
	v4 =	vld [tilespmem:s2+$0x6080]  }
0xdf: {  	v50 =	vadd.s32 s25, v1;
	s25 =	sadd.s32 $0xFFFFFFF2, s31;
	v5 =	vld [tilespmem:s2+$0x6100]  }
0xe0: {  	v51 =	vadd.s32 s25, v1;
	s25 =	sadd.s32 $0xFFFFFFF3, s31;
	v6 =	vld [tilespmem:s2+$0x6180]  }
0xe1: {  	v52 =	vadd.s32 s25, v1;
	s25 =	sadd.s32 $0xFFFFFFF4, s31;
	v8 =	vld [tilespmem:s2+$0x6200]  }
0xe2: {  	v53 =	vadd.s32 s25, v1;
	s25 =	sadd.s32 $0xFFFFFFF5, s31;
	v10 =	vld [tilespmem:s2+$0x6280]  }
0xe3: {  	v54 =	vadd.s32 s25, v1;
	s25 =	sadd.s32 $0xFFFFFFF6, s31;
	v12 =	vld [tilespmem:s2+$0x6300]  }
0xe4: {  	v14 =	vld [tilespmem:s2+$0x6380];
	[tilespmem:v50+s19+$0x0] =	vst.idx.msk $0xffff, v3;
	v3 =	vadd.s32 s25, v1;
	s25 =	sadd.s32 $0xFFFFFFF7, s31  }
0xe5: {  	[tilespmem:v51+s19+$0x0] =	vst.idx.msk $0xffff, v4;
	v55 =	vadd.s32 s25, v1;
	s25 =	sadd.s32 $0xFFFFFFF8, s31  }
0xe6: {  	[tilespmem:v52+s19+$0x0] =	vst.idx.msk $0xffff, v5;
	v56 =	vadd.s32 s25, v1  }
0xe7: {  	[tilespmem:v53+s19+$0x0] =	vst.idx.msk $0xffff, v6  }
0xe8: {  	[tilespmem:v54+s19+$0x0] =	vst.idx.msk $0xffff, v8  }
0xe9: {  	[tilespmem:v3+s19+$0x0] =	vst.idx.msk $0xffff, v10  }
0xea: {  	[tilespmem:v55+s19+$0x0] =	vst.idx.msk $0xffff, v12  }
0xeb: {  	[tilespmem:v56+s19+$0x0] =	vst.idx.msk $0xffff, v14  }
0xec: {  	v3 =	vld [tilespmem:s2+$0x7000]  }
0xed: {  	s25 =	sadd.s32 $0xFFFFFFF9, s31;
	v4 =	vld [tilespmem:s2+$0x7080]  }
0xee: {  	v57 =	vadd.s32 s25, v1;
	s25 =	sadd.s32 $0xFFFFFFFA, s31;
	v5 =	vld [tilespmem:s2+$0x7100]  }
0xef: {  	v58 =	vadd.s32 s25, v1;
	s25 =	sadd.s32 $0xFFFFFFFB, s31;
	v6 =	vld [tilespmem:s2+$0x7180]  }
0xf0: {  	v59 =	vadd.s32 s25, v1;
	s25 =	sadd.s32 $0xFFFFFFFC, s31;
	v8 =	vld [tilespmem:s2+$0x7200]  }
0xf1: {  	v60 =	vadd.s32 s25, v1;
	s25 =	sadd.s32 $0xFFFFFFFD, s31;
	v10 =	vld [tilespmem:s2+$0x7280]  }
0xf2: {  	s13 =	sadd.s32 $0xFFFFFFFE, s31;
	v61 =	vadd.s32 s25, v1;
	v12 =	vld [tilespmem:s2+$0x7300]  }
0xf3: {  	s25 =	sadd.s32 $0xFFFFFFFF, s31;
	v14 =	vld [tilespmem:s2+$0x7380];
	[tilespmem:v57+s19+$0x0] =	vst.idx.msk $0xffff, v3;
	v3 =	vadd.s32 s13, v1  }
0xf4: {  	v62 =	vadd.s32 s25, v1;
	[tilespmem:v58+s19+$0x0] =	vst.idx.msk $0xffff, v4  }
0xf5: {  	v63 =	vadd.s32 s31, v1;
	p1 =	sne.s32 s31, $0x400F;
	[tilespmem:v59+s19+$0x0] =	vst.idx.msk $0xffff, v5  }
.Ltmp4:
0xf6: {  	[tilespmem:v60+s19+$0x0] =	vst.idx.msk $0xffff, v6;
	(pc) =	sbr.rel @p1 .LBB2_7-.Ltmp4, $4  }
0xf7: {  	[tilespmem:v61+s19+$0x0] =	vst.idx.msk $0xffff, v8  }
0xf8: {  	[tilespmem:v3+s19+$0x0] =	vst.idx.msk $0xffff, v10  }
0xf9: {  	[tilespmem:v62+s19+$0x0] =	vst.idx.msk $0xffff, v12  }
0xfa: {  	s3 =	sadd.s32 $0x80, s3;
	s0 =	sadd.s32 $0x10, s0;
	s31 =	sadd.s32 $0x210, s31;
	[tilespmem:v63+s19+$0x0] =	vst.idx.msk $0xffff, v14  }
0xfb: {  	s0 =	simm.s32 $0x0  }
0xfc: {  	s25 =	simm.s32 $0x10;
	v3 =	vadd.s32 s0, v0  }
0xfd: {  	v4 =	vadd.s32 s25, v0;
	_ =	sdelay $0x3  }
0xfe: {  	v3 =	vld.idx.msk [tilespmem:v3+s19+$0x0], $0xffff  }
0xff: {  	s31 =	simm.s32 $0x21;
	v4 =	vld.idx.msk [tilespmem:v4+s19+$0x0], $0xffff  }
0x100: {  	s2 =	simm.s32 $0x31;
	v5 =	vadd.s32 s31, v0  }
0x101: {  	v6 =	vadd.s32 s2, v0  }
0x102: {  	s0 =	simm.s32 $0xC040  }
0x103: {  	[tilespmem:s0+$0xFFFFFFC0] =	vst v3  }
0x104: {  	[tilespmem:s0+$0xFFFFFFD0] =	vst v4  }
0x105: {  	v3 =	vld.idx.msk [tilespmem:v5+s19+$0x0], $0xffff  }
0x106: {  	s2 =	simm.s32 $0x42;
	v4 =	vld.idx.msk [tilespmem:v6+s19+$0x0], $0xffff  }
0x107: {  	v5 =	vadd.s32 s2, v0  }
0x108: {  	s3 =	simm.s32 $0x52  }
0x109: {  	s13 =	simm.s32 $0x20;
	v6 =	vadd.s32 s3, v0  }
0x10a: {  	s2 =	sor.u32 $0x30, s13;
	[tilespmem:s0+$0xFFFFFFE0] =	vst v3  }
0x10b: {  	[tilespmem:s2+$0xC000] =	vst v4  }
0x10c: {  	v3 =	vld.idx.msk [tilespmem:v5+s19+$0x0], $0xffff;
	_ =	sdelay $0x1  }
0x10d: {  	s25 =	simm.s32 $0x63;
	v4 =	vld.idx.msk [tilespmem:v6+s19+$0x0], $0xffff  }
0x10e: {  	v5 =	vadd.s32 s25, v0  }
0x10f: {  	s3 =	simm.s32 $0x73  }
0x110: {  	s31 =	simm.s32 $0x40;
	[tilespmem:s0+$0x0] =	vst v3;
	v3 =	vadd.s32 s3, v0  }
0x111: {  	s2 =	sor.u32 $0x50, s31  }
0x112: {  	[tilespmem:s2+$0xC000] =	vst v4  }
0x113: {  	v6 =	vld.idx.msk [tilespmem:v5+s19+$0x0], $0xffff;
	_ =	sdelay $0x1  }
0x114: {  	s13 =	simm.s32 $0x84;
	v3 =	vld.idx.msk [tilespmem:v3+s19+$0x0], $0xffff  }
0x115: {  	s31 =	simm.s32 $0x94;
	v4 =	vadd.s32 s13, v0  }
0x116: {  	s3 =	simm.s32 $0x60;
	v5 =	vadd.s32 s31, v0  }
0x117: {  	s25 =	simm.s32 $0x17B;
	s2 =	simm.s32 $0xF7;
	s13 =	sor.u32 $0x70, s3;
	[tilespmem:s0+$0x20] =	vst v6  }
.LBB2_9:
0x118: {  	s3 =	sadd.s32 $0x80, s3  }
0x119: {  	[tilespmem:s13+$0xC000] =	vst v3;
	s0 =	sadd.s32 $0x80, s0;
	s13 =	smov.u32 s25;
	s31 =	sadd.s32 $0x84, s25  }
0x11a: {  	p1 =	sne.s32 s25, $0x41EF;
	v3 =	vld.idx.msk [tilespmem:v4+s19+$0x0], $0xffff  }
0x11b: {  	v4 =	vld.idx.msk [tilespmem:v5+s19+$0x0], $0xffff  }
0x11c: {  	s25 =	sadd.s32 $0xFFFFFFAE, s2  }
0x11d: {  	v5 =	vadd.s32 s25, v0;
	s25 =	sadd.s32 $0xFFFFFFBE, s2  }
0x11e: {  	v6 =	vadd.s32 s25, v0;
	_ =	sdelay $0x1  }
0x11f: {  	[tilespmem:s0+$0xFFFFFFC0] =	vst v3  }
0x120: {  	[tilespmem:s0+$0xFFFFFFD0] =	vst v4  }
0x121: {  	v3 =	vld.idx.msk [tilespmem:v5+s19+$0x0], $0xffff  }
0x122: {  	v4 =	vld.idx.msk [tilespmem:v6+s19+$0x0], $0xffff  }
0x123: {  	s25 =	sadd.s32 $0xFFFFFFCF, s2  }
0x124: {  	v5 =	vadd.s32 s25, v0;
	s25 =	sadd.s32 $0xFFFFFFDF, s2  }
0x125: {  	v6 =	vadd.s32 s25, v0  }
0x126: {  	s25 =	sadd.s32 $0xFFFFFFC0, s3  }
0x127: {  	s25 =	sor.u32 $0x30, s25;
	[tilespmem:s0+$0xFFFFFFE0] =	vst v3  }
0x128: {  	[tilespmem:s25+$0xC000] =	vst v4  }
0x129: {  	v3 =	vld.idx.msk [tilespmem:v5+s19+$0x0], $0xffff  }
0x12a: {  	v4 =	vld.idx.msk [tilespmem:v6+s19+$0x0], $0xffff  }
0x12b: {  	s25 =	sadd.s32 $0xFFFFFFF0, s2  }
0x12c: {  	v5 =	vadd.s32 s25, v0  }
0x12d: {  	v6 =	vadd.s32 s2, v0;
	s2 =	smov.u32 s13  }
0x12e: {  	s13 =	sadd.s32 $0xFFFFFFE0, s3  }
0x12f: {  	s13 =	sor.u32 $0x50, s13;
	[tilespmem:s0+$0x0] =	vst v3  }
0x130: {  	[tilespmem:s13+$0xC000] =	vst v4  }
0x131: {  	v7 =	vld.idx.msk [tilespmem:v5+s19+$0x0], $0xffff  }
0x132: {  	v3 =	vld.idx.msk [tilespmem:v6+s19+$0x0], $0xffff  }
.Ltmp5:
0x133: {  	s13 =	sadd.s32 $0xFFFFFF8D, s2;
	(pc) =	sbr.rel @p1 .LBB2_9-.Ltmp5, $3  }
0x134: {  	v4 =	vadd.s32 s13, v0;
	s13 =	sadd.s32 $0xFFFFFF9D, s2  }
0x135: {  	v5 =	vadd.s32 s13, v0;
	_ =	sdelay $0x1  }
0x136: {  	s25 =	smov.u32 s31;
	s13 =	sor.u32 $0x70, s3;
	[tilespmem:s0+$0x20] =	vst v7  }
0x137: {  	_ =	sdelay $0x2  }
0x138: {  	[tilespmem:s13+$0xC000] =	vst v3  }
0x139: {  	v3 =	vld.idx.msk [tilespmem:v4+s19+$0x0], $0xffff  }
0x13a: {  	s25 =	sadd.s32 $0xFFFFFFAE, s2;
	v58 =	vld.idx.msk [tilespmem:v5+s19+$0x0], $0xffff  }
0x13b: {  	s31 =	sadd.s32 $0xFFFFFFBE, s2;
	v59 =	vadd.s32 s25, v0  }
0x13c: {  	v6 =	vadd.s32 s31, v0  }
0x13d: {  	s0 =	sadd.s32 $0x80, s0  }
0x13e: {  	[tilespmem:s0+$0xFFFFFFC0] =	vst v3  }
0x13f: {  	[tilespmem:s0+$0xFFFFFFD0] =	vst v58  }
0x140: {  	v3 =	vld.idx.msk [tilespmem:v59+s19+$0x0], $0xffff  }
0x141: {  	s25 =	sadd.s32 $0xFFFFFFCF, s2;
	v4 =	vld.idx.msk [tilespmem:v6+s19+$0x0], $0xffff  }
0x142: {  	s31 =	sadd.s32 $0xFFFFFFDF, s2;
	v60 =	vadd.s32 s25, v0  }
0x143: {  	s3 =	sadd.s32 $0x80, s3;
	v61 =	vadd.s32 s31, v0  }
0x144: {  	s25 =	sadd.s32 $0xFFFFFFC0, s3  }
0x145: {  	s13 =	sor.u32 $0x30, s25;
	[tilespmem:s0+$0xFFFFFFE0] =	vst v3  }
0x146: {  	[tilespmem:s13+$0xC000] =	vst v4  }
0x147: {  	v3 =	vld.idx.msk [tilespmem:v60+s19+$0x0], $0xffff  }
0x148: {  	s31 =	sadd.s32 $0xFFFFFFF0, s2;
	v4 =	vld.idx.msk [tilespmem:v61+s19+$0x0], $0xffff  }
0x149: {  	v62 =	vadd.s32 s31, v0  }
0x14a: {  	v63 =	vadd.s32 s2, v0  }
0x14b: {  	s13 =	sadd.s32 $0xFFFFFFE0, s3  }
0x14c: {  	s2 =	sor.u32 $0x50, s13;
	[tilespmem:s0+$0x0] =	vst v3  }
0x14d: {  	[tilespmem:s2+$0xC000] =	vst v4  }
0x14e: {  	v3 =	vld.idx.msk [tilespmem:v62+s19+$0x0], $0xffff  }
0x14f: {  	v4 =	vld.idx.msk [tilespmem:v63+s19+$0x0], $0xffff;
	_ =	sdelay $0x1  }
.Ltmp6:
0x150: {  	_ = 	snop;
	(pc) =	sbr.rel @p2 .LBB2_12-.Ltmp6, $4  }
0x151: {  	_ = 	snop  }
0x152: {  	s30 =	sshll.u32 s30, $0x2;
	s25 =	sor.u32 $0x70, s3;
	[tilespmem:s0+$0x20] =	vst v3  }
0x153: {  	s31 =	sadd.s32 s5, s30;
	[tilespmem:s25+$0xC000] =	vst v4  }
0x154: {  	[hbm4b:s31+s4] =	stream.linear.scatter [tilespmem:s22], [sflag:$0x4], $0x4000, $0x38;
	[tilespmem:$0x15200] =	vst v63  }
.Ltmp7:
0x155: {  	(pc) =	sbr.rel .LBB2_2-.Ltmp7, $4  }
0x156: {  	s0 =	sadd.s32 s29, s12  }
0x157: {  	s0 =	smin.u32 s0, s6  }
0x158: {  	s28 =	sadd.s32 $0x1, s28;
	s0 =	sadd.s32 s1, s0  }
0x159: {  	[tilespmem:s17], [sflag:$0x2] =	stream.strided.gather [hbm4b:s0+s15], $0x4000, s16, s15, $0x38;
	[tilespmem:$0x15200] =	vst v63  }
.LBB2_12:
0x15a: {  	_ =	swait.ge [sflag:s23], $0x4000  }
.Ltmp8:
0x15b: {  	[sflag:s23] =	ssyncset.done $0x0;
	(pc) =	sbr.rel @!p0 .LBB2_16-.Ltmp8, $4  }
0x15c: {  	[sflag:s23] =	ssyncadd.s32 $0xFFFFC000  }
0x15d: {  	_ =	swait.ge [sflag:s24], $0x4000  }
0x15e: {  	[sflag:s24] =	ssyncset.done $0x0  }
0x15f: {  	[sflag:s24] =	ssyncadd.s32 $0xFFFFC000  }
0x160: {  	s0 =	rddreg [dreg:$0x1];
	s2 =	simm.s32 $0x14200  }
0x161: {  	[tilespmem:s2], [sflag:$0x1] =	stream.linear.gather [hbm4b:s0+s4], $0x1000, $0x38;
	[tilespmem:$0x15200] =	vst v63  }
0x162: {  	_ =	swait.ge [sflag:s18], $0x1000  }
0x163: {  	[sflag:s18] =	ssyncset.done $0x0  }
0x164: {  	s28 =	simm.s32 $0x14A00;
	[sflag:s18] =	ssyncadd.s32 $0xFFFFF000  }
0x165: {  	v3 =	vld [tilespmem:s28+$0xFFFFFB80]  }
0x166: {  	s3 =	simm.s32 $0x0;
	v4 =	vld [tilespmem:s28+$0xFFFFFB00]  }
0x167: {  	s13 =	simm.s32 $0x1;
	v7 =	vor.u32 s3, v2;
	v6 =	vld [tilespmem:s28+$0xFFFFF800]  }
0x168: {  	s25 =	simm.s32 $0x2;
	v9 =	vor.u32 s13, v2;
	v8 =	vld [tilespmem:s28+$0xFFFFF880]  }
0x169: {  	v11 =	vor.u32 s25, v2;
	s2 =	simm.s32 $0x3;
	v10 =	vld [tilespmem:s28+$0xFFFFF900]  }
0x16a: {  	s3 =	simm.s32 $0x4;
	v13 =	vor.u32 s2, v2;
	v12 =	vld [tilespmem:s28+$0xFFFFF980]  }
0x16b: {  	s13 =	simm.s32 $0x5;
	v15 =	vor.u32 s3, v2;
	v14 =	vld [tilespmem:s28+$0xFFFFFA00]  }
0x16c: {  	s25 =	simm.s32 $0x6;
	v5 =	vld [tilespmem:s28+$0xFFFFFA80];
	[tilespmem:v7+s20+$0x0] =	vst.idx.msk $0xffff, v6;
	v6 =	vor.u32 s13, v2  }
0x16d: {  	s2 =	simm.s32 $0x7;
	v7 =	vor.u32 s25, v2;
	[tilespmem:v9+s20+$0x0] =	vst.idx.msk $0xffff, v8  }
0x16e: {  	v8 =	vor.u32 s2, v2;
	[tilespmem:v11+s20+$0x0] =	vst.idx.msk $0xffff, v10  }
0x16f: {  	[tilespmem:v13+s20+$0x0] =	vst.idx.msk $0xffff, v12  }
0x170: {  	[tilespmem:v15+s20+$0x0] =	vst.idx.msk $0xffff, v14  }
0x171: {  	[tilespmem:v6+s20+$0x0] =	vst.idx.msk $0xffff, v5  }
0x172: {  	[tilespmem:v7+s20+$0x0] =	vst.idx.msk $0xffff, v4  }
0x173: {  	[tilespmem:v8+s20+$0x0] =	vst.idx.msk $0xffff, v3  }
0x174: {  	v3 =	vld [tilespmem:s28+$0xFFFFFD80]  }
0x175: {  	s3 =	simm.s32 $0x8;
	v4 =	vld [tilespmem:s28+$0xFFFFFD00]  }
0x176: {  	s13 =	simm.s32 $0x9;
	v7 =	vor.u32 s3, v2;
	v6 =	vld [tilespmem:s28+$0xFFFFFC00]  }
0x177: {  	s25 =	simm.s32 $0xA;
	v9 =	vor.u32 s13, v2;
	v5 =	vld [tilespmem:s28+$0xFFFFFC80]  }
0x178: {  	s2 =	simm.s32 $0xB;
	v11 =	vor.u32 s25, v2;
	v8 =	vld [tilespmem:s28+$0xFFFFFE80]  }
0x179: {  	v13 =	vor.u32 s2, v2;
	s3 =	simm.s32 $0xC;
	v10 =	vld [tilespmem:s28+$0xFFFFFE00]  }
0x17a: {  	s13 =	simm.s32 $0xD;
	v15 =	vor.u32 s3, v2;
	v12 =	vld [tilespmem:s28+$0xFFFFFF00]  }
0x17b: {  	s25 =	simm.s32 $0xE;
	v14 =	vld [tilespmem:s28+$0xFFFFFF80];
	[tilespmem:v7+s20+$0x0] =	vst.idx.msk $0xffff, v6;
	v6 =	vor.u32 s13, v2  }
0x17c: {  	s2 =	simm.s32 $0xF;
	[tilespmem:v9+s20+$0x0] =	vst.idx.msk $0xffff, v5;
	v5 =	vor.u32 s25, v2  }
0x17d: {  	[tilespmem:v11+s20+$0x0] =	vst.idx.msk $0xffff, v4;
	v4 =	vor.u32 s2, v2  }
0x17e: {  	[tilespmem:v13+s20+$0x0] =	vst.idx.msk $0xffff, v3  }
0x17f: {  	[tilespmem:v15+s20+$0x0] =	vst.idx.msk $0xffff, v10  }
0x180: {  	[tilespmem:v6+s20+$0x0] =	vst.idx.msk $0xffff, v8  }
0x181: {  	[tilespmem:v5+s20+$0x0] =	vst.idx.msk $0xffff, v12  }
0x182: {  	[tilespmem:v4+s20+$0x0] =	vst.idx.msk $0xffff, v14  }
0x183: {  	v3 =	vld [tilespmem:s28+$0x180]  }
0x184: {  	s3 =	simm.s32 $0x10;
	v4 =	vld [tilespmem:s28+$0x80]  }
0x185: {  	v7 =	vor.u32 s3, v2;
	s13 =	simm.s32 $0x11;
	v6 =	vld [tilespmem:s28+$0x0]  }
0x186: {  	v9 =	vor.u32 s13, v2;
	s25 =	simm.s32 $0x12;
	v5 =	vld [tilespmem:s28+$0x100]  }
0x187: {  	v11 =	vor.u32 s25, v2;
	s2 =	simm.s32 $0x13;
	v8 =	vld [tilespmem:s28+$0x200]  }
0x188: {  	s3 =	simm.s32 $0x14;
	v13 =	vor.u32 s2, v2;
	v10 =	vld [tilespmem:s28+$0x300]  }
0x189: {  	s13 =	simm.s32 $0x15;
	v15 =	vor.u32 s3, v2;
	v12 =	vld [tilespmem:s28+$0x280]  }
0x18a: {  	s25 =	simm.s32 $0x16;
	v14 =	vld [tilespmem:s28+$0x380];
	[tilespmem:v7+s20+$0x0] =	vst.idx.msk $0xffff, v6;
	v6 =	vor.u32 s13, v2  }
0x18b: {  	s2 =	simm.s32 $0x17;
	[tilespmem:v9+s20+$0x0] =	vst.idx.msk $0xffff, v4;
	v4 =	vor.u32 s25, v2  }
0x18c: {  	[tilespmem:v11+s20+$0x0] =	vst.idx.msk $0xffff, v5;
	v5 =	vor.u32 s2, v2  }
0x18d: {  	[tilespmem:v13+s20+$0x0] =	vst.idx.msk $0xffff, v3  }
0x18e: {  	[tilespmem:v15+s20+$0x0] =	vst.idx.msk $0xffff, v8  }
0x18f: {  	[tilespmem:v6+s20+$0x0] =	vst.idx.msk $0xffff, v12  }
0x190: {  	[tilespmem:v4+s20+$0x0] =	vst.idx.msk $0xffff, v10  }
0x191: {  	[tilespmem:v5+s20+$0x0] =	vst.idx.msk $0xffff, v14  }
0x192: {  	v3 =	vld [tilespmem:s28+$0x780]  }
0x193: {  	v5 =	vld [tilespmem:s28+$0x480]  }
0x194: {  	v4 =	vld [tilespmem:s28+$0x500]  }
0x195: {  	s29 =	simm.s32 $0x1F;
	s3 =	simm.s32 $0x18;
	v8 =	vld [tilespmem:s28+$0x400]  }
0x196: {  	v7 =	vor.u32 s3, v2;
	s13 =	simm.s32 $0x19;
	s3 =	simm.s32 $0x1B;
	s25 =	simm.s32 $0x1A;
	v6 =	vld [tilespmem:s28+$0x600]  }
0x197: {  	s30 =	simm.s32 $0x21F;
	s31 =	simm.s32 $0x14A00;
	s0 =	simm.s32 $0x1C;
	v9 =	vor.u32 s13, v2;
	v12 =	vor.u32 s3, v2;
	v10 =	vor.u32 s25, v2;
	v11 =	vld [tilespmem:s28+$0x580]  }
.LBB2_14:
0x198: {  	p1 =	sne.s32 s30, $0xE1F  }
0x199: {  	v13 =	vld [tilespmem:s28+$0x700];
	v14 =	vor.u32 s0, v2;
	s0 =	sadd.s32 $0xFFFFFFFE, s29;
	s31 =	sadd.s32 $0x10, s31;
	s2 =	smov.u32 s30  }
0x19a: {  	s30 =	sadd.s32 $0x200, s30;
	v15 =	vld [tilespmem:s28+$0x680];
	v16 =	vor.u32 s0, v2;
	s0 =	sadd.s32 $0xFFFFFFFF, s29;
	s28 =	smov.u32 s31  }
0x19b: {  	[tilespmem:v7+s20+$0x0] =	vst.idx.msk $0xffff, v8;
	v7 =	vor.u32 s0, v2  }
0x19c: {  	[tilespmem:v9+s20+$0x0] =	vst.idx.msk $0xffff, v5;
	v5 =	vor.u32 s29, v2;
	s29 =	smov.u32 s2  }
0x19d: {  	[tilespmem:v10+s20+$0x0] =	vst.idx.msk $0xffff, v4  }
0x19e: {  	[tilespmem:v12+s20+$0x0] =	vst.idx.msk $0xffff, v11  }
0x19f: {  	[tilespmem:v14+s20+$0x0] =	vst.idx.msk $0xffff, v6  }
0x1a0: {  	[tilespmem:v16+s20+$0x0] =	vst.idx.msk $0xffff, v15  }
0x1a1: {  	[tilespmem:v7+s20+$0x0] =	vst.idx.msk $0xffff, v13  }
0x1a2: {  	[tilespmem:v5+s20+$0x0] =	vst.idx.msk $0xffff, v3  }
0x1a3: {  	v3 =	vld [tilespmem:s31+$0xFFFFFB80]  }
0x1a4: {  	v4 =	vld [tilespmem:s31+$0xFFFFFB00]  }
0x1a5: {  	s0 =	sadd.s32 $0xFFFFFFE1, s29;
	v5 =	vld [tilespmem:s31+$0xFFFFFA80]  }
0x1a6: {  	v7 =	vor.u32 s0, v2;
	s0 =	sadd.s32 $0xFFFFFFE2, s29;
	v6 =	vld [tilespmem:s31+$0xFFFFF800]  }
0x1a7: {  	v9 =	vor.u32 s0, v2;
	s0 =	sadd.s32 $0xFFFFFFE3, s29;
	v8 =	vld [tilespmem:s31+$0xFFFFF880]  }
0x1a8: {  	v11 =	vor.u32 s0, v2;
	s0 =	sadd.s32 $0xFFFFFFE4, s29;
	v10 =	vld [tilespmem:s31+$0xFFFFF900]  }
0x1a9: {  	v13 =	vor.u32 s0, v2;
	s0 =	sadd.s32 $0xFFFFFFE5, s29;
	v12 =	vld [tilespmem:s31+$0xFFFFF980]  }
0x1aa: {  	v15 =	vor.u32 s0, v2;
	s0 =	sadd.s32 $0xFFFFFFE6, s29;
	v14 =	vld [tilespmem:s31+$0xFFFFFA00]  }
0x1ab: {  	[tilespmem:v7+s20+$0x0] =	vst.idx.msk $0xffff, v6;
	v6 =	vor.u32 s0, v2;
	s0 =	sadd.s32 $0xFFFFFFE7, s29  }
0x1ac: {  	[tilespmem:v9+s20+$0x0] =	vst.idx.msk $0xffff, v8;
	v7 =	vor.u32 s0, v2;
	s0 =	sadd.s32 $0xFFFFFFE8, s29  }
0x1ad: {  	[tilespmem:v11+s20+$0x0] =	vst.idx.msk $0xffff, v10;
	v8 =	vor.u32 s0, v2  }
0x1ae: {  	[tilespmem:v13+s20+$0x0] =	vst.idx.msk $0xffff, v12  }
0x1af: {  	[tilespmem:v15+s20+$0x0] =	vst.idx.msk $0xffff, v14  }
0x1b0: {  	[tilespmem:v6+s20+$0x0] =	vst.idx.msk $0xffff, v5  }
0x1b1: {  	[tilespmem:v7+s20+$0x0] =	vst.idx.msk $0xffff, v4  }
0x1b2: {  	[tilespmem:v8+s20+$0x0] =	vst.idx.msk $0xffff, v3  }
0x1b3: {  	v3 =	vld [tilespmem:s31+$0xFFFFFD80]  }
0x1b4: {  	v4 =	vld [tilespmem:s31+$0xFFFFFD00]  }
0x1b5: {  	s0 =	sadd.s32 $0xFFFFFFE9, s29;
	v5 =	vld [tilespmem:s31+$0xFFFFFC80]  }
0x1b6: {  	v7 =	vor.u32 s0, v2;
	s0 =	sadd.s32 $0xFFFFFFEA, s29;
	v6 =	vld [tilespmem:s31+$0xFFFFFC00]  }
0x1b7: {  	v9 =	vor.u32 s0, v2;
	s0 =	sadd.s32 $0xFFFFFFEB, s29;
	v8 =	vld [tilespmem:s31+$0xFFFFFE80]  }
0x1b8: {  	v11 =	vor.u32 s0, v2;
	s0 =	sadd.s32 $0xFFFFFFEC, s29;
	v10 =	vld [tilespmem:s31+$0xFFFFFE00]  }
0x1b9: {  	v13 =	vor.u32 s0, v2;
	s0 =	sadd.s32 $0xFFFFFFED, s29;
	v12 =	vld [tilespmem:s31+$0xFFFFFF00]  }
0x1ba: {  	v15 =	vor.u32 s0, v2;
	s0 =	sadd.s32 $0xFFFFFFEE, s29;
	v14 =	vld [tilespmem:s31+$0xFFFFFF80]  }
0x1bb: {  	[tilespmem:v7+s20+$0x0] =	vst.idx.msk $0xffff, v6;
	v6 =	vor.u32 s0, v2;
	s0 =	sadd.s32 $0xFFFFFFEF, s29  }
0x1bc: {  	[tilespmem:v9+s20+$0x0] =	vst.idx.msk $0xffff, v5;
	v5 =	vor.u32 s0, v2;
	s0 =	sadd.s32 $0xFFFFFFF0, s29  }
0x1bd: {  	[tilespmem:v11+s20+$0x0] =	vst.idx.msk $0xffff, v4;
	v4 =	vor.u32 s0, v2  }
0x1be: {  	[tilespmem:v13+s20+$0x0] =	vst.idx.msk $0xffff, v3  }
0x1bf: {  	[tilespmem:v15+s20+$0x0] =	vst.idx.msk $0xffff, v10  }
0x1c0: {  	[tilespmem:v6+s20+$0x0] =	vst.idx.msk $0xffff, v8  }
0x1c1: {  	[tilespmem:v5+s20+$0x0] =	vst.idx.msk $0xffff, v12  }
0x1c2: {  	[tilespmem:v4+s20+$0x0] =	vst.idx.msk $0xffff, v14  }
0x1c3: {  	v3 =	vld [tilespmem:s31+$0x180]  }
0x1c4: {  	v4 =	vld [tilespmem:s31+$0x80]  }
0x1c5: {  	s0 =	sadd.s32 $0xFFFFFFF1, s29;
	v5 =	vld [tilespmem:s31+$0x100]  }
0x1c6: {  	v7 =	vor.u32 s0, v2;
	s0 =	sadd.s32 $0xFFFFFFF2, s29;
	v6 =	vld [tilespmem:s31+$0x0]  }
0x1c7: {  	v9 =	vor.u32 s0, v2;
	s0 =	sadd.s32 $0xFFFFFFF3, s29;
	v8 =	vld [tilespmem:s31+$0x200]  }
0x1c8: {  	v11 =	vor.u32 s0, v2;
	s0 =	sadd.s32 $0xFFFFFFF4, s29;
	v10 =	vld [tilespmem:s31+$0x300]  }
0x1c9: {  	v13 =	vor.u32 s0, v2;
	s0 =	sadd.s32 $0xFFFFFFF5, s29;
	v12 =	vld [tilespmem:s31+$0x280]  }
0x1ca: {  	v15 =	vor.u32 s0, v2;
	s0 =	sadd.s32 $0xFFFFFFF6, s29;
	v14 =	vld [tilespmem:s31+$0x380]  }
0x1cb: {  	[tilespmem:v7+s20+$0x0] =	vst.idx.msk $0xffff, v6;
	v6 =	vor.u32 s0, v2;
	s0 =	sadd.s32 $0xFFFFFFF7, s29  }
0x1cc: {  	[tilespmem:v9+s20+$0x0] =	vst.idx.msk $0xffff, v4;
	v4 =	vor.u32 s0, v2;
	s0 =	sadd.s32 $0xFFFFFFF8, s29  }
0x1cd: {  	[tilespmem:v11+s20+$0x0] =	vst.idx.msk $0xffff, v5;
	v5 =	vor.u32 s0, v2  }
0x1ce: {  	[tilespmem:v13+s20+$0x0] =	vst.idx.msk $0xffff, v3  }
0x1cf: {  	[tilespmem:v15+s20+$0x0] =	vst.idx.msk $0xffff, v8  }
0x1d0: {  	[tilespmem:v6+s20+$0x0] =	vst.idx.msk $0xffff, v12  }
0x1d1: {  	[tilespmem:v4+s20+$0x0] =	vst.idx.msk $0xffff, v10  }
0x1d2: {  	[tilespmem:v5+s20+$0x0] =	vst.idx.msk $0xffff, v14  }
0x1d3: {  	v3 =	vld [tilespmem:s31+$0x780]  }
.Ltmp9:
0x1d4: {  	s0 =	sadd.s32 $0xFFFFFFF9, s29;
	v5 =	vld [tilespmem:s31+$0x480];
	(pc) =	sbr.rel @p1 .LBB2_14-.Ltmp9, $4  }
0x1d5: {  	v7 =	vor.u32 s0, v2;
	s0 =	sadd.s32 $0xFFFFFFFA, s29;
	v4 =	vld [tilespmem:s31+$0x500]  }
0x1d6: {  	v9 =	vor.u32 s0, v2;
	s0 =	sadd.s32 $0xFFFFFFFB, s29;
	v8 =	vld [tilespmem:s31+$0x400]  }
0x1d7: {  	v10 =	vor.u32 s0, v2;
	s0 =	sadd.s32 $0xFFFFFFFC, s29;
	v6 =	vld [tilespmem:s31+$0x600]  }
0x1d8: {  	v12 =	vor.u32 s0, v2;
	s0 =	sadd.s32 $0xFFFFFFFD, s29;
	v11 =	vld [tilespmem:s31+$0x580]  }
0x1d9: {  	_ =	sdelay $0x2  }
0x1da: {  	v13 =	vld [tilespmem:s28+$0x700];
	v14 =	vor.u32 s0, v2;
	s25 =	sadd.s32 $0xFFFFFFFE, s29  }
0x1db: {  	v15 =	vld [tilespmem:s28+$0x680];
	s30 =	sadd.s32 $0xFFFFFFFF, s29;
	v16 =	vor.u32 s25, v2;
	[tilespmem:v7+s20+$0x0] =	vst.idx.msk $0xffff, v8  }
0x1dc: {  	v62 =	vor.u32 s30, v2;
	[tilespmem:v9+s20+$0x0] =	vst.idx.msk $0xffff, v5  }
0x1dd: {  	v63 =	vor.u32 s29, v2;
	[tilespmem:v10+s20+$0x0] =	vst.idx.msk $0xffff, v4  }
0x1de: {  	[tilespmem:v12+s20+$0x0] =	vst.idx.msk $0xffff, v11  }
0x1df: {  	[tilespmem:v14+s20+$0x0] =	vst.idx.msk $0xffff, v6  }
0x1e0: {  	[tilespmem:v16+s20+$0x0] =	vst.idx.msk $0xffff, v15  }
0x1e1: {  	[tilespmem:v62+s20+$0x0] =	vst.idx.msk $0xffff, v13  }
.Ltmp10:
0x1e2: {  	s31 =	rddreg [dreg:$0x4];
	[tilespmem:v63+s20+$0x0] =	vst.idx.msk $0xffff, v3;
	(pc) =	sbr.rel .LBB2_16-.Ltmp10, $4  }
0x1e3: {  	[hbm4b:s31+s4] =	stream.linear.scatter [tilespmem:s20], [sflag:$0x3], $0x1000, $0x38;
	[tilespmem:$0x15200] =	vst v63  }
0x1e4: {  	_ =	swait.ge [sflag:s23], $0x1000  }
0x1e5: {  	[sflag:s23] =	ssyncset.done $0x0  }
0x1e6: {  	[sflag:s23] =	ssyncadd.s32 $0xFFFFF000  }
.LBB2_17:
0x1e7: {  	_ =	sfence.sel $0x180000  }
0x1e8: {  	[bflag:$0x0] =	sbarrier.arrive $0xFFFF  }
0x1e9: {  	_ =	strace $0x90000047  }
0x1ea: {  	s0 =	stileid.u32;
	[bflag:$0x2] =	sbarrier.arrive $0xFFFF  }
0x1eb: {  	p0 =	sne.s32 s0, $0x0;
	s0 =	rddreg [dreg:$0x3]  }
0x1ec: {  	s0 =	sadd.s32 @!p0 $0x100000, s0  }
0x1ed: {  	[sflag:s0] =	ssyncadd.tile.s32 @!p0 $0x1;
	_ =	shalt  }
.Lfunc_end2:
_tile_overlayer_lowered:
.L_overlay_start_2:
0x1ee: {  	(tag) =	ssettag $0x2  }
0x1ef: {  	s0 =	rddreg [dreg:$0x0];
	s2 =	stileid.u32  }
0x1f0: {  	s1 =	rddreg [dreg:$0x1];
	p0 =	sne.s32 s2, $0x0  }
0x1f1: {  	s3 =	rddreg [dreg:$0x2];
	[bflag:$0x3] =	sbarrier.arrive $0xFFFF;
	s2 =	simm.s32 @!p0 $0x1C05  }
0x1f2: {  	[timem:s3], [sflag:s2] =	dma.local @!p0 [hbm:s0], s1  }
0x1f3: {  	s0 =	simm.s32 @!p0 $0x5  }
0x1f4: {  	_ =	swait.ge @!p0 [sflag:s0], s1  }
0x1f5: {  	s1 =	ssub.s32 @!p0 $0x0, s1;
	[sflag:s0] =	ssyncset.done @!p0 $0x0  }
0x1f6: {  	[sflag:s0] =	ssyncadd.s32 @!p0 s1  }
0x1f7: {  	[bflag:$0x3] =	sbarrier.arrive $0xFFFF  }
0x1f8: {  	_ =	shalt  }

// kernel: kernel.8.cloned.1.call-start
scs
__scs_entry_jumppad:
0x0: {  	(pc) =	sbr.rel $0x88, $3  }
0x1: {  	(tag) =	ssettag $0x0;
	lr =	simm.s32 $0x1  }
0x2: {  	[smem:$0x3F9B] =	sst lr;
	_ =	strace $0xD0000000  }
0x3: {  	_ = 	snop  }
0x4: {  	_ = 	snop  }
0x5: {  	_ = 	snop  }
0x6: {  	_ = 	snop  }
0x7: {  	_ = 	snop  }
__scs_overlays_trampoline_lowered:
0x8: {  	[smem:$0x3FAA] =	sst s0  }
0x9: {  	[smem:$0x3FAB] =	sst s1  }
0xa: {  	[smem:$0x3FAC] =	sst s2  }
0xb: {  	[smem:$0x3FAD] =	sst s3  }
0xc: {  	[smem:$0x3FAE] =	sst s4  }
0xd: {  	[smem:$0x3FAF] =	sst s5  }
0xe: {  	[smem:$0x3FB0] =	sst s6  }
0xf: {  	[smem:$0x3FB1] =	sst s7  }
0x10: {  	[smem:$0x3FB2] =	sst s8  }
0x11: {  	[smem:$0x3FB3] =	sst s9;
	s0 =	simm.s32 @!p0 $0x0  }
0x12: {  	s1 =	sld [smem:$0x3F99];
	s0 =	simm.s32 @p0 $0x1  }
0x13: {  	[smem:$0x3FB4] =	sst s0;
	s0 =	simm.s32 @!p1 $0x0  }
0x14: {  	s2 =	sld [smem:$0x3F98];
	s0 =	simm.s32 @p1 $0x1  }
0x15: {  	[smem:$0x3FB5] =	sst s0;
	s0 =	simm.s32 @!p2 $0x0  }
0x16: {  	s3 =	sld [smem:$0x3FDB];
	s0 =	simm.s32 @p2 $0x1  }
0x17: {  	s4 =	simm.s32 $0x1BF5;
	[smem:$0x3FB7] =	sst s0  }
0x18: {  	s0 =	sld [smem:$0x3F9A];
	_ =	swait.ge [sflag:s4], $0x0  }
0x19: {  	s7 =	sld [smem:$0x3F9B]  }
0x1a: {  	s8 =	sadd.s32 $0xFFFFE003, lr  }
0x1b: {  	s9 =	sadd.s32 $0xFFFFFEF7, lr;
	s5 =	simm.s32 $0xFFFFFFFF;
	p2 =	slt.u32 s8, $0xFFFFF086  }
0x1c: {  	p1 =	slt.u32 s9, $0xF7A;
	s5 =	simm.s32 @!p2 $0x0  }
0x1d: {  	s5 =	simm.s32 @p1 $0x1;
	p0 =	seq.s32 s7, s2  }
0x1e: {  	s7 =	smul.u32 @!p0 $0xF7A, s2;
	p2 =	seq.s32 @!p0 s5, $0x0  }
0x1f: {  	s9 =	smul.u32 $0xF7A, s1;
	s8 =	simm.s32 @!p0 $0x1BF5;
	p2 =	por !p2, p0  }
0x20: {  	[sflag:s8] =	ssyncset.s32 @!p0 $0xFFFFF086;
	s6 =	sadd.s32 @!p0 s3, s7;
	s7 =	simm.s32 @!p0 $0x108  }
0x21: {  	s3 =	sadd.s32 s3, s9;
	s6 =	sadd.s32 @!p0 $0x88, s6;
	s7 =	simm.s32 @p2 $0x1082  }
0x22: {  	[simem:s7], [sflag:s8] =	dma.local @!p0 [hbm:s6], $0xF7A  }
0x23: {  	s9 =	sor.u32 $0xD0000000, s2;
	s6 =	simm.s32 $0x108;
	_ =	swait.ge @!p0 [sflag:s8], $0x0  }
0x24: {  	s3 =	sadd.s32 $0x88, s3;
	s6 =	simm.s32 @!p1 $0x1082;
	[sflag:s4] =	ssyncset.s32 $0xFFFFF086  }
0x25: {  	[simem:s6], [sflag:s4] =	dma.local [hbm:s3], $0xF7A  }
0x26: {  	[smem:$0x3F9B] =	sst s1;
	(tag) =	ssettag s2;
	_ =	strace s9  }
0x27: {  	s1 =	sld [smem:$0x3FAB]  }
0x28: {  	s2 =	sld [smem:$0x3FAC]  }
0x29: {  	s4 =	sld [smem:$0x3FAE]  }
0x2a: {  	p0 =	seq.s32 s5, $0x0;
	s5 =	sld [smem:$0x3FAF]  }
0x2b: {  	s6 =	sld [smem:$0x3FB0]  }
0x2c: {  	s7 =	sld [smem:$0x3FB1]  }
0x2d: {  	s3 =	simm.s32 $0x108;
	s8 =	sld [smem:$0x3FB2]  }
0x2e: {  	s3 =	simm.s32 @!p0 $0x1082;
	s9 =	sld [smem:$0x3FB3]  }
0x2f: {  	lr =	sadd.s32 s0, s3;
	s0 =	sld [smem:$0x3FAA]  }
0x30: {  	s3 =	sld [smem:$0x3FAD]  }
0x31: {  	[smem:$0x3FB6] =	sst s10  }
0x32: {  	s10 =	sld [smem:$0x3FB4];
	_ =	sdelay $0x3  }
0x33: {  	p0 =	seq.s32 s10, $0x1;
	s10 =	sld [smem:$0x3FB6];
	_ =	sdelay $0x3  }
0x34: {  	[smem:$0x3FB6] =	sst s10  }
0x35: {  	s10 =	sld [smem:$0x3FB5];
	_ =	sdelay $0x3  }
0x36: {  	p1 =	seq.s32 s10, $0x1;
	s10 =	sld [smem:$0x3FB6];
	_ =	sdelay $0x3  }
0x37: {  	[smem:$0x3FB6] =	sst s10  }
0x38: {  	s10 =	sld [smem:$0x3FB7]  }
0x39: {  	_ = 	snop;
	(pc) =	sbr.ind lr, $3  }
0x3a: {  	_ = 	snop  }
0x3b: {  	_ = 	snop  }
0x3c: {  	p2 =	seq.s32 s10, $0x1;
	s10 =	sld [smem:$0x3FB6]  }
0x3d: {  	_ =	shalt  }
0x3e: {  	_ =	shalt  }
0x3f: {  	_ =	shalt  }
0x40: {  	_ =	shalt  }
0x41: {  	_ =	shalt  }
0x42: {  	_ =	shalt  }
0x43: {  	_ =	shalt  }
0x44: {  	_ =	shalt  }
0x45: {  	_ =	shalt  }
0x46: {  	_ =	shalt  }
0x47: {  	_ =	shalt  }
0x48: {  	_ =	shalt  }
0x49: {  	_ =	shalt  }
0x4a: {  	_ =	shalt  }
0x4b: {  	_ =	shalt  }
0x4c: {  	_ =	shalt  }
0x4d: {  	_ =	shalt  }
0x4e: {  	_ =	shalt  }
0x4f: {  	_ =	shalt  }
0x50: {  	_ =	shalt  }
0x51: {  	_ =	shalt  }
0x52: {  	_ =	shalt  }
0x53: {  	_ =	shalt  }
0x54: {  	_ =	shalt  }
0x55: {  	_ =	shalt  }
0x56: {  	_ =	shalt  }
0x57: {  	_ =	shalt  }
0x58: {  	_ =	shalt  }
0x59: {  	_ =	shalt  }
0x5a: {  	_ =	shalt  }
0x5b: {  	_ =	shalt  }
0x5c: {  	_ =	shalt  }
0x5d: {  	_ =	shalt  }
0x5e: {  	_ =	shalt  }
0x5f: {  	_ =	shalt  }
0x60: {  	_ =	shalt  }
0x61: {  	_ =	shalt  }
0x62: {  	_ =	shalt  }
0x63: {  	_ =	shalt  }
0x64: {  	_ =	shalt  }
0x65: {  	_ =	shalt  }
0x66: {  	_ =	shalt  }
0x67: {  	_ =	shalt  }
0x68: {  	_ =	shalt  }
0x69: {  	_ =	shalt  }
0x6a: {  	_ =	shalt  }
0x6b: {  	_ =	shalt  }
0x6c: {  	_ =	shalt  }
0x6d: {  	_ =	shalt  }
0x6e: {  	_ =	shalt  }
0x6f: {  	_ =	shalt  }
0x70: {  	_ =	shalt  }
0x71: {  	_ =	shalt  }
0x72: {  	_ =	shalt  }
0x73: {  	_ =	shalt  }
0x74: {  	_ =	shalt  }
0x75: {  	_ =	shalt  }
0x76: {  	_ =	shalt  }
0x77: {  	_ =	shalt  }
0x78: {  	_ =	shalt  }
0x79: {  	_ =	shalt  }
0x7a: {  	_ =	shalt  }
0x7b: {  	_ =	shalt  }
0x7c: {  	_ =	shalt  }
0x7d: {  	_ =	shalt  }
0x7e: {  	_ =	shalt  }
0x7f: {  	_ =	shalt  }
0x80: {  	_ =	shalt  }
0x81: {  	_ =	shalt  }
0x82: {  	_ =	shalt  }
0x83: {  	_ =	shalt  }
0x84: {  	_ =	shalt  }
0x85: {  	_ =	shalt  }
0x86: {  	_ =	shalt  }
0x87: {  	_ =	shalt  }
.Lfunc_end0:
.L_simem_size_0:
called_computation.1_lowered:
.L_overlay_start_0:
0x88: {  	s2 =	sld [smem:$0x3FD9]  }
0x89: {  	s3 =	sld [smem:$0x3FFE];
	_ =	sdelay $0x1  }
0x8a: {  	s1 =	srdreg.scid  }
0x8b: {  	s0 =	sand.u32 $0x1, s1  }
0x8c: {  	s16 =	sshll.u32 s0, $0xA;
	s2 =	sadd.s32 s3, s2  }
0x8d: {  	s2 =	sadd.s32 s2, s16  }
0x8e: {  	[smem:$0x3FC2] =	sst s2  }
0x8f: {  	_ = 	snop  }
0x90: {  	(tm) =	ssettm $0x1  }
0x91: {  	s17 =	sld [smem:$0x3FFB];
	_ =	sdelay $0x3  }
0x92: {  	_ =	strace s17  }
0x93: {  	s2 =	sld [smem:$0x3FFC];
	_ =	sdelay $0x3  }
0x94: {  	_ =	strace s2  }
0x95: {  	s2 =	sld [smem:$0x3FFD];
	_ =	sdelay $0x3  }
0x96: {  	_ =	strace s2  }
0x97: {  	_ =	strace $0x8FFFFFFF  }
0x98: {  	s18 =	sld [smem:$0x3FDB];
	_ =	sdelay $0x1  }
0x99: {  	s19 =	simm.s32 $_scs_section_size  }
0x9a: {  	s4 =	simm.s32 $_size__tile_overlayer_lowered;
	s5 =	simm.s32 $_tile_overlayer_lowered  }
0x9b: {  	s22 =	simm.s32 $0x1BFF;
	s21 =	sshll.u32 s5, $0x1;
	s2 =	sadd.s32 s19, s18  }
0x9c: {  	s6 =	simm.s32 $0x0;
	s20 =	sshll.u32 s4, $0x1;
	s4 =	sadd.s32 s21, s2  }
0x9d: {  	[timem:s6], [sflag:s22] =	dma.local [hbm:s4], s20  }
0x9e: {  	_ =	swait.ge [sflag:s22], s20  }
0x9f: {  	s3 =	ssub.s32 $0x0, s20;
	[sflag:s22] =	ssyncset.done $0x0  }
0xa0: {  	[sflag:s22] =	ssyncadd.s32 s3;
	_ =	sdelay $0x1  }
0xa1: {  	s23 =	simm.s32 $0x1B8B  }
0xa2: {  	_ =	swait.ge [sflag:s23], $0x1  }
0xa3: {  	[sflag:s23] =	ssyncset.done $0x0  }
0xa4: {  	s25 =	simm.s32 $0x1B8E;
	s24 =	sld [smem:$0x3FFE];
	[sflag:s23] =	ssyncadd.s32 $0xFFFFFFFF  }
0xa5: {  	s26 =	simm.s32 $execute0_lowered;
	[smem:$0x3FD2] =	sst s25  }
0xa6: {  	s4 =	sshll.u32 s26, $0x1;
	_ =	strace $0x80000049;
	[dreg:$0x1] =	wrdreg $0xFFFFFFFF  }
0xa7: {  	s28 =	simm.s32 $_size_execute0_lowered;
	s2 =	sadd.s32 s2, s4;
	[dreg:$0x0] =	wrdreg $0x0  }
0xa8: {  	s4 =	sshll.u32 s28, $0x1;
	[dreg:$0x2] =	wrdreg s2  }
0xa9: {  	[dreg:$0x3] =	wrdreg s4  }
0xaa: {  	[dreg:$0x4] =	wrdreg $0xC0  }
0xab: {  	_ =	task [dreg:s6], $0x5FFFF  }
0xac: {  	[dreg:$0x1] =	wrdreg $0xFFFFFFFF  }
0xad: {  	[dreg:$0x0] =	wrdreg $0x60  }
0xae: {  	[dreg:$0x2] =	wrdreg s24  }
0xaf: {  	[dreg:$0x3] =	wrdreg $0x9  }
0xb0: {  	_ =	task.clear_ibuf [dreg:s6], $0x4FFFF;
	_ =	strace $0x90000049  }
0xb1: {  	s29 =	simm.s32 $0x9;
	_ =	strace $0x8000004B  }
0xb2: {  	_ =	swait.ge [sflag:s29], $0x1  }
0xb3: {  	[sflag:s29] =	ssyncadd.s32 $0xFFFFFFFF  }
0xb4: {  	_ =	strace $0x9000004B  }
0xb5: {  	_ =	sfence  }
0xb6: {  	s30 =	sld [smem:$0x0];
	_ =	sdelay $0x2  }
0xb7: {  	s31 =	sshll.u32 s1, $0xD;
	s1 =	sshrl.u32 s1, $0x2  }
0xb8: {  	s3 =	sand.u32 $0x4000, s31;
	s1 =	sadd.s32 s1, s30  }
0xb9: {  	s0 =	sor.u32 s3, s0;
	s1 =	sshll.u32 s1, $0x11  }
0xba: {  	s0 =	sor.u32 s1, s0  }
0xbb: {  	s0 =	sadd.s32 $0x8F2B, s0  }
0xbc: {  	[sflag:s0] =	ssyncadd.remote.s32 $0x1  }
0xbd: {  	_ =	sfence.sel $0xFFFF  }
0xbe: {  	[dreg:$0x0] =	wrdreg $0xFFFFFFFF;
	(pc) =	sbr.abs _section_cstart, $3  }
0xbf: {  	[dreg:$0x1] =	wrdreg $0xFFFFFFFF  }
0xc0: {  	_ =	task.clear_ibuf [dreg:s6], $0x2FFFF;
	_ =	strace $0x9FFFFFFF  }
0xc1: {  	(tm) =	ssettm $0x7FFFFFFF  }
tec
execute0_lowered:
.L_overlay_start_1:
0x0: {  	(tag) =	ssettag $0x1  }
0x1: {  	s4 =	rddreg [dreg:$0x0]  }
0x2: {  	s0 =	rddreg [dreg:$0x1]  }
0x3: {  	s2 =	simm.s32 $0x0;
	s3 =	srdreg.scid;
	s1 =	stileid.u32  }
0x4: {  	s13 =	simm.s32 $0xD800;
	s14 =	simm.s32 $0xC8;
	s15 =	simm.s32 $0xE100  }
0x5: {  	s16 =	simm.s32 $0x148;
	s17 =	simm.s32 $0xF100;
	s18 =	simm.s32 $0x1  }
0x6: {  	s19 =	simm.s32 $0x2;
	s20 =	simm.s32 $0xFA00;
	s21 =	simm.s32 $0x0  }
0x7: {  	[smem:$0x7FF] =	sst s2;
	s5 =	sand.u32 $0x1, s3;
	s6 =	sshll.u32 s1, $0xA  }
0x8: {  	s8 =	sadd.s32 $0x3D1A00, s4;
	s3 =	sadd.s32 $0x1000, s4;
	s7 =	sshll.u32 s5, $0x9  }
0x9: {  	s10 =	sadd.s32 $0x435A00, s4;
	s5 =	ssub.s32 $0x2, s5;
	s6 =	sor.u32 s7, s6  }
0xa: {  	_ =	strace $0x8000004A;
	s29 =	sshrl.u32 s5, $0x1;
	s7 =	smul.u32 $0x19, s6  }
.Ltmp0:
0xb: {  	s9 =	sor.u32 $0x100, s6;
	s30 =	sshll.u32 s6, $0x2;
	(pc) =	sbr.rel .LBB2_1-.Ltmp0, $4  }
0xc: {  	s12 =	ssub.s32 s5, s29;
	s11 =	smul.u32 $0x19, s9;
	s5 =	sadd.s32 s10, s30  }
0xd: {  	s31 =	sshll.u32 s9, $0x2;
	s9 =	simm.s32 $0x3;
	s4 =	sadd.s32 s8, s7  }
0xe: {  	s7 =	sadd.s32 s10, s31;
	s10 =	simm.s32 $0x80;
	s6 =	sadd.s32 s8, s11  }
0xf: {  	s8 =	smax.u32 s12, $0x1;
	s11 =	simm.s32 $0xC800;
	s12 =	simm.s32 $0x48  }
.LBB2_15:
0x10: {  	s21 =	sadd.s32 $0x1, s21  }
0x11: {  	p0 =	sne.s32 s21, s8  }
.Ltmp1:
0x12: {  	_ = 	snop;
	(pc) =	sbr.rel @!p0 .LBB2_16-.Ltmp1, $4  }
0x13: {  	[hbm4b:s7+s2] =	stream.linear.scatter [tilespmem:s20], [sflag:$0x3], $0x2000, $0x38;
	[tilespmem:$0x11A00] =	vst v63  }
0x14: {  	_ =	swait.ge [sflag:s9], $0x2000  }
0x15: {  	[sflag:s9] =	ssyncset.done $0x0  }
0x16: {  	[sflag:s9] =	ssyncadd.s32 $0xFFFFE000  }
.LBB2_1:
0x17: {  	[tilespmem:s2], [sflag:$0x3] =	stream.linear.gather [hbm4b:s4+s2], $0xC800, $0x38;
	[tilespmem:$0x11A00] =	vst v63  }
0x18: {  	_ =	swait.ge [sflag:s9], $0xC800  }
0x19: {  	[sflag:s9] =	ssyncset.done $0x0  }
0x1a: {  	[sflag:s9] =	ssyncadd.s32 $0xFFFF3800  }
0x1b: {  	[tilespmem:s11], [sflag:$0x1] =	stream.indirect.gather [hbm4b:s3+s10], $0x20, s2, s10, $0xb8;
	[tilespmem:$0x11A00] =	vst v63  }
0x1c: {  	_ = 	snop  }
0x1d: {  	[tilespmem:s13], [sflag:$0x1] =	stream.indirect.gather [hbm4b:s3+s12], $0x20, s10, s12, $0xb8;
	[tilespmem:$0x11A00] =	vst v63  }
0x1e: {  	_ = 	snop  }
0x1f: {  	[tilespmem:s15], [sflag:$0x2] =	stream.indirect.gather [hbm4b:s3+s10], $0x20, s14, s10, $0xb8;
	[tilespmem:$0x11A00] =	vst v63  }
0x20: {  	s22 =	simm.s32 $0x0  }
0x21: {  	[tilespmem:s17], [sflag:$0x2] =	stream.indirect.gather [hbm4b:s3+s12], $0x20, s16, s12, $0xb8;
	[tilespmem:$0x11A00] =	vst v63  }
.LBB2_2:
0x22: {  	_ =	swait.ge [sflag:s18], $0x1000  }
0x23: {  	[sflag:s18] =	ssyncset.done $0x0  }
0x24: {  	[sflag:s18] =	ssyncadd.s32 $0xFFFFF000  }
0x25: {  	_ =	swait.ge [sflag:s18], $0x900  }
0x26: {  	[sflag:s18] =	ssyncset.done $0x0  }
0x27: {  	s23 =	simm.s32 $0x0;
	[sflag:s18] =	ssyncadd.s32 $0xFFFFF700  }
0x28: {  	v0 =	vld [tilespmem:s23+$0xCAE0]  }
0x29: {  	v1 =	vld [tilespmem:s23+$0xCAF0]  }
0x2a: {  	v2 =	vld [tilespmem:s23+$0xCAA0]  }
0x2b: {  	v3 =	vld [tilespmem:s23+$0xCAB0]  }
0x2c: {  	v4 =	vld [tilespmem:s23+$0xCA60]  }
0x2d: {  	v5 =	vld [tilespmem:s23+$0xCA70]  }
0x2e: {  	v6 =	vld [tilespmem:s23+$0xCA20]  }
0x2f: {  	v7 =	vld [tilespmem:s23+$0xCA30]  }
0x30: {  	v9 =	vld [tilespmem:s23+$0xC9E0]  }
0x31: {  	v8 =	vld [tilespmem:s23+$0xC9F0]  }
0x32: {  	v11 =	vld [tilespmem:s23+$0xC9A0]  }
0x33: {  	v10 =	vld [tilespmem:s23+$0xC9B0]  }
0x34: {  	v13 =	vld [tilespmem:s23+$0xC960]  }
0x35: {  	v12 =	vld [tilespmem:s23+$0xC970]  }
0x36: {  	v15 =	vld [tilespmem:s23+$0xC920]  }
0x37: {  	v14 =	vld [tilespmem:s23+$0xC930]  }
0x38: {  	v17 =	vld [tilespmem:s23+$0xC8E0]  }
0x39: {  	v16 =	vld [tilespmem:s23+$0xC8F0]  }
0x3a: {  	v19 =	vld [tilespmem:s23+$0xC8A0]  }
0x3b: {  	v18 =	vld [tilespmem:s23+$0xC8B0]  }
0x3c: {  	v25 =	vld [tilespmem:s23+$0xC860]  }
0x3d: {  	v24 =	vld [tilespmem:s23+$0xC870]  }
0x3e: {  	v26 =	vld [tilespmem:s23+$0xC820]  }
0x3f: {  	v22 =	vimm.f32 $0.0e+00;
	v27 =	vld [tilespmem:s23+$0xC830]  }
0x40: {  	s24 =	simm.s32 $0xC80;
	v23 =	vimm.f32 $0.0e+00;
	v21 =	vimm.f32 $0.0e+00;
	v20 =	vimm.f32 $0.0e+00;
	v28 =	vld [tilespmem:s23+$0xC800]  }
.LBB2_3:
0x41: {  	p0 =	sne.s32 s24, $0x5780;
	v29 =	vld [tilespmem:s23+$0xC810]  }
0x42: {  	v30 =	vld [tilespmem:s23+$0xC840]  }
0x43: {  	v31 =	vld [tilespmem:s23+$0xC850]  }
0x44: {  	v32 =	vld [tilespmem:s23+$0xC880]  }
0x45: {  	v33 =	vld [tilespmem:s23+$0xC890]  }
0x46: {  	v22 =	vadd.f32 v28, v22;
	v23 =	vadd.f32 v29, v23;
	v28 =	vld [tilespmem:s23+$0xC8C0]  }
0x47: {  	v21 =	vadd.f32 v26, v21;
	v20 =	vadd.f32 v27, v20;
	v26 =	vld [tilespmem:s23+$0xC8D0]  }
0x48: {  	v22 =	vadd.f32 v30, v22;
	v23 =	vadd.f32 v31, v23;
	v27 =	vld [tilespmem:s23+$0xC900]  }
0x49: {  	v21 =	vadd.f32 v25, v21;
	v20 =	vadd.f32 v24, v20;
	v24 =	vld [tilespmem:s23+$0xC910]  }
0x4a: {  	v22 =	vadd.f32 v32, v22;
	v23 =	vadd.f32 v33, v23;
	v25 =	vld [tilespmem:s23+$0xC940]  }
0x4b: {  	v19 =	vadd.f32 v19, v21;
	v18 =	vadd.f32 v18, v20;
	v20 =	vld [tilespmem:s23+$0xC950]  }
0x4c: {  	v21 =	vadd.f32 v28, v22;
	v22 =	vadd.f32 v26, v23;
	v23 =	vld [tilespmem:s23+$0xC980]  }
0x4d: {  	v17 =	vadd.f32 v17, v19;
	v16 =	vadd.f32 v16, v18;
	v18 =	vld [tilespmem:s23+$0xC990]  }
0x4e: {  	v19 =	vadd.f32 v27, v21;
	v21 =	vadd.f32 v24, v22;
	v22 =	vld [tilespmem:s23+$0xC9C0]  }
0x4f: {  	v15 =	vadd.f32 v15, v17;
	v14 =	vadd.f32 v14, v16;
	v16 =	vld [tilespmem:s23+$0xC9D0]  }
0x50: {  	v17 =	vadd.f32 v25, v19;
	v19 =	vadd.f32 v20, v21;
	v20 =	vld [tilespmem:s23+$0xCA00]  }
0x51: {  	v13 =	vadd.f32 v13, v15;
	v12 =	vadd.f32 v12, v14;
	v14 =	vld [tilespmem:s23+$0xCA10]  }
0x52: {  	v15 =	vadd.f32 v23, v17;
	v17 =	vadd.f32 v18, v19;
	v18 =	vld [tilespmem:s23+$0xCA40]  }
0x53: {  	v11 =	vadd.f32 v11, v13;
	v10 =	vadd.f32 v10, v12;
	v12 =	vld [tilespmem:s23+$0xCA50]  }
0x54: {  	v13 =	vadd.f32 v22, v15;
	v15 =	vadd.f32 v16, v17;
	v16 =	vld [tilespmem:s23+$0xCA80]  }
0x55: {  	v9 =	vadd.f32 v9, v11;
	v8 =	vadd.f32 v8, v10;
	v10 =	vld [tilespmem:s23+$0xCA90]  }
0x56: {  	v11 =	vadd.f32 v20, v13;
	v13 =	vadd.f32 v14, v15;
	v14 =	vld [tilespmem:s23+$0xCAC0]  }
0x57: {  	v6 =	vadd.f32 v6, v9;
	v7 =	vadd.f32 v7, v8;
	v8 =	vld [tilespmem:s23+$0xCAD0]  }
0x58: {  	v9 =	vadd.f32 v18, v11;
	v11 =	vadd.f32 v12, v13;
	v12 =	vld [tilespmem:s23+$0xCB00]  }
0x59: {  	v4 =	vadd.f32 v4, v6;
	v5 =	vadd.f32 v5, v7;
	v6 =	vld [tilespmem:s23+$0xCB10];
	s23 =	sshra.s32 s24, $0x2  }
0x5a: {  	v9 =	vadd.f32 v16, v9;
	v7 =	vld [tilespmem:s23+$0xCAE0];
	v10 =	vadd.f32 v10, v11  }
0x5b: {  	v4 =	vadd.f32 v2, v4;
	v5 =	vadd.f32 v3, v5;
	v11 =	vld [tilespmem:s23+$0xCAF0]  }
0x5c: {  	v9 =	vadd.f32 v14, v9;
	v2 =	vld [tilespmem:s23+$0xCAA0];
	v8 =	vadd.f32 v8, v10  }
0x5d: {  	v21 =	vadd.f32 v0, v4;
	v20 =	vadd.f32 v1, v5;
	v3 =	vld [tilespmem:s23+$0xCAB0]  }
0x5e: {  	v22 =	vadd.f32 v12, v9;
	v4 =	vld [tilespmem:s23+$0xCA60];
	v23 =	vadd.f32 v6, v8  }
0x5f: {  	v5 =	vld [tilespmem:s23+$0xCA70];
	v0 =	vmov v7  }
0x60: {  	v6 =	vld [tilespmem:s23+$0xCA20];
	v1 =	vmov v11  }
0x61: {  	v7 =	vld [tilespmem:s23+$0xCA30]  }
0x62: {  	v9 =	vld [tilespmem:s23+$0xC9E0]  }
0x63: {  	v8 =	vld [tilespmem:s23+$0xC9F0]  }
0x64: {  	v11 =	vld [tilespmem:s23+$0xC9A0]  }
0x65: {  	v10 =	vld [tilespmem:s23+$0xC9B0]  }
0x66: {  	v13 =	vld [tilespmem:s23+$0xC960]  }
0x67: {  	v12 =	vld [tilespmem:s23+$0xC970]  }
0x68: {  	v15 =	vld [tilespmem:s23+$0xC920]  }
0x69: {  	v14 =	vld [tilespmem:s23+$0xC930]  }
0x6a: {  	v17 =	vld [tilespmem:s23+$0xC8E0]  }
0x6b: {  	v16 =	vld [tilespmem:s23+$0xC8F0]  }
0x6c: {  	v19 =	vld [tilespmem:s23+$0xC8A0]  }
0x6d: {  	v18 =	vld [tilespmem:s23+$0xC8B0]  }
.Ltmp2:
0x6e: {  	v25 =	vld [tilespmem:s23+$0xC860];
	(pc) =	sbr.rel @p0 .LBB2_3-.Ltmp2, $4  }
0x6f: {  	v24 =	vld [tilespmem:s23+$0xC870]  }
0x70: {  	v26 =	vld [tilespmem:s23+$0xC820]  }
0x71: {  	v27 =	vld [tilespmem:s23+$0xC830]  }
0x72: {  	s24 =	sadd.s32 $0xC80, s24;
	v28 =	vld [tilespmem:s23+$0xC800]  }
0x73: {  	v29 =	vld [tilespmem:s23+$0xC810]  }
0x74: {  	v30 =	vld [tilespmem:s23+$0xC840]  }
0x75: {  	v31 =	vld [tilespmem:s23+$0xC850]  }
0x76: {  	v32 =	vld [tilespmem:s23+$0xC880]  }
0x77: {  	v33 =	vld [tilespmem:s23+$0xC890];
	v22 =	vadd.f32 v28, v22  }
0x78: {  	v28 =	vld [tilespmem:s23+$0xC8C0];
	v23 =	vadd.f32 v29, v23  }
0x79: {  	v21 =	vadd.f32 v26, v21;
	v26 =	vld [tilespmem:s23+$0xC8D0];
	v22 =	vadd.f32 v30, v22  }
0x7a: {  	v20 =	vadd.f32 v27, v20;
	v27 =	vld [tilespmem:s23+$0xC900];
	v23 =	vadd.f32 v31, v23  }
0x7b: {  	v21 =	vadd.f32 v25, v21;
	v25 =	vld [tilespmem:s23+$0xC910];
	v22 =	vadd.f32 v32, v22  }
0x7c: {  	v20 =	vadd.f32 v24, v20;
	v24 =	vld [tilespmem:s23+$0xC940];
	v23 =	vadd.f32 v33, v23  }
0x7d: {  	v19 =	vadd.f32 v19, v21;
	v21 =	vld [tilespmem:s23+$0xC950];
	v22 =	vadd.f32 v28, v22  }
0x7e: {  	v18 =	vadd.f32 v18, v20;
	v20 =	vadd.f32 v26, v23;
	v23 =	vld [tilespmem:s23+$0xC980]  }
0x7f: {  	v17 =	vadd.f32 v17, v19;
	v19 =	vld [tilespmem:s23+$0xC990];
	v22 =	vadd.f32 v27, v22  }
0x80: {  	v16 =	vadd.f32 v16, v18;
	v18 =	vadd.f32 v25, v20;
	v20 =	vld [tilespmem:s23+$0xC9C0]  }
0x81: {  	v15 =	vadd.f32 v15, v17;
	v17 =	vld [tilespmem:s23+$0xC9D0];
	v22 =	vadd.f32 v24, v22  }
0x82: {  	v14 =	vadd.f32 v14, v16;
	v16 =	vadd.f32 v21, v18;
	v18 =	vld [tilespmem:s23+$0xCA00]  }
0x83: {  	v13 =	vadd.f32 v13, v15;
	v15 =	vld [tilespmem:s23+$0xCA10];
	v21 =	vadd.f32 v23, v22  }
0x84: {  	v12 =	vadd.f32 v12, v14;
	v14 =	vadd.f32 v19, v16;
	v16 =	vld [tilespmem:s23+$0xCA40]  }
0x85: {  	v11 =	vadd.f32 v11, v13;
	v13 =	vld [tilespmem:s23+$0xCA50];
	v19 =	vadd.f32 v20, v21  }
0x86: {  	v10 =	vadd.f32 v10, v12;
	v12 =	vadd.f32 v17, v14;
	v14 =	vld [tilespmem:s23+$0xCA80]  }
0x87: {  	v9 =	vadd.f32 v9, v11;
	v11 =	vld [tilespmem:s23+$0xCA90];
	v17 =	vadd.f32 v18, v19  }
0x88: {  	v8 =	vadd.f32 v8, v10;
	v10 =	vadd.f32 v15, v12;
	v12 =	vld [tilespmem:s23+$0xCAC0]  }
0x89: {  	v6 =	vadd.f32 v6, v9;
	v9 =	vld [tilespmem:s23+$0xCAD0];
	v15 =	vadd.f32 v16, v17  }
0x8a: {  	v7 =	vadd.f32 v7, v8;
	v8 =	vadd.f32 v13, v10;
	v10 =	vld [tilespmem:s23+$0xCB00]  }
0x8b: {  	v4 =	vadd.f32 v4, v6;
	v6 =	vld [tilespmem:s23+$0xCB10];
	v13 =	vadd.f32 v14, v15  }
0x8c: {  	v5 =	vadd.f32 v5, v7;
	v7 =	vadd.f32 v11, v8  }
0x8d: {  	v2 =	vadd.f32 v2, v4;
	v4 =	vadd.f32 v12, v13  }
0x8e: {  	v3 =	vadd.f32 v3, v5;
	v5 =	vadd.f32 v9, v7  }
0x8f: {  	v0 =	vadd.f32 v0, v2;
	v2 =	vadd.f32 v10, v4  }
0x90: {  	p0 =	seq.s32 s22, $0x7F;
	v1 =	vadd.f32 v1, v3;
	v3 =	vadd.f32 v6, v5  }
0x91: {  	s31 =	sshll.u32 s22, $0x6;
	s24 =	smul.u32 @!p0 $0x640, s22;
	v0 =	vadd.f32 v0, v2  }
0x92: {  	s23 =	sand.u32 $0x3FFFFFC0, s31;
	v1 =	vadd.f32 v1, v3  }
0x93: {  	s24 =	sshra.s32 @!p0 s24, $0x2;
	[tilespmem:s23+$0xFA00] =	vst v0  }
0x94: {  	s26 =	simm.s32 @!p0 $0x80;
	s28 =	simm.s32 @!p0 $0xC800;
	s25 =	sadd.s32 @!p0 $0x190, s24;
	[tilespmem:s23+$0xFA10] =	vst v1  }
0x95: {  	[tilespmem:s28], [sflag:$0x1] =	stream.indirect.gather @!p0 [hbm4b:s3+s26], $0x20, s25, s26, $0xb8;
	[tilespmem:$0x11A00] =	vst v63  }
0x96: {  	s24 =	sadd.s32 @!p0 $0x210, s24;
	s25 =	simm.s32 @!p0 $0x48;
	s26 =	simm.s32 @!p0 $0xD800  }
0x97: {  	[tilespmem:s26], [sflag:$0x1] =	stream.indirect.gather @!p0 [hbm4b:s3+s25], $0x20, s24, s25, $0xb8;
	[tilespmem:$0x11A00] =	vst v63  }
0x98: {  	_ =	swait.ge [sflag:s19], $0x1000  }
0x99: {  	[sflag:s19] =	ssyncset.done $0x0  }
0x9a: {  	[sflag:s19] =	ssyncadd.s32 $0xFFFFF000  }
0x9b: {  	_ =	swait.ge [sflag:s19], $0x900  }
0x9c: {  	[sflag:s19] =	ssyncset.done $0x0  }
0x9d: {  	s24 =	simm.s32 $0x0;
	[sflag:s19] =	ssyncadd.s32 $0xFFFFF700  }
0x9e: {  	v0 =	vld [tilespmem:s24+$0xE3E0]  }
0x9f: {  	v1 =	vld [tilespmem:s24+$0xE3F0]  }
0xa0: {  	v2 =	vld [tilespmem:s24+$0xE3A0]  }
0xa1: {  	v3 =	vld [tilespmem:s24+$0xE3B0]  }
0xa2: {  	v4 =	vld [tilespmem:s24+$0xE360]  }
0xa3: {  	v5 =	vld [tilespmem:s24+$0xE370]  }
0xa4: {  	v6 =	vld [tilespmem:s24+$0xE320]  }
0xa5: {  	v7 =	vld [tilespmem:s24+$0xE330]  }
0xa6: {  	v9 =	vld [tilespmem:s24+$0xE2E0]  }
0xa7: {  	v8 =	vld [tilespmem:s24+$0xE2F0]  }
0xa8: {  	v11 =	vld [tilespmem:s24+$0xE2A0]  }
0xa9: {  	v10 =	vld [tilespmem:s24+$0xE2B0]  }
0xaa: {  	v13 =	vld [tilespmem:s24+$0xE260]  }
0xab: {  	v12 =	vld [tilespmem:s24+$0xE270]  }
0xac: {  	v15 =	vld [tilespmem:s24+$0xE220]  }
0xad: {  	v14 =	vld [tilespmem:s24+$0xE230]  }
0xae: {  	v17 =	vld [tilespmem:s24+$0xE1E0]  }
0xaf: {  	v16 =	vld [tilespmem:s24+$0xE1F0]  }
0xb0: {  	v19 =	vld [tilespmem:s24+$0xE1A0]  }
0xb1: {  	v18 =	vld [tilespmem:s24+$0xE1B0]  }
0xb2: {  	v25 =	vld [tilespmem:s24+$0xE160]  }
0xb3: {  	v24 =	vld [tilespmem:s24+$0xE170]  }
0xb4: {  	v26 =	vld [tilespmem:s24+$0xE120]  }
0xb5: {  	v22 =	vimm.f32 $0.0e+00;
	v27 =	vld [tilespmem:s24+$0xE130]  }
0xb6: {  	v23 =	vimm.f32 $0.0e+00;
	v21 =	vimm.f32 $0.0e+00;
	v20 =	vimm.f32 $0.0e+00;
	s25 =	simm.s32 $0xC80;
	v28 =	vld [tilespmem:s24+$0xE100]  }
.LBB2_5:
0xb7: {  	p1 =	sne.s32 s25, $0x5780;
	v29 =	vld [tilespmem:s24+$0xE110]  }
0xb8: {  	v30 =	vld [tilespmem:s24+$0xE140]  }
0xb9: {  	v31 =	vld [tilespmem:s24+$0xE150]  }
0xba: {  	v32 =	vld [tilespmem:s24+$0xE180]  }
0xbb: {  	v33 =	vld [tilespmem:s24+$0xE190]  }
0xbc: {  	v22 =	vadd.f32 v28, v22;
	v23 =	vadd.f32 v29, v23;
	v28 =	vld [tilespmem:s24+$0xE1C0]  }
0xbd: {  	v21 =	vadd.f32 v26, v21;
	v20 =	vadd.f32 v27, v20;
	v26 =	vld [tilespmem:s24+$0xE1D0]  }
0xbe: {  	v22 =	vadd.f32 v30, v22;
	v23 =	vadd.f32 v31, v23;
	v27 =	vld [tilespmem:s24+$0xE200]  }
0xbf: {  	v21 =	vadd.f32 v25, v21;
	v20 =	vadd.f32 v24, v20;
	v24 =	vld [tilespmem:s24+$0xE210]  }
0xc0: {  	v22 =	vadd.f32 v32, v22;
	v23 =	vadd.f32 v33, v23;
	v25 =	vld [tilespmem:s24+$0xE240]  }
0xc1: {  	v19 =	vadd.f32 v19, v21;
	v18 =	vadd.f32 v18, v20;
	v20 =	vld [tilespmem:s24+$0xE250]  }
0xc2: {  	v21 =	vadd.f32 v28, v22;
	v22 =	vadd.f32 v26, v23;
	v23 =	vld [tilespmem:s24+$0xE280]  }
0xc3: {  	v17 =	vadd.f32 v17, v19;
	v16 =	vadd.f32 v16, v18;
	v18 =	vld [tilespmem:s24+$0xE290]  }
0xc4: {  	v19 =	vadd.f32 v27, v21;
	v21 =	vadd.f32 v24, v22;
	v22 =	vld [tilespmem:s24+$0xE2C0]  }
0xc5: {  	v15 =	vadd.f32 v15, v17;
	v14 =	vadd.f32 v14, v16;
	v16 =	vld [tilespmem:s24+$0xE2D0]  }
0xc6: {  	v17 =	vadd.f32 v25, v19;
	v19 =	vadd.f32 v20, v21;
	v20 =	vld [tilespmem:s24+$0xE300]  }
0xc7: {  	v13 =	vadd.f32 v13, v15;
	v12 =	vadd.f32 v12, v14;
	v14 =	vld [tilespmem:s24+$0xE310]  }
0xc8: {  	v15 =	vadd.f32 v23, v17;
	v17 =	vadd.f32 v18, v19;
	v18 =	vld [tilespmem:s24+$0xE340]  }
0xc9: {  	v11 =	vadd.f32 v11, v13;
	v10 =	vadd.f32 v10, v12;
	v12 =	vld [tilespmem:s24+$0xE350]  }
0xca: {  	v13 =	vadd.f32 v22, v15;
	v15 =	vadd.f32 v16, v17;
	v16 =	vld [tilespmem:s24+$0xE380]  }
0xcb: {  	v9 =	vadd.f32 v9, v11;
	v8 =	vadd.f32 v8, v10;
	v10 =	vld [tilespmem:s24+$0xE390]  }
0xcc: {  	v11 =	vadd.f32 v20, v13;
	v13 =	vadd.f32 v14, v15;
	v14 =	vld [tilespmem:s24+$0xE3C0]  }
0xcd: {  	v6 =	vadd.f32 v6, v9;
	v7 =	vadd.f32 v7, v8;
	v8 =	vld [tilespmem:s24+$0xE3D0]  }
0xce: {  	v9 =	vadd.f32 v18, v11;
	v11 =	vadd.f32 v12, v13;
	v12 =	vld [tilespmem:s24+$0xE400]  }
0xcf: {  	v4 =	vadd.f32 v4, v6;
	v5 =	vadd.f32 v5, v7;
	v6 =	vld [tilespmem:s24+$0xE410];
	s24 =	sshra.s32 s25, $0x2  }
0xd0: {  	v9 =	vadd.f32 v16, v9;
	v7 =	vld [tilespmem:s24+$0xE3E0];
	v10 =	vadd.f32 v10, v11  }
0xd1: {  	v4 =	vadd.f32 v2, v4;
	v5 =	vadd.f32 v3, v5;
	v11 =	vld [tilespmem:s24+$0xE3F0]  }
0xd2: {  	v9 =	vadd.f32 v14, v9;
	v2 =	vld [tilespmem:s24+$0xE3A0];
	v8 =	vadd.f32 v8, v10  }
0xd3: {  	v21 =	vadd.f32 v0, v4;
	v20 =	vadd.f32 v1, v5;
	v3 =	vld [tilespmem:s24+$0xE3B0]  }
0xd4: {  	v22 =	vadd.f32 v12, v9;
	v4 =	vld [tilespmem:s24+$0xE360];
	v23 =	vadd.f32 v6, v8  }
0xd5: {  	v5 =	vld [tilespmem:s24+$0xE370];
	v0 =	vmov v7  }
0xd6: {  	v6 =	vld [tilespmem:s24+$0xE320];
	v1 =	vmov v11  }
0xd7: {  	v7 =	vld [tilespmem:s24+$0xE330]  }
0xd8: {  	v9 =	vld [tilespmem:s24+$0xE2E0]  }
0xd9: {  	v8 =	vld [tilespmem:s24+$0xE2F0]  }
0xda: {  	v11 =	vld [tilespmem:s24+$0xE2A0]  }
0xdb: {  	v10 =	vld [tilespmem:s24+$0xE2B0]  }
0xdc: {  	v13 =	vld [tilespmem:s24+$0xE260]  }
0xdd: {  	v12 =	vld [tilespmem:s24+$0xE270]  }
0xde: {  	v15 =	vld [tilespmem:s24+$0xE220]  }
0xdf: {  	v14 =	vld [tilespmem:s24+$0xE230]  }
0xe0: {  	v17 =	vld [tilespmem:s24+$0xE1E0]  }
0xe1: {  	v16 =	vld [tilespmem:s24+$0xE1F0]  }
0xe2: {  	v19 =	vld [tilespmem:s24+$0xE1A0]  }
0xe3: {  	v18 =	vld [tilespmem:s24+$0xE1B0]  }
.Ltmp3:
0xe4: {  	v25 =	vld [tilespmem:s24+$0xE160];
	(pc) =	sbr.rel @p1 .LBB2_5-.Ltmp3, $4  }
0xe5: {  	v24 =	vld [tilespmem:s24+$0xE170]  }
0xe6: {  	v26 =	vld [tilespmem:s24+$0xE120]  }
0xe7: {  	v27 =	vld [tilespmem:s24+$0xE130]  }
0xe8: {  	s25 =	sadd.s32 $0xC80, s25;
	v28 =	vld [tilespmem:s24+$0xE100]  }
0xe9: {  	v29 =	vld [tilespmem:s24+$0xE110]  }
0xea: {  	v30 =	vld [tilespmem:s24+$0xE140]  }
0xeb: {  	v31 =	vld [tilespmem:s24+$0xE150]  }
0xec: {  	v32 =	vld [tilespmem:s24+$0xE180]  }
0xed: {  	v33 =	vld [tilespmem:s24+$0xE190];
	v22 =	vadd.f32 v28, v22  }
0xee: {  	v61 =	vld [tilespmem:s24+$0xE1C0];
	v23 =	vadd.f32 v29, v23  }
0xef: {  	v62 =	vld [tilespmem:s24+$0xE1D0];
	v21 =	vadd.f32 v26, v21;
	v22 =	vadd.f32 v30, v22  }
0xf0: {  	v63 =	vld [tilespmem:s24+$0xE200];
	v20 =	vadd.f32 v27, v20;
	v23 =	vadd.f32 v31, v23  }
0xf1: {  	v21 =	vadd.f32 v25, v21;
	v30 =	vld [tilespmem:s24+$0xE210];
	v22 =	vadd.f32 v32, v22  }
0xf2: {  	v20 =	vadd.f32 v24, v20;
	v31 =	vld [tilespmem:s24+$0xE240];
	v23 =	vadd.f32 v33, v23  }
0xf3: {  	v19 =	vadd.f32 v19, v21;
	v32 =	vld [tilespmem:s24+$0xE250];
	v22 =	vadd.f32 v61, v22  }
0xf4: {  	v34 =	vld [tilespmem:s24+$0xE280];
	v18 =	vadd.f32 v18, v20;
	v33 =	vadd.f32 v62, v23  }
0xf5: {  	v35 =	vld [tilespmem:s24+$0xE290];
	v17 =	vadd.f32 v17, v19;
	v22 =	vadd.f32 v63, v22  }
0xf6: {  	v37 =	vld [tilespmem:s24+$0xE2C0];
	v16 =	vadd.f32 v16, v18;
	v36 =	vadd.f32 v30, v33  }
0xf7: {  	v38 =	vld [tilespmem:s24+$0xE2D0];
	v15 =	vadd.f32 v15, v17;
	v22 =	vadd.f32 v31, v22  }
0xf8: {  	v40 =	vld [tilespmem:s24+$0xE300];
	v14 =	vadd.f32 v14, v16;
	v39 =	vadd.f32 v32, v36  }
0xf9: {  	v41 =	vld [tilespmem:s24+$0xE310];
	v13 =	vadd.f32 v13, v15;
	v42 =	vadd.f32 v34, v22  }
0xfa: {  	v44 =	vld [tilespmem:s24+$0xE340];
	v12 =	vadd.f32 v12, v14;
	v43 =	vadd.f32 v35, v39  }
0xfb: {  	v45 =	vld [tilespmem:s24+$0xE350];
	v11 =	vadd.f32 v11, v13;
	v46 =	vadd.f32 v37, v42  }
0xfc: {  	v48 =	vld [tilespmem:s24+$0xE380];
	v10 =	vadd.f32 v10, v12;
	v47 =	vadd.f32 v38, v43  }
0xfd: {  	v49 =	vld [tilespmem:s24+$0xE390];
	v9 =	vadd.f32 v9, v11;
	v50 =	vadd.f32 v40, v46  }
0xfe: {  	v52 =	vld [tilespmem:s24+$0xE3C0];
	v8 =	vadd.f32 v8, v10;
	v51 =	vadd.f32 v41, v47  }
0xff: {  	v53 =	vld [tilespmem:s24+$0xE3D0];
	v6 =	vadd.f32 v6, v9;
	v54 =	vadd.f32 v44, v50  }
0x100: {  	v56 =	vld [tilespmem:s24+$0xE400];
	v7 =	vadd.f32 v7, v8;
	v55 =	vadd.f32 v45, v51  }
0x101: {  	v57 =	vld [tilespmem:s24+$0xE410];
	v4 =	vadd.f32 v4, v6;
	v58 =	vadd.f32 v48, v54  }
0x102: {  	v5 =	vadd.f32 v5, v7;
	v59 =	vadd.f32 v49, v55  }
0x103: {  	v2 =	vadd.f32 v2, v4;
	v60 =	vadd.f32 v52, v58  }
0x104: {  	v3 =	vadd.f32 v3, v5;
	v61 =	vadd.f32 v53, v59  }
0x105: {  	v0 =	vadd.f32 v0, v2;
	v62 =	vadd.f32 v56, v60  }
.Ltmp4:
0x106: {  	v1 =	vadd.f32 v1, v3;
	v63 =	vadd.f32 v57, v61;
	(pc) =	sbr.rel @p0 .LBB2_8-.Ltmp4, $4  }
0x107: {  	v0 =	vadd.f32 v0, v62  }
0x108: {  	v1 =	vadd.f32 v1, v63  }
0x109: {  	[tilespmem:s23+$0xFA20] =	vst v0  }
0x10a: {  	[tilespmem:s23+$0xFA30] =	vst v1  }
0x10b: {  	s23 =	smul.u32 $0x640, s22;
	_ =	sdelay $0x1  }
.Ltmp5:
0x10c: {  	s23 =	sshra.s32 s23, $0x2;
	(pc) =	sbr.rel .LBB2_2-.Ltmp5, $4  }
0x10d: {  	s24 =	sadd.s32 $0x258, s23  }
0x10e: {  	[tilespmem:s15], [sflag:$0x2] =	stream.indirect.gather [hbm4b:s3+s10], $0x20, s24, s10, $0xb8;
	[tilespmem:$0x11A00] =	vst v63  }
0x10f: {  	s22 =	sadd.s32 $0x1, s22;
	s23 =	sadd.s32 $0x2D8, s23  }
0x110: {  	[tilespmem:s17], [sflag:$0x2] =	stream.indirect.gather [hbm4b:s3+s12], $0x20, s23, s12, $0xb8;
	[tilespmem:$0x11A00] =	vst v63  }
.LBB2_8:
0x111: {  	s22 =	simm.s32 $0x0  }
0x112: {  	[hbm4b:s5+s22] =	stream.linear.scatter [tilespmem:s20], [sflag:$0x3], $0x2000, $0x38;
	[tilespmem:$0x11A00] =	vst v63  }
0x113: {  	_ =	swait.ge [sflag:s9], $0x2000  }
0x114: {  	[sflag:s9] =	ssyncset.done $0x0  }
0x115: {  	[sflag:s9] =	ssyncadd.s32 $0xFFFFE000  }
0x116: {  	[tilespmem:s22], [sflag:$0x3] =	stream.linear.gather [hbm4b:s6+s22], $0xC800, $0x38;
	[tilespmem:$0x11A00] =	vst v63  }
0x117: {  	_ =	swait.ge [sflag:s9], $0xC800  }
0x118: {  	[sflag:s9] =	ssyncset.done $0x0  }
0x119: {  	[sflag:s9] =	ssyncadd.s32 $0xFFFF3800  }
0x11a: {  	[tilespmem:s11], [sflag:$0x1] =	stream.indirect.gather [hbm4b:s3+s10], $0x20, s22, s10, $0xb8;
	[tilespmem:$0x11A00] =	vst v63  }
0x11b: {  	_ = 	snop  }
0x11c: {  	[tilespmem:s13], [sflag:$0x1] =	stream.indirect.gather [hbm4b:s3+s12], $0x20, s10, s12, $0xb8;
	[tilespmem:$0x11A00] =	vst v63  }
0x11d: {  	_ = 	snop  }
0x11e: {  	[tilespmem:s15], [sflag:$0x2] =	stream.indirect.gather [hbm4b:s3+s10], $0x20, s14, s10, $0xb8;
	[tilespmem:$0x11A00] =	vst v63  }
0x11f: {  	_ = 	snop  }
0x120: {  	[tilespmem:s17], [sflag:$0x2] =	stream.indirect.gather [hbm4b:s3+s12], $0x20, s16, s12, $0xb8;
	[tilespmem:$0x11A00] =	vst v63  }
.LBB2_9:
0x121: {  	_ =	swait.ge [sflag:s18], $0x1000  }
0x122: {  	[sflag:s18] =	ssyncset.done $0x0  }
0x123: {  	[sflag:s18] =	ssyncadd.s32 $0xFFFFF000  }
0x124: {  	_ =	swait.ge [sflag:s18], $0x900  }
0x125: {  	[sflag:s18] =	ssyncset.done $0x0  }
0x126: {  	s23 =	simm.s32 $0x0;
	[sflag:s18] =	ssyncadd.s32 $0xFFFFF700  }
0x127: {  	v0 =	vld [tilespmem:s23+$0xCAE0]  }
0x128: {  	v1 =	vld [tilespmem:s23+$0xCAF0]  }
0x129: {  	v2 =	vld [tilespmem:s23+$0xCAA0]  }
0x12a: {  	v3 =	vld [tilespmem:s23+$0xCAB0]  }
0x12b: {  	v4 =	vld [tilespmem:s23+$0xCA60]  }
0x12c: {  	v5 =	vld [tilespmem:s23+$0xCA70]  }
0x12d: {  	v6 =	vld [tilespmem:s23+$0xCA20]  }
0x12e: {  	v7 =	vld [tilespmem:s23+$0xCA30]  }
0x12f: {  	v9 =	vld [tilespmem:s23+$0xC9E0]  }
0x130: {  	v8 =	vld [tilespmem:s23+$0xC9F0]  }
0x131: {  	v11 =	vld [tilespmem:s23+$0xC9A0]  }
0x132: {  	v10 =	vld [tilespmem:s23+$0xC9B0]  }
0x133: {  	v13 =	vld [tilespmem:s23+$0xC960]  }
0x134: {  	v12 =	vld [tilespmem:s23+$0xC970]  }
0x135: {  	v15 =	vld [tilespmem:s23+$0xC920]  }
0x136: {  	v14 =	vld [tilespmem:s23+$0xC930]  }
0x137: {  	v17 =	vld [tilespmem:s23+$0xC8E0]  }
0x138: {  	v16 =	vld [tilespmem:s23+$0xC8F0]  }
0x139: {  	v19 =	vld [tilespmem:s23+$0xC8A0]  }
0x13a: {  	v18 =	vld [tilespmem:s23+$0xC8B0]  }
0x13b: {  	v25 =	vld [tilespmem:s23+$0xC860]  }
0x13c: {  	v24 =	vld [tilespmem:s23+$0xC870]  }
0x13d: {  	v26 =	vld [tilespmem:s23+$0xC820]  }
0x13e: {  	v22 =	vimm.f32 $0.0e+00;
	v27 =	vld [tilespmem:s23+$0xC830]  }
0x13f: {  	s24 =	simm.s32 $0xC80;
	v23 =	vimm.f32 $0.0e+00;
	v21 =	vimm.f32 $0.0e+00;
	v20 =	vimm.f32 $0.0e+00;
	v28 =	vld [tilespmem:s23+$0xC800]  }
.LBB2_10:
0x140: {  	p0 =	sne.s32 s24, $0x5780;
	v29 =	vld [tilespmem:s23+$0xC810]  }
0x141: {  	v30 =	vld [tilespmem:s23+$0xC840]  }
0x142: {  	v31 =	vld [tilespmem:s23+$0xC850]  }
0x143: {  	v32 =	vld [tilespmem:s23+$0xC880]  }
0x144: {  	v33 =	vld [tilespmem:s23+$0xC890]  }
0x145: {  	v22 =	vadd.f32 v28, v22;
	v23 =	vadd.f32 v29, v23;
	v28 =	vld [tilespmem:s23+$0xC8C0]  }
0x146: {  	v21 =	vadd.f32 v26, v21;
	v20 =	vadd.f32 v27, v20;
	v26 =	vld [tilespmem:s23+$0xC8D0]  }
0x147: {  	v22 =	vadd.f32 v30, v22;
	v23 =	vadd.f32 v31, v23;
	v27 =	vld [tilespmem:s23+$0xC900]  }
0x148: {  	v21 =	vadd.f32 v25, v21;
	v20 =	vadd.f32 v24, v20;
	v24 =	vld [tilespmem:s23+$0xC910]  }
0x149: {  	v22 =	vadd.f32 v32, v22;
	v23 =	vadd.f32 v33, v23;
	v25 =	vld [tilespmem:s23+$0xC940]  }
0x14a: {  	v19 =	vadd.f32 v19, v21;
	v18 =	vadd.f32 v18, v20;
	v20 =	vld [tilespmem:s23+$0xC950]  }
0x14b: {  	v21 =	vadd.f32 v28, v22;
	v22 =	vadd.f32 v26, v23;
	v23 =	vld [tilespmem:s23+$0xC980]  }
0x14c: {  	v17 =	vadd.f32 v17, v19;
	v16 =	vadd.f32 v16, v18;
	v18 =	vld [tilespmem:s23+$0xC990]  }
0x14d: {  	v19 =	vadd.f32 v27, v21;
	v21 =	vadd.f32 v24, v22;
	v22 =	vld [tilespmem:s23+$0xC9C0]  }
0x14e: {  	v15 =	vadd.f32 v15, v17;
	v14 =	vadd.f32 v14, v16;
	v16 =	vld [tilespmem:s23+$0xC9D0]  }
0x14f: {  	v17 =	vadd.f32 v25, v19;
	v19 =	vadd.f32 v20, v21;
	v20 =	vld [tilespmem:s23+$0xCA00]  }
0x150: {  	v13 =	vadd.f32 v13, v15;
	v12 =	vadd.f32 v12, v14;
	v14 =	vld [tilespmem:s23+$0xCA10]  }
0x151: {  	v15 =	vadd.f32 v23, v17;
	v17 =	vadd.f32 v18, v19;
	v18 =	vld [tilespmem:s23+$0xCA40]  }
0x152: {  	v11 =	vadd.f32 v11, v13;
	v10 =	vadd.f32 v10, v12;
	v12 =	vld [tilespmem:s23+$0xCA50]  }
0x153: {  	v13 =	vadd.f32 v22, v15;
	v15 =	vadd.f32 v16, v17;
	v16 =	vld [tilespmem:s23+$0xCA80]  }
0x154: {  	v9 =	vadd.f32 v9, v11;
	v8 =	vadd.f32 v8, v10;
	v10 =	vld [tilespmem:s23+$0xCA90]  }
0x155: {  	v11 =	vadd.f32 v20, v13;
	v13 =	vadd.f32 v14, v15;
	v14 =	vld [tilespmem:s23+$0xCAC0]  }
0x156: {  	v6 =	vadd.f32 v6, v9;
	v7 =	vadd.f32 v7, v8;
	v8 =	vld [tilespmem:s23+$0xCAD0]  }
0x157: {  	v9 =	vadd.f32 v18, v11;
	v11 =	vadd.f32 v12, v13;
	v12 =	vld [tilespmem:s23+$0xCB00]  }
0x158: {  	v4 =	vadd.f32 v4, v6;
	v5 =	vadd.f32 v5, v7;
	v6 =	vld [tilespmem:s23+$0xCB10];
	s23 =	sshra.s32 s24, $0x2  }
0x159: {  	v9 =	vadd.f32 v16, v9;
	v7 =	vld [tilespmem:s23+$0xCAE0];
	v10 =	vadd.f32 v10, v11  }
0x15a: {  	v4 =	vadd.f32 v2, v4;
	v5 =	vadd.f32 v3, v5;
	v11 =	vld [tilespmem:s23+$0xCAF0]  }
0x15b: {  	v9 =	vadd.f32 v14, v9;
	v2 =	vld [tilespmem:s23+$0xCAA0];
	v8 =	vadd.f32 v8, v10  }
0x15c: {  	v21 =	vadd.f32 v0, v4;
	v20 =	vadd.f32 v1, v5;
	v3 =	vld [tilespmem:s23+$0xCAB0]  }
0x15d: {  	v22 =	vadd.f32 v12, v9;
	v4 =	vld [tilespmem:s23+$0xCA60];
	v23 =	vadd.f32 v6, v8  }
0x15e: {  	v5 =	vld [tilespmem:s23+$0xCA70];
	v0 =	vmov v7  }
0x15f: {  	v6 =	vld [tilespmem:s23+$0xCA20];
	v1 =	vmov v11  }
0x160: {  	v7 =	vld [tilespmem:s23+$0xCA30]  }
0x161: {  	v9 =	vld [tilespmem:s23+$0xC9E0]  }
0x162: {  	v8 =	vld [tilespmem:s23+$0xC9F0]  }
0x163: {  	v11 =	vld [tilespmem:s23+$0xC9A0]  }
0x164: {  	v10 =	vld [tilespmem:s23+$0xC9B0]  }
0x165: {  	v13 =	vld [tilespmem:s23+$0xC960]  }
0x166: {  	v12 =	vld [tilespmem:s23+$0xC970]  }
0x167: {  	v15 =	vld [tilespmem:s23+$0xC920]  }
0x168: {  	v14 =	vld [tilespmem:s23+$0xC930]  }
0x169: {  	v17 =	vld [tilespmem:s23+$0xC8E0]  }
0x16a: {  	v16 =	vld [tilespmem:s23+$0xC8F0]  }
0x16b: {  	v19 =	vld [tilespmem:s23+$0xC8A0]  }
0x16c: {  	v18 =	vld [tilespmem:s23+$0xC8B0]  }
.Ltmp6:
0x16d: {  	v25 =	vld [tilespmem:s23+$0xC860];
	(pc) =	sbr.rel @p0 .LBB2_10-.Ltmp6, $4  }
0x16e: {  	v24 =	vld [tilespmem:s23+$0xC870]  }
0x16f: {  	v26 =	vld [tilespmem:s23+$0xC820]  }
0x170: {  	v27 =	vld [tilespmem:s23+$0xC830]  }
0x171: {  	s24 =	sadd.s32 $0xC80, s24;
	v28 =	vld [tilespmem:s23+$0xC800]  }
0x172: {  	v29 =	vld [tilespmem:s23+$0xC810]  }
0x173: {  	v30 =	vld [tilespmem:s23+$0xC840]  }
0x174: {  	v31 =	vld [tilespmem:s23+$0xC850]  }
0x175: {  	v32 =	vld [tilespmem:s23+$0xC880]  }
0x176: {  	v33 =	vld [tilespmem:s23+$0xC890];
	v22 =	vadd.f32 v28, v22  }
0x177: {  	v28 =	vld [tilespmem:s23+$0xC8C0];
	v23 =	vadd.f32 v29, v23  }
0x178: {  	v21 =	vadd.f32 v26, v21;
	v26 =	vld [tilespmem:s23+$0xC8D0];
	v22 =	vadd.f32 v30, v22  }
0x179: {  	v20 =	vadd.f32 v27, v20;
	v27 =	vld [tilespmem:s23+$0xC900];
	v23 =	vadd.f32 v31, v23  }
0x17a: {  	v21 =	vadd.f32 v25, v21;
	v25 =	vld [tilespmem:s23+$0xC910];
	v22 =	vadd.f32 v32, v22  }
0x17b: {  	v20 =	vadd.f32 v24, v20;
	v24 =	vld [tilespmem:s23+$0xC940];
	v23 =	vadd.f32 v33, v23  }
0x17c: {  	v19 =	vadd.f32 v19, v21;
	v21 =	vld [tilespmem:s23+$0xC950];
	v22 =	vadd.f32 v28, v22  }
0x17d: {  	v18 =	vadd.f32 v18, v20;
	v20 =	vadd.f32 v26, v23;
	v23 =	vld [tilespmem:s23+$0xC980]  }
0x17e: {  	v17 =	vadd.f32 v17, v19;
	v19 =	vld [tilespmem:s23+$0xC990];
	v22 =	vadd.f32 v27, v22  }
0x17f: {  	v16 =	vadd.f32 v16, v18;
	v18 =	vadd.f32 v25, v20;
	v20 =	vld [tilespmem:s23+$0xC9C0]  }
0x180: {  	v15 =	vadd.f32 v15, v17;
	v17 =	vld [tilespmem:s23+$0xC9D0];
	v22 =	vadd.f32 v24, v22  }
0x181: {  	v14 =	vadd.f32 v14, v16;
	v16 =	vadd.f32 v21, v18;
	v18 =	vld [tilespmem:s23+$0xCA00]  }
0x182: {  	v13 =	vadd.f32 v13, v15;
	v15 =	vld [tilespmem:s23+$0xCA10];
	v21 =	vadd.f32 v23, v22  }
0x183: {  	v12 =	vadd.f32 v12, v14;
	v14 =	vadd.f32 v19, v16;
	v16 =	vld [tilespmem:s23+$0xCA40]  }
0x184: {  	v11 =	vadd.f32 v11, v13;
	v13 =	vld [tilespmem:s23+$0xCA50];
	v19 =	vadd.f32 v20, v21  }
0x185: {  	v10 =	vadd.f32 v10, v12;
	v12 =	vadd.f32 v17, v14;
	v14 =	vld [tilespmem:s23+$0xCA80]  }
0x186: {  	v9 =	vadd.f32 v9, v11;
	v11 =	vld [tilespmem:s23+$0xCA90];
	v17 =	vadd.f32 v18, v19  }
0x187: {  	v8 =	vadd.f32 v8, v10;
	v10 =	vadd.f32 v15, v12;
	v12 =	vld [tilespmem:s23+$0xCAC0]  }
0x188: {  	v6 =	vadd.f32 v6, v9;
	v9 =	vld [tilespmem:s23+$0xCAD0];
	v15 =	vadd.f32 v16, v17  }
0x189: {  	v7 =	vadd.f32 v7, v8;
	v8 =	vadd.f32 v13, v10;
	v10 =	vld [tilespmem:s23+$0xCB00]  }
0x18a: {  	v4 =	vadd.f32 v4, v6;
	v6 =	vld [tilespmem:s23+$0xCB10];
	v13 =	vadd.f32 v14, v15  }
0x18b: {  	v5 =	vadd.f32 v5, v7;
	v7 =	vadd.f32 v11, v8  }
0x18c: {  	v2 =	vadd.f32 v2, v4;
	v4 =	vadd.f32 v12, v13  }
0x18d: {  	v3 =	vadd.f32 v3, v5;
	v5 =	vadd.f32 v9, v7  }
0x18e: {  	v0 =	vadd.f32 v0, v2;
	v2 =	vadd.f32 v10, v4  }
0x18f: {  	p0 =	seq.s32 s22, $0x7F;
	v1 =	vadd.f32 v1, v3;
	v3 =	vadd.f32 v6, v5  }
0x190: {  	s31 =	sshll.u32 s22, $0x6;
	s24 =	smul.u32 @!p0 $0x640, s22;
	v0 =	vadd.f32 v0, v2  }
0x191: {  	s23 =	sand.u32 $0x3FFFFFC0, s31;
	v1 =	vadd.f32 v1, v3  }
0x192: {  	s24 =	sshra.s32 @!p0 s24, $0x2;
	[tilespmem:s23+$0xFA00] =	vst v0  }
0x193: {  	s26 =	simm.s32 @!p0 $0x80;
	s28 =	simm.s32 @!p0 $0xC800;
	s25 =	sadd.s32 @!p0 $0x190, s24;
	[tilespmem:s23+$0xFA10] =	vst v1  }
0x194: {  	[tilespmem:s28], [sflag:$0x1] =	stream.indirect.gather @!p0 [hbm4b:s3+s26], $0x20, s25, s26, $0xb8;
	[tilespmem:$0x11A00] =	vst v63  }
0x195: {  	s24 =	sadd.s32 @!p0 $0x210, s24;
	s25 =	simm.s32 @!p0 $0x48;
	s26 =	simm.s32 @!p0 $0xD800  }
0x196: {  	[tilespmem:s26], [sflag:$0x1] =	stream.indirect.gather @!p0 [hbm4b:s3+s25], $0x20, s24, s25, $0xb8;
	[tilespmem:$0x11A00] =	vst v63  }
0x197: {  	_ =	swait.ge [sflag:s19], $0x1000  }
0x198: {  	[sflag:s19] =	ssyncset.done $0x0  }
0x199: {  	[sflag:s19] =	ssyncadd.s32 $0xFFFFF000  }
0x19a: {  	_ =	swait.ge [sflag:s19], $0x900  }
0x19b: {  	[sflag:s19] =	ssyncset.done $0x0  }
0x19c: {  	s24 =	simm.s32 $0x0;
	[sflag:s19] =	ssyncadd.s32 $0xFFFFF700  }
0x19d: {  	v0 =	vld [tilespmem:s24+$0xE3E0]  }
0x19e: {  	v1 =	vld [tilespmem:s24+$0xE3F0]  }
0x19f: {  	v2 =	vld [tilespmem:s24+$0xE3A0]  }
0x1a0: {  	v3 =	vld [tilespmem:s24+$0xE3B0]  }
0x1a1: {  	v4 =	vld [tilespmem:s24+$0xE360]  }
0x1a2: {  	v5 =	vld [tilespmem:s24+$0xE370]  }
0x1a3: {  	v6 =	vld [tilespmem:s24+$0xE320]  }
0x1a4: {  	v7 =	vld [tilespmem:s24+$0xE330]  }
0x1a5: {  	v9 =	vld [tilespmem:s24+$0xE2E0]  }
0x1a6: {  	v8 =	vld [tilespmem:s24+$0xE2F0]  }
0x1a7: {  	v11 =	vld [tilespmem:s24+$0xE2A0]  }
0x1a8: {  	v10 =	vld [tilespmem:s24+$0xE2B0]  }
0x1a9: {  	v13 =	vld [tilespmem:s24+$0xE260]  }
0x1aa: {  	v12 =	vld [tilespmem:s24+$0xE270]  }
0x1ab: {  	v15 =	vld [tilespmem:s24+$0xE220]  }
0x1ac: {  	v14 =	vld [tilespmem:s24+$0xE230]  }
0x1ad: {  	v17 =	vld [tilespmem:s24+$0xE1E0]  }
0x1ae: {  	v16 =	vld [tilespmem:s24+$0xE1F0]  }
0x1af: {  	v19 =	vld [tilespmem:s24+$0xE1A0]  }
0x1b0: {  	v18 =	vld [tilespmem:s24+$0xE1B0]  }
0x1b1: {  	v25 =	vld [tilespmem:s24+$0xE160]  }
0x1b2: {  	v24 =	vld [tilespmem:s24+$0xE170]  }
0x1b3: {  	v26 =	vld [tilespmem:s24+$0xE120]  }
0x1b4: {  	v22 =	vimm.f32 $0.0e+00;
	v27 =	vld [tilespmem:s24+$0xE130]  }
0x1b5: {  	v23 =	vimm.f32 $0.0e+00;
	v21 =	vimm.f32 $0.0e+00;
	v20 =	vimm.f32 $0.0e+00;
	s25 =	simm.s32 $0xC80;
	v28 =	vld [tilespmem:s24+$0xE100]  }
.LBB2_12:
0x1b6: {  	p1 =	sne.s32 s25, $0x5780;
	v29 =	vld [tilespmem:s24+$0xE110]  }
0x1b7: {  	v30 =	vld [tilespmem:s24+$0xE140]  }
0x1b8: {  	v31 =	vld [tilespmem:s24+$0xE150]  }
0x1b9: {  	v32 =	vld [tilespmem:s24+$0xE180]  }
0x1ba: {  	v33 =	vld [tilespmem:s24+$0xE190]  }
0x1bb: {  	v22 =	vadd.f32 v28, v22;
	v23 =	vadd.f32 v29, v23;
	v28 =	vld [tilespmem:s24+$0xE1C0]  }
0x1bc: {  	v21 =	vadd.f32 v26, v21;
	v20 =	vadd.f32 v27, v20;
	v26 =	vld [tilespmem:s24+$0xE1D0]  }
0x1bd: {  	v22 =	vadd.f32 v30, v22;
	v23 =	vadd.f32 v31, v23;
	v27 =	vld [tilespmem:s24+$0xE200]  }
0x1be: {  	v21 =	vadd.f32 v25, v21;
	v20 =	vadd.f32 v24, v20;
	v24 =	vld [tilespmem:s24+$0xE210]  }
0x1bf: {  	v22 =	vadd.f32 v32, v22;
	v23 =	vadd.f32 v33, v23;
	v25 =	vld [tilespmem:s24+$0xE240]  }
0x1c0: {  	v19 =	vadd.f32 v19, v21;
	v18 =	vadd.f32 v18, v20;
	v20 =	vld [tilespmem:s24+$0xE250]  }
0x1c1: {  	v21 =	vadd.f32 v28, v22;
	v22 =	vadd.f32 v26, v23;
	v23 =	vld [tilespmem:s24+$0xE280]  }
0x1c2: {  	v17 =	vadd.f32 v17, v19;
	v16 =	vadd.f32 v16, v18;
	v18 =	vld [tilespmem:s24+$0xE290]  }
0x1c3: {  	v19 =	vadd.f32 v27, v21;
	v21 =	vadd.f32 v24, v22;
	v22 =	vld [tilespmem:s24+$0xE2C0]  }
0x1c4: {  	v15 =	vadd.f32 v15, v17;
	v14 =	vadd.f32 v14, v16;
	v16 =	vld [tilespmem:s24+$0xE2D0]  }
0x1c5: {  	v17 =	vadd.f32 v25, v19;
	v19 =	vadd.f32 v20, v21;
	v20 =	vld [tilespmem:s24+$0xE300]  }
0x1c6: {  	v13 =	vadd.f32 v13, v15;
	v12 =	vadd.f32 v12, v14;
	v14 =	vld [tilespmem:s24+$0xE310]  }
0x1c7: {  	v15 =	vadd.f32 v23, v17;
	v17 =	vadd.f32 v18, v19;
	v18 =	vld [tilespmem:s24+$0xE340]  }
0x1c8: {  	v11 =	vadd.f32 v11, v13;
	v10 =	vadd.f32 v10, v12;
	v12 =	vld [tilespmem:s24+$0xE350]  }
0x1c9: {  	v13 =	vadd.f32 v22, v15;
	v15 =	vadd.f32 v16, v17;
	v16 =	vld [tilespmem:s24+$0xE380]  }
0x1ca: {  	v9 =	vadd.f32 v9, v11;
	v8 =	vadd.f32 v8, v10;
	v10 =	vld [tilespmem:s24+$0xE390]  }
0x1cb: {  	v11 =	vadd.f32 v20, v13;
	v13 =	vadd.f32 v14, v15;
	v14 =	vld [tilespmem:s24+$0xE3C0]  }
0x1cc: {  	v6 =	vadd.f32 v6, v9;
	v7 =	vadd.f32 v7, v8;
	v8 =	vld [tilespmem:s24+$0xE3D0]  }
0x1cd: {  	v9 =	vadd.f32 v18, v11;
	v11 =	vadd.f32 v12, v13;
	v12 =	vld [tilespmem:s24+$0xE400]  }
0x1ce: {  	v4 =	vadd.f32 v4, v6;
	v5 =	vadd.f32 v5, v7;
	v6 =	vld [tilespmem:s24+$0xE410];
	s24 =	sshra.s32 s25, $0x2  }
0x1cf: {  	v9 =	vadd.f32 v16, v9;
	v7 =	vld [tilespmem:s24+$0xE3E0];
	v10 =	vadd.f32 v10, v11  }
0x1d0: {  	v4 =	vadd.f32 v2, v4;
	v5 =	vadd.f32 v3, v5;
	v11 =	vld [tilespmem:s24+$0xE3F0]  }
0x1d1: {  	v9 =	vadd.f32 v14, v9;
	v2 =	vld [tilespmem:s24+$0xE3A0];
	v8 =	vadd.f32 v8, v10  }
0x1d2: {  	v21 =	vadd.f32 v0, v4;
	v20 =	vadd.f32 v1, v5;
	v3 =	vld [tilespmem:s24+$0xE3B0]  }
0x1d3: {  	v22 =	vadd.f32 v12, v9;
	v4 =	vld [tilespmem:s24+$0xE360];
	v23 =	vadd.f32 v6, v8  }
0x1d4: {  	v5 =	vld [tilespmem:s24+$0xE370];
	v0 =	vmov v7  }
0x1d5: {  	v6 =	vld [tilespmem:s24+$0xE320];
	v1 =	vmov v11  }
0x1d6: {  	v7 =	vld [tilespmem:s24+$0xE330]  }
0x1d7: {  	v9 =	vld [tilespmem:s24+$0xE2E0]  }
0x1d8: {  	v8 =	vld [tilespmem:s24+$0xE2F0]  }
0x1d9: {  	v11 =	vld [tilespmem:s24+$0xE2A0]  }
0x1da: {  	v10 =	vld [tilespmem:s24+$0xE2B0]  }
0x1db: {  	v13 =	vld [tilespmem:s24+$0xE260]  }
0x1dc: {  	v12 =	vld [tilespmem:s24+$0xE270]  }
0x1dd: {  	v15 =	vld [tilespmem:s24+$0xE220]  }
0x1de: {  	v14 =	vld [tilespmem:s24+$0xE230]  }
0x1df: {  	v17 =	vld [tilespmem:s24+$0xE1E0]  }
0x1e0: {  	v16 =	vld [tilespmem:s24+$0xE1F0]  }
0x1e1: {  	v19 =	vld [tilespmem:s24+$0xE1A0]  }
0x1e2: {  	v18 =	vld [tilespmem:s24+$0xE1B0]  }
.Ltmp7:
0x1e3: {  	v25 =	vld [tilespmem:s24+$0xE160];
	(pc) =	sbr.rel @p1 .LBB2_12-.Ltmp7, $4  }
0x1e4: {  	v24 =	vld [tilespmem:s24+$0xE170]  }
0x1e5: {  	v26 =	vld [tilespmem:s24+$0xE120]  }
0x1e6: {  	v27 =	vld [tilespmem:s24+$0xE130]  }
0x1e7: {  	s25 =	sadd.s32 $0xC80, s25;
	v28 =	vld [tilespmem:s24+$0xE100]  }
0x1e8: {  	v29 =	vld [tilespmem:s24+$0xE110]  }
0x1e9: {  	v30 =	vld [tilespmem:s24+$0xE140]  }
0x1ea: {  	v31 =	vld [tilespmem:s24+$0xE150]  }
0x1eb: {  	v32 =	vld [tilespmem:s24+$0xE180]  }
0x1ec: {  	v33 =	vld [tilespmem:s24+$0xE190];
	v22 =	vadd.f32 v28, v22  }
0x1ed: {  	v61 =	vld [tilespmem:s24+$0xE1C0];
	v23 =	vadd.f32 v29, v23  }
0x1ee: {  	v62 =	vld [tilespmem:s24+$0xE1D0];
	v21 =	vadd.f32 v26, v21;
	v22 =	vadd.f32 v30, v22  }
0x1ef: {  	v63 =	vld [tilespmem:s24+$0xE200];
	v20 =	vadd.f32 v27, v20;
	v23 =	vadd.f32 v31, v23  }
0x1f0: {  	v21 =	vadd.f32 v25, v21;
	v30 =	vld [tilespmem:s24+$0xE210];
	v22 =	vadd.f32 v32, v22  }
0x1f1: {  	v20 =	vadd.f32 v24, v20;
	v31 =	vld [tilespmem:s24+$0xE240];
	v23 =	vadd.f32 v33, v23  }
0x1f2: {  	v19 =	vadd.f32 v19, v21;
	v32 =	vld [tilespmem:s24+$0xE250];
	v22 =	vadd.f32 v61, v22  }
0x1f3: {  	v34 =	vld [tilespmem:s24+$0xE280];
	v18 =	vadd.f32 v18, v20;
	v33 =	vadd.f32 v62, v23  }
0x1f4: {  	v35 =	vld [tilespmem:s24+$0xE290];
	v17 =	vadd.f32 v17, v19;
	v22 =	vadd.f32 v63, v22  }
0x1f5: {  	v37 =	vld [tilespmem:s24+$0xE2C0];
	v16 =	vadd.f32 v16, v18;
	v36 =	vadd.f32 v30, v33  }
0x1f6: {  	v38 =	vld [tilespmem:s24+$0xE2D0];
	v15 =	vadd.f32 v15, v17;
	v22 =	vadd.f32 v31, v22  }
0x1f7: {  	v40 =	vld [tilespmem:s24+$0xE300];
	v14 =	vadd.f32 v14, v16;
	v39 =	vadd.f32 v32, v36  }
0x1f8: {  	v41 =	vld [tilespmem:s24+$0xE310];
	v13 =	vadd.f32 v13, v15;
	v42 =	vadd.f32 v34, v22  }
0x1f9: {  	v44 =	vld [tilespmem:s24+$0xE340];
	v12 =	vadd.f32 v12, v14;
	v43 =	vadd.f32 v35, v39  }
0x1fa: {  	v45 =	vld [tilespmem:s24+$0xE350];
	v11 =	vadd.f32 v11, v13;
	v46 =	vadd.f32 v37, v42  }
0x1fb: {  	v48 =	vld [tilespmem:s24+$0xE380];
	v10 =	vadd.f32 v10, v12;
	v47 =	vadd.f32 v38, v43  }
0x1fc: {  	v49 =	vld [tilespmem:s24+$0xE390];
	v9 =	vadd.f32 v9, v11;
	v50 =	vadd.f32 v40, v46  }
0x1fd: {  	v52 =	vld [tilespmem:s24+$0xE3C0];
	v8 =	vadd.f32 v8, v10;
	v51 =	vadd.f32 v41, v47  }
0x1fe: {  	v53 =	vld [tilespmem:s24+$0xE3D0];
	v6 =	vadd.f32 v6, v9;
	v54 =	vadd.f32 v44, v50  }
0x1ff: {  	v56 =	vld [tilespmem:s24+$0xE400];
	v7 =	vadd.f32 v7, v8;
	v55 =	vadd.f32 v45, v51  }
0x200: {  	v57 =	vld [tilespmem:s24+$0xE410];
	v4 =	vadd.f32 v4, v6;
	v58 =	vadd.f32 v48, v54  }
0x201: {  	v5 =	vadd.f32 v5, v7;
	v59 =	vadd.f32 v49, v55  }
0x202: {  	v2 =	vadd.f32 v2, v4;
	v60 =	vadd.f32 v52, v58  }
0x203: {  	v3 =	vadd.f32 v3, v5;
	v61 =	vadd.f32 v53, v59  }
0x204: {  	v0 =	vadd.f32 v0, v2;
	v62 =	vadd.f32 v56, v60  }
.Ltmp8:
0x205: {  	v1 =	vadd.f32 v1, v3;
	v63 =	vadd.f32 v57, v61;
	(pc) =	sbr.rel @p0 .LBB2_15-.Ltmp8, $4  }
0x206: {  	v0 =	vadd.f32 v0, v62  }
0x207: {  	v1 =	vadd.f32 v1, v63  }
0x208: {  	[tilespmem:s23+$0xFA20] =	vst v0  }
0x209: {  	[tilespmem:s23+$0xFA30] =	vst v1  }
0x20a: {  	s23 =	smul.u32 $0x640, s22;
	_ =	sdelay $0x1  }
.Ltmp9:
0x20b: {  	s23 =	sshra.s32 s23, $0x2;
	(pc) =	sbr.rel .LBB2_9-.Ltmp9, $4  }
0x20c: {  	s24 =	sadd.s32 $0x258, s23  }
0x20d: {  	[tilespmem:s15], [sflag:$0x2] =	stream.indirect.gather [hbm4b:s3+s10], $0x20, s24, s10, $0xb8;
	[tilespmem:$0x11A00] =	vst v63  }
0x20e: {  	s22 =	sadd.s32 $0x1, s22;
	s23 =	sadd.s32 $0x2D8, s23  }
0x20f: {  	[tilespmem:s17], [sflag:$0x2] =	stream.indirect.gather [hbm4b:s3+s12], $0x20, s23, s12, $0xb8;
	[tilespmem:$0x11A00] =	vst v63  }
.LBB2_16:
0x210: {  	_ =	sfence.sel $0x180000  }
0x211: {  	[bflag:$0x0] =	sbarrier.arrive $0xFFFF  }
0x212: {  	p0 =	sne.s32 s1, $0x0;
	_ =	strace $0x9000004A  }
0x213: {  	s0 =	sadd.s32 @!p0 $0x100000, s0;
	[bflag:$0x2] =	sbarrier.arrive $0xFFFF  }
0x214: {  	[sflag:s0] =	ssyncadd.tile.s32 @!p0 $0x1;
	_ =	shalt  }
.Lfunc_end2:
_tile_overlayer_lowered:
.L_overlay_start_2:
0x215: {  	(tag) =	ssettag $0x2  }
0x216: {  	s0 =	rddreg [dreg:$0x0];
	s2 =	stileid.u32  }
0x217: {  	s1 =	rddreg [dreg:$0x1];
	p0 =	sne.s32 s2, $0x0  }
0x218: {  	s3 =	rddreg [dreg:$0x2];
	[bflag:$0x3] =	sbarrier.arrive $0xFFFF;
	s2 =	simm.s32 @!p0 $0x1C03  }
0x219: {  	[timem:s3], [sflag:s2] =	dma.local @!p0 [hbm:s0], s1  }
0x21a: {  	s0 =	simm.s32 @!p0 $0x3  }
0x21b: {  	_ =	swait.ge @!p0 [sflag:s0], s1  }
0x21c: {  	s1 =	ssub.s32 @!p0 $0x0, s1;
	[sflag:s0] =	ssyncset.done @!p0 $0x0  }
0x21d: {  	[sflag:s0] =	ssyncadd.s32 @!p0 s1  }
0x21e: {  	[bflag:$0x3] =	sbarrier.arrive $0xFFFF  }
0x21f: {  	_ =	shalt  }

</sc_bundles>
